<compile_context>
chip_gen: v7x
topology: tpu7x:2x2x1
jax: 0.10.2.dev20260603
libtpu: 0.0.44.dev20260713+nightly
codegen_flags: <defaults>
</compile_context>

<pallas_src>
import functools

import jax
import jax.numpy as jnp
from jax import lax
from jax.experimental import pallas as pl
from jax.experimental.pallas import tpu as pltpu
from jax.experimental.pallas import tpu_sc as plsc

_N = 32768
_NS = 16
_L = 16
_CHUNK = _N // _NS
_CV = _CHUNK // _L
_FULL_ROUNDS = 1
_COMPACT_ROUNDS = 4
_BIG = 3.0e38


def _butterfly(v, op):
    for k in (1, 2, 4, 8):
        idx = lax.iota(jnp.int32, _L) ^ k
        v = op(v, v[idx])
    return v


def _allsum(v):
    return _butterfly(v, lax.add)


def _allmax(v):
    return _butterfly(v, jnp.maximum)


def _allmin(v):
    return _butterfly(v, jnp.minimum)


def _sc_body(z_hbm, u_hbm, p_hbm, r_hbm, tau_hbm, val_hbm,
             zv, uv, czv, cuv, pv, rv, tmp, locf, locm, shf, shm):
    c = lax.axis_index("c")
    s = lax.axis_index("s")

    @pl.when(c == 0)
    def _core0():
        base = s * _CHUNK
        pltpu.sync_copy(z_hbm.at[pl.ds(base, _CHUNK)], zv)
        pltpu.sync_copy(u_hbm.at[pl.ds(base, _CHUNK)], uv)

        iotaf = lax.iota(jnp.int32, _L).astype(jnp.float32)
        bidx = [jnp.full((_L,), e, jnp.int32) for e in range(_L)]
        srow = pl.ds(s * _L, _L)

        def init_body(i, carry):
            mx, mn = carry
            sl = pl.ds(i * _L, _L)
            zk = zv[sl]
            wk = zk - uv[sl]
            return (jnp.maximum(mx, zk), jnp.minimum(mn, wk))

        mx, mn = lax.fori_loop(
            0, _CV, init_body,
            (jnp.full((_L,), -_BIG, jnp.float32),
             jnp.full((_L,), _BIG, jnp.float32)))
        tmp[...] = _allmax(mx)
        pltpu.sync_copy(tmp, shf.at[srow])
        tmp[...] = _allmin(mn)
        pltpu.sync_copy(tmp, shm.at[srow])
        plsc.subcore_barrier()
        pltpu.sync_copy(shf, locf)
        pltpu.sync_copy(shm, locm)
        plsc.subcore_barrier()
        hi0 = locf[pl.ds(0, _L)]
        lo0 = locm[pl.ds(0, _L)]
        for k in range(1, _NS):
            hi0 = jnp.maximum(hi0, locf[pl.ds(k * _L, _L)])
            lo0 = jnp.minimum(lo0, locm[pl.ds(k * _L, _L)])

        def eval16(zr, ur, nvr, tvec, fbias):
            def body(i, acc):
                sl = pl.ds(i * _L, _L)
                zk = zr[sl]
                uk = ur[sl]
                for e in range(_L):
                    zb = zk[e]
                    ub = uk[e]
                    acc = acc + jnp.minimum(jnp.maximum(zb - tvec, 0.0), ub)
                return acc
            return lax.fori_loop(0, nvr, body, fbias)

        def narrow(lo, hi, facc_part):
            tmp[...] = facc_part
            pltpu.sync_copy(tmp, shf.at[srow])
            plsc.subcore_barrier()
            pltpu.sync_copy(shf, locf)
            plsc.subcore_barrier()
            fvec = locf[pl.ds(0, _L)]
            for k in range(1, _NS):
                fvec = fvec + locf[pl.ds(k * _L, _L)]
            delta = (hi - lo) * jnp.float32(1.0 / 17.0)
            cf = _allsum(jnp.where(fvec >= 1.0, 1.0, 0.0))
            new_lo = lo + cf * delta
            new_hi = jnp.where(cf >= 15.5, hi, lo + (cf + 1.0) * delta)
            return new_lo, new_hi

        iota = lax.iota(jnp.int32, _L)

        def full_round(r, loh):
            lo, hi = loh
            delta = (hi - lo) * jnp.float32(1.0 / 17.0)
            tvs = [lo + (jnp.float32(j) + 1.0) * delta for j in range(_L)]

            def body(i, accs):
                sl = pl.ds(i * _L, _L)
                zk = zv[sl]
                uk = uv[sl]
                return tuple(
                    acc + jnp.minimum(jnp.maximum(zk - tv, 0.0), uk)
                    for acc, tv in zip(accs, tvs))

            accs = lax.fori_loop(
                0, _CV, body,
                tuple(jnp.zeros((_L,), jnp.float32) for _ in range(_L)))
            facc = jnp.zeros((_L,), jnp.float32)
            for j in range(_L):
                facc = facc + jnp.where(iota == j, _allsum(accs[j]), 0.0)
            return narrow(lo, hi, facc)

        lo, hi = lax.fori_loop(0, _FULL_ROUNDS, full_round, (lo0, hi0))

        lo1, hi1 = lo, hi

        def cbody(i, carry):
            cnt, ssat = carry
            sl = pl.ds(i * _L, _L)
            zk = zv[sl]
            uk = uv[sl]
            wk = zk - uk
            sat = wk >= hi1
            act = (zk > lo1) & (wk < hi1)
            czv[pl.ds(cnt * _L, _L)] = jnp.where(sat, -_BIG, zk)
            cuv[pl.ds(cnt * _L, _L)] = jnp.where(sat, 0.0, uk)
            ssat = ssat + jnp.where(sat, uk, 0.0)
            pc = _allmax(jnp.where(act, 1.0, 0.0))[0]
            cnt = cnt + jnp.where(pc > 0.5, 1, 0)
            return (cnt, ssat)

        cntv, ssat_acc = lax.fori_loop(
            0, _CV, cbody, (jnp.int32(0), jnp.zeros((_L,), jnp.float32)))
        ssat_v = _allsum(ssat_acc)

        def compact_round(r, loh):
            lo, hi = loh
            delta = (hi - lo) * jnp.float32(1.0 / 17.0)
            tvec = lo + (iotaf + 1.0) * delta
            facc = eval16(czv, cuv, cntv, tvec, ssat_v)
            return narrow(lo, hi, facc)

        lo, hi = lax.fori_loop(0, _COMPACT_ROUNDS, compact_round, (lo, hi))

        def p2body(i, carry):
            fa, ma = carry
            sl = pl.ds(i * _L, _L)
            zk = czv[sl]
            uk = cuv[sl]
            d = zk - lo
            fa = fa + jnp.minimum(jnp.maximum(d, 0.0), uk)
            ma = ma + jnp.where((zk - uk <= lo) & (zk > lo), 1.0, 0.0)
            return (fa, ma)

        fa, ma = lax.fori_loop(0, cntv, p2body,
                               (jnp.zeros((_L,), jnp.float32),
                                jnp.zeros((_L,), jnp.float32)))
        tmp[...] = _allsum(fa) + ssat_v
        pltpu.sync_copy(tmp, shf.at[srow])
        tmp[...] = _allsum(ma)
        pltpu.sync_copy(tmp, shm.at[srow])
        plsc.subcore_barrier()
        pltpu.sync_copy(shf, locf)
        pltpu.sync_copy(shm, locm)
        plsc.subcore_barrier()
        flo = jnp.zeros((_L,), jnp.float32)
        m = jnp.zeros((_L,), jnp.float32)
        for k in range(_NS):
            flo = flo + locf[pl.ds(k * _L, _L)]
            m = m + locm[pl.ds(k * _L, _L)]
        m = jnp.maximum(m, 1.0)
        tau = lo + (flo - 1.0) / m

        def p3body(i, vacc):
            sl = pl.ds(i * _L, _L)
            zk = zv[sl]
            uk = uv[sl]
            d = zk - tau
            pk = jnp.minimum(jnp.maximum(d, 0.0), uk)
            rk = jnp.where(d <= 0.0, 0, jnp.where(d >= uk, 2, 1)).astype(jnp.int32)
            pv[sl] = pk
            rv[sl] = rk
            dd = pk - zk
            return vacc + dd * dd

        vacc = lax.fori_loop(0, _CV, p3body, jnp.zeros((_L,), jnp.float32))
        pltpu.sync_copy(pv, p_hbm.at[pl.ds(base, _CHUNK)])
        pltpu.sync_copy(rv, r_hbm.at[pl.ds(base, _CHUNK)])
        tmp[...] = _allsum(vacc)
        pltpu.sync_copy(tmp, shf.at[srow])
        plsc.subcore_barrier()
        pltpu.sync_copy(shf, locf)
        vsum = jnp.zeros((_L,), jnp.float32)
        for k in range(_NS):
            vsum = vsum + locf[pl.ds(k * _L, _L)]
        val = 0.5 * vsum

        @pl.when(s == 0)
        def _write_scalars():
            tmp[...] = tau
            pltpu.sync_copy(tmp, tau_hbm)
            tmp[...] = val
            pltpu.sync_copy(tmp, val_hbm)


_sc_csparsemax = functools.partial(
    pl.kernel,
    out_type=[
        jax.ShapeDtypeStruct((_N,), jnp.float32),
        jax.ShapeDtypeStruct((_N,), jnp.int32),
        jax.ShapeDtypeStruct((_L,), jnp.float32),
        jax.ShapeDtypeStruct((_L,), jnp.float32),
    ],
    mesh=plsc.VectorSubcoreMesh(core_axis_name="c", subcore_axis_name="s", num_cores=1),
    scratch_types=[
        pltpu.VMEM((_CHUNK,), jnp.float32),
        pltpu.VMEM((_CHUNK,), jnp.float32),
        pltpu.VMEM((_CHUNK,), jnp.float32),
        pltpu.VMEM((_CHUNK,), jnp.float32),
        pltpu.VMEM((_CHUNK,), jnp.float32),
        pltpu.VMEM((_CHUNK,), jnp.int32),
        pltpu.VMEM((_L,), jnp.float32),
        pltpu.VMEM((_NS * _L,), jnp.float32),
        pltpu.VMEM((_NS * _L,), jnp.float32),
        pltpu.VMEM_SHARED((_NS * _L,), jnp.float32),
        pltpu.VMEM_SHARED((_NS * _L,), jnp.float32),
    ],
)(_sc_body)


def kernel(z, u):
    p, r, tau_v, val_v = _sc_csparsemax(z, u)
    return p, r, tau_v[0], val_v[0]

# --- scband reference (transcript-rebuilt; emitter-appended) ---
"""Pipeline reference for scband-constrained-sparsemax-47785806135581 (READ-ONLY COPY).

The authoritative reference and input builder live on the scoring server;
editing this copy changes nothing except your own understanding.
"""

import jax, jax.numpy as jnp
import numpy as np

N = 32768

def setup_inputs(seed: int = 0) -> dict:
    key = jax.random.key(seed)
    k1, k2 = jax.random.split(key)
    z = jax.random.normal(k1, (N,), dtype=jnp.float32)
    u = jax.random.uniform(k2, (N,), dtype=jnp.float32)
    return {"z": z, "u": u}


def _csparsemax(z, u):
    # Exact solution of  min_p 0.5*||p - z||^2  s.t. 0 <= p <= u, sum(p) = 1.
    # KKT => p_i = clip(z_i - tau, 0, u_i) with sum_i p_i = 1.
    # f(tau) = sum_i clip(z_i - tau, 0, u_i) is piecewise-linear decreasing;
    # breakpoints are {z_i} and {z_i - u_i}. This is the vectorized,
    # sort-based equivalent of Pardalos & Kovoor's algorithm.
    n = z.shape[0]
    w = z - u
    zs = jnp.sort(z)
    ws = jnp.sort(w)
    cz = jnp.cumsum(zs)
    cw = jnp.cumsum(ws)
    tz = cz[n - 1]
    tw = cw[n - 1]
    knots = jnp.sort(jnp.concatenate([z, w]))
    # A(t) = sum_{z_i >= t} (z_i - t)
    iz = jnp.searchsorted(zs, knots, side='left')
    sufz = tz - jnp.where(iz > 0, cz[jnp.maximum(iz - 1, 0)], 0.0)
    A = sufz - (n - iz).astype(z.dtype) * knots
    # B(t) = sum_{w_i >= t} (w_i - t);  f(t) = A(t) - B(t)
    iw = jnp.searchsorted(ws, knots, side='left')
    sufw = tw - jnp.where(iw > 0, cw[jnp.maximum(iw - 1, 0)], 0.0)
    B = sufw - (n - iw).astype(z.dtype) * knots
    f = A - B
    # largest knot with f(knot) >= 1 (f is decreasing in t)
    j = jnp.clip(jnp.sum(f >= 1.0) - 1, 0, 2 * n - 1)
    kj = knots[j]
    fj = f[j]
    # slope in the open interval above kj: # of active (non-clipped) coords
    izr = jnp.searchsorted(zs, kj, side='right')
    iwr = jnp.searchsorted(ws, kj, side='right')
    m = jnp.maximum(iwr - izr, 1).astype(z.dtype)
    tau = kj + (fj - 1.0) / m
    p = jnp.clip(z - tau, 0.0, u)
    return p, tau


def reference(z, u):
    p, tau = _csparsemax(z, u)
    regions = jnp.where(z - tau <= 0.0, 0,
                        jnp.where(z - tau >= u, 2, 1)).astype(jnp.int32)
    val = 0.5 * jnp.sum((p - z) ** 2)
    return p, regions, tau, val

if __name__ == "__main__":
    import jax
    _d = setup_inputs()
    print(jax.jit(kernel)(*tuple(_d.values())))

</pallas_src>

<mosaic_0001>
#map = affine_map<(d0, d1) -> (0)>
module attributes {stable_mosaic.version = 14 : i64} {
  func.func @_sc_body(%arg0: i32, %arg1: i32, %arg2: memref<32768xf32, #tpu.memory_space<hbm>>, %arg3: memref<32768xf32, #tpu.memory_space<hbm>>, %arg4: memref<32768xf32, #tpu.memory_space<hbm>>, %arg5: memref<32768xi32, #tpu.memory_space<hbm>>, %arg6: memref<16xf32, #tpu.memory_space<hbm>>, %arg7: memref<16xf32, #tpu.memory_space<hbm>>, %arg8: memref<2048xf32, #tpu.memory_space<vmem>>, %arg9: memref<2048xf32, #tpu.memory_space<vmem>>, %arg10: memref<2048xf32, #tpu.memory_space<vmem>>, %arg11: memref<2048xf32, #tpu.memory_space<vmem>>, %arg12: memref<2048xf32, #tpu.memory_space<vmem>>, %arg13: memref<2048xi32, #tpu.memory_space<vmem>>, %arg14: memref<16xf32, #tpu.memory_space<vmem>>, %arg15: memref<256xf32, #tpu.memory_space<vmem>>, %arg16: memref<256xf32, #tpu.memory_space<vmem>>, %arg17: memref<256xf32, #tpu.memory_space<vmem_shared>>, %arg18: memref<256xf32, #tpu.memory_space<vmem_shared>>) attributes {dimension_semantics = [#tpu.dimension_semantics<core_parallel>, #tpu.dimension_semantics<subcore_parallel>], iteration_bounds = array<i64: 1, 16>, scalar_prefetch = 0 : i64, scratch_operands = 11 : i64, tpu.core_type = #tpu.core_type<sc_vector_subcore>, window_params = [{transform_indices = #map}, {transform_indices = #map}, {transform_indices = #map}, {transform_indices = #map}, {transform_indices = #map}, {transform_indices = #map}]} {
    %eq3A = arith.constant 0 : i32
    %eq3A_0 = arith.cmpi eq, %arg0, %eq3A : i32
    %convert_element_type3A = arith.extui %eq3A_0 : i1 to i32
    %cond3A = arith.constant 0 : i32
    %cond3A_1 = arith.cmpi ne, %convert_element_type3A, %cond3A : i32
    scf.if %cond3A_1 {
      %mul3A = arith.constant 2048 : i32
      %mul3A_2 = arith.muli %arg1, %mul3A : i32
      "tpu.region"() ({
        %run_scoped3A = tpu.sem_alloc : memref<!tpu.dma_semaphore, #tpu.memory_space<semaphore_mem>>
        %dma_start3A = tpu.memref_slice %arg2[%mul3A_2] : memref<32768xf32, #tpu.memory_space<hbm>> -> memref<2048xf32, #tpu.memory_space<hbm>>
        %dma_start3A_2162 = tpu.memref_slice %arg2[%mul3A_2] : memref<32768xf32, #tpu.memory_space<hbm>> -> memref<2048xf32, #tpu.memory_space<hbm>>
        tpu.enqueue_dma source(%dma_start3A_2162 : memref<2048xf32, #tpu.memory_space<hbm>>) target(%arg8 : memref<2048xf32, #tpu.memory_space<vmem>>) target_semaphore(%run_scoped3A : memref<!tpu.dma_semaphore, #tpu.memory_space<semaphore_mem>>)
        %dma_wait3A = tpu.memref_slice %arg2[%mul3A_2] : memref<32768xf32, #tpu.memory_space<hbm>> -> memref<2048xf32, #tpu.memory_space<hbm>>
        %dma_wait3A_2163 = tpu.memref_slice %arg2[%mul3A_2] : memref<32768xf32, #tpu.memory_space<hbm>> -> memref<2048xf32, #tpu.memory_space<hbm>>
        tpu.wait_dma2 semaphore(%run_scoped3A : memref<!tpu.dma_semaphore, #tpu.memory_space<semaphore_mem>>) src(%dma_wait3A_2163 : memref<2048xf32, #tpu.memory_space<hbm>>) dst(%arg8 : memref<2048xf32, #tpu.memory_space<vmem>>)
        tpu.yield
      }) : () -> ()
      "tpu.region"() ({
        %run_scoped3A = tpu.sem_alloc : memref<!tpu.dma_semaphore, #tpu.memory_space<semaphore_mem>>
        %dma_start3A = tpu.memref_slice %arg3[%mul3A_2] : memref<32768xf32, #tpu.memory_space<hbm>> -> memref<2048xf32, #tpu.memory_space<hbm>>
        %dma_start3A_2162 = tpu.memref_slice %arg3[%mul3A_2] : memref<32768xf32, #tpu.memory_space<hbm>> -> memref<2048xf32, #tpu.memory_space<hbm>>
        tpu.enqueue_dma source(%dma_start3A_2162 : memref<2048xf32, #tpu.memory_space<hbm>>) target(%arg9 : memref<2048xf32, #tpu.memory_space<vmem>>) target_semaphore(%run_scoped3A : memref<!tpu.dma_semaphore, #tpu.memory_space<semaphore_mem>>)
        %dma_wait3A = tpu.memref_slice %arg3[%mul3A_2] : memref<32768xf32, #tpu.memory_space<hbm>> -> memref<2048xf32, #tpu.memory_space<hbm>>
        %dma_wait3A_2163 = tpu.memref_slice %arg3[%mul3A_2] : memref<32768xf32, #tpu.memory_space<hbm>> -> memref<2048xf32, #tpu.memory_space<hbm>>
        tpu.wait_dma2 semaphore(%run_scoped3A : memref<!tpu.dma_semaphore, #tpu.memory_space<semaphore_mem>>) src(%dma_wait3A_2163 : memref<2048xf32, #tpu.memory_space<hbm>>) dst(%arg9 : memref<2048xf32, #tpu.memory_space<vmem>>)
        tpu.yield
      }) : () -> ()
      %iota3A = tpu.iota {dimensions = array<i32: 0>} : vector<16xi32>
      %convert_element_type3A_3 = arith.sitofp %iota3A : vector<16xi32> to vector<16xf32>
      %broadcast_in_dim3A = arith.constant 0 : i32
      %broadcast_in_dim3A_4 = vector.broadcast %broadcast_in_dim3A : i32 to vector<16xi32>
      %broadcast_in_dim3A_5 = arith.constant 1 : i32
      %broadcast_in_dim3A_6 = vector.broadcast %broadcast_in_dim3A_5 : i32 to vector<16xi32>
      %broadcast_in_dim3A_7 = arith.constant 2 : i32
      %broadcast_in_dim3A_8 = vector.broadcast %broadcast_in_dim3A_7 : i32 to vector<16xi32>
      %broadcast_in_dim3A_9 = arith.constant 3 : i32
      %broadcast_in_dim3A_10 = vector.broadcast %broadcast_in_dim3A_9 : i32 to vector<16xi32>
      %broadcast_in_dim3A_11 = arith.constant 4 : i32
      %broadcast_in_dim3A_12 = vector.broadcast %broadcast_in_dim3A_11 : i32 to vector<16xi32>
      %broadcast_in_dim3A_13 = arith.constant 5 : i32
      %broadcast_in_dim3A_14 = vector.broadcast %broadcast_in_dim3A_13 : i32 to vector<16xi32>
      %broadcast_in_dim3A_15 = arith.constant 6 : i32
      %broadcast_in_dim3A_16 = vector.broadcast %broadcast_in_dim3A_15 : i32 to vector<16xi32>
      %broadcast_in_dim3A_17 = arith.constant 7 : i32
      %broadcast_in_dim3A_18 = vector.broadcast %broadcast_in_dim3A_17 : i32 to vector<16xi32>
      %broadcast_in_dim3A_19 = arith.constant 8 : i32
      %broadcast_in_dim3A_20 = vector.broadcast %broadcast_in_dim3A_19 : i32 to vector<16xi32>
      %broadcast_in_dim3A_21 = arith.constant 9 : i32
      %broadcast_in_dim3A_22 = vector.broadcast %broadcast_in_dim3A_21 : i32 to vector<16xi32>
      %broadcast_in_dim3A_23 = arith.constant 10 : i32
      %broadcast_in_dim3A_24 = vector.broadcast %broadcast_in_dim3A_23 : i32 to vector<16xi32>
      %broadcast_in_dim3A_25 = arith.constant 11 : i32
      %broadcast_in_dim3A_26 = vector.broadcast %broadcast_in_dim3A_25 : i32 to vector<16xi32>
      %broadcast_in_dim3A_27 = arith.constant 12 : i32
      %broadcast_in_dim3A_28 = vector.broadcast %broadcast_in_dim3A_27 : i32 to vector<16xi32>
      %broadcast_in_dim3A_29 = arith.constant 13 : i32
      %broadcast_in_dim3A_30 = vector.broadcast %broadcast_in_dim3A_29 : i32 to vector<16xi32>
      %broadcast_in_dim3A_31 = arith.constant 14 : i32
      %broadcast_in_dim3A_32 = vector.broadcast %broadcast_in_dim3A_31 : i32 to vector<16xi32>
      %broadcast_in_dim3A_33 = arith.constant 15 : i32
      %broadcast_in_dim3A_34 = vector.broadcast %broadcast_in_dim3A_33 : i32 to vector<16xi32>
      %mul3A_35 = arith.constant 16 : i32
      %mul3A_36 = arith.muli %arg1, %mul3A_35 : i32
      %broadcast_in_dim3A_37 = arith.constant -3.000000e+38 : f32
      %broadcast_in_dim3A_38 = vector.broadcast %broadcast_in_dim3A_37 : f32 to vector<16xf32>
      %broadcast_in_dim3A_39 = arith.constant 3.000000e+38 : f32
      %broadcast_in_dim3A_40 = vector.broadcast %broadcast_in_dim3A_39 : f32 to vector<16xf32>
      %scan3A = arith.constant 0 : i32
      %scan3A_41 = arith.constant 128 : i32
      %scan3A_42 = arith.addi %scan3A, %scan3A_41 : i32
      %scan3A_43 = arith.constant 1 : i32
      %scan3A_44:2 = scf.for %scan3A_2162 = %scan3A to %scan3A_42 step %scan3A_43 iter_args(%scan3A_2163 = %broadcast_in_dim3A_38, %scan3A_2164 = %broadcast_in_dim3A_40) -> (vector<16xf32>, vector<16xf32>)  : i32 {
        %mul3A_2165 = arith.constant 16 : i32
        %mul3A_2166 = arith.muli %scan3A_2162, %mul3A_2165 : i32
        %get3A_2167 = arith.index_cast %mul3A_2166 : i32 to index
        %get3A_2168 = tpu.vector_load %arg8[%get3A_2167] {strides = array<i32>} : memref<2048xf32, #tpu.memory_space<vmem>>, vector<16xf32>,
        %get3A_2169 = vector.shape_cast %get3A_2168 : vector<16xf32> to vector<16xf32>
        %get3A_2170 = arith.index_cast %mul3A_2166 : i32 to index
        %get3A_2171 = tpu.vector_load %arg9[%get3A_2170] {strides = array<i32>} : memref<2048xf32, #tpu.memory_space<vmem>>, vector<16xf32>,
        %get3A_2172 = vector.shape_cast %get3A_2171 : vector<16xf32> to vector<16xf32>
        %sub3A_2173 = arith.subf %get3A_2169, %get3A_2172 : vector<16xf32>
        %max3A_2174 = arith.maximumf %scan3A_2163, %get3A_2169 : vector<16xf32>
        %min3A_2175 = arith.minimumf %scan3A_2164, %sub3A_2173 : vector<16xf32>
        scf.yield %max3A_2174, %min3A_2175 : vector<16xf32>, vector<16xf32>
      }
      %scan3A_45 = arith.constant 128 : i32
      %iota3A_46 = tpu.iota {dimensions = array<i32: 0>} : vector<16xi32>
      %xor3A = arith.constant 1 : i32
      %xor3A_47 = vector.broadcast %xor3A : i32 to vector<16xi32>
      %xor3A_48 = arith.xori %iota3A_46, %xor3A_47 : vector<16xi32>
      %lt3A = arith.constant 0 : i32
      %lt3A_49 = vector.broadcast %lt3A : i32 to vector<16xi32>
      %lt3A_50 = arith.cmpi slt, %xor3A_48, %lt3A_49 : vector<16xi32>
      %add3A = arith.constant 16 : i32
      %add3A_51 = vector.broadcast %add3A : i32 to vector<16xi32>
      %add3A_52 = arith.addi %xor3A_48, %add3A_51 : vector<16xi32>
      %select_n3A = arith.select %lt3A_50, %add3A_52, %xor3A_48 : vector<16xi1>, vector<16xi32>
      %broadcast_in_dim3A_53 = vector.shape_cast %select_n3A : vector<16xi32> to vector<16x1xi32>
      %gather3A = vector.shape_cast %broadcast_in_dim3A_53 : vector<16x1xi32> to vector<16xi32>
      %gather3A_54 = tpu.dynamic_gather %scan3A_44#0[%gather3A] in [0] : vector<16xf32>, vector<16xi32> -> vector<16xf32>
      %max3A = arith.maximumf %scan3A_44#0, %gather3A_54 : vector<16xf32>
      %iota3A_55 = tpu.iota {dimensions = array<i32: 0>} : vector<16xi32>
      %xor3A_56 = arith.constant 2 : i32
      %xor3A_57 = vector.broadcast %xor3A_56 : i32 to vector<16xi32>
      %xor3A_58 = arith.xori %iota3A_55, %xor3A_57 : vector<16xi32>
      %lt3A_59 = arith.constant 0 : i32
      %lt3A_60 = vector.broadcast %lt3A_59 : i32 to vector<16xi32>
      %lt3A_61 = arith.cmpi slt, %xor3A_58, %lt3A_60 : vector<16xi32>
      %add3A_62 = arith.constant 16 : i32
      %add3A_63 = vector.broadcast %add3A_62 : i32 to vector<16xi32>
      %add3A_64 = arith.addi %xor3A_58, %add3A_63 : vector<16xi32>
      %select_n3A_65 = arith.select %lt3A_61, %add3A_64, %xor3A_58 : vector<16xi1>, vector<16xi32>
      %broadcast_in_dim3A_66 = vector.shape_cast %select_n3A_65 : vector<16xi32> to vector<16x1xi32>
      %gather3A_67 = vector.shape_cast %broadcast_in_dim3A_66 : vector<16x1xi32> to vector<16xi32>
      %gather3A_68 = tpu.dynamic_gather %max3A[%gather3A_67] in [0] : vector<16xf32>, vector<16xi32> -> vector<16xf32>
      %max3A_69 = arith.maximumf %max3A, %gather3A_68 : vector<16xf32>
      %iota3A_70 = tpu.iota {dimensions = array<i32: 0>} : vector<16xi32>
      %xor3A_71 = arith.constant 4 : i32
      %xor3A_72 = vector.broadcast %xor3A_71 : i32 to vector<16xi32>
      %xor3A_73 = arith.xori %iota3A_70, %xor3A_72 : vector<16xi32>
      %lt3A_74 = arith.constant 0 : i32
      %lt3A_75 = vector.broadcast %lt3A_74 : i32 to vector<16xi32>
      %lt3A_76 = arith.cmpi slt, %xor3A_73, %lt3A_75 : vector<16xi32>
      %add3A_77 = arith.constant 16 : i32
      %add3A_78 = vector.broadcast %add3A_77 : i32 to vector<16xi32>
      %add3A_79 = arith.addi %xor3A_73, %add3A_78 : vector<16xi32>
      %select_n3A_80 = arith.select %lt3A_76, %add3A_79, %xor3A_73 : vector<16xi1>, vector<16xi32>
      %broadcast_in_dim3A_81 = vector.shape_cast %select_n3A_80 : vector<16xi32> to vector<16x1xi32>
      %gather3A_82 = vector.shape_cast %broadcast_in_dim3A_81 : vector<16x1xi32> to vector<16xi32>
      %gather3A_83 = tpu.dynamic_gather %max3A_69[%gather3A_82] in [0] : vector<16xf32>, vector<16xi32> -> vector<16xf32>
      %max3A_84 = arith.maximumf %max3A_69, %gather3A_83 : vector<16xf32>
      %iota3A_85 = tpu.iota {dimensions = array<i32: 0>} : vector<16xi32>
      %xor3A_86 = arith.constant 8 : i32
      %xor3A_87 = vector.broadcast %xor3A_86 : i32 to vector<16xi32>
      %xor3A_88 = arith.xori %iota3A_85, %xor3A_87 : vector<16xi32>
      %lt3A_89 = arith.constant 0 : i32
      %lt3A_90 = vector.broadcast %lt3A_89 : i32 to vector<16xi32>
      %lt3A_91 = arith.cmpi slt, %xor3A_88, %lt3A_90 : vector<16xi32>
      %add3A_92 = arith.constant 16 : i32
      %add3A_93 = vector.broadcast %add3A_92 : i32 to vector<16xi32>
      %add3A_94 = arith.addi %xor3A_88, %add3A_93 : vector<16xi32>
      %select_n3A_95 = arith.select %lt3A_91, %add3A_94, %xor3A_88 : vector<16xi1>, vector<16xi32>
      %broadcast_in_dim3A_96 = vector.shape_cast %select_n3A_95 : vector<16xi32> to vector<16x1xi32>
      %gather3A_97 = vector.shape_cast %broadcast_in_dim3A_96 : vector<16x1xi32> to vector<16xi32>
      %gather3A_98 = tpu.dynamic_gather %max3A_84[%gather3A_97] in [0] : vector<16xf32>, vector<16xi32> -> vector<16xf32>
      %max3A_99 = arith.maximumf %max3A_84, %gather3A_98 : vector<16xf32>
      %swap3A = arith.constant 0 : index
      %swap3A_100 = tpu.vector_load %arg14[%swap3A] {strides = array<i32>} : memref<16xf32, #tpu.memory_space<vmem>>, vector<16xf32>,
      %swap3A_101 = vector.shape_cast %swap3A_100 : vector<16xf32> to vector<16xf32>
      %swap3A_102 = vector.shape_cast %max3A_99 : vector<16xf32> to vector<16xf32>
      tpu.vector_store %arg14[%swap3A], %swap3A_102 {strides = array<i32>} : memref<16xf32, #tpu.memory_space<vmem>>, vector<16xf32>,
      "tpu.region"() ({
        %run_scoped3A = tpu.sem_alloc : memref<!tpu.dma_semaphore, #tpu.memory_space<semaphore_mem>>
        %dma_start3A = tpu.memref_slice %arg17[%mul3A_36] : memref<256xf32, #tpu.memory_space<vmem_shared>> -> memref<16xf32, #tpu.memory_space<vmem_shared>>
        %dma_start3A_2162 = tpu.memref_slice %arg17[%mul3A_36] : memref<256xf32, #tpu.memory_space<vmem_shared>> -> memref<16xf32, #tpu.memory_space<vmem_shared>>
        tpu.enqueue_dma source(%arg14 : memref<16xf32, #tpu.memory_space<vmem>>) target(%dma_start3A_2162 : memref<16xf32, #tpu.memory_space<vmem_shared>>) target_semaphore(%run_scoped3A : memref<!tpu.dma_semaphore, #tpu.memory_space<semaphore_mem>>)
        %dma_wait3A = tpu.memref_slice %arg17[%mul3A_36] : memref<256xf32, #tpu.memory_space<vmem_shared>> -> memref<16xf32, #tpu.memory_space<vmem_shared>>
        %dma_wait3A_2163 = tpu.memref_slice %arg17[%mul3A_36] : memref<256xf32, #tpu.memory_space<vmem_shared>> -> memref<16xf32, #tpu.memory_space<vmem_shared>>
        tpu.wait_dma2 semaphore(%run_scoped3A : memref<!tpu.dma_semaphore, #tpu.memory_space<semaphore_mem>>) src(%arg14 : memref<16xf32, #tpu.memory_space<vmem>>) dst(%dma_wait3A_2163 : memref<16xf32, #tpu.memory_space<vmem_shared>>)
        tpu.yield
      }) : () -> ()
      %iota3A_103 = tpu.iota {dimensions = array<i32: 0>} : vector<16xi32>
      %xor3A_104 = arith.constant 1 : i32
      %xor3A_105 = vector.broadcast %xor3A_104 : i32 to vector<16xi32>
      %xor3A_106 = arith.xori %iota3A_103, %xor3A_105 : vector<16xi32>
      %lt3A_107 = arith.constant 0 : i32
      %lt3A_108 = vector.broadcast %lt3A_107 : i32 to vector<16xi32>
      %lt3A_109 = arith.cmpi slt, %xor3A_106, %lt3A_108 : vector<16xi32>
      %add3A_110 = arith.constant 16 : i32
      %add3A_111 = vector.broadcast %add3A_110 : i32 to vector<16xi32>
      %add3A_112 = arith.addi %xor3A_106, %add3A_111 : vector<16xi32>
      %select_n3A_113 = arith.select %lt3A_109, %add3A_112, %xor3A_106 : vector<16xi1>, vector<16xi32>
      %broadcast_in_dim3A_114 = vector.shape_cast %select_n3A_113 : vector<16xi32> to vector<16x1xi32>
      %gather3A_115 = vector.shape_cast %broadcast_in_dim3A_114 : vector<16x1xi32> to vector<16xi32>
      %gather3A_116 = tpu.dynamic_gather %scan3A_44#1[%gather3A_115] in [0] : vector<16xf32>, vector<16xi32> -> vector<16xf32>
      %min3A = arith.minimumf %scan3A_44#1, %gather3A_116 : vector<16xf32>
      %iota3A_117 = tpu.iota {dimensions = array<i32: 0>} : vector<16xi32>
      %xor3A_118 = arith.constant 2 : i32
      %xor3A_119 = vector.broadcast %xor3A_118 : i32 to vector<16xi32>
      %xor3A_120 = arith.xori %iota3A_117, %xor3A_119 : vector<16xi32>
      %lt3A_121 = arith.constant 0 : i32
      %lt3A_122 = vector.broadcast %lt3A_121 : i32 to vector<16xi32>
      %lt3A_123 = arith.cmpi slt, %xor3A_120, %lt3A_122 : vector<16xi32>
      %add3A_124 = arith.constant 16 : i32
      %add3A_125 = vector.broadcast %add3A_124 : i32 to vector<16xi32>
      %add3A_126 = arith.addi %xor3A_120, %add3A_125 : vector<16xi32>
      %select_n3A_127 = arith.select %lt3A_123, %add3A_126, %xor3A_120 : vector<16xi1>, vector<16xi32>
      %broadcast_in_dim3A_128 = vector.shape_cast %select_n3A_127 : vector<16xi32> to vector<16x1xi32>
      %gather3A_129 = vector.shape_cast %broadcast_in_dim3A_128 : vector<16x1xi32> to vector<16xi32>
      %gather3A_130 = tpu.dynamic_gather %min3A[%gather3A_129] in [0] : vector<16xf32>, vector<16xi32> -> vector<16xf32>
      %min3A_131 = arith.minimumf %min3A, %gather3A_130 : vector<16xf32>
      %iota3A_132 = tpu.iota {dimensions = array<i32: 0>} : vector<16xi32>
      %xor3A_133 = arith.constant 4 : i32
      %xor3A_134 = vector.broadcast %xor3A_133 : i32 to vector<16xi32>
      %xor3A_135 = arith.xori %iota3A_132, %xor3A_134 : vector<16xi32>
      %lt3A_136 = arith.constant 0 : i32
      %lt3A_137 = vector.broadcast %lt3A_136 : i32 to vector<16xi32>
      %lt3A_138 = arith.cmpi slt, %xor3A_135, %lt3A_137 : vector<16xi32>
      %add3A_139 = arith.constant 16 : i32
      %add3A_140 = vector.broadcast %add3A_139 : i32 to vector<16xi32>
      %add3A_141 = arith.addi %xor3A_135, %add3A_140 : vector<16xi32>
      %select_n3A_142 = arith.select %lt3A_138, %add3A_141, %xor3A_135 : vector<16xi1>, vector<16xi32>
      %broadcast_in_dim3A_143 = vector.shape_cast %select_n3A_142 : vector<16xi32> to vector<16x1xi32>
      %gather3A_144 = vector.shape_cast %broadcast_in_dim3A_143 : vector<16x1xi32> to vector<16xi32>
      %gather3A_145 = tpu.dynamic_gather %min3A_131[%gather3A_144] in [0] : vector<16xf32>, vector<16xi32> -> vector<16xf32>
      %min3A_146 = arith.minimumf %min3A_131, %gather3A_145 : vector<16xf32>
      %iota3A_147 = tpu.iota {dimensions = array<i32: 0>} : vector<16xi32>
      %xor3A_148 = arith.constant 8 : i32
      %xor3A_149 = vector.broadcast %xor3A_148 : i32 to vector<16xi32>
      %xor3A_150 = arith.xori %iota3A_147, %xor3A_149 : vector<16xi32>
      %lt3A_151 = arith.constant 0 : i32
      %lt3A_152 = vector.broadcast %lt3A_151 : i32 to vector<16xi32>
      %lt3A_153 = arith.cmpi slt, %xor3A_150, %lt3A_152 : vector<16xi32>
      %add3A_154 = arith.constant 16 : i32
      %add3A_155 = vector.broadcast %add3A_154 : i32 to vector<16xi32>
      %add3A_156 = arith.addi %xor3A_150, %add3A_155 : vector<16xi32>
      %select_n3A_157 = arith.select %lt3A_153, %add3A_156, %xor3A_150 : vector<16xi1>, vector<16xi32>
      %broadcast_in_dim3A_158 = vector.shape_cast %select_n3A_157 : vector<16xi32> to vector<16x1xi32>
      %gather3A_159 = vector.shape_cast %broadcast_in_dim3A_158 : vector<16x1xi32> to vector<16xi32>
      %gather3A_160 = tpu.dynamic_gather %min3A_146[%gather3A_159] in [0] : vector<16xf32>, vector<16xi32> -> vector<16xf32>
      %min3A_161 = arith.minimumf %min3A_146, %gather3A_160 : vector<16xf32>
      %swap3A_162 = arith.constant 0 : index
      %swap3A_163 = tpu.vector_load %arg14[%swap3A_162] {strides = array<i32>} : memref<16xf32, #tpu.memory_space<vmem>>, vector<16xf32>,
      %swap3A_164 = vector.shape_cast %swap3A_163 : vector<16xf32> to vector<16xf32>
      %swap3A_165 = vector.shape_cast %min3A_161 : vector<16xf32> to vector<16xf32>
      tpu.vector_store %arg14[%swap3A_162], %swap3A_165 {strides = array<i32>} : memref<16xf32, #tpu.memory_space<vmem>>, vector<16xf32>,
      "tpu.region"() ({
        %run_scoped3A = tpu.sem_alloc : memref<!tpu.dma_semaphore, #tpu.memory_space<semaphore_mem>>
        %dma_start3A = tpu.memref_slice %arg18[%mul3A_36] : memref<256xf32, #tpu.memory_space<vmem_shared>> -> memref<16xf32, #tpu.memory_space<vmem_shared>>
        %dma_start3A_2162 = tpu.memref_slice %arg18[%mul3A_36] : memref<256xf32, #tpu.memory_space<vmem_shared>> -> memref<16xf32, #tpu.memory_space<vmem_shared>>
        tpu.enqueue_dma source(%arg14 : memref<16xf32, #tpu.memory_space<vmem>>) target(%dma_start3A_2162 : memref<16xf32, #tpu.memory_space<vmem_shared>>) target_semaphore(%run_scoped3A : memref<!tpu.dma_semaphore, #tpu.memory_space<semaphore_mem>>)
        %dma_wait3A = tpu.memref_slice %arg18[%mul3A_36] : memref<256xf32, #tpu.memory_space<vmem_shared>> -> memref<16xf32, #tpu.memory_space<vmem_shared>>
        %dma_wait3A_2163 = tpu.memref_slice %arg18[%mul3A_36] : memref<256xf32, #tpu.memory_space<vmem_shared>> -> memref<16xf32, #tpu.memory_space<vmem_shared>>
        tpu.wait_dma2 semaphore(%run_scoped3A : memref<!tpu.dma_semaphore, #tpu.memory_space<semaphore_mem>>) src(%arg14 : memref<16xf32, #tpu.memory_space<vmem>>) dst(%dma_wait3A_2163 : memref<16xf32, #tpu.memory_space<vmem_shared>>)
        tpu.yield
      }) : () -> ()
      %barrier3A = arith.constant 0 : index
      tpu.barrier barrier_id(%barrier3A)
      "tpu.region"() ({
        %run_scoped3A = tpu.sem_alloc : memref<!tpu.dma_semaphore, #tpu.memory_space<semaphore_mem>>
        tpu.enqueue_dma source(%arg17 : memref<256xf32, #tpu.memory_space<vmem_shared>>) target(%arg15 : memref<256xf32, #tpu.memory_space<vmem>>) target_semaphore(%run_scoped3A : memref<!tpu.dma_semaphore, #tpu.memory_space<semaphore_mem>>)
        tpu.wait_dma2 semaphore(%run_scoped3A : memref<!tpu.dma_semaphore, #tpu.memory_space<semaphore_mem>>) src(%arg17 : memref<256xf32, #tpu.memory_space<vmem_shared>>) dst(%arg15 : memref<256xf32, #tpu.memory_space<vmem>>)
        tpu.yield
      }) : () -> ()
      "tpu.region"() ({
        %run_scoped3A = tpu.sem_alloc : memref<!tpu.dma_semaphore, #tpu.memory_space<semaphore_mem>>
        tpu.enqueue_dma source(%arg18 : memref<256xf32, #tpu.memory_space<vmem_shared>>) target(%arg16 : memref<256xf32, #tpu.memory_space<vmem>>) target_semaphore(%run_scoped3A : memref<!tpu.dma_semaphore, #tpu.memory_space<semaphore_mem>>)
        tpu.wait_dma2 semaphore(%run_scoped3A : memref<!tpu.dma_semaphore, #tpu.memory_space<semaphore_mem>>) src(%arg18 : memref<256xf32, #tpu.memory_space<vmem_shared>>) dst(%arg16 : memref<256xf32, #tpu.memory_space<vmem>>)
        tpu.yield
      }) : () -> ()
      %barrier3A_166 = arith.constant 0 : index
      tpu.barrier barrier_id(%barrier3A_166)
      %get3A = arith.constant 0 : index
      %get3A_167 = tpu.vector_load %arg15[%get3A] {strides = array<i32>} : memref<256xf32, #tpu.memory_space<vmem>>, vector<16xf32>,
      %get3A_168 = vector.shape_cast %get3A_167 : vector<16xf32> to vector<16xf32>
      %get3A_169 = arith.constant 0 : index
      %get3A_170 = tpu.vector_load %arg16[%get3A_169] {strides = array<i32>} : memref<256xf32, #tpu.memory_space<vmem>>, vector<16xf32>,
      %get3A_171 = vector.shape_cast %get3A_170 : vector<16xf32> to vector<16xf32>
      %get3A_172 = arith.constant 16 : index
      %get3A_173 = tpu.vector_load %arg15[%get3A_172] {strides = array<i32>} : memref<256xf32, #tpu.memory_space<vmem>>, vector<16xf32>,
      %get3A_174 = vector.shape_cast %get3A_173 : vector<16xf32> to vector<16xf32>
      %max3A_175 = arith.maximumf %get3A_168, %get3A_174 : vector<16xf32>
      %get3A_176 = arith.constant 16 : index
      %get3A_177 = tpu.vector_load %arg16[%get3A_176] {strides = array<i32>} : memref<256xf32, #tpu.memory_space<vmem>>, vector<16xf32>,
      %get3A_178 = vector.shape_cast %get3A_177 : vector<16xf32> to vector<16xf32>
      %min3A_179 = arith.minimumf %get3A_171, %get3A_178 : vector<16xf32>
      %get3A_180 = arith.constant 32 : index
      %get3A_181 = tpu.vector_load %arg15[%get3A_180] {strides = array<i32>} : memref<256xf32, #tpu.memory_space<vmem>>, vector<16xf32>,
      %get3A_182 = vector.shape_cast %get3A_181 : vector<16xf32> to vector<16xf32>
      %max3A_183 = arith.maximumf %max3A_175, %get3A_182 : vector<16xf32>
      %get3A_184 = arith.constant 32 : index
      %get3A_185 = tpu.vector_load %arg16[%get3A_184] {strides = array<i32>} : memref<256xf32, #tpu.memory_space<vmem>>, vector<16xf32>,
      %get3A_186 = vector.shape_cast %get3A_185 : vector<16xf32> to vector<16xf32>
      %min3A_187 = arith.minimumf %min3A_179, %get3A_186 : vector<16xf32>
      %get3A_188 = arith.constant 48 : index
      %get3A_189 = tpu.vector_load %arg15[%get3A_188] {strides = array<i32>} : memref<256xf32, #tpu.memory_space<vmem>>, vector<16xf32>,
      %get3A_190 = vector.shape_cast %get3A_189 : vector<16xf32> to vector<16xf32>
      %max3A_191 = arith.maximumf %max3A_183, %get3A_190 : vector<16xf32>
      %get3A_192 = arith.constant 48 : index
      %get3A_193 = tpu.vector_load %arg16[%get3A_192] {strides = array<i32>} : memref<256xf32, #tpu.memory_space<vmem>>, vector<16xf32>,
      %get3A_194 = vector.shape_cast %get3A_193 : vector<16xf32> to vector<16xf32>
      %min3A_195 = arith.minimumf %min3A_187, %get3A_194 : vector<16xf32>
      %get3A_196 = arith.constant 64 : index
      %get3A_197 = tpu.vector_load %arg15[%get3A_196] {strides = array<i32>} : memref<256xf32, #tpu.memory_space<vmem>>, vector<16xf32>,
      %get3A_198 = vector.shape_cast %get3A_197 : vector<16xf32> to vector<16xf32>
      %max3A_199 = arith.maximumf %max3A_191, %get3A_198 : vector<16xf32>
      %get3A_200 = arith.constant 64 : index
      %get3A_201 = tpu.vector_load %arg16[%get3A_200] {strides = array<i32>} : memref<256xf32, #tpu.memory_space<vmem>>, vector<16xf32>,
      %get3A_202 = vector.shape_cast %get3A_201 : vector<16xf32> to vector<16xf32>
      %min3A_203 = arith.minimumf %min3A_195, %get3A_202 : vector<16xf32>
      %get3A_204 = arith.constant 80 : index
      %get3A_205 = tpu.vector_load %arg15[%get3A_204] {strides = array<i32>} : memref<256xf32, #tpu.memory_space<vmem>>, vector<16xf32>,
      %get3A_206 = vector.shape_cast %get3A_205 : vector<16xf32> to vector<16xf32>
      %max3A_207 = arith.maximumf %max3A_199, %get3A_206 : vector<16xf32>
      %get3A_208 = arith.constant 80 : index
      %get3A_209 = tpu.vector_load %arg16[%get3A_208] {strides = array<i32>} : memref<256xf32, #tpu.memory_space<vmem>>, vector<16xf32>,
      %get3A_210 = vector.shape_cast %get3A_209 : vector<16xf32> to vector<16xf32>
      %min3A_211 = arith.minimumf %min3A_203, %get3A_210 : vector<16xf32>
      %get3A_212 = arith.constant 96 : index
      %get3A_213 = tpu.vector_load %arg15[%get3A_212] {strides = array<i32>} : memref<256xf32, #tpu.memory_space<vmem>>, vector<16xf32>,
      %get3A_214 = vector.shape_cast %get3A_213 : vector<16xf32> to vector<16xf32>
      %max3A_215 = arith.maximumf %max3A_207, %get3A_214 : vector<16xf32>
      %get3A_216 = arith.constant 96 : index
      %get3A_217 = tpu.vector_load %arg16[%get3A_216] {strides = array<i32>} : memref<256xf32, #tpu.memory_space<vmem>>, vector<16xf32>,
      %get3A_218 = vector.shape_cast %get3A_217 : vector<16xf32> to vector<16xf32>
      %min3A_219 = arith.minimumf %min3A_211, %get3A_218 : vector<16xf32>
      %get3A_220 = arith.constant 112 : index
      %get3A_221 = tpu.vector_load %arg15[%get3A_220] {strides = array<i32>} : memref<256xf32, #tpu.memory_space<vmem>>, vector<16xf32>,
      %get3A_222 = vector.shape_cast %get3A_221 : vector<16xf32> to vector<16xf32>
      %max3A_223 = arith.maximumf %max3A_215, %get3A_222 : vector<16xf32>
      %get3A_224 = arith.constant 112 : index
      %get3A_225 = tpu.vector_load %arg16[%get3A_224] {strides = array<i32>} : memref<256xf32, #tpu.memory_space<vmem>>, vector<16xf32>,
      %get3A_226 = vector.shape_cast %get3A_225 : vector<16xf32> to vector<16xf32>
      %min3A_227 = arith.minimumf %min3A_219, %get3A_226 : vector<16xf32>
      %get3A_228 = arith.constant 128 : index
      %get3A_229 = tpu.vector_load %arg15[%get3A_228] {strides = array<i32>} : memref<256xf32, #tpu.memory_space<vmem>>, vector<16xf32>,
      %get3A_230 = vector.shape_cast %get3A_229 : vector<16xf32> to vector<16xf32>
      %max3A_231 = arith.maximumf %max3A_223, %get3A_230 : vector<16xf32>
      %get3A_232 = arith.constant 128 : index
      %get3A_233 = tpu.vector_load %arg16[%get3A_232] {strides = array<i32>} : memref<256xf32, #tpu.memory_space<vmem>>, vector<16xf32>,
      %get3A_234 = vector.shape_cast %get3A_233 : vector<16xf32> to vector<16xf32>
      %min3A_235 = arith.minimumf %min3A_227, %get3A_234 : vector<16xf32>
      %get3A_236 = arith.constant 144 : index
      %get3A_237 = tpu.vector_load %arg15[%get3A_236] {strides = array<i32>} : memref<256xf32, #tpu.memory_space<vmem>>, vector<16xf32>,
      %get3A_238 = vector.shape_cast %get3A_237 : vector<16xf32> to vector<16xf32>
      %max3A_239 = arith.maximumf %max3A_231, %get3A_238 : vector<16xf32>
      %get3A_240 = arith.constant 144 : index
      %get3A_241 = tpu.vector_load %arg16[%get3A_240] {strides = array<i32>} : memref<256xf32, #tpu.memory_space<vmem>>, vector<16xf32>,
      %get3A_242 = vector.shape_cast %get3A_241 : vector<16xf32> to vector<16xf32>
      %min3A_243 = arith.minimumf %min3A_235, %get3A_242 : vector<16xf32>
      %get3A_244 = arith.constant 160 : index
      %get3A_245 = tpu.vector_load %arg15[%get3A_244] {strides = array<i32>} : memref<256xf32, #tpu.memory_space<vmem>>, vector<16xf32>,
      %get3A_246 = vector.shape_cast %get3A_245 : vector<16xf32> to vector<16xf32>
      %max3A_247 = arith.maximumf %max3A_239, %get3A_246 : vector<16xf32>
      %get3A_248 = arith.constant 160 : index
      %get3A_249 = tpu.vector_load %arg16[%get3A_248] {strides = array<i32>} : memref<256xf32, #tpu.memory_space<vmem>>, vector<16xf32>,
      %get3A_250 = vector.shape_cast %get3A_249 : vector<16xf32> to vector<16xf32>
      %min3A_251 = arith.minimumf %min3A_243, %get3A_250 : vector<16xf32>
      %get3A_252 = arith.constant 176 : index
      %get3A_253 = tpu.vector_load %arg15[%get3A_252] {strides = array<i32>} : memref<256xf32, #tpu.memory_space<vmem>>, vector<16xf32>,
      %get3A_254 = vector.shape_cast %get3A_253 : vector<16xf32> to vector<16xf32>
      %max3A_255 = arith.maximumf %max3A_247, %get3A_254 : vector<16xf32>
      %get3A_256 = arith.constant 176 : index
      %get3A_257 = tpu.vector_load %arg16[%get3A_256] {strides = array<i32>} : memref<256xf32, #tpu.memory_space<vmem>>, vector<16xf32>,
      %get3A_258 = vector.shape_cast %get3A_257 : vector<16xf32> to vector<16xf32>
      %min3A_259 = arith.minimumf %min3A_251, %get3A_258 : vector<16xf32>
      %get3A_260 = arith.constant 192 : index
      %get3A_261 = tpu.vector_load %arg15[%get3A_260] {strides = array<i32>} : memref<256xf32, #tpu.memory_space<vmem>>, vector<16xf32>,
      %get3A_262 = vector.shape_cast %get3A_261 : vector<16xf32> to vector<16xf32>
      %max3A_263 = arith.maximumf %max3A_255, %get3A_262 : vector<16xf32>
      %get3A_264 = arith.constant 192 : index
      %get3A_265 = tpu.vector_load %arg16[%get3A_264] {strides = array<i32>} : memref<256xf32, #tpu.memory_space<vmem>>, vector<16xf32>,
      %get3A_266 = vector.shape_cast %get3A_265 : vector<16xf32> to vector<16xf32>
      %min3A_267 = arith.minimumf %min3A_259, %get3A_266 : vector<16xf32>
      %get3A_268 = arith.constant 208 : index
      %get3A_269 = tpu.vector_load %arg15[%get3A_268] {strides = array<i32>} : memref<256xf32, #tpu.memory_space<vmem>>, vector<16xf32>,
      %get3A_270 = vector.shape_cast %get3A_269 : vector<16xf32> to vector<16xf32>
      %max3A_271 = arith.maximumf %max3A_263, %get3A_270 : vector<16xf32>
      %get3A_272 = arith.constant 208 : index
      %get3A_273 = tpu.vector_load %arg16[%get3A_272] {strides = array<i32>} : memref<256xf32, #tpu.memory_space<vmem>>, vector<16xf32>,
      %get3A_274 = vector.shape_cast %get3A_273 : vector<16xf32> to vector<16xf32>
      %min3A_275 = arith.minimumf %min3A_267, %get3A_274 : vector<16xf32>
      %get3A_276 = arith.constant 224 : index
      %get3A_277 = tpu.vector_load %arg15[%get3A_276] {strides = array<i32>} : memref<256xf32, #tpu.memory_space<vmem>>, vector<16xf32>,
      %get3A_278 = vector.shape_cast %get3A_277 : vector<16xf32> to vector<16xf32>
      %max3A_279 = arith.maximumf %max3A_271, %get3A_278 : vector<16xf32>
      %get3A_280 = arith.constant 224 : index
      %get3A_281 = tpu.vector_load %arg16[%get3A_280] {strides = array<i32>} : memref<256xf32, #tpu.memory_space<vmem>>, vector<16xf32>,
      %get3A_282 = vector.shape_cast %get3A_281 : vector<16xf32> to vector<16xf32>
      %min3A_283 = arith.minimumf %min3A_275, %get3A_282 : vector<16xf32>
      %get3A_284 = arith.constant 240 : index
      %get3A_285 = tpu.vector_load %arg15[%get3A_284] {strides = array<i32>} : memref<256xf32, #tpu.memory_space<vmem>>, vector<16xf32>,
      %get3A_286 = vector.shape_cast %get3A_285 : vector<16xf32> to vector<16xf32>
      %max3A_287 = arith.maximumf %max3A_279, %get3A_286 : vector<16xf32>
      %get3A_288 = arith.constant 240 : index
      %get3A_289 = tpu.vector_load %arg16[%get3A_288] {strides = array<i32>} : memref<256xf32, #tpu.memory_space<vmem>>, vector<16xf32>,
      %get3A_290 = vector.shape_cast %get3A_289 : vector<16xf32> to vector<16xf32>
      %min3A_291 = arith.minimumf %min3A_283, %get3A_290 : vector<16xf32>
      %iota3A_292 = tpu.iota {dimensions = array<i32: 0>} : vector<16xi32>
      %scan3A_293 = arith.constant 0 : i32
      %sub3A = arith.subf %max3A_287, %min3A_291 : vector<16xf32>
      %mul3A_294 = arith.constant 0.0588235296 : f32
      %mul3A_295 = vector.broadcast %mul3A_294 : f32 to vector<16xf32>
      %mul3A_296 = arith.mulf %sub3A, %mul3A_295 : vector<16xf32>
      %add3A_297 = arith.constant 0.000000e+00 : f32
      %add3A_298 = arith.constant 1.000000e+00 : f32
      %add3A_299 = arith.addf %add3A_297, %add3A_298 : f32
      %mul3A_300 = vector.broadcast %add3A_299 : f32 to vector<16xf32>
      %mul3A_301 = arith.mulf %mul3A_300, %mul3A_296 : vector<16xf32>
      %add3A_302 = arith.addf %min3A_291, %mul3A_301 : vector<16xf32>
      %add3A_303 = arith.constant 1.000000e+00 : f32
      %add3A_304 = arith.constant 1.000000e+00 : f32
      %add3A_305 = arith.addf %add3A_303, %add3A_304 : f32
      %mul3A_306 = vector.broadcast %add3A_305 : f32 to vector<16xf32>
      %mul3A_307 = arith.mulf %mul3A_306, %mul3A_296 : vector<16xf32>
      %add3A_308 = arith.addf %min3A_291, %mul3A_307 : vector<16xf32>
      %add3A_309 = arith.constant 2.000000e+00 : f32
      %add3A_310 = arith.constant 1.000000e+00 : f32
      %add3A_311 = arith.addf %add3A_309, %add3A_310 : f32
      %mul3A_312 = vector.broadcast %add3A_311 : f32 to vector<16xf32>
      %mul3A_313 = arith.mulf %mul3A_312, %mul3A_296 : vector<16xf32>
      %add3A_314 = arith.addf %min3A_291, %mul3A_313 : vector<16xf32>
      %add3A_315 = arith.constant 3.000000e+00 : f32
      %add3A_316 = arith.constant 1.000000e+00 : f32
      %add3A_317 = arith.addf %add3A_315, %add3A_316 : f32
      %mul3A_318 = vector.broadcast %add3A_317 : f32 to vector<16xf32>
      %mul3A_319 = arith.mulf %mul3A_318, %mul3A_296 : vector<16xf32>
      %add3A_320 = arith.addf %min3A_291, %mul3A_319 : vector<16xf32>
      %add3A_321 = arith.constant 4.000000e+00 : f32
      %add3A_322 = arith.constant 1.000000e+00 : f32
      %add3A_323 = arith.addf %add3A_321, %add3A_322 : f32
      %mul3A_324 = vector.broadcast %add3A_323 : f32 to vector<16xf32>
      %mul3A_325 = arith.mulf %mul3A_324, %mul3A_296 : vector<16xf32>
      %add3A_326 = arith.addf %min3A_291, %mul3A_325 : vector<16xf32>
      %add3A_327 = arith.constant 5.000000e+00 : f32
      %add3A_328 = arith.constant 1.000000e+00 : f32
      %add3A_329 = arith.addf %add3A_327, %add3A_328 : f32
      %mul3A_330 = vector.broadcast %add3A_329 : f32 to vector<16xf32>
      %mul3A_331 = arith.mulf %mul3A_330, %mul3A_296 : vector<16xf32>
      %add3A_332 = arith.addf %min3A_291, %mul3A_331 : vector<16xf32>
      %add3A_333 = arith.constant 6.000000e+00 : f32
      %add3A_334 = arith.constant 1.000000e+00 : f32
      %add3A_335 = arith.addf %add3A_333, %add3A_334 : f32
      %mul3A_336 = vector.broadcast %add3A_335 : f32 to vector<16xf32>
      %mul3A_337 = arith.mulf %mul3A_336, %mul3A_296 : vector<16xf32>
      %add3A_338 = arith.addf %min3A_291, %mul3A_337 : vector<16xf32>
      %add3A_339 = arith.constant 7.000000e+00 : f32
      %add3A_340 = arith.constant 1.000000e+00 : f32
      %add3A_341 = arith.addf %add3A_339, %add3A_340 : f32
      %mul3A_342 = vector.broadcast %add3A_341 : f32 to vector<16xf32>
      %mul3A_343 = arith.mulf %mul3A_342, %mul3A_296 : vector<16xf32>
      %add3A_344 = arith.addf %min3A_291, %mul3A_343 : vector<16xf32>
      %add3A_345 = arith.constant 8.000000e+00 : f32
      %add3A_346 = arith.constant 1.000000e+00 : f32
      %add3A_347 = arith.addf %add3A_345, %add3A_346 : f32
      %mul3A_348 = vector.broadcast %add3A_347 : f32 to vector<16xf32>
      %mul3A_349 = arith.mulf %mul3A_348, %mul3A_296 : vector<16xf32>
      %add3A_350 = arith.addf %min3A_291, %mul3A_349 : vector<16xf32>
      %add3A_351 = arith.constant 9.000000e+00 : f32
      %add3A_352 = arith.constant 1.000000e+00 : f32
      %add3A_353 = arith.addf %add3A_351, %add3A_352 : f32
      %mul3A_354 = vector.broadcast %add3A_353 : f32 to vector<16xf32>
      %mul3A_355 = arith.mulf %mul3A_354, %mul3A_296 : vector<16xf32>
      %add3A_356 = arith.addf %min3A_291, %mul3A_355 : vector<16xf32>
      %add3A_357 = arith.constant 1.000000e+01 : f32
      %add3A_358 = arith.constant 1.000000e+00 : f32
      %add3A_359 = arith.addf %add3A_357, %add3A_358 : f32
      %mul3A_360 = vector.broadcast %add3A_359 : f32 to vector<16xf32>
      %mul3A_361 = arith.mulf %mul3A_360, %mul3A_296 : vector<16xf32>
      %add3A_362 = arith.addf %min3A_291, %mul3A_361 : vector<16xf32>
      %add3A_363 = arith.constant 1.100000e+01 : f32
      %add3A_364 = arith.constant 1.000000e+00 : f32
      %add3A_365 = arith.addf %add3A_363, %add3A_364 : f32
      %mul3A_366 = vector.broadcast %add3A_365 : f32 to vector<16xf32>
      %mul3A_367 = arith.mulf %mul3A_366, %mul3A_296 : vector<16xf32>
      %add3A_368 = arith.addf %min3A_291, %mul3A_367 : vector<16xf32>
      %add3A_369 = arith.constant 1.200000e+01 : f32
      %add3A_370 = arith.constant 1.000000e+00 : f32
      %add3A_371 = arith.addf %add3A_369, %add3A_370 : f32
      %mul3A_372 = vector.broadcast %add3A_371 : f32 to vector<16xf32>
      %mul3A_373 = arith.mulf %mul3A_372, %mul3A_296 : vector<16xf32>
      %add3A_374 = arith.addf %min3A_291, %mul3A_373 : vector<16xf32>
      %add3A_375 = arith.constant 1.300000e+01 : f32
      %add3A_376 = arith.constant 1.000000e+00 : f32
      %add3A_377 = arith.addf %add3A_375, %add3A_376 : f32
      %mul3A_378 = vector.broadcast %add3A_377 : f32 to vector<16xf32>
      %mul3A_379 = arith.mulf %mul3A_378, %mul3A_296 : vector<16xf32>
      %add3A_380 = arith.addf %min3A_291, %mul3A_379 : vector<16xf32>
      %add3A_381 = arith.constant 1.400000e+01 : f32
      %add3A_382 = arith.constant 1.000000e+00 : f32
      %add3A_383 = arith.addf %add3A_381, %add3A_382 : f32
      %mul3A_384 = vector.broadcast %add3A_383 : f32 to vector<16xf32>
      %mul3A_385 = arith.mulf %mul3A_384, %mul3A_296 : vector<16xf32>
      %add3A_386 = arith.addf %min3A_291, %mul3A_385 : vector<16xf32>
      %add3A_387 = arith.constant 1.500000e+01 : f32
      %add3A_388 = arith.constant 1.000000e+00 : f32
      %add3A_389 = arith.addf %add3A_387, %add3A_388 : f32
      %mul3A_390 = vector.broadcast %add3A_389 : f32 to vector<16xf32>
      %mul3A_391 = arith.mulf %mul3A_390, %mul3A_296 : vector<16xf32>
      %add3A_392 = arith.addf %min3A_291, %mul3A_391 : vector<16xf32>
      %broadcast_in_dim3A_393 = arith.constant 0.000000e+00 : f32
      %broadcast_in_dim3A_394 = vector.broadcast %broadcast_in_dim3A_393 : f32 to vector<16xf32>
      %broadcast_in_dim3A_395 = arith.constant 0.000000e+00 : f32
      %broadcast_in_dim3A_396 = vector.broadcast %broadcast_in_dim3A_395 : f32 to vector<16xf32>
      %broadcast_in_dim3A_397 = arith.constant 0.000000e+00 : f32
      %broadcast_in_dim3A_398 = vector.broadcast %broadcast_in_dim3A_397 : f32 to vector<16xf32>
      %broadcast_in_dim3A_399 = arith.constant 0.000000e+00 : f32
      %broadcast_in_dim3A_400 = vector.broadcast %broadcast_in_dim3A_399 : f32 to vector<16xf32>
      %broadcast_in_dim3A_401 = arith.constant 0.000000e+00 : f32
      %broadcast_in_dim3A_402 = vector.broadcast %broadcast_in_dim3A_401 : f32 to vector<16xf32>
      %broadcast_in_dim3A_403 = arith.constant 0.000000e+00 : f32
      %broadcast_in_dim3A_404 = vector.broadcast %broadcast_in_dim3A_403 : f32 to vector<16xf32>
      %broadcast_in_dim3A_405 = arith.constant 0.000000e+00 : f32
      %broadcast_in_dim3A_406 = vector.broadcast %broadcast_in_dim3A_405 : f32 to vector<16xf32>
      %broadcast_in_dim3A_407 = arith.constant 0.000000e+00 : f32
      %broadcast_in_dim3A_408 = vector.broadcast %broadcast_in_dim3A_407 : f32 to vector<16xf32>
      %broadcast_in_dim3A_409 = arith.constant 0.000000e+00 : f32
      %broadcast_in_dim3A_410 = vector.broadcast %broadcast_in_dim3A_409 : f32 to vector<16xf32>
      %broadcast_in_dim3A_411 = arith.constant 0.000000e+00 : f32
      %broadcast_in_dim3A_412 = vector.broadcast %broadcast_in_dim3A_411 : f32 to vector<16xf32>
      %broadcast_in_dim3A_413 = arith.constant 0.000000e+00 : f32
      %broadcast_in_dim3A_414 = vector.broadcast %broadcast_in_dim3A_413 : f32 to vector<16xf32>
      %broadcast_in_dim3A_415 = arith.constant 0.000000e+00 : f32
      %broadcast_in_dim3A_416 = vector.broadcast %broadcast_in_dim3A_415 : f32 to vector<16xf32>
      %broadcast_in_dim3A_417 = arith.constant 0.000000e+00 : f32
      %broadcast_in_dim3A_418 = vector.broadcast %broadcast_in_dim3A_417 : f32 to vector<16xf32>
      %broadcast_in_dim3A_419 = arith.constant 0.000000e+00 : f32
      %broadcast_in_dim3A_420 = vector.broadcast %broadcast_in_dim3A_419 : f32 to vector<16xf32>
      %broadcast_in_dim3A_421 = arith.constant 0.000000e+00 : f32
      %broadcast_in_dim3A_422 = vector.broadcast %broadcast_in_dim3A_421 : f32 to vector<16xf32>
      %broadcast_in_dim3A_423 = arith.constant 0.000000e+00 : f32
      %broadcast_in_dim3A_424 = vector.broadcast %broadcast_in_dim3A_423 : f32 to vector<16xf32>
      %scan3A_425 = arith.constant 0 : i32
      %scan3A_426 = arith.constant 128 : i32
      %scan3A_427 = arith.addi %scan3A_425, %scan3A_426 : i32
      %scan3A_428 = arith.constant 1 : i32
      %scan3A_429:16 = scf.for %scan3A_2162 = %scan3A_425 to %scan3A_427 step %scan3A_428 iter_args(%scan3A_2163 = %broadcast_in_dim3A_394, %scan3A_2164 = %broadcast_in_dim3A_396, %scan3A_2165 = %broadcast_in_dim3A_398, %scan3A_2166 = %broadcast_in_dim3A_400, %scan3A_2167 = %broadcast_in_dim3A_402, %scan3A_2168 = %broadcast_in_dim3A_404, %scan3A_2169 = %broadcast_in_dim3A_406, %scan3A_2170 = %broadcast_in_dim3A_408, %scan3A_2171 = %broadcast_in_dim3A_410, %scan3A_2172 = %broadcast_in_dim3A_412, %scan3A_2173 = %broadcast_in_dim3A_414, %scan3A_2174 = %broadcast_in_dim3A_416, %scan3A_2175 = %broadcast_in_dim3A_418, %scan3A_2176 = %broadcast_in_dim3A_420, %scan3A_2177 = %broadcast_in_dim3A_422, %scan3A_2178 = %broadcast_in_dim3A_424) -> (vector<16xf32>, vector<16xf32>, vector<16xf32>, vector<16xf32>, vector<16xf32>, vector<16xf32>, vector<16xf32>, vector<16xf32>, vector<16xf32>, vector<16xf32>, vector<16xf32>, vector<16xf32>, vector<16xf32>, vector<16xf32>, vector<16xf32>, vector<16xf32>)  : i32 {
        %mul3A_2179 = arith.constant 16 : i32
        %mul3A_2180 = arith.muli %scan3A_2162, %mul3A_2179 : i32
        %get3A_2181 = arith.index_cast %mul3A_2180 : i32 to index
        %get3A_2182 = tpu.vector_load %arg8[%get3A_2181] {strides = array<i32>} : memref<2048xf32, #tpu.memory_space<vmem>>, vector<16xf32>,
        %get3A_2183 = vector.shape_cast %get3A_2182 : vector<16xf32> to vector<16xf32>
        %get3A_2184 = arith.index_cast %mul3A_2180 : i32 to index
        %get3A_2185 = tpu.vector_load %arg9[%get3A_2184] {strides = array<i32>} : memref<2048xf32, #tpu.memory_space<vmem>>, vector<16xf32>,
        %get3A_2186 = vector.shape_cast %get3A_2185 : vector<16xf32> to vector<16xf32>
        %sub3A_2187 = arith.subf %get3A_2183, %add3A_302 : vector<16xf32>
        %max3A_2188 = arith.constant 0.000000e+00 : f32
        %max3A_2189 = vector.broadcast %max3A_2188 : f32 to vector<16xf32>
        %max3A_2190 = arith.maximumf %sub3A_2187, %max3A_2189 : vector<16xf32>
        %min3A_2191 = arith.minimumf %max3A_2190, %get3A_2186 : vector<16xf32>
        %add3A_2192 = arith.addf %scan3A_2163, %min3A_2191 : vector<16xf32>
        %sub3A_2193 = arith.subf %get3A_2183, %add3A_308 : vector<16xf32>
        %max3A_2194 = arith.constant 0.000000e+00 : f32
        %max3A_2195 = vector.broadcast %max3A_2194 : f32 to vector<16xf32>
        %max3A_2196 = arith.maximumf %sub3A_2193, %max3A_2195 : vector<16xf32>
        %min3A_2197 = arith.minimumf %max3A_2196, %get3A_2186 : vector<16xf32>
        %add3A_2198 = arith.addf %scan3A_2164, %min3A_2197 : vector<16xf32>
        %sub3A_2199 = arith.subf %get3A_2183, %add3A_314 : vector<16xf32>
        %max3A_2200 = arith.constant 0.000000e+00 : f32
        %max3A_2201 = vector.broadcast %max3A_2200 : f32 to vector<16xf32>
        %max3A_2202 = arith.maximumf %sub3A_2199, %max3A_2201 : vector<16xf32>
        %min3A_2203 = arith.minimumf %max3A_2202, %get3A_2186 : vector<16xf32>
        %add3A_2204 = arith.addf %scan3A_2165, %min3A_2203 : vector<16xf32>
        %sub3A_2205 = arith.subf %get3A_2183, %add3A_320 : vector<16xf32>
        %max3A_2206 = arith.constant 0.000000e+00 : f32
        %max3A_2207 = vector.broadcast %max3A_2206 : f32 to vector<16xf32>
        %max3A_2208 = arith.maximumf %sub3A_2205, %max3A_2207 : vector<16xf32>
        %min3A_2209 = arith.minimumf %max3A_2208, %get3A_2186 : vector<16xf32>
        %add3A_2210 = arith.addf %scan3A_2166, %min3A_2209 : vector<16xf32>
        %sub3A_2211 = arith.subf %get3A_2183, %add3A_326 : vector<16xf32>
        %max3A_2212 = arith.constant 0.000000e+00 : f32
        %max3A_2213 = vector.broadcast %max3A_2212 : f32 to vector<16xf32>
        %max3A_2214 = arith.maximumf %sub3A_2211, %max3A_2213 : vector<16xf32>
        %min3A_2215 = arith.minimumf %max3A_2214, %get3A_2186 : vector<16xf32>
        %add3A_2216 = arith.addf %scan3A_2167, %min3A_2215 : vector<16xf32>
        %sub3A_2217 = arith.subf %get3A_2183, %add3A_332 : vector<16xf32>
        %max3A_2218 = arith.constant 0.000000e+00 : f32
        %max3A_2219 = vector.broadcast %max3A_2218 : f32 to vector<16xf32>
        %max3A_2220 = arith.maximumf %sub3A_2217, %max3A_2219 : vector<16xf32>
        %min3A_2221 = arith.minimumf %max3A_2220, %get3A_2186 : vector<16xf32>
        %add3A_2222 = arith.addf %scan3A_2168, %min3A_2221 : vector<16xf32>
        %sub3A_2223 = arith.subf %get3A_2183, %add3A_338 : vector<16xf32>
        %max3A_2224 = arith.constant 0.000000e+00 : f32
        %max3A_2225 = vector.broadcast %max3A_2224 : f32 to vector<16xf32>
        %max3A_2226 = arith.maximumf %sub3A_2223, %max3A_2225 : vector<16xf32>
        %min3A_2227 = arith.minimumf %max3A_2226, %get3A_2186 : vector<16xf32>
        %add3A_2228 = arith.addf %scan3A_2169, %min3A_2227 : vector<16xf32>
        %sub3A_2229 = arith.subf %get3A_2183, %add3A_344 : vector<16xf32>
        %max3A_2230 = arith.constant 0.000000e+00 : f32
        %max3A_2231 = vector.broadcast %max3A_2230 : f32 to vector<16xf32>
        %max3A_2232 = arith.maximumf %sub3A_2229, %max3A_2231 : vector<16xf32>
        %min3A_2233 = arith.minimumf %max3A_2232, %get3A_2186 : vector<16xf32>
        %add3A_2234 = arith.addf %scan3A_2170, %min3A_2233 : vector<16xf32>
        %sub3A_2235 = arith.subf %get3A_2183, %add3A_350 : vector<16xf32>
        %max3A_2236 = arith.constant 0.000000e+00 : f32
        %max3A_2237 = vector.broadcast %max3A_2236 : f32 to vector<16xf32>
        %max3A_2238 = arith.maximumf %sub3A_2235, %max3A_2237 : vector<16xf32>
        %min3A_2239 = arith.minimumf %max3A_2238, %get3A_2186 : vector<16xf32>
        %add3A_2240 = arith.addf %scan3A_2171, %min3A_2239 : vector<16xf32>
        %sub3A_2241 = arith.subf %get3A_2183, %add3A_356 : vector<16xf32>
        %max3A_2242 = arith.constant 0.000000e+00 : f32
        %max3A_2243 = vector.broadcast %max3A_2242 : f32 to vector<16xf32>
        %max3A_2244 = arith.maximumf %sub3A_2241, %max3A_2243 : vector<16xf32>
        %min3A_2245 = arith.minimumf %max3A_2244, %get3A_2186 : vector<16xf32>
        %add3A_2246 = arith.addf %scan3A_2172, %min3A_2245 : vector<16xf32>
        %sub3A_2247 = arith.subf %get3A_2183, %add3A_362 : vector<16xf32>
        %max3A_2248 = arith.constant 0.000000e+00 : f32
        %max3A_2249 = vector.broadcast %max3A_2248 : f32 to vector<16xf32>
        %max3A_2250 = arith.maximumf %sub3A_2247, %max3A_2249 : vector<16xf32>
        %min3A_2251 = arith.minimumf %max3A_2250, %get3A_2186 : vector<16xf32>
        %add3A_2252 = arith.addf %scan3A_2173, %min3A_2251 : vector<16xf32>
        %sub3A_2253 = arith.subf %get3A_2183, %add3A_368 : vector<16xf32>
        %max3A_2254 = arith.constant 0.000000e+00 : f32
        %max3A_2255 = vector.broadcast %max3A_2254 : f32 to vector<16xf32>
        %max3A_2256 = arith.maximumf %sub3A_2253, %max3A_2255 : vector<16xf32>
        %min3A_2257 = arith.minimumf %max3A_2256, %get3A_2186 : vector<16xf32>
        %add3A_2258 = arith.addf %scan3A_2174, %min3A_2257 : vector<16xf32>
        %sub3A_2259 = arith.subf %get3A_2183, %add3A_374 : vector<16xf32>
        %max3A_2260 = arith.constant 0.000000e+00 : f32
        %max3A_2261 = vector.broadcast %max3A_2260 : f32 to vector<16xf32>
        %max3A_2262 = arith.maximumf %sub3A_2259, %max3A_2261 : vector<16xf32>
        %min3A_2263 = arith.minimumf %max3A_2262, %get3A_2186 : vector<16xf32>
        %add3A_2264 = arith.addf %scan3A_2175, %min3A_2263 : vector<16xf32>
        %sub3A_2265 = arith.subf %get3A_2183, %add3A_380 : vector<16xf32>
        %max3A_2266 = arith.constant 0.000000e+00 : f32
        %max3A_2267 = vector.broadcast %max3A_2266 : f32 to vector<16xf32>
        %max3A_2268 = arith.maximumf %sub3A_2265, %max3A_2267 : vector<16xf32>
        %min3A_2269 = arith.minimumf %max3A_2268, %get3A_2186 : vector<16xf32>
        %add3A_2270 = arith.addf %scan3A_2176, %min3A_2269 : vector<16xf32>
        %sub3A_2271 = arith.subf %get3A_2183, %add3A_386 : vector<16xf32>
        %max3A_2272 = arith.constant 0.000000e+00 : f32
        %max3A_2273 = vector.broadcast %max3A_2272 : f32 to vector<16xf32>
        %max3A_2274 = arith.maximumf %sub3A_2271, %max3A_2273 : vector<16xf32>
        %min3A_2275 = arith.minimumf %max3A_2274, %get3A_2186 : vector<16xf32>
        %add3A_2276 = arith.addf %scan3A_2177, %min3A_2275 : vector<16xf32>
        %sub3A_2277 = arith.subf %get3A_2183, %add3A_392 : vector<16xf32>
        %max3A_2278 = arith.constant 0.000000e+00 : f32
        %max3A_2279 = vector.broadcast %max3A_2278 : f32 to vector<16xf32>
        %max3A_2280 = arith.maximumf %sub3A_2277, %max3A_2279 : vector<16xf32>
        %min3A_2281 = arith.minimumf %max3A_2280, %get3A_2186 : vector<16xf32>
        %add3A_2282 = arith.addf %scan3A_2178, %min3A_2281 : vector<16xf32>
        scf.yield %add3A_2192, %add3A_2198, %add3A_2204, %add3A_2210, %add3A_2216, %add3A_2222, %add3A_2228, %add3A_2234, %add3A_2240, %add3A_2246, %add3A_2252, %add3A_2258, %add3A_2264, %add3A_2270, %add3A_2276, %add3A_2282 : vector<16xf32>, vector<16xf32>, vector<16xf32>, vector<16xf32>, vector<16xf32>, vector<16xf32>, vector<16xf32>, vector<16xf32>, vector<16xf32>, vector<16xf32>, vector<16xf32>, vector<16xf32>, vector<16xf32>, vector<16xf32>, vector<16xf32>, vector<16xf32>
      }
      %scan3A_430 = arith.constant 128 : i32
      %broadcast_in_dim3A_431 = arith.constant 0.000000e+00 : f32
      %broadcast_in_dim3A_432 = vector.broadcast %broadcast_in_dim3A_431 : f32 to vector<16xf32>
      %eq3A_433 = arith.constant 0 : i32
      %eq3A_434 = vector.broadcast %eq3A_433 : i32 to vector<16xi32>
      %eq3A_435 = arith.cmpi eq, %iota3A_292, %eq3A_434 : vector<16xi32>
      %iota3A_436 = tpu.iota {dimensions = array<i32: 0>} : vector<16xi32>
      %xor3A_437 = arith.constant 1 : i32
      %xor3A_438 = vector.broadcast %xor3A_437 : i32 to vector<16xi32>
      %xor3A_439 = arith.xori %iota3A_436, %xor3A_438 : vector<16xi32>
      %lt3A_440 = arith.constant 0 : i32
      %lt3A_441 = vector.broadcast %lt3A_440 : i32 to vector<16xi32>
      %lt3A_442 = arith.cmpi slt, %xor3A_439, %lt3A_441 : vector<16xi32>
      %add3A_443 = arith.constant 16 : i32
      %add3A_444 = vector.broadcast %add3A_443 : i32 to vector<16xi32>
      %add3A_445 = arith.addi %xor3A_439, %add3A_444 : vector<16xi32>
      %select_n3A_446 = arith.select %lt3A_442, %add3A_445, %xor3A_439 : vector<16xi1>, vector<16xi32>
      %broadcast_in_dim3A_447 = vector.shape_cast %select_n3A_446 : vector<16xi32> to vector<16x1xi32>
      %gather3A_448 = vector.shape_cast %broadcast_in_dim3A_447 : vector<16x1xi32> to vector<16xi32>
      %gather3A_449 = tpu.dynamic_gather %scan3A_429#0[%gather3A_448] in [0] : vector<16xf32>, vector<16xi32> -> vector<16xf32>
      %add3A_450 = arith.addf %scan3A_429#0, %gather3A_449 : vector<16xf32>
      %iota3A_451 = tpu.iota {dimensions = array<i32: 0>} : vector<16xi32>
      %xor3A_452 = arith.constant 2 : i32
      %xor3A_453 = vector.broadcast %xor3A_452 : i32 to vector<16xi32>
      %xor3A_454 = arith.xori %iota3A_451, %xor3A_453 : vector<16xi32>
      %lt3A_455 = arith.constant 0 : i32
      %lt3A_456 = vector.broadcast %lt3A_455 : i32 to vector<16xi32>
      %lt3A_457 = arith.cmpi slt, %xor3A_454, %lt3A_456 : vector<16xi32>
      %add3A_458 = arith.constant 16 : i32
      %add3A_459 = vector.broadcast %add3A_458 : i32 to vector<16xi32>
      %add3A_460 = arith.addi %xor3A_454, %add3A_459 : vector<16xi32>
      %select_n3A_461 = arith.select %lt3A_457, %add3A_460, %xor3A_454 : vector<16xi1>, vector<16xi32>
      %broadcast_in_dim3A_462 = vector.shape_cast %select_n3A_461 : vector<16xi32> to vector<16x1xi32>
      %gather3A_463 = vector.shape_cast %broadcast_in_dim3A_462 : vector<16x1xi32> to vector<16xi32>
      %gather3A_464 = tpu.dynamic_gather %add3A_450[%gather3A_463] in [0] : vector<16xf32>, vector<16xi32> -> vector<16xf32>
      %add3A_465 = arith.addf %add3A_450, %gather3A_464 : vector<16xf32>
      %iota3A_466 = tpu.iota {dimensions = array<i32: 0>} : vector<16xi32>
      %xor3A_467 = arith.constant 4 : i32
      %xor3A_468 = vector.broadcast %xor3A_467 : i32 to vector<16xi32>
      %xor3A_469 = arith.xori %iota3A_466, %xor3A_468 : vector<16xi32>
      %lt3A_470 = arith.constant 0 : i32
      %lt3A_471 = vector.broadcast %lt3A_470 : i32 to vector<16xi32>
      %lt3A_472 = arith.cmpi slt, %xor3A_469, %lt3A_471 : vector<16xi32>
      %add3A_473 = arith.constant 16 : i32
      %add3A_474 = vector.broadcast %add3A_473 : i32 to vector<16xi32>
      %add3A_475 = arith.addi %xor3A_469, %add3A_474 : vector<16xi32>
      %select_n3A_476 = arith.select %lt3A_472, %add3A_475, %xor3A_469 : vector<16xi1>, vector<16xi32>
      %broadcast_in_dim3A_477 = vector.shape_cast %select_n3A_476 : vector<16xi32> to vector<16x1xi32>
      %gather3A_478 = vector.shape_cast %broadcast_in_dim3A_477 : vector<16x1xi32> to vector<16xi32>
      %gather3A_479 = tpu.dynamic_gather %add3A_465[%gather3A_478] in [0] : vector<16xf32>, vector<16xi32> -> vector<16xf32>
      %add3A_480 = arith.addf %add3A_465, %gather3A_479 : vector<16xf32>
      %iota3A_481 = tpu.iota {dimensions = array<i32: 0>} : vector<16xi32>
      %xor3A_482 = arith.constant 8 : i32
      %xor3A_483 = vector.broadcast %xor3A_482 : i32 to vector<16xi32>
      %xor3A_484 = arith.xori %iota3A_481, %xor3A_483 : vector<16xi32>
      %lt3A_485 = arith.constant 0 : i32
      %lt3A_486 = vector.broadcast %lt3A_485 : i32 to vector<16xi32>
      %lt3A_487 = arith.cmpi slt, %xor3A_484, %lt3A_486 : vector<16xi32>
      %add3A_488 = arith.constant 16 : i32
      %add3A_489 = vector.broadcast %add3A_488 : i32 to vector<16xi32>
      %add3A_490 = arith.addi %xor3A_484, %add3A_489 : vector<16xi32>
      %select_n3A_491 = arith.select %lt3A_487, %add3A_490, %xor3A_484 : vector<16xi1>, vector<16xi32>
      %broadcast_in_dim3A_492 = vector.shape_cast %select_n3A_491 : vector<16xi32> to vector<16x1xi32>
      %gather3A_493 = vector.shape_cast %broadcast_in_dim3A_492 : vector<16x1xi32> to vector<16xi32>
      %gather3A_494 = tpu.dynamic_gather %add3A_480[%gather3A_493] in [0] : vector<16xf32>, vector<16xi32> -> vector<16xf32>
      %add3A_495 = arith.addf %add3A_480, %gather3A_494 : vector<16xf32>
      %jit3A = arith.constant 0.000000e+00 : f32
      %broadcast_in_dim3A_496 = vector.broadcast %jit3A : f32 to vector<16xf32>
      %select_n3A_497 = arith.select %eq3A_435, %add3A_495, %broadcast_in_dim3A_496 : vector<16xi1>, vector<16xf32>
      %add3A_498 = arith.addf %broadcast_in_dim3A_432, %select_n3A_497 : vector<16xf32>
      %eq3A_499 = arith.constant 1 : i32
      %eq3A_500 = vector.broadcast %eq3A_499 : i32 to vector<16xi32>
      %eq3A_501 = arith.cmpi eq, %iota3A_292, %eq3A_500 : vector<16xi32>
      %iota3A_502 = tpu.iota {dimensions = array<i32: 0>} : vector<16xi32>
      %xor3A_503 = arith.constant 1 : i32
      %xor3A_504 = vector.broadcast %xor3A_503 : i32 to vector<16xi32>
      %xor3A_505 = arith.xori %iota3A_502, %xor3A_504 : vector<16xi32>
      %lt3A_506 = arith.constant 0 : i32
      %lt3A_507 = vector.broadcast %lt3A_506 : i32 to vector<16xi32>
      %lt3A_508 = arith.cmpi slt, %xor3A_505, %lt3A_507 : vector<16xi32>
      %add3A_509 = arith.constant 16 : i32
      %add3A_510 = vector.broadcast %add3A_509 : i32 to vector<16xi32>
      %add3A_511 = arith.addi %xor3A_505, %add3A_510 : vector<16xi32>
      %select_n3A_512 = arith.select %lt3A_508, %add3A_511, %xor3A_505 : vector<16xi1>, vector<16xi32>
      %broadcast_in_dim3A_513 = vector.shape_cast %select_n3A_512 : vector<16xi32> to vector<16x1xi32>
      %gather3A_514 = vector.shape_cast %broadcast_in_dim3A_513 : vector<16x1xi32> to vector<16xi32>
      %gather3A_515 = tpu.dynamic_gather %scan3A_429#1[%gather3A_514] in [0] : vector<16xf32>, vector<16xi32> -> vector<16xf32>
      %add3A_516 = arith.addf %scan3A_429#1, %gather3A_515 : vector<16xf32>
      %iota3A_517 = tpu.iota {dimensions = array<i32: 0>} : vector<16xi32>
      %xor3A_518 = arith.constant 2 : i32
      %xor3A_519 = vector.broadcast %xor3A_518 : i32 to vector<16xi32>
      %xor3A_520 = arith.xori %iota3A_517, %xor3A_519 : vector<16xi32>
      %lt3A_521 = arith.constant 0 : i32
      %lt3A_522 = vector.broadcast %lt3A_521 : i32 to vector<16xi32>
      %lt3A_523 = arith.cmpi slt, %xor3A_520, %lt3A_522 : vector<16xi32>
      %add3A_524 = arith.constant 16 : i32
      %add3A_525 = vector.broadcast %add3A_524 : i32 to vector<16xi32>
      %add3A_526 = arith.addi %xor3A_520, %add3A_525 : vector<16xi32>
      %select_n3A_527 = arith.select %lt3A_523, %add3A_526, %xor3A_520 : vector<16xi1>, vector<16xi32>
      %broadcast_in_dim3A_528 = vector.shape_cast %select_n3A_527 : vector<16xi32> to vector<16x1xi32>
      %gather3A_529 = vector.shape_cast %broadcast_in_dim3A_528 : vector<16x1xi32> to vector<16xi32>
      %gather3A_530 = tpu.dynamic_gather %add3A_516[%gather3A_529] in [0] : vector<16xf32>, vector<16xi32> -> vector<16xf32>
      %add3A_531 = arith.addf %add3A_516, %gather3A_530 : vector<16xf32>
      %iota3A_532 = tpu.iota {dimensions = array<i32: 0>} : vector<16xi32>
      %xor3A_533 = arith.constant 4 : i32
      %xor3A_534 = vector.broadcast %xor3A_533 : i32 to vector<16xi32>
      %xor3A_535 = arith.xori %iota3A_532, %xor3A_534 : vector<16xi32>
      %lt3A_536 = arith.constant 0 : i32
      %lt3A_537 = vector.broadcast %lt3A_536 : i32 to vector<16xi32>
      %lt3A_538 = arith.cmpi slt, %xor3A_535, %lt3A_537 : vector<16xi32>
      %add3A_539 = arith.constant 16 : i32
      %add3A_540 = vector.broadcast %add3A_539 : i32 to vector<16xi32>
      %add3A_541 = arith.addi %xor3A_535, %add3A_540 : vector<16xi32>
      %select_n3A_542 = arith.select %lt3A_538, %add3A_541, %xor3A_535 : vector<16xi1>, vector<16xi32>
      %broadcast_in_dim3A_543 = vector.shape_cast %select_n3A_542 : vector<16xi32> to vector<16x1xi32>
      %gather3A_544 = vector.shape_cast %broadcast_in_dim3A_543 : vector<16x1xi32> to vector<16xi32>
      %gather3A_545 = tpu.dynamic_gather %add3A_531[%gather3A_544] in [0] : vector<16xf32>, vector<16xi32> -> vector<16xf32>
      %add3A_546 = arith.addf %add3A_531, %gather3A_545 : vector<16xf32>
      %iota3A_547 = tpu.iota {dimensions = array<i32: 0>} : vector<16xi32>
      %xor3A_548 = arith.constant 8 : i32
      %xor3A_549 = vector.broadcast %xor3A_548 : i32 to vector<16xi32>
      %xor3A_550 = arith.xori %iota3A_547, %xor3A_549 : vector<16xi32>
      %lt3A_551 = arith.constant 0 : i32
      %lt3A_552 = vector.broadcast %lt3A_551 : i32 to vector<16xi32>
      %lt3A_553 = arith.cmpi slt, %xor3A_550, %lt3A_552 : vector<16xi32>
      %add3A_554 = arith.constant 16 : i32
      %add3A_555 = vector.broadcast %add3A_554 : i32 to vector<16xi32>
      %add3A_556 = arith.addi %xor3A_550, %add3A_555 : vector<16xi32>
      %select_n3A_557 = arith.select %lt3A_553, %add3A_556, %xor3A_550 : vector<16xi1>, vector<16xi32>
      %broadcast_in_dim3A_558 = vector.shape_cast %select_n3A_557 : vector<16xi32> to vector<16x1xi32>
      %gather3A_559 = vector.shape_cast %broadcast_in_dim3A_558 : vector<16x1xi32> to vector<16xi32>
      %gather3A_560 = tpu.dynamic_gather %add3A_546[%gather3A_559] in [0] : vector<16xf32>, vector<16xi32> -> vector<16xf32>
      %add3A_561 = arith.addf %add3A_546, %gather3A_560 : vector<16xf32>
      %jit3A_562 = arith.constant 0.000000e+00 : f32
      %broadcast_in_dim3A_563 = vector.broadcast %jit3A_562 : f32 to vector<16xf32>
      %select_n3A_564 = arith.select %eq3A_501, %add3A_561, %broadcast_in_dim3A_563 : vector<16xi1>, vector<16xf32>
      %add3A_565 = arith.addf %add3A_498, %select_n3A_564 : vector<16xf32>
      %eq3A_566 = arith.constant 2 : i32
      %eq3A_567 = vector.broadcast %eq3A_566 : i32 to vector<16xi32>
      %eq3A_568 = arith.cmpi eq, %iota3A_292, %eq3A_567 : vector<16xi32>
      %iota3A_569 = tpu.iota {dimensions = array<i32: 0>} : vector<16xi32>
      %xor3A_570 = arith.constant 1 : i32
      %xor3A_571 = vector.broadcast %xor3A_570 : i32 to vector<16xi32>
      %xor3A_572 = arith.xori %iota3A_569, %xor3A_571 : vector<16xi32>
      %lt3A_573 = arith.constant 0 : i32
      %lt3A_574 = vector.broadcast %lt3A_573 : i32 to vector<16xi32>
      %lt3A_575 = arith.cmpi slt, %xor3A_572, %lt3A_574 : vector<16xi32>
      %add3A_576 = arith.constant 16 : i32
      %add3A_577 = vector.broadcast %add3A_576 : i32 to vector<16xi32>
      %add3A_578 = arith.addi %xor3A_572, %add3A_577 : vector<16xi32>
      %select_n3A_579 = arith.select %lt3A_575, %add3A_578, %xor3A_572 : vector<16xi1>, vector<16xi32>
      %broadcast_in_dim3A_580 = vector.shape_cast %select_n3A_579 : vector<16xi32> to vector<16x1xi32>
      %gather3A_581 = vector.shape_cast %broadcast_in_dim3A_580 : vector<16x1xi32> to vector<16xi32>
      %gather3A_582 = tpu.dynamic_gather %scan3A_429#2[%gather3A_581] in [0] : vector<16xf32>, vector<16xi32> -> vector<16xf32>
      %add3A_583 = arith.addf %scan3A_429#2, %gather3A_582 : vector<16xf32>
      %iota3A_584 = tpu.iota {dimensions = array<i32: 0>} : vector<16xi32>
      %xor3A_585 = arith.constant 2 : i32
      %xor3A_586 = vector.broadcast %xor3A_585 : i32 to vector<16xi32>
      %xor3A_587 = arith.xori %iota3A_584, %xor3A_586 : vector<16xi32>
      %lt3A_588 = arith.constant 0 : i32
      %lt3A_589 = vector.broadcast %lt3A_588 : i32 to vector<16xi32>
      %lt3A_590 = arith.cmpi slt, %xor3A_587, %lt3A_589 : vector<16xi32>
      %add3A_591 = arith.constant 16 : i32
      %add3A_592 = vector.broadcast %add3A_591 : i32 to vector<16xi32>
      %add3A_593 = arith.addi %xor3A_587, %add3A_592 : vector<16xi32>
      %select_n3A_594 = arith.select %lt3A_590, %add3A_593, %xor3A_587 : vector<16xi1>, vector<16xi32>
      %broadcast_in_dim3A_595 = vector.shape_cast %select_n3A_594 : vector<16xi32> to vector<16x1xi32>
      %gather3A_596 = vector.shape_cast %broadcast_in_dim3A_595 : vector<16x1xi32> to vector<16xi32>
      %gather3A_597 = tpu.dynamic_gather %add3A_583[%gather3A_596] in [0] : vector<16xf32>, vector<16xi32> -> vector<16xf32>
      %add3A_598 = arith.addf %add3A_583, %gather3A_597 : vector<16xf32>
      %iota3A_599 = tpu.iota {dimensions = array<i32: 0>} : vector<16xi32>
      %xor3A_600 = arith.constant 4 : i32
      %xor3A_601 = vector.broadcast %xor3A_600 : i32 to vector<16xi32>
      %xor3A_602 = arith.xori %iota3A_599, %xor3A_601 : vector<16xi32>
      %lt3A_603 = arith.constant 0 : i32
      %lt3A_604 = vector.broadcast %lt3A_603 : i32 to vector<16xi32>
      %lt3A_605 = arith.cmpi slt, %xor3A_602, %lt3A_604 : vector<16xi32>
      %add3A_606 = arith.constant 16 : i32
      %add3A_607 = vector.broadcast %add3A_606 : i32 to vector<16xi32>
      %add3A_608 = arith.addi %xor3A_602, %add3A_607 : vector<16xi32>
      %select_n3A_609 = arith.select %lt3A_605, %add3A_608, %xor3A_602 : vector<16xi1>, vector<16xi32>
      %broadcast_in_dim3A_610 = vector.shape_cast %select_n3A_609 : vector<16xi32> to vector<16x1xi32>
      %gather3A_611 = vector.shape_cast %broadcast_in_dim3A_610 : vector<16x1xi32> to vector<16xi32>
      %gather3A_612 = tpu.dynamic_gather %add3A_598[%gather3A_611] in [0] : vector<16xf32>, vector<16xi32> -> vector<16xf32>
      %add3A_613 = arith.addf %add3A_598, %gather3A_612 : vector<16xf32>
      %iota3A_614 = tpu.iota {dimensions = array<i32: 0>} : vector<16xi32>
      %xor3A_615 = arith.constant 8 : i32
      %xor3A_616 = vector.broadcast %xor3A_615 : i32 to vector<16xi32>
      %xor3A_617 = arith.xori %iota3A_614, %xor3A_616 : vector<16xi32>
      %lt3A_618 = arith.constant 0 : i32
      %lt3A_619 = vector.broadcast %lt3A_618 : i32 to vector<16xi32>
      %lt3A_620 = arith.cmpi slt, %xor3A_617, %lt3A_619 : vector<16xi32>
      %add3A_621 = arith.constant 16 : i32
      %add3A_622 = vector.broadcast %add3A_621 : i32 to vector<16xi32>
      %add3A_623 = arith.addi %xor3A_617, %add3A_622 : vector<16xi32>
      %select_n3A_624 = arith.select %lt3A_620, %add3A_623, %xor3A_617 : vector<16xi1>, vector<16xi32>
      %broadcast_in_dim3A_625 = vector.shape_cast %select_n3A_624 : vector<16xi32> to vector<16x1xi32>
      %gather3A_626 = vector.shape_cast %broadcast_in_dim3A_625 : vector<16x1xi32> to vector<16xi32>
      %gather3A_627 = tpu.dynamic_gather %add3A_613[%gather3A_626] in [0] : vector<16xf32>, vector<16xi32> -> vector<16xf32>
      %add3A_628 = arith.addf %add3A_613, %gather3A_627 : vector<16xf32>
      %jit3A_629 = arith.constant 0.000000e+00 : f32
      %broadcast_in_dim3A_630 = vector.broadcast %jit3A_629 : f32 to vector<16xf32>
      %select_n3A_631 = arith.select %eq3A_568, %add3A_628, %broadcast_in_dim3A_630 : vector<16xi1>, vector<16xf32>
      %add3A_632 = arith.addf %add3A_565, %select_n3A_631 : vector<16xf32>
      %eq3A_633 = arith.constant 3 : i32
      %eq3A_634 = vector.broadcast %eq3A_633 : i32 to vector<16xi32>
      %eq3A_635 = arith.cmpi eq, %iota3A_292, %eq3A_634 : vector<16xi32>
      %iota3A_636 = tpu.iota {dimensions = array<i32: 0>} : vector<16xi32>
      %xor3A_637 = arith.constant 1 : i32
      %xor3A_638 = vector.broadcast %xor3A_637 : i32 to vector<16xi32>
      %xor3A_639 = arith.xori %iota3A_636, %xor3A_638 : vector<16xi32>
      %lt3A_640 = arith.constant 0 : i32
      %lt3A_641 = vector.broadcast %lt3A_640 : i32 to vector<16xi32>
      %lt3A_642 = arith.cmpi slt, %xor3A_639, %lt3A_641 : vector<16xi32>
      %add3A_643 = arith.constant 16 : i32
      %add3A_644 = vector.broadcast %add3A_643 : i32 to vector<16xi32>
      %add3A_645 = arith.addi %xor3A_639, %add3A_644 : vector<16xi32>
      %select_n3A_646 = arith.select %lt3A_642, %add3A_645, %xor3A_639 : vector<16xi1>, vector<16xi32>
      %broadcast_in_dim3A_647 = vector.shape_cast %select_n3A_646 : vector<16xi32> to vector<16x1xi32>
      %gather3A_648 = vector.shape_cast %broadcast_in_dim3A_647 : vector<16x1xi32> to vector<16xi32>
      %gather3A_649 = tpu.dynamic_gather %scan3A_429#3[%gather3A_648] in [0] : vector<16xf32>, vector<16xi32> -> vector<16xf32>
      %add3A_650 = arith.addf %scan3A_429#3, %gather3A_649 : vector<16xf32>
      %iota3A_651 = tpu.iota {dimensions = array<i32: 0>} : vector<16xi32>
      %xor3A_652 = arith.constant 2 : i32
      %xor3A_653 = vector.broadcast %xor3A_652 : i32 to vector<16xi32>
      %xor3A_654 = arith.xori %iota3A_651, %xor3A_653 : vector<16xi32>
      %lt3A_655 = arith.constant 0 : i32
      %lt3A_656 = vector.broadcast %lt3A_655 : i32 to vector<16xi32>
      %lt3A_657 = arith.cmpi slt, %xor3A_654, %lt3A_656 : vector<16xi32>
      %add3A_658 = arith.constant 16 : i32
      %add3A_659 = vector.broadcast %add3A_658 : i32 to vector<16xi32>
      %add3A_660 = arith.addi %xor3A_654, %add3A_659 : vector<16xi32>
      %select_n3A_661 = arith.select %lt3A_657, %add3A_660, %xor3A_654 : vector<16xi1>, vector<16xi32>
      %broadcast_in_dim3A_662 = vector.shape_cast %select_n3A_661 : vector<16xi32> to vector<16x1xi32>
      %gather3A_663 = vector.shape_cast %broadcast_in_dim3A_662 : vector<16x1xi32> to vector<16xi32>
      %gather3A_664 = tpu.dynamic_gather %add3A_650[%gather3A_663] in [0] : vector<16xf32>, vector<16xi32> -> vector<16xf32>
      %add3A_665 = arith.addf %add3A_650, %gather3A_664 : vector<16xf32>
      %iota3A_666 = tpu.iota {dimensions = array<i32: 0>} : vector<16xi32>
      %xor3A_667 = arith.constant 4 : i32
      %xor3A_668 = vector.broadcast %xor3A_667 : i32 to vector<16xi32>
      %xor3A_669 = arith.xori %iota3A_666, %xor3A_668 : vector<16xi32>
      %lt3A_670 = arith.constant 0 : i32
      %lt3A_671 = vector.broadcast %lt3A_670 : i32 to vector<16xi32>
      %lt3A_672 = arith.cmpi slt, %xor3A_669, %lt3A_671 : vector<16xi32>
      %add3A_673 = arith.constant 16 : i32
      %add3A_674 = vector.broadcast %add3A_673 : i32 to vector<16xi32>
      %add3A_675 = arith.addi %xor3A_669, %add3A_674 : vector<16xi32>
      %select_n3A_676 = arith.select %lt3A_672, %add3A_675, %xor3A_669 : vector<16xi1>, vector<16xi32>
      %broadcast_in_dim3A_677 = vector.shape_cast %select_n3A_676 : vector<16xi32> to vector<16x1xi32>
      %gather3A_678 = vector.shape_cast %broadcast_in_dim3A_677 : vector<16x1xi32> to vector<16xi32>
      %gather3A_679 = tpu.dynamic_gather %add3A_665[%gather3A_678] in [0] : vector<16xf32>, vector<16xi32> -> vector<16xf32>
      %add3A_680 = arith.addf %add3A_665, %gather3A_679 : vector<16xf32>
      %iota3A_681 = tpu.iota {dimensions = array<i32: 0>} : vector<16xi32>
      %xor3A_682 = arith.constant 8 : i32
      %xor3A_683 = vector.broadcast %xor3A_682 : i32 to vector<16xi32>
      %xor3A_684 = arith.xori %iota3A_681, %xor3A_683 : vector<16xi32>
      %lt3A_685 = arith.constant 0 : i32
      %lt3A_686 = vector.broadcast %lt3A_685 : i32 to vector<16xi32>
      %lt3A_687 = arith.cmpi slt, %xor3A_684, %lt3A_686 : vector<16xi32>
      %add3A_688 = arith.constant 16 : i32
      %add3A_689 = vector.broadcast %add3A_688 : i32 to vector<16xi32>
      %add3A_690 = arith.addi %xor3A_684, %add3A_689 : vector<16xi32>
      %select_n3A_691 = arith.select %lt3A_687, %add3A_690, %xor3A_684 : vector<16xi1>, vector<16xi32>
      %broadcast_in_dim3A_692 = vector.shape_cast %select_n3A_691 : vector<16xi32> to vector<16x1xi32>
      %gather3A_693 = vector.shape_cast %broadcast_in_dim3A_692 : vector<16x1xi32> to vector<16xi32>
      %gather3A_694 = tpu.dynamic_gather %add3A_680[%gather3A_693] in [0] : vector<16xf32>, vector<16xi32> -> vector<16xf32>
      %add3A_695 = arith.addf %add3A_680, %gather3A_694 : vector<16xf32>
      %jit3A_696 = arith.constant 0.000000e+00 : f32
      %broadcast_in_dim3A_697 = vector.broadcast %jit3A_696 : f32 to vector<16xf32>
      %select_n3A_698 = arith.select %eq3A_635, %add3A_695, %broadcast_in_dim3A_697 : vector<16xi1>, vector<16xf32>
      %add3A_699 = arith.addf %add3A_632, %select_n3A_698 : vector<16xf32>
      %eq3A_700 = arith.constant 4 : i32
      %eq3A_701 = vector.broadcast %eq3A_700 : i32 to vector<16xi32>
      %eq3A_702 = arith.cmpi eq, %iota3A_292, %eq3A_701 : vector<16xi32>
      %iota3A_703 = tpu.iota {dimensions = array<i32: 0>} : vector<16xi32>
      %xor3A_704 = arith.constant 1 : i32
      %xor3A_705 = vector.broadcast %xor3A_704 : i32 to vector<16xi32>
      %xor3A_706 = arith.xori %iota3A_703, %xor3A_705 : vector<16xi32>
      %lt3A_707 = arith.constant 0 : i32
      %lt3A_708 = vector.broadcast %lt3A_707 : i32 to vector<16xi32>
      %lt3A_709 = arith.cmpi slt, %xor3A_706, %lt3A_708 : vector<16xi32>
      %add3A_710 = arith.constant 16 : i32
      %add3A_711 = vector.broadcast %add3A_710 : i32 to vector<16xi32>
      %add3A_712 = arith.addi %xor3A_706, %add3A_711 : vector<16xi32>
      %select_n3A_713 = arith.select %lt3A_709, %add3A_712, %xor3A_706 : vector<16xi1>, vector<16xi32>
      %broadcast_in_dim3A_714 = vector.shape_cast %select_n3A_713 : vector<16xi32> to vector<16x1xi32>
      %gather3A_715 = vector.shape_cast %broadcast_in_dim3A_714 : vector<16x1xi32> to vector<16xi32>
      %gather3A_716 = tpu.dynamic_gather %scan3A_429#4[%gather3A_715] in [0] : vector<16xf32>, vector<16xi32> -> vector<16xf32>
      %add3A_717 = arith.addf %scan3A_429#4, %gather3A_716 : vector<16xf32>
      %iota3A_718 = tpu.iota {dimensions = array<i32: 0>} : vector<16xi32>
      %xor3A_719 = arith.constant 2 : i32
      %xor3A_720 = vector.broadcast %xor3A_719 : i32 to vector<16xi32>
      %xor3A_721 = arith.xori %iota3A_718, %xor3A_720 : vector<16xi32>
      %lt3A_722 = arith.constant 0 : i32
      %lt3A_723 = vector.broadcast %lt3A_722 : i32 to vector<16xi32>
      %lt3A_724 = arith.cmpi slt, %xor3A_721, %lt3A_723 : vector<16xi32>
      %add3A_725 = arith.constant 16 : i32
      %add3A_726 = vector.broadcast %add3A_725 : i32 to vector<16xi32>
      %add3A_727 = arith.addi %xor3A_721, %add3A_726 : vector<16xi32>
      %select_n3A_728 = arith.select %lt3A_724, %add3A_727, %xor3A_721 : vector<16xi1>, vector<16xi32>
      %broadcast_in_dim3A_729 = vector.shape_cast %select_n3A_728 : vector<16xi32> to vector<16x1xi32>
      %gather3A_730 = vector.shape_cast %broadcast_in_dim3A_729 : vector<16x1xi32> to vector<16xi32>
      %gather3A_731 = tpu.dynamic_gather %add3A_717[%gather3A_730] in [0] : vector<16xf32>, vector<16xi32> -> vector<16xf32>
      %add3A_732 = arith.addf %add3A_717, %gather3A_731 : vector<16xf32>
      %iota3A_733 = tpu.iota {dimensions = array<i32: 0>} : vector<16xi32>
      %xor3A_734 = arith.constant 4 : i32
      %xor3A_735 = vector.broadcast %xor3A_734 : i32 to vector<16xi32>
      %xor3A_736 = arith.xori %iota3A_733, %xor3A_735 : vector<16xi32>
      %lt3A_737 = arith.constant 0 : i32
      %lt3A_738 = vector.broadcast %lt3A_737 : i32 to vector<16xi32>
      %lt3A_739 = arith.cmpi slt, %xor3A_736, %lt3A_738 : vector<16xi32>
      %add3A_740 = arith.constant 16 : i32
      %add3A_741 = vector.broadcast %add3A_740 : i32 to vector<16xi32>
      %add3A_742 = arith.addi %xor3A_736, %add3A_741 : vector<16xi32>
      %select_n3A_743 = arith.select %lt3A_739, %add3A_742, %xor3A_736 : vector<16xi1>, vector<16xi32>
      %broadcast_in_dim3A_744 = vector.shape_cast %select_n3A_743 : vector<16xi32> to vector<16x1xi32>
      %gather3A_745 = vector.shape_cast %broadcast_in_dim3A_744 : vector<16x1xi32> to vector<16xi32>
      %gather3A_746 = tpu.dynamic_gather %add3A_732[%gather3A_745] in [0] : vector<16xf32>, vector<16xi32> -> vector<16xf32>
      %add3A_747 = arith.addf %add3A_732, %gather3A_746 : vector<16xf32>
      %iota3A_748 = tpu.iota {dimensions = array<i32: 0>} : vector<16xi32>
      %xor3A_749 = arith.constant 8 : i32
      %xor3A_750 = vector.broadcast %xor3A_749 : i32 to vector<16xi32>
      %xor3A_751 = arith.xori %iota3A_748, %xor3A_750 : vector<16xi32>
      %lt3A_752 = arith.constant 0 : i32
      %lt3A_753 = vector.broadcast %lt3A_752 : i32 to vector<16xi32>
      %lt3A_754 = arith.cmpi slt, %xor3A_751, %lt3A_753 : vector<16xi32>
      %add3A_755 = arith.constant 16 : i32
      %add3A_756 = vector.broadcast %add3A_755 : i32 to vector<16xi32>
      %add3A_757 = arith.addi %xor3A_751, %add3A_756 : vector<16xi32>
      %select_n3A_758 = arith.select %lt3A_754, %add3A_757, %xor3A_751 : vector<16xi1>, vector<16xi32>
      %broadcast_in_dim3A_759 = vector.shape_cast %select_n3A_758 : vector<16xi32> to vector<16x1xi32>
      %gather3A_760 = vector.shape_cast %broadcast_in_dim3A_759 : vector<16x1xi32> to vector<16xi32>
      %gather3A_761 = tpu.dynamic_gather %add3A_747[%gather3A_760] in [0] : vector<16xf32>, vector<16xi32> -> vector<16xf32>
      %add3A_762 = arith.addf %add3A_747, %gather3A_761 : vector<16xf32>
      %jit3A_763 = arith.constant 0.000000e+00 : f32
      %broadcast_in_dim3A_764 = vector.broadcast %jit3A_763 : f32 to vector<16xf32>
      %select_n3A_765 = arith.select %eq3A_702, %add3A_762, %broadcast_in_dim3A_764 : vector<16xi1>, vector<16xf32>
      %add3A_766 = arith.addf %add3A_699, %select_n3A_765 : vector<16xf32>
      %eq3A_767 = arith.constant 5 : i32
      %eq3A_768 = vector.broadcast %eq3A_767 : i32 to vector<16xi32>
      %eq3A_769 = arith.cmpi eq, %iota3A_292, %eq3A_768 : vector<16xi32>
      %iota3A_770 = tpu.iota {dimensions = array<i32: 0>} : vector<16xi32>
      %xor3A_771 = arith.constant 1 : i32
      %xor3A_772 = vector.broadcast %xor3A_771 : i32 to vector<16xi32>
      %xor3A_773 = arith.xori %iota3A_770, %xor3A_772 : vector<16xi32>
      %lt3A_774 = arith.constant 0 : i32
      %lt3A_775 = vector.broadcast %lt3A_774 : i32 to vector<16xi32>
      %lt3A_776 = arith.cmpi slt, %xor3A_773, %lt3A_775 : vector<16xi32>
      %add3A_777 = arith.constant 16 : i32
      %add3A_778 = vector.broadcast %add3A_777 : i32 to vector<16xi32>
      %add3A_779 = arith.addi %xor3A_773, %add3A_778 : vector<16xi32>
      %select_n3A_780 = arith.select %lt3A_776, %add3A_779, %xor3A_773 : vector<16xi1>, vector<16xi32>
      %broadcast_in_dim3A_781 = vector.shape_cast %select_n3A_780 : vector<16xi32> to vector<16x1xi32>
      %gather3A_782 = vector.shape_cast %broadcast_in_dim3A_781 : vector<16x1xi32> to vector<16xi32>
      %gather3A_783 = tpu.dynamic_gather %scan3A_429#5[%gather3A_782] in [0] : vector<16xf32>, vector<16xi32> -> vector<16xf32>
      %add3A_784 = arith.addf %scan3A_429#5, %gather3A_783 : vector<16xf32>
      %iota3A_785 = tpu.iota {dimensions = array<i32: 0>} : vector<16xi32>
      %xor3A_786 = arith.constant 2 : i32
      %xor3A_787 = vector.broadcast %xor3A_786 : i32 to vector<16xi32>
      %xor3A_788 = arith.xori %iota3A_785, %xor3A_787 : vector<16xi32>
      %lt3A_789 = arith.constant 0 : i32
      %lt3A_790 = vector.broadcast %lt3A_789 : i32 to vector<16xi32>
      %lt3A_791 = arith.cmpi slt, %xor3A_788, %lt3A_790 : vector<16xi32>
      %add3A_792 = arith.constant 16 : i32
      %add3A_793 = vector.broadcast %add3A_792 : i32 to vector<16xi32>
      %add3A_794 = arith.addi %xor3A_788, %add3A_793 : vector<16xi32>
      %select_n3A_795 = arith.select %lt3A_791, %add3A_794, %xor3A_788 : vector<16xi1>, vector<16xi32>
      %broadcast_in_dim3A_796 = vector.shape_cast %select_n3A_795 : vector<16xi32> to vector<16x1xi32>
      %gather3A_797 = vector.shape_cast %broadcast_in_dim3A_796 : vector<16x1xi32> to vector<16xi32>
      %gather3A_798 = tpu.dynamic_gather %add3A_784[%gather3A_797] in [0] : vector<16xf32>, vector<16xi32> -> vector<16xf32>
      %add3A_799 = arith.addf %add3A_784, %gather3A_798 : vector<16xf32>
      %iota3A_800 = tpu.iota {dimensions = array<i32: 0>} : vector<16xi32>
      %xor3A_801 = arith.constant 4 : i32
      %xor3A_802 = vector.broadcast %xor3A_801 : i32 to vector<16xi32>
      %xor3A_803 = arith.xori %iota3A_800, %xor3A_802 : vector<16xi32>
      %lt3A_804 = arith.constant 0 : i32
      %lt3A_805 = vector.broadcast %lt3A_804 : i32 to vector<16xi32>
      %lt3A_806 = arith.cmpi slt, %xor3A_803, %lt3A_805 : vector<16xi32>
      %add3A_807 = arith.constant 16 : i32
      %add3A_808 = vector.broadcast %add3A_807 : i32 to vector<16xi32>
      %add3A_809 = arith.addi %xor3A_803, %add3A_808 : vector<16xi32>
      %select_n3A_810 = arith.select %lt3A_806, %add3A_809, %xor3A_803 : vector<16xi1>, vector<16xi32>
      %broadcast_in_dim3A_811 = vector.shape_cast %select_n3A_810 : vector<16xi32> to vector<16x1xi32>
      %gather3A_812 = vector.shape_cast %broadcast_in_dim3A_811 : vector<16x1xi32> to vector<16xi32>
      %gather3A_813 = tpu.dynamic_gather %add3A_799[%gather3A_812] in [0] : vector<16xf32>, vector<16xi32> -> vector<16xf32>
      %add3A_814 = arith.addf %add3A_799, %gather3A_813 : vector<16xf32>
      %iota3A_815 = tpu.iota {dimensions = array<i32: 0>} : vector<16xi32>
      %xor3A_816 = arith.constant 8 : i32
      %xor3A_817 = vector.broadcast %xor3A_816 : i32 to vector<16xi32>
      %xor3A_818 = arith.xori %iota3A_815, %xor3A_817 : vector<16xi32>
      %lt3A_819 = arith.constant 0 : i32
      %lt3A_820 = vector.broadcast %lt3A_819 : i32 to vector<16xi32>
      %lt3A_821 = arith.cmpi slt, %xor3A_818, %lt3A_820 : vector<16xi32>
      %add3A_822 = arith.constant 16 : i32
      %add3A_823 = vector.broadcast %add3A_822 : i32 to vector<16xi32>
      %add3A_824 = arith.addi %xor3A_818, %add3A_823 : vector<16xi32>
      %select_n3A_825 = arith.select %lt3A_821, %add3A_824, %xor3A_818 : vector<16xi1>, vector<16xi32>
      %broadcast_in_dim3A_826 = vector.shape_cast %select_n3A_825 : vector<16xi32> to vector<16x1xi32>
      %gather3A_827 = vector.shape_cast %broadcast_in_dim3A_826 : vector<16x1xi32> to vector<16xi32>
      %gather3A_828 = tpu.dynamic_gather %add3A_814[%gather3A_827] in [0] : vector<16xf32>, vector<16xi32> -> vector<16xf32>
      %add3A_829 = arith.addf %add3A_814, %gather3A_828 : vector<16xf32>
      %jit3A_830 = arith.constant 0.000000e+00 : f32
      %broadcast_in_dim3A_831 = vector.broadcast %jit3A_830 : f32 to vector<16xf32>
      %select_n3A_832 = arith.select %eq3A_769, %add3A_829, %broadcast_in_dim3A_831 : vector<16xi1>, vector<16xf32>
      %add3A_833 = arith.addf %add3A_766, %select_n3A_832 : vector<16xf32>
      %eq3A_834 = arith.constant 6 : i32
      %eq3A_835 = vector.broadcast %eq3A_834 : i32 to vector<16xi32>
      %eq3A_836 = arith.cmpi eq, %iota3A_292, %eq3A_835 : vector<16xi32>
      %iota3A_837 = tpu.iota {dimensions = array<i32: 0>} : vector<16xi32>
      %xor3A_838 = arith.constant 1 : i32
      %xor3A_839 = vector.broadcast %xor3A_838 : i32 to vector<16xi32>
      %xor3A_840 = arith.xori %iota3A_837, %xor3A_839 : vector<16xi32>
      %lt3A_841 = arith.constant 0 : i32
      %lt3A_842 = vector.broadcast %lt3A_841 : i32 to vector<16xi32>
      %lt3A_843 = arith.cmpi slt, %xor3A_840, %lt3A_842 : vector<16xi32>
      %add3A_844 = arith.constant 16 : i32
      %add3A_845 = vector.broadcast %add3A_844 : i32 to vector<16xi32>
      %add3A_846 = arith.addi %xor3A_840, %add3A_845 : vector<16xi32>
      %select_n3A_847 = arith.select %lt3A_843, %add3A_846, %xor3A_840 : vector<16xi1>, vector<16xi32>
      %broadcast_in_dim3A_848 = vector.shape_cast %select_n3A_847 : vector<16xi32> to vector<16x1xi32>
      %gather3A_849 = vector.shape_cast %broadcast_in_dim3A_848 : vector<16x1xi32> to vector<16xi32>
      %gather3A_850 = tpu.dynamic_gather %scan3A_429#6[%gather3A_849] in [0] : vector<16xf32>, vector<16xi32> -> vector<16xf32>
      %add3A_851 = arith.addf %scan3A_429#6, %gather3A_850 : vector<16xf32>
      %iota3A_852 = tpu.iota {dimensions = array<i32: 0>} : vector<16xi32>
      %xor3A_853 = arith.constant 2 : i32
      %xor3A_854 = vector.broadcast %xor3A_853 : i32 to vector<16xi32>
      %xor3A_855 = arith.xori %iota3A_852, %xor3A_854 : vector<16xi32>
      %lt3A_856 = arith.constant 0 : i32
      %lt3A_857 = vector.broadcast %lt3A_856 : i32 to vector<16xi32>
      %lt3A_858 = arith.cmpi slt, %xor3A_855, %lt3A_857 : vector<16xi32>
      %add3A_859 = arith.constant 16 : i32
      %add3A_860 = vector.broadcast %add3A_859 : i32 to vector<16xi32>
      %add3A_861 = arith.addi %xor3A_855, %add3A_860 : vector<16xi32>
      %select_n3A_862 = arith.select %lt3A_858, %add3A_861, %xor3A_855 : vector<16xi1>, vector<16xi32>
      %broadcast_in_dim3A_863 = vector.shape_cast %select_n3A_862 : vector<16xi32> to vector<16x1xi32>
      %gather3A_864 = vector.shape_cast %broadcast_in_dim3A_863 : vector<16x1xi32> to vector<16xi32>
      %gather3A_865 = tpu.dynamic_gather %add3A_851[%gather3A_864] in [0] : vector<16xf32>, vector<16xi32> -> vector<16xf32>
      %add3A_866 = arith.addf %add3A_851, %gather3A_865 : vector<16xf32>
      %iota3A_867 = tpu.iota {dimensions = array<i32: 0>} : vector<16xi32>
      %xor3A_868 = arith.constant 4 : i32
      %xor3A_869 = vector.broadcast %xor3A_868 : i32 to vector<16xi32>
      %xor3A_870 = arith.xori %iota3A_867, %xor3A_869 : vector<16xi32>
      %lt3A_871 = arith.constant 0 : i32
      %lt3A_872 = vector.broadcast %lt3A_871 : i32 to vector<16xi32>
      %lt3A_873 = arith.cmpi slt, %xor3A_870, %lt3A_872 : vector<16xi32>
      %add3A_874 = arith.constant 16 : i32
      %add3A_875 = vector.broadcast %add3A_874 : i32 to vector<16xi32>
      %add3A_876 = arith.addi %xor3A_870, %add3A_875 : vector<16xi32>
      %select_n3A_877 = arith.select %lt3A_873, %add3A_876, %xor3A_870 : vector<16xi1>, vector<16xi32>
      %broadcast_in_dim3A_878 = vector.shape_cast %select_n3A_877 : vector<16xi32> to vector<16x1xi32>
      %gather3A_879 = vector.shape_cast %broadcast_in_dim3A_878 : vector<16x1xi32> to vector<16xi32>
      %gather3A_880 = tpu.dynamic_gather %add3A_866[%gather3A_879] in [0] : vector<16xf32>, vector<16xi32> -> vector<16xf32>
      %add3A_881 = arith.addf %add3A_866, %gather3A_880 : vector<16xf32>
      %iota3A_882 = tpu.iota {dimensions = array<i32: 0>} : vector<16xi32>
      %xor3A_883 = arith.constant 8 : i32
      %xor3A_884 = vector.broadcast %xor3A_883 : i32 to vector<16xi32>
      %xor3A_885 = arith.xori %iota3A_882, %xor3A_884 : vector<16xi32>
      %lt3A_886 = arith.constant 0 : i32
      %lt3A_887 = vector.broadcast %lt3A_886 : i32 to vector<16xi32>
      %lt3A_888 = arith.cmpi slt, %xor3A_885, %lt3A_887 : vector<16xi32>
      %add3A_889 = arith.constant 16 : i32
      %add3A_890 = vector.broadcast %add3A_889 : i32 to vector<16xi32>
      %add3A_891 = arith.addi %xor3A_885, %add3A_890 : vector<16xi32>
      %select_n3A_892 = arith.select %lt3A_888, %add3A_891, %xor3A_885 : vector<16xi1>, vector<16xi32>
      %broadcast_in_dim3A_893 = vector.shape_cast %select_n3A_892 : vector<16xi32> to vector<16x1xi32>
      %gather3A_894 = vector.shape_cast %broadcast_in_dim3A_893 : vector<16x1xi32> to vector<16xi32>
      %gather3A_895 = tpu.dynamic_gather %add3A_881[%gather3A_894] in [0] : vector<16xf32>, vector<16xi32> -> vector<16xf32>
      %add3A_896 = arith.addf %add3A_881, %gather3A_895 : vector<16xf32>
      %jit3A_897 = arith.constant 0.000000e+00 : f32
      %broadcast_in_dim3A_898 = vector.broadcast %jit3A_897 : f32 to vector<16xf32>
      %select_n3A_899 = arith.select %eq3A_836, %add3A_896, %broadcast_in_dim3A_898 : vector<16xi1>, vector<16xf32>
      %add3A_900 = arith.addf %add3A_833, %select_n3A_899 : vector<16xf32>
      %eq3A_901 = arith.constant 7 : i32
      %eq3A_902 = vector.broadcast %eq3A_901 : i32 to vector<16xi32>
      %eq3A_903 = arith.cmpi eq, %iota3A_292, %eq3A_902 : vector<16xi32>
      %iota3A_904 = tpu.iota {dimensions = array<i32: 0>} : vector<16xi32>
      %xor3A_905 = arith.constant 1 : i32
      %xor3A_906 = vector.broadcast %xor3A_905 : i32 to vector<16xi32>
      %xor3A_907 = arith.xori %iota3A_904, %xor3A_906 : vector<16xi32>
      %lt3A_908 = arith.constant 0 : i32
      %lt3A_909 = vector.broadcast %lt3A_908 : i32 to vector<16xi32>
      %lt3A_910 = arith.cmpi slt, %xor3A_907, %lt3A_909 : vector<16xi32>
      %add3A_911 = arith.constant 16 : i32
      %add3A_912 = vector.broadcast %add3A_911 : i32 to vector<16xi32>
      %add3A_913 = arith.addi %xor3A_907, %add3A_912 : vector<16xi32>
      %select_n3A_914 = arith.select %lt3A_910, %add3A_913, %xor3A_907 : vector<16xi1>, vector<16xi32>
      %broadcast_in_dim3A_915 = vector.shape_cast %select_n3A_914 : vector<16xi32> to vector<16x1xi32>
      %gather3A_916 = vector.shape_cast %broadcast_in_dim3A_915 : vector<16x1xi32> to vector<16xi32>
      %gather3A_917 = tpu.dynamic_gather %scan3A_429#7[%gather3A_916] in [0] : vector<16xf32>, vector<16xi32> -> vector<16xf32>
      %add3A_918 = arith.addf %scan3A_429#7, %gather3A_917 : vector<16xf32>
      %iota3A_919 = tpu.iota {dimensions = array<i32: 0>} : vector<16xi32>
      %xor3A_920 = arith.constant 2 : i32
      %xor3A_921 = vector.broadcast %xor3A_920 : i32 to vector<16xi32>
      %xor3A_922 = arith.xori %iota3A_919, %xor3A_921 : vector<16xi32>
      %lt3A_923 = arith.constant 0 : i32
      %lt3A_924 = vector.broadcast %lt3A_923 : i32 to vector<16xi32>
      %lt3A_925 = arith.cmpi slt, %xor3A_922, %lt3A_924 : vector<16xi32>
      %add3A_926 = arith.constant 16 : i32
      %add3A_927 = vector.broadcast %add3A_926 : i32 to vector<16xi32>
      %add3A_928 = arith.addi %xor3A_922, %add3A_927 : vector<16xi32>
      %select_n3A_929 = arith.select %lt3A_925, %add3A_928, %xor3A_922 : vector<16xi1>, vector<16xi32>
      %broadcast_in_dim3A_930 = vector.shape_cast %select_n3A_929 : vector<16xi32> to vector<16x1xi32>
      %gather3A_931 = vector.shape_cast %broadcast_in_dim3A_930 : vector<16x1xi32> to vector<16xi32>
      %gather3A_932 = tpu.dynamic_gather %add3A_918[%gather3A_931] in [0] : vector<16xf32>, vector<16xi32> -> vector<16xf32>
      %add3A_933 = arith.addf %add3A_918, %gather3A_932 : vector<16xf32>
      %iota3A_934 = tpu.iota {dimensions = array<i32: 0>} : vector<16xi32>
      %xor3A_935 = arith.constant 4 : i32
      %xor3A_936 = vector.broadcast %xor3A_935 : i32 to vector<16xi32>
      %xor3A_937 = arith.xori %iota3A_934, %xor3A_936 : vector<16xi32>
      %lt3A_938 = arith.constant 0 : i32
      %lt3A_939 = vector.broadcast %lt3A_938 : i32 to vector<16xi32>
      %lt3A_940 = arith.cmpi slt, %xor3A_937, %lt3A_939 : vector<16xi32>
      %add3A_941 = arith.constant 16 : i32
      %add3A_942 = vector.broadcast %add3A_941 : i32 to vector<16xi32>
      %add3A_943 = arith.addi %xor3A_937, %add3A_942 : vector<16xi32>
      %select_n3A_944 = arith.select %lt3A_940, %add3A_943, %xor3A_937 : vector<16xi1>, vector<16xi32>
      %broadcast_in_dim3A_945 = vector.shape_cast %select_n3A_944 : vector<16xi32> to vector<16x1xi32>
      %gather3A_946 = vector.shape_cast %broadcast_in_dim3A_945 : vector<16x1xi32> to vector<16xi32>
      %gather3A_947 = tpu.dynamic_gather %add3A_933[%gather3A_946] in [0] : vector<16xf32>, vector<16xi32> -> vector<16xf32>
      %add3A_948 = arith.addf %add3A_933, %gather3A_947 : vector<16xf32>
      %iota3A_949 = tpu.iota {dimensions = array<i32: 0>} : vector<16xi32>
      %xor3A_950 = arith.constant 8 : i32
      %xor3A_951 = vector.broadcast %xor3A_950 : i32 to vector<16xi32>
      %xor3A_952 = arith.xori %iota3A_949, %xor3A_951 : vector<16xi32>
      %lt3A_953 = arith.constant 0 : i32
      %lt3A_954 = vector.broadcast %lt3A_953 : i32 to vector<16xi32>
      %lt3A_955 = arith.cmpi slt, %xor3A_952, %lt3A_954 : vector<16xi32>
      %add3A_956 = arith.constant 16 : i32
      %add3A_957 = vector.broadcast %add3A_956 : i32 to vector<16xi32>
      %add3A_958 = arith.addi %xor3A_952, %add3A_957 : vector<16xi32>
      %select_n3A_959 = arith.select %lt3A_955, %add3A_958, %xor3A_952 : vector<16xi1>, vector<16xi32>
      %broadcast_in_dim3A_960 = vector.shape_cast %select_n3A_959 : vector<16xi32> to vector<16x1xi32>
      %gather3A_961 = vector.shape_cast %broadcast_in_dim3A_960 : vector<16x1xi32> to vector<16xi32>
      %gather3A_962 = tpu.dynamic_gather %add3A_948[%gather3A_961] in [0] : vector<16xf32>, vector<16xi32> -> vector<16xf32>
      %add3A_963 = arith.addf %add3A_948, %gather3A_962 : vector<16xf32>
      %jit3A_964 = arith.constant 0.000000e+00 : f32
      %broadcast_in_dim3A_965 = vector.broadcast %jit3A_964 : f32 to vector<16xf32>
      %select_n3A_966 = arith.select %eq3A_903, %add3A_963, %broadcast_in_dim3A_965 : vector<16xi1>, vector<16xf32>
      %add3A_967 = arith.addf %add3A_900, %select_n3A_966 : vector<16xf32>
      %eq3A_968 = arith.constant 8 : i32
      %eq3A_969 = vector.broadcast %eq3A_968 : i32 to vector<16xi32>
      %eq3A_970 = arith.cmpi eq, %iota3A_292, %eq3A_969 : vector<16xi32>
      %iota3A_971 = tpu.iota {dimensions = array<i32: 0>} : vector<16xi32>
      %xor3A_972 = arith.constant 1 : i32
      %xor3A_973 = vector.broadcast %xor3A_972 : i32 to vector<16xi32>
      %xor3A_974 = arith.xori %iota3A_971, %xor3A_973 : vector<16xi32>
      %lt3A_975 = arith.constant 0 : i32
      %lt3A_976 = vector.broadcast %lt3A_975 : i32 to vector<16xi32>
      %lt3A_977 = arith.cmpi slt, %xor3A_974, %lt3A_976 : vector<16xi32>
      %add3A_978 = arith.constant 16 : i32
      %add3A_979 = vector.broadcast %add3A_978 : i32 to vector<16xi32>
      %add3A_980 = arith.addi %xor3A_974, %add3A_979 : vector<16xi32>
      %select_n3A_981 = arith.select %lt3A_977, %add3A_980, %xor3A_974 : vector<16xi1>, vector<16xi32>
      %broadcast_in_dim3A_982 = vector.shape_cast %select_n3A_981 : vector<16xi32> to vector<16x1xi32>
      %gather3A_983 = vector.shape_cast %broadcast_in_dim3A_982 : vector<16x1xi32> to vector<16xi32>
      %gather3A_984 = tpu.dynamic_gather %scan3A_429#8[%gather3A_983] in [0] : vector<16xf32>, vector<16xi32> -> vector<16xf32>
      %add3A_985 = arith.addf %scan3A_429#8, %gather3A_984 : vector<16xf32>
      %iota3A_986 = tpu.iota {dimensions = array<i32: 0>} : vector<16xi32>
      %xor3A_987 = arith.constant 2 : i32
      %xor3A_988 = vector.broadcast %xor3A_987 : i32 to vector<16xi32>
      %xor3A_989 = arith.xori %iota3A_986, %xor3A_988 : vector<16xi32>
      %lt3A_990 = arith.constant 0 : i32
      %lt3A_991 = vector.broadcast %lt3A_990 : i32 to vector<16xi32>
      %lt3A_992 = arith.cmpi slt, %xor3A_989, %lt3A_991 : vector<16xi32>
      %add3A_993 = arith.constant 16 : i32
      %add3A_994 = vector.broadcast %add3A_993 : i32 to vector<16xi32>
      %add3A_995 = arith.addi %xor3A_989, %add3A_994 : vector<16xi32>
      %select_n3A_996 = arith.select %lt3A_992, %add3A_995, %xor3A_989 : vector<16xi1>, vector<16xi32>
      %broadcast_in_dim3A_997 = vector.shape_cast %select_n3A_996 : vector<16xi32> to vector<16x1xi32>
      %gather3A_998 = vector.shape_cast %broadcast_in_dim3A_997 : vector<16x1xi32> to vector<16xi32>
      %gather3A_999 = tpu.dynamic_gather %add3A_985[%gather3A_998] in [0] : vector<16xf32>, vector<16xi32> -> vector<16xf32>
      %add3A_1000 = arith.addf %add3A_985, %gather3A_999 : vector<16xf32>
      %iota3A_1001 = tpu.iota {dimensions = array<i32: 0>} : vector<16xi32>
      %xor3A_1002 = arith.constant 4 : i32
      %xor3A_1003 = vector.broadcast %xor3A_1002 : i32 to vector<16xi32>
      %xor3A_1004 = arith.xori %iota3A_1001, %xor3A_1003 : vector<16xi32>
      %lt3A_1005 = arith.constant 0 : i32
      %lt3A_1006 = vector.broadcast %lt3A_1005 : i32 to vector<16xi32>
      %lt3A_1007 = arith.cmpi slt, %xor3A_1004, %lt3A_1006 : vector<16xi32>
      %add3A_1008 = arith.constant 16 : i32
      %add3A_1009 = vector.broadcast %add3A_1008 : i32 to vector<16xi32>
      %add3A_1010 = arith.addi %xor3A_1004, %add3A_1009 : vector<16xi32>
      %select_n3A_1011 = arith.select %lt3A_1007, %add3A_1010, %xor3A_1004 : vector<16xi1>, vector<16xi32>
      %broadcast_in_dim3A_1012 = vector.shape_cast %select_n3A_1011 : vector<16xi32> to vector<16x1xi32>
      %gather3A_1013 = vector.shape_cast %broadcast_in_dim3A_1012 : vector<16x1xi32> to vector<16xi32>
      %gather3A_1014 = tpu.dynamic_gather %add3A_1000[%gather3A_1013] in [0] : vector<16xf32>, vector<16xi32> -> vector<16xf32>
      %add3A_1015 = arith.addf %add3A_1000, %gather3A_1014 : vector<16xf32>
      %iota3A_1016 = tpu.iota {dimensions = array<i32: 0>} : vector<16xi32>
      %xor3A_1017 = arith.constant 8 : i32
      %xor3A_1018 = vector.broadcast %xor3A_1017 : i32 to vector<16xi32>
      %xor3A_1019 = arith.xori %iota3A_1016, %xor3A_1018 : vector<16xi32>
      %lt3A_1020 = arith.constant 0 : i32
      %lt3A_1021 = vector.broadcast %lt3A_1020 : i32 to vector<16xi32>
      %lt3A_1022 = arith.cmpi slt, %xor3A_1019, %lt3A_1021 : vector<16xi32>
      %add3A_1023 = arith.constant 16 : i32
      %add3A_1024 = vector.broadcast %add3A_1023 : i32 to vector<16xi32>
      %add3A_1025 = arith.addi %xor3A_1019, %add3A_1024 : vector<16xi32>
      %select_n3A_1026 = arith.select %lt3A_1022, %add3A_1025, %xor3A_1019 : vector<16xi1>, vector<16xi32>
      %broadcast_in_dim3A_1027 = vector.shape_cast %select_n3A_1026 : vector<16xi32> to vector<16x1xi32>
      %gather3A_1028 = vector.shape_cast %broadcast_in_dim3A_1027 : vector<16x1xi32> to vector<16xi32>
      %gather3A_1029 = tpu.dynamic_gather %add3A_1015[%gather3A_1028] in [0] : vector<16xf32>, vector<16xi32> -> vector<16xf32>
      %add3A_1030 = arith.addf %add3A_1015, %gather3A_1029 : vector<16xf32>
      %jit3A_1031 = arith.constant 0.000000e+00 : f32
      %broadcast_in_dim3A_1032 = vector.broadcast %jit3A_1031 : f32 to vector<16xf32>
      %select_n3A_1033 = arith.select %eq3A_970, %add3A_1030, %broadcast_in_dim3A_1032 : vector<16xi1>, vector<16xf32>
      %add3A_1034 = arith.addf %add3A_967, %select_n3A_1033 : vector<16xf32>
      %eq3A_1035 = arith.constant 9 : i32
      %eq3A_1036 = vector.broadcast %eq3A_1035 : i32 to vector<16xi32>
      %eq3A_1037 = arith.cmpi eq, %iota3A_292, %eq3A_1036 : vector<16xi32>
      %iota3A_1038 = tpu.iota {dimensions = array<i32: 0>} : vector<16xi32>
      %xor3A_1039 = arith.constant 1 : i32
      %xor3A_1040 = vector.broadcast %xor3A_1039 : i32 to vector<16xi32>
      %xor3A_1041 = arith.xori %iota3A_1038, %xor3A_1040 : vector<16xi32>
      %lt3A_1042 = arith.constant 0 : i32
      %lt3A_1043 = vector.broadcast %lt3A_1042 : i32 to vector<16xi32>
      %lt3A_1044 = arith.cmpi slt, %xor3A_1041, %lt3A_1043 : vector<16xi32>
      %add3A_1045 = arith.constant 16 : i32
      %add3A_1046 = vector.broadcast %add3A_1045 : i32 to vector<16xi32>
      %add3A_1047 = arith.addi %xor3A_1041, %add3A_1046 : vector<16xi32>
      %select_n3A_1048 = arith.select %lt3A_1044, %add3A_1047, %xor3A_1041 : vector<16xi1>, vector<16xi32>
      %broadcast_in_dim3A_1049 = vector.shape_cast %select_n3A_1048 : vector<16xi32> to vector<16x1xi32>
      %gather3A_1050 = vector.shape_cast %broadcast_in_dim3A_1049 : vector<16x1xi32> to vector<16xi32>
      %gather3A_1051 = tpu.dynamic_gather %scan3A_429#9[%gather3A_1050] in [0] : vector<16xf32>, vector<16xi32> -> vector<16xf32>
      %add3A_1052 = arith.addf %scan3A_429#9, %gather3A_1051 : vector<16xf32>
      %iota3A_1053 = tpu.iota {dimensions = array<i32: 0>} : vector<16xi32>
      %xor3A_1054 = arith.constant 2 : i32
      %xor3A_1055 = vector.broadcast %xor3A_1054 : i32 to vector<16xi32>
      %xor3A_1056 = arith.xori %iota3A_1053, %xor3A_1055 : vector<16xi32>
      %lt3A_1057 = arith.constant 0 : i32
      %lt3A_1058 = vector.broadcast %lt3A_1057 : i32 to vector<16xi32>
      %lt3A_1059 = arith.cmpi slt, %xor3A_1056, %lt3A_1058 : vector<16xi32>
      %add3A_1060 = arith.constant 16 : i32
      %add3A_1061 = vector.broadcast %add3A_1060 : i32 to vector<16xi32>
      %add3A_1062 = arith.addi %xor3A_1056, %add3A_1061 : vector<16xi32>
      %select_n3A_1063 = arith.select %lt3A_1059, %add3A_1062, %xor3A_1056 : vector<16xi1>, vector<16xi32>
      %broadcast_in_dim3A_1064 = vector.shape_cast %select_n3A_1063 : vector<16xi32> to vector<16x1xi32>
      %gather3A_1065 = vector.shape_cast %broadcast_in_dim3A_1064 : vector<16x1xi32> to vector<16xi32>
      %gather3A_1066 = tpu.dynamic_gather %add3A_1052[%gather3A_1065] in [0] : vector<16xf32>, vector<16xi32> -> vector<16xf32>
      %add3A_1067 = arith.addf %add3A_1052, %gather3A_1066 : vector<16xf32>
      %iota3A_1068 = tpu.iota {dimensions = array<i32: 0>} : vector<16xi32>
      %xor3A_1069 = arith.constant 4 : i32
      %xor3A_1070 = vector.broadcast %xor3A_1069 : i32 to vector<16xi32>
      %xor3A_1071 = arith.xori %iota3A_1068, %xor3A_1070 : vector<16xi32>
      %lt3A_1072 = arith.constant 0 : i32
      %lt3A_1073 = vector.broadcast %lt3A_1072 : i32 to vector<16xi32>
      %lt3A_1074 = arith.cmpi slt, %xor3A_1071, %lt3A_1073 : vector<16xi32>
      %add3A_1075 = arith.constant 16 : i32
      %add3A_1076 = vector.broadcast %add3A_1075 : i32 to vector<16xi32>
      %add3A_1077 = arith.addi %xor3A_1071, %add3A_1076 : vector<16xi32>
      %select_n3A_1078 = arith.select %lt3A_1074, %add3A_1077, %xor3A_1071 : vector<16xi1>, vector<16xi32>
      %broadcast_in_dim3A_1079 = vector.shape_cast %select_n3A_1078 : vector<16xi32> to vector<16x1xi32>
      %gather3A_1080 = vector.shape_cast %broadcast_in_dim3A_1079 : vector<16x1xi32> to vector<16xi32>
      %gather3A_1081 = tpu.dynamic_gather %add3A_1067[%gather3A_1080] in [0] : vector<16xf32>, vector<16xi32> -> vector<16xf32>
      %add3A_1082 = arith.addf %add3A_1067, %gather3A_1081 : vector<16xf32>
      %iota3A_1083 = tpu.iota {dimensions = array<i32: 0>} : vector<16xi32>
      %xor3A_1084 = arith.constant 8 : i32
      %xor3A_1085 = vector.broadcast %xor3A_1084 : i32 to vector<16xi32>
      %xor3A_1086 = arith.xori %iota3A_1083, %xor3A_1085 : vector<16xi32>
      %lt3A_1087 = arith.constant 0 : i32
      %lt3A_1088 = vector.broadcast %lt3A_1087 : i32 to vector<16xi32>
      %lt3A_1089 = arith.cmpi slt, %xor3A_1086, %lt3A_1088 : vector<16xi32>
      %add3A_1090 = arith.constant 16 : i32
      %add3A_1091 = vector.broadcast %add3A_1090 : i32 to vector<16xi32>
      %add3A_1092 = arith.addi %xor3A_1086, %add3A_1091 : vector<16xi32>
      %select_n3A_1093 = arith.select %lt3A_1089, %add3A_1092, %xor3A_1086 : vector<16xi1>, vector<16xi32>
      %broadcast_in_dim3A_1094 = vector.shape_cast %select_n3A_1093 : vector<16xi32> to vector<16x1xi32>
      %gather3A_1095 = vector.shape_cast %broadcast_in_dim3A_1094 : vector<16x1xi32> to vector<16xi32>
      %gather3A_1096 = tpu.dynamic_gather %add3A_1082[%gather3A_1095] in [0] : vector<16xf32>, vector<16xi32> -> vector<16xf32>
      %add3A_1097 = arith.addf %add3A_1082, %gather3A_1096 : vector<16xf32>
      %jit3A_1098 = arith.constant 0.000000e+00 : f32
      %broadcast_in_dim3A_1099 = vector.broadcast %jit3A_1098 : f32 to vector<16xf32>
      %select_n3A_1100 = arith.select %eq3A_1037, %add3A_1097, %broadcast_in_dim3A_1099 : vector<16xi1>, vector<16xf32>
      %add3A_1101 = arith.addf %add3A_1034, %select_n3A_1100 : vector<16xf32>
      %eq3A_1102 = arith.constant 10 : i32
      %eq3A_1103 = vector.broadcast %eq3A_1102 : i32 to vector<16xi32>
      %eq3A_1104 = arith.cmpi eq, %iota3A_292, %eq3A_1103 : vector<16xi32>
      %iota3A_1105 = tpu.iota {dimensions = array<i32: 0>} : vector<16xi32>
      %xor3A_1106 = arith.constant 1 : i32
      %xor3A_1107 = vector.broadcast %xor3A_1106 : i32 to vector<16xi32>
      %xor3A_1108 = arith.xori %iota3A_1105, %xor3A_1107 : vector<16xi32>
      %lt3A_1109 = arith.constant 0 : i32
      %lt3A_1110 = vector.broadcast %lt3A_1109 : i32 to vector<16xi32>
      %lt3A_1111 = arith.cmpi slt, %xor3A_1108, %lt3A_1110 : vector<16xi32>
      %add3A_1112 = arith.constant 16 : i32
      %add3A_1113 = vector.broadcast %add3A_1112 : i32 to vector<16xi32>
      %add3A_1114 = arith.addi %xor3A_1108, %add3A_1113 : vector<16xi32>
      %select_n3A_1115 = arith.select %lt3A_1111, %add3A_1114, %xor3A_1108 : vector<16xi1>, vector<16xi32>
      %broadcast_in_dim3A_1116 = vector.shape_cast %select_n3A_1115 : vector<16xi32> to vector<16x1xi32>
      %gather3A_1117 = vector.shape_cast %broadcast_in_dim3A_1116 : vector<16x1xi32> to vector<16xi32>
      %gather3A_1118 = tpu.dynamic_gather %scan3A_429#10[%gather3A_1117] in [0] : vector<16xf32>, vector<16xi32> -> vector<16xf32>
      %add3A_1119 = arith.addf %scan3A_429#10, %gather3A_1118 : vector<16xf32>
      %iota3A_1120 = tpu.iota {dimensions = array<i32: 0>} : vector<16xi32>
      %xor3A_1121 = arith.constant 2 : i32
      %xor3A_1122 = vector.broadcast %xor3A_1121 : i32 to vector<16xi32>
      %xor3A_1123 = arith.xori %iota3A_1120, %xor3A_1122 : vector<16xi32>
      %lt3A_1124 = arith.constant 0 : i32
      %lt3A_1125 = vector.broadcast %lt3A_1124 : i32 to vector<16xi32>
      %lt3A_1126 = arith.cmpi slt, %xor3A_1123, %lt3A_1125 : vector<16xi32>
      %add3A_1127 = arith.constant 16 : i32
      %add3A_1128 = vector.broadcast %add3A_1127 : i32 to vector<16xi32>
      %add3A_1129 = arith.addi %xor3A_1123, %add3A_1128 : vector<16xi32>
      %select_n3A_1130 = arith.select %lt3A_1126, %add3A_1129, %xor3A_1123 : vector<16xi1>, vector<16xi32>
      %broadcast_in_dim3A_1131 = vector.shape_cast %select_n3A_1130 : vector<16xi32> to vector<16x1xi32>
      %gather3A_1132 = vector.shape_cast %broadcast_in_dim3A_1131 : vector<16x1xi32> to vector<16xi32>
      %gather3A_1133 = tpu.dynamic_gather %add3A_1119[%gather3A_1132] in [0] : vector<16xf32>, vector<16xi32> -> vector<16xf32>
      %add3A_1134 = arith.addf %add3A_1119, %gather3A_1133 : vector<16xf32>
      %iota3A_1135 = tpu.iota {dimensions = array<i32: 0>} : vector<16xi32>
      %xor3A_1136 = arith.constant 4 : i32
      %xor3A_1137 = vector.broadcast %xor3A_1136 : i32 to vector<16xi32>
      %xor3A_1138 = arith.xori %iota3A_1135, %xor3A_1137 : vector<16xi32>
      %lt3A_1139 = arith.constant 0 : i32
      %lt3A_1140 = vector.broadcast %lt3A_1139 : i32 to vector<16xi32>
      %lt3A_1141 = arith.cmpi slt, %xor3A_1138, %lt3A_1140 : vector<16xi32>
      %add3A_1142 = arith.constant 16 : i32
      %add3A_1143 = vector.broadcast %add3A_1142 : i32 to vector<16xi32>
      %add3A_1144 = arith.addi %xor3A_1138, %add3A_1143 : vector<16xi32>
      %select_n3A_1145 = arith.select %lt3A_1141, %add3A_1144, %xor3A_1138 : vector<16xi1>, vector<16xi32>
      %broadcast_in_dim3A_1146 = vector.shape_cast %select_n3A_1145 : vector<16xi32> to vector<16x1xi32>
      %gather3A_1147 = vector.shape_cast %broadcast_in_dim3A_1146 : vector<16x1xi32> to vector<16xi32>
      %gather3A_1148 = tpu.dynamic_gather %add3A_1134[%gather3A_1147] in [0] : vector<16xf32>, vector<16xi32> -> vector<16xf32>
      %add3A_1149 = arith.addf %add3A_1134, %gather3A_1148 : vector<16xf32>
      %iota3A_1150 = tpu.iota {dimensions = array<i32: 0>} : vector<16xi32>
      %xor3A_1151 = arith.constant 8 : i32
      %xor3A_1152 = vector.broadcast %xor3A_1151 : i32 to vector<16xi32>
      %xor3A_1153 = arith.xori %iota3A_1150, %xor3A_1152 : vector<16xi32>
      %lt3A_1154 = arith.constant 0 : i32
      %lt3A_1155 = vector.broadcast %lt3A_1154 : i32 to vector<16xi32>
      %lt3A_1156 = arith.cmpi slt, %xor3A_1153, %lt3A_1155 : vector<16xi32>
      %add3A_1157 = arith.constant 16 : i32
      %add3A_1158 = vector.broadcast %add3A_1157 : i32 to vector<16xi32>
      %add3A_1159 = arith.addi %xor3A_1153, %add3A_1158 : vector<16xi32>
      %select_n3A_1160 = arith.select %lt3A_1156, %add3A_1159, %xor3A_1153 : vector<16xi1>, vector<16xi32>
      %broadcast_in_dim3A_1161 = vector.shape_cast %select_n3A_1160 : vector<16xi32> to vector<16x1xi32>
      %gather3A_1162 = vector.shape_cast %broadcast_in_dim3A_1161 : vector<16x1xi32> to vector<16xi32>
      %gather3A_1163 = tpu.dynamic_gather %add3A_1149[%gather3A_1162] in [0] : vector<16xf32>, vector<16xi32> -> vector<16xf32>
      %add3A_1164 = arith.addf %add3A_1149, %gather3A_1163 : vector<16xf32>
      %jit3A_1165 = arith.constant 0.000000e+00 : f32
      %broadcast_in_dim3A_1166 = vector.broadcast %jit3A_1165 : f32 to vector<16xf32>
      %select_n3A_1167 = arith.select %eq3A_1104, %add3A_1164, %broadcast_in_dim3A_1166 : vector<16xi1>, vector<16xf32>
      %add3A_1168 = arith.addf %add3A_1101, %select_n3A_1167 : vector<16xf32>
      %eq3A_1169 = arith.constant 11 : i32
      %eq3A_1170 = vector.broadcast %eq3A_1169 : i32 to vector<16xi32>
      %eq3A_1171 = arith.cmpi eq, %iota3A_292, %eq3A_1170 : vector<16xi32>
      %iota3A_1172 = tpu.iota {dimensions = array<i32: 0>} : vector<16xi32>
      %xor3A_1173 = arith.constant 1 : i32
      %xor3A_1174 = vector.broadcast %xor3A_1173 : i32 to vector<16xi32>
      %xor3A_1175 = arith.xori %iota3A_1172, %xor3A_1174 : vector<16xi32>
      %lt3A_1176 = arith.constant 0 : i32
      %lt3A_1177 = vector.broadcast %lt3A_1176 : i32 to vector<16xi32>
      %lt3A_1178 = arith.cmpi slt, %xor3A_1175, %lt3A_1177 : vector<16xi32>
      %add3A_1179 = arith.constant 16 : i32
      %add3A_1180 = vector.broadcast %add3A_1179 : i32 to vector<16xi32>
      %add3A_1181 = arith.addi %xor3A_1175, %add3A_1180 : vector<16xi32>
      %select_n3A_1182 = arith.select %lt3A_1178, %add3A_1181, %xor3A_1175 : vector<16xi1>, vector<16xi32>
      %broadcast_in_dim3A_1183 = vector.shape_cast %select_n3A_1182 : vector<16xi32> to vector<16x1xi32>
      %gather3A_1184 = vector.shape_cast %broadcast_in_dim3A_1183 : vector<16x1xi32> to vector<16xi32>
      %gather3A_1185 = tpu.dynamic_gather %scan3A_429#11[%gather3A_1184] in [0] : vector<16xf32>, vector<16xi32> -> vector<16xf32>
      %add3A_1186 = arith.addf %scan3A_429#11, %gather3A_1185 : vector<16xf32>
      %iota3A_1187 = tpu.iota {dimensions = array<i32: 0>} : vector<16xi32>
      %xor3A_1188 = arith.constant 2 : i32
      %xor3A_1189 = vector.broadcast %xor3A_1188 : i32 to vector<16xi32>
      %xor3A_1190 = arith.xori %iota3A_1187, %xor3A_1189 : vector<16xi32>
      %lt3A_1191 = arith.constant 0 : i32
      %lt3A_1192 = vector.broadcast %lt3A_1191 : i32 to vector<16xi32>
      %lt3A_1193 = arith.cmpi slt, %xor3A_1190, %lt3A_1192 : vector<16xi32>
      %add3A_1194 = arith.constant 16 : i32
      %add3A_1195 = vector.broadcast %add3A_1194 : i32 to vector<16xi32>
      %add3A_1196 = arith.addi %xor3A_1190, %add3A_1195 : vector<16xi32>
      %select_n3A_1197 = arith.select %lt3A_1193, %add3A_1196, %xor3A_1190 : vector<16xi1>, vector<16xi32>
      %broadcast_in_dim3A_1198 = vector.shape_cast %select_n3A_1197 : vector<16xi32> to vector<16x1xi32>
      %gather3A_1199 = vector.shape_cast %broadcast_in_dim3A_1198 : vector<16x1xi32> to vector<16xi32>
      %gather3A_1200 = tpu.dynamic_gather %add3A_1186[%gather3A_1199] in [0] : vector<16xf32>, vector<16xi32> -> vector<16xf32>
      %add3A_1201 = arith.addf %add3A_1186, %gather3A_1200 : vector<16xf32>
      %iota3A_1202 = tpu.iota {dimensions = array<i32: 0>} : vector<16xi32>
      %xor3A_1203 = arith.constant 4 : i32
      %xor3A_1204 = vector.broadcast %xor3A_1203 : i32 to vector<16xi32>
      %xor3A_1205 = arith.xori %iota3A_1202, %xor3A_1204 : vector<16xi32>
      %lt3A_1206 = arith.constant 0 : i32
      %lt3A_1207 = vector.broadcast %lt3A_1206 : i32 to vector<16xi32>
      %lt3A_1208 = arith.cmpi slt, %xor3A_1205, %lt3A_1207 : vector<16xi32>
      %add3A_1209 = arith.constant 16 : i32
      %add3A_1210 = vector.broadcast %add3A_1209 : i32 to vector<16xi32>
      %add3A_1211 = arith.addi %xor3A_1205, %add3A_1210 : vector<16xi32>
      %select_n3A_1212 = arith.select %lt3A_1208, %add3A_1211, %xor3A_1205 : vector<16xi1>, vector<16xi32>
      %broadcast_in_dim3A_1213 = vector.shape_cast %select_n3A_1212 : vector<16xi32> to vector<16x1xi32>
      %gather3A_1214 = vector.shape_cast %broadcast_in_dim3A_1213 : vector<16x1xi32> to vector<16xi32>
      %gather3A_1215 = tpu.dynamic_gather %add3A_1201[%gather3A_1214] in [0] : vector<16xf32>, vector<16xi32> -> vector<16xf32>
      %add3A_1216 = arith.addf %add3A_1201, %gather3A_1215 : vector<16xf32>
      %iota3A_1217 = tpu.iota {dimensions = array<i32: 0>} : vector<16xi32>
      %xor3A_1218 = arith.constant 8 : i32
      %xor3A_1219 = vector.broadcast %xor3A_1218 : i32 to vector<16xi32>
      %xor3A_1220 = arith.xori %iota3A_1217, %xor3A_1219 : vector<16xi32>
      %lt3A_1221 = arith.constant 0 : i32
      %lt3A_1222 = vector.broadcast %lt3A_1221 : i32 to vector<16xi32>
      %lt3A_1223 = arith.cmpi slt, %xor3A_1220, %lt3A_1222 : vector<16xi32>
      %add3A_1224 = arith.constant 16 : i32
      %add3A_1225 = vector.broadcast %add3A_1224 : i32 to vector<16xi32>
      %add3A_1226 = arith.addi %xor3A_1220, %add3A_1225 : vector<16xi32>
      %select_n3A_1227 = arith.select %lt3A_1223, %add3A_1226, %xor3A_1220 : vector<16xi1>, vector<16xi32>
      %broadcast_in_dim3A_1228 = vector.shape_cast %select_n3A_1227 : vector<16xi32> to vector<16x1xi32>
      %gather3A_1229 = vector.shape_cast %broadcast_in_dim3A_1228 : vector<16x1xi32> to vector<16xi32>
      %gather3A_1230 = tpu.dynamic_gather %add3A_1216[%gather3A_1229] in [0] : vector<16xf32>, vector<16xi32> -> vector<16xf32>
      %add3A_1231 = arith.addf %add3A_1216, %gather3A_1230 : vector<16xf32>
      %jit3A_1232 = arith.constant 0.000000e+00 : f32
      %broadcast_in_dim3A_1233 = vector.broadcast %jit3A_1232 : f32 to vector<16xf32>
      %select_n3A_1234 = arith.select %eq3A_1171, %add3A_1231, %broadcast_in_dim3A_1233 : vector<16xi1>, vector<16xf32>
      %add3A_1235 = arith.addf %add3A_1168, %select_n3A_1234 : vector<16xf32>
      %eq3A_1236 = arith.constant 12 : i32
      %eq3A_1237 = vector.broadcast %eq3A_1236 : i32 to vector<16xi32>
      %eq3A_1238 = arith.cmpi eq, %iota3A_292, %eq3A_1237 : vector<16xi32>
      %iota3A_1239 = tpu.iota {dimensions = array<i32: 0>} : vector<16xi32>
      %xor3A_1240 = arith.constant 1 : i32
      %xor3A_1241 = vector.broadcast %xor3A_1240 : i32 to vector<16xi32>
      %xor3A_1242 = arith.xori %iota3A_1239, %xor3A_1241 : vector<16xi32>
      %lt3A_1243 = arith.constant 0 : i32
      %lt3A_1244 = vector.broadcast %lt3A_1243 : i32 to vector<16xi32>
      %lt3A_1245 = arith.cmpi slt, %xor3A_1242, %lt3A_1244 : vector<16xi32>
      %add3A_1246 = arith.constant 16 : i32
      %add3A_1247 = vector.broadcast %add3A_1246 : i32 to vector<16xi32>
      %add3A_1248 = arith.addi %xor3A_1242, %add3A_1247 : vector<16xi32>
      %select_n3A_1249 = arith.select %lt3A_1245, %add3A_1248, %xor3A_1242 : vector<16xi1>, vector<16xi32>
      %broadcast_in_dim3A_1250 = vector.shape_cast %select_n3A_1249 : vector<16xi32> to vector<16x1xi32>
      %gather3A_1251 = vector.shape_cast %broadcast_in_dim3A_1250 : vector<16x1xi32> to vector<16xi32>
      %gather3A_1252 = tpu.dynamic_gather %scan3A_429#12[%gather3A_1251] in [0] : vector<16xf32>, vector<16xi32> -> vector<16xf32>
      %add3A_1253 = arith.addf %scan3A_429#12, %gather3A_1252 : vector<16xf32>
      %iota3A_1254 = tpu.iota {dimensions = array<i32: 0>} : vector<16xi32>
      %xor3A_1255 = arith.constant 2 : i32
      %xor3A_1256 = vector.broadcast %xor3A_1255 : i32 to vector<16xi32>
      %xor3A_1257 = arith.xori %iota3A_1254, %xor3A_1256 : vector<16xi32>
      %lt3A_1258 = arith.constant 0 : i32
      %lt3A_1259 = vector.broadcast %lt3A_1258 : i32 to vector<16xi32>
      %lt3A_1260 = arith.cmpi slt, %xor3A_1257, %lt3A_1259 : vector<16xi32>
      %add3A_1261 = arith.constant 16 : i32
      %add3A_1262 = vector.broadcast %add3A_1261 : i32 to vector<16xi32>
      %add3A_1263 = arith.addi %xor3A_1257, %add3A_1262 : vector<16xi32>
      %select_n3A_1264 = arith.select %lt3A_1260, %add3A_1263, %xor3A_1257 : vector<16xi1>, vector<16xi32>
      %broadcast_in_dim3A_1265 = vector.shape_cast %select_n3A_1264 : vector<16xi32> to vector<16x1xi32>
      %gather3A_1266 = vector.shape_cast %broadcast_in_dim3A_1265 : vector<16x1xi32> to vector<16xi32>
      %gather3A_1267 = tpu.dynamic_gather %add3A_1253[%gather3A_1266] in [0] : vector<16xf32>, vector<16xi32> -> vector<16xf32>
      %add3A_1268 = arith.addf %add3A_1253, %gather3A_1267 : vector<16xf32>
      %iota3A_1269 = tpu.iota {dimensions = array<i32: 0>} : vector<16xi32>
      %xor3A_1270 = arith.constant 4 : i32
      %xor3A_1271 = vector.broadcast %xor3A_1270 : i32 to vector<16xi32>
      %xor3A_1272 = arith.xori %iota3A_1269, %xor3A_1271 : vector<16xi32>
      %lt3A_1273 = arith.constant 0 : i32
      %lt3A_1274 = vector.broadcast %lt3A_1273 : i32 to vector<16xi32>
      %lt3A_1275 = arith.cmpi slt, %xor3A_1272, %lt3A_1274 : vector<16xi32>
      %add3A_1276 = arith.constant 16 : i32
      %add3A_1277 = vector.broadcast %add3A_1276 : i32 to vector<16xi32>
      %add3A_1278 = arith.addi %xor3A_1272, %add3A_1277 : vector<16xi32>
      %select_n3A_1279 = arith.select %lt3A_1275, %add3A_1278, %xor3A_1272 : vector<16xi1>, vector<16xi32>
      %broadcast_in_dim3A_1280 = vector.shape_cast %select_n3A_1279 : vector<16xi32> to vector<16x1xi32>
      %gather3A_1281 = vector.shape_cast %broadcast_in_dim3A_1280 : vector<16x1xi32> to vector<16xi32>
      %gather3A_1282 = tpu.dynamic_gather %add3A_1268[%gather3A_1281] in [0] : vector<16xf32>, vector<16xi32> -> vector<16xf32>
      %add3A_1283 = arith.addf %add3A_1268, %gather3A_1282 : vector<16xf32>
      %iota3A_1284 = tpu.iota {dimensions = array<i32: 0>} : vector<16xi32>
      %xor3A_1285 = arith.constant 8 : i32
      %xor3A_1286 = vector.broadcast %xor3A_1285 : i32 to vector<16xi32>
      %xor3A_1287 = arith.xori %iota3A_1284, %xor3A_1286 : vector<16xi32>
      %lt3A_1288 = arith.constant 0 : i32
      %lt3A_1289 = vector.broadcast %lt3A_1288 : i32 to vector<16xi32>
      %lt3A_1290 = arith.cmpi slt, %xor3A_1287, %lt3A_1289 : vector<16xi32>
      %add3A_1291 = arith.constant 16 : i32
      %add3A_1292 = vector.broadcast %add3A_1291 : i32 to vector<16xi32>
      %add3A_1293 = arith.addi %xor3A_1287, %add3A_1292 : vector<16xi32>
      %select_n3A_1294 = arith.select %lt3A_1290, %add3A_1293, %xor3A_1287 : vector<16xi1>, vector<16xi32>
      %broadcast_in_dim3A_1295 = vector.shape_cast %select_n3A_1294 : vector<16xi32> to vector<16x1xi32>
      %gather3A_1296 = vector.shape_cast %broadcast_in_dim3A_1295 : vector<16x1xi32> to vector<16xi32>
      %gather3A_1297 = tpu.dynamic_gather %add3A_1283[%gather3A_1296] in [0] : vector<16xf32>, vector<16xi32> -> vector<16xf32>
      %add3A_1298 = arith.addf %add3A_1283, %gather3A_1297 : vector<16xf32>
      %jit3A_1299 = arith.constant 0.000000e+00 : f32
      %broadcast_in_dim3A_1300 = vector.broadcast %jit3A_1299 : f32 to vector<16xf32>
      %select_n3A_1301 = arith.select %eq3A_1238, %add3A_1298, %broadcast_in_dim3A_1300 : vector<16xi1>, vector<16xf32>
      %add3A_1302 = arith.addf %add3A_1235, %select_n3A_1301 : vector<16xf32>
      %eq3A_1303 = arith.constant 13 : i32
      %eq3A_1304 = vector.broadcast %eq3A_1303 : i32 to vector<16xi32>
      %eq3A_1305 = arith.cmpi eq, %iota3A_292, %eq3A_1304 : vector<16xi32>
      %iota3A_1306 = tpu.iota {dimensions = array<i32: 0>} : vector<16xi32>
      %xor3A_1307 = arith.constant 1 : i32
      %xor3A_1308 = vector.broadcast %xor3A_1307 : i32 to vector<16xi32>
      %xor3A_1309 = arith.xori %iota3A_1306, %xor3A_1308 : vector<16xi32>
      %lt3A_1310 = arith.constant 0 : i32
      %lt3A_1311 = vector.broadcast %lt3A_1310 : i32 to vector<16xi32>
      %lt3A_1312 = arith.cmpi slt, %xor3A_1309, %lt3A_1311 : vector<16xi32>
      %add3A_1313 = arith.constant 16 : i32
      %add3A_1314 = vector.broadcast %add3A_1313 : i32 to vector<16xi32>
      %add3A_1315 = arith.addi %xor3A_1309, %add3A_1314 : vector<16xi32>
      %select_n3A_1316 = arith.select %lt3A_1312, %add3A_1315, %xor3A_1309 : vector<16xi1>, vector<16xi32>
      %broadcast_in_dim3A_1317 = vector.shape_cast %select_n3A_1316 : vector<16xi32> to vector<16x1xi32>
      %gather3A_1318 = vector.shape_cast %broadcast_in_dim3A_1317 : vector<16x1xi32> to vector<16xi32>
      %gather3A_1319 = tpu.dynamic_gather %scan3A_429#13[%gather3A_1318] in [0] : vector<16xf32>, vector<16xi32> -> vector<16xf32>
      %add3A_1320 = arith.addf %scan3A_429#13, %gather3A_1319 : vector<16xf32>
      %iota3A_1321 = tpu.iota {dimensions = array<i32: 0>} : vector<16xi32>
      %xor3A_1322 = arith.constant 2 : i32
      %xor3A_1323 = vector.broadcast %xor3A_1322 : i32 to vector<16xi32>
      %xor3A_1324 = arith.xori %iota3A_1321, %xor3A_1323 : vector<16xi32>
      %lt3A_1325 = arith.constant 0 : i32
      %lt3A_1326 = vector.broadcast %lt3A_1325 : i32 to vector<16xi32>
      %lt3A_1327 = arith.cmpi slt, %xor3A_1324, %lt3A_1326 : vector<16xi32>
      %add3A_1328 = arith.constant 16 : i32
      %add3A_1329 = vector.broadcast %add3A_1328 : i32 to vector<16xi32>
      %add3A_1330 = arith.addi %xor3A_1324, %add3A_1329 : vector<16xi32>
      %select_n3A_1331 = arith.select %lt3A_1327, %add3A_1330, %xor3A_1324 : vector<16xi1>, vector<16xi32>
      %broadcast_in_dim3A_1332 = vector.shape_cast %select_n3A_1331 : vector<16xi32> to vector<16x1xi32>
      %gather3A_1333 = vector.shape_cast %broadcast_in_dim3A_1332 : vector<16x1xi32> to vector<16xi32>
      %gather3A_1334 = tpu.dynamic_gather %add3A_1320[%gather3A_1333] in [0] : vector<16xf32>, vector<16xi32> -> vector<16xf32>
      %add3A_1335 = arith.addf %add3A_1320, %gather3A_1334 : vector<16xf32>
      %iota3A_1336 = tpu.iota {dimensions = array<i32: 0>} : vector<16xi32>
      %xor3A_1337 = arith.constant 4 : i32
      %xor3A_1338 = vector.broadcast %xor3A_1337 : i32 to vector<16xi32>
      %xor3A_1339 = arith.xori %iota3A_1336, %xor3A_1338 : vector<16xi32>
      %lt3A_1340 = arith.constant 0 : i32
      %lt3A_1341 = vector.broadcast %lt3A_1340 : i32 to vector<16xi32>
      %lt3A_1342 = arith.cmpi slt, %xor3A_1339, %lt3A_1341 : vector<16xi32>
      %add3A_1343 = arith.constant 16 : i32
      %add3A_1344 = vector.broadcast %add3A_1343 : i32 to vector<16xi32>
      %add3A_1345 = arith.addi %xor3A_1339, %add3A_1344 : vector<16xi32>
      %select_n3A_1346 = arith.select %lt3A_1342, %add3A_1345, %xor3A_1339 : vector<16xi1>, vector<16xi32>
      %broadcast_in_dim3A_1347 = vector.shape_cast %select_n3A_1346 : vector<16xi32> to vector<16x1xi32>
      %gather3A_1348 = vector.shape_cast %broadcast_in_dim3A_1347 : vector<16x1xi32> to vector<16xi32>
      %gather3A_1349 = tpu.dynamic_gather %add3A_1335[%gather3A_1348] in [0] : vector<16xf32>, vector<16xi32> -> vector<16xf32>
      %add3A_1350 = arith.addf %add3A_1335, %gather3A_1349 : vector<16xf32>
      %iota3A_1351 = tpu.iota {dimensions = array<i32: 0>} : vector<16xi32>
      %xor3A_1352 = arith.constant 8 : i32
      %xor3A_1353 = vector.broadcast %xor3A_1352 : i32 to vector<16xi32>
      %xor3A_1354 = arith.xori %iota3A_1351, %xor3A_1353 : vector<16xi32>
      %lt3A_1355 = arith.constant 0 : i32
      %lt3A_1356 = vector.broadcast %lt3A_1355 : i32 to vector<16xi32>
      %lt3A_1357 = arith.cmpi slt, %xor3A_1354, %lt3A_1356 : vector<16xi32>
      %add3A_1358 = arith.constant 16 : i32
      %add3A_1359 = vector.broadcast %add3A_1358 : i32 to vector<16xi32>
      %add3A_1360 = arith.addi %xor3A_1354, %add3A_1359 : vector<16xi32>
      %select_n3A_1361 = arith.select %lt3A_1357, %add3A_1360, %xor3A_1354 : vector<16xi1>, vector<16xi32>
      %broadcast_in_dim3A_1362 = vector.shape_cast %select_n3A_1361 : vector<16xi32> to vector<16x1xi32>
      %gather3A_1363 = vector.shape_cast %broadcast_in_dim3A_1362 : vector<16x1xi32> to vector<16xi32>
      %gather3A_1364 = tpu.dynamic_gather %add3A_1350[%gather3A_1363] in [0] : vector<16xf32>, vector<16xi32> -> vector<16xf32>
      %add3A_1365 = arith.addf %add3A_1350, %gather3A_1364 : vector<16xf32>
      %jit3A_1366 = arith.constant 0.000000e+00 : f32
      %broadcast_in_dim3A_1367 = vector.broadcast %jit3A_1366 : f32 to vector<16xf32>
      %select_n3A_1368 = arith.select %eq3A_1305, %add3A_1365, %broadcast_in_dim3A_1367 : vector<16xi1>, vector<16xf32>
      %add3A_1369 = arith.addf %add3A_1302, %select_n3A_1368 : vector<16xf32>
      %eq3A_1370 = arith.constant 14 : i32
      %eq3A_1371 = vector.broadcast %eq3A_1370 : i32 to vector<16xi32>
      %eq3A_1372 = arith.cmpi eq, %iota3A_292, %eq3A_1371 : vector<16xi32>
      %iota3A_1373 = tpu.iota {dimensions = array<i32: 0>} : vector<16xi32>
      %xor3A_1374 = arith.constant 1 : i32
      %xor3A_1375 = vector.broadcast %xor3A_1374 : i32 to vector<16xi32>
      %xor3A_1376 = arith.xori %iota3A_1373, %xor3A_1375 : vector<16xi32>
      %lt3A_1377 = arith.constant 0 : i32
      %lt3A_1378 = vector.broadcast %lt3A_1377 : i32 to vector<16xi32>
      %lt3A_1379 = arith.cmpi slt, %xor3A_1376, %lt3A_1378 : vector<16xi32>
      %add3A_1380 = arith.constant 16 : i32
      %add3A_1381 = vector.broadcast %add3A_1380 : i32 to vector<16xi32>
      %add3A_1382 = arith.addi %xor3A_1376, %add3A_1381 : vector<16xi32>
      %select_n3A_1383 = arith.select %lt3A_1379, %add3A_1382, %xor3A_1376 : vector<16xi1>, vector<16xi32>
      %broadcast_in_dim3A_1384 = vector.shape_cast %select_n3A_1383 : vector<16xi32> to vector<16x1xi32>
      %gather3A_1385 = vector.shape_cast %broadcast_in_dim3A_1384 : vector<16x1xi32> to vector<16xi32>
      %gather3A_1386 = tpu.dynamic_gather %scan3A_429#14[%gather3A_1385] in [0] : vector<16xf32>, vector<16xi32> -> vector<16xf32>
      %add3A_1387 = arith.addf %scan3A_429#14, %gather3A_1386 : vector<16xf32>
      %iota3A_1388 = tpu.iota {dimensions = array<i32: 0>} : vector<16xi32>
      %xor3A_1389 = arith.constant 2 : i32
      %xor3A_1390 = vector.broadcast %xor3A_1389 : i32 to vector<16xi32>
      %xor3A_1391 = arith.xori %iota3A_1388, %xor3A_1390 : vector<16xi32>
      %lt3A_1392 = arith.constant 0 : i32
      %lt3A_1393 = vector.broadcast %lt3A_1392 : i32 to vector<16xi32>
      %lt3A_1394 = arith.cmpi slt, %xor3A_1391, %lt3A_1393 : vector<16xi32>
      %add3A_1395 = arith.constant 16 : i32
      %add3A_1396 = vector.broadcast %add3A_1395 : i32 to vector<16xi32>
      %add3A_1397 = arith.addi %xor3A_1391, %add3A_1396 : vector<16xi32>
      %select_n3A_1398 = arith.select %lt3A_1394, %add3A_1397, %xor3A_1391 : vector<16xi1>, vector<16xi32>
      %broadcast_in_dim3A_1399 = vector.shape_cast %select_n3A_1398 : vector<16xi32> to vector<16x1xi32>
      %gather3A_1400 = vector.shape_cast %broadcast_in_dim3A_1399 : vector<16x1xi32> to vector<16xi32>
      %gather3A_1401 = tpu.dynamic_gather %add3A_1387[%gather3A_1400] in [0] : vector<16xf32>, vector<16xi32> -> vector<16xf32>
      %add3A_1402 = arith.addf %add3A_1387, %gather3A_1401 : vector<16xf32>
      %iota3A_1403 = tpu.iota {dimensions = array<i32: 0>} : vector<16xi32>
      %xor3A_1404 = arith.constant 4 : i32
      %xor3A_1405 = vector.broadcast %xor3A_1404 : i32 to vector<16xi32>
      %xor3A_1406 = arith.xori %iota3A_1403, %xor3A_1405 : vector<16xi32>
      %lt3A_1407 = arith.constant 0 : i32
      %lt3A_1408 = vector.broadcast %lt3A_1407 : i32 to vector<16xi32>
      %lt3A_1409 = arith.cmpi slt, %xor3A_1406, %lt3A_1408 : vector<16xi32>
      %add3A_1410 = arith.constant 16 : i32
      %add3A_1411 = vector.broadcast %add3A_1410 : i32 to vector<16xi32>
      %add3A_1412 = arith.addi %xor3A_1406, %add3A_1411 : vector<16xi32>
      %select_n3A_1413 = arith.select %lt3A_1409, %add3A_1412, %xor3A_1406 : vector<16xi1>, vector<16xi32>
      %broadcast_in_dim3A_1414 = vector.shape_cast %select_n3A_1413 : vector<16xi32> to vector<16x1xi32>
      %gather3A_1415 = vector.shape_cast %broadcast_in_dim3A_1414 : vector<16x1xi32> to vector<16xi32>
      %gather3A_1416 = tpu.dynamic_gather %add3A_1402[%gather3A_1415] in [0] : vector<16xf32>, vector<16xi32> -> vector<16xf32>
      %add3A_1417 = arith.addf %add3A_1402, %gather3A_1416 : vector<16xf32>
      %iota3A_1418 = tpu.iota {dimensions = array<i32: 0>} : vector<16xi32>
      %xor3A_1419 = arith.constant 8 : i32
      %xor3A_1420 = vector.broadcast %xor3A_1419 : i32 to vector<16xi32>
      %xor3A_1421 = arith.xori %iota3A_1418, %xor3A_1420 : vector<16xi32>
      %lt3A_1422 = arith.constant 0 : i32
      %lt3A_1423 = vector.broadcast %lt3A_1422 : i32 to vector<16xi32>
      %lt3A_1424 = arith.cmpi slt, %xor3A_1421, %lt3A_1423 : vector<16xi32>
      %add3A_1425 = arith.constant 16 : i32
      %add3A_1426 = vector.broadcast %add3A_1425 : i32 to vector<16xi32>
      %add3A_1427 = arith.addi %xor3A_1421, %add3A_1426 : vector<16xi32>
      %select_n3A_1428 = arith.select %lt3A_1424, %add3A_1427, %xor3A_1421 : vector<16xi1>, vector<16xi32>
      %broadcast_in_dim3A_1429 = vector.shape_cast %select_n3A_1428 : vector<16xi32> to vector<16x1xi32>
      %gather3A_1430 = vector.shape_cast %broadcast_in_dim3A_1429 : vector<16x1xi32> to vector<16xi32>
      %gather3A_1431 = tpu.dynamic_gather %add3A_1417[%gather3A_1430] in [0] : vector<16xf32>, vector<16xi32> -> vector<16xf32>
      %add3A_1432 = arith.addf %add3A_1417, %gather3A_1431 : vector<16xf32>
      %jit3A_1433 = arith.constant 0.000000e+00 : f32
      %broadcast_in_dim3A_1434 = vector.broadcast %jit3A_1433 : f32 to vector<16xf32>
      %select_n3A_1435 = arith.select %eq3A_1372, %add3A_1432, %broadcast_in_dim3A_1434 : vector<16xi1>, vector<16xf32>
      %add3A_1436 = arith.addf %add3A_1369, %select_n3A_1435 : vector<16xf32>
      %eq3A_1437 = arith.constant 15 : i32
      %eq3A_1438 = vector.broadcast %eq3A_1437 : i32 to vector<16xi32>
      %eq3A_1439 = arith.cmpi eq, %iota3A_292, %eq3A_1438 : vector<16xi32>
      %iota3A_1440 = tpu.iota {dimensions = array<i32: 0>} : vector<16xi32>
      %xor3A_1441 = arith.constant 1 : i32
      %xor3A_1442 = vector.broadcast %xor3A_1441 : i32 to vector<16xi32>
      %xor3A_1443 = arith.xori %iota3A_1440, %xor3A_1442 : vector<16xi32>
      %lt3A_1444 = arith.constant 0 : i32
      %lt3A_1445 = vector.broadcast %lt3A_1444 : i32 to vector<16xi32>
      %lt3A_1446 = arith.cmpi slt, %xor3A_1443, %lt3A_1445 : vector<16xi32>
      %add3A_1447 = arith.constant 16 : i32
      %add3A_1448 = vector.broadcast %add3A_1447 : i32 to vector<16xi32>
      %add3A_1449 = arith.addi %xor3A_1443, %add3A_1448 : vector<16xi32>
      %select_n3A_1450 = arith.select %lt3A_1446, %add3A_1449, %xor3A_1443 : vector<16xi1>, vector<16xi32>
      %broadcast_in_dim3A_1451 = vector.shape_cast %select_n3A_1450 : vector<16xi32> to vector<16x1xi32>
      %gather3A_1452 = vector.shape_cast %broadcast_in_dim3A_1451 : vector<16x1xi32> to vector<16xi32>
      %gather3A_1453 = tpu.dynamic_gather %scan3A_429#15[%gather3A_1452] in [0] : vector<16xf32>, vector<16xi32> -> vector<16xf32>
      %add3A_1454 = arith.addf %scan3A_429#15, %gather3A_1453 : vector<16xf32>
      %iota3A_1455 = tpu.iota {dimensions = array<i32: 0>} : vector<16xi32>
      %xor3A_1456 = arith.constant 2 : i32
      %xor3A_1457 = vector.broadcast %xor3A_1456 : i32 to vector<16xi32>
      %xor3A_1458 = arith.xori %iota3A_1455, %xor3A_1457 : vector<16xi32>
      %lt3A_1459 = arith.constant 0 : i32
      %lt3A_1460 = vector.broadcast %lt3A_1459 : i32 to vector<16xi32>
      %lt3A_1461 = arith.cmpi slt, %xor3A_1458, %lt3A_1460 : vector<16xi32>
      %add3A_1462 = arith.constant 16 : i32
      %add3A_1463 = vector.broadcast %add3A_1462 : i32 to vector<16xi32>
      %add3A_1464 = arith.addi %xor3A_1458, %add3A_1463 : vector<16xi32>
      %select_n3A_1465 = arith.select %lt3A_1461, %add3A_1464, %xor3A_1458 : vector<16xi1>, vector<16xi32>
      %broadcast_in_dim3A_1466 = vector.shape_cast %select_n3A_1465 : vector<16xi32> to vector<16x1xi32>
      %gather3A_1467 = vector.shape_cast %broadcast_in_dim3A_1466 : vector<16x1xi32> to vector<16xi32>
      %gather3A_1468 = tpu.dynamic_gather %add3A_1454[%gather3A_1467] in [0] : vector<16xf32>, vector<16xi32> -> vector<16xf32>
      %add3A_1469 = arith.addf %add3A_1454, %gather3A_1468 : vector<16xf32>
      %iota3A_1470 = tpu.iota {dimensions = array<i32: 0>} : vector<16xi32>
      %xor3A_1471 = arith.constant 4 : i32
      %xor3A_1472 = vector.broadcast %xor3A_1471 : i32 to vector<16xi32>
      %xor3A_1473 = arith.xori %iota3A_1470, %xor3A_1472 : vector<16xi32>
      %lt3A_1474 = arith.constant 0 : i32
      %lt3A_1475 = vector.broadcast %lt3A_1474 : i32 to vector<16xi32>
      %lt3A_1476 = arith.cmpi slt, %xor3A_1473, %lt3A_1475 : vector<16xi32>
      %add3A_1477 = arith.constant 16 : i32
      %add3A_1478 = vector.broadcast %add3A_1477 : i32 to vector<16xi32>
      %add3A_1479 = arith.addi %xor3A_1473, %add3A_1478 : vector<16xi32>
      %select_n3A_1480 = arith.select %lt3A_1476, %add3A_1479, %xor3A_1473 : vector<16xi1>, vector<16xi32>
      %broadcast_in_dim3A_1481 = vector.shape_cast %select_n3A_1480 : vector<16xi32> to vector<16x1xi32>
      %gather3A_1482 = vector.shape_cast %broadcast_in_dim3A_1481 : vector<16x1xi32> to vector<16xi32>
      %gather3A_1483 = tpu.dynamic_gather %add3A_1469[%gather3A_1482] in [0] : vector<16xf32>, vector<16xi32> -> vector<16xf32>
      %add3A_1484 = arith.addf %add3A_1469, %gather3A_1483 : vector<16xf32>
      %iota3A_1485 = tpu.iota {dimensions = array<i32: 0>} : vector<16xi32>
      %xor3A_1486 = arith.constant 8 : i32
      %xor3A_1487 = vector.broadcast %xor3A_1486 : i32 to vector<16xi32>
      %xor3A_1488 = arith.xori %iota3A_1485, %xor3A_1487 : vector<16xi32>
      %lt3A_1489 = arith.constant 0 : i32
      %lt3A_1490 = vector.broadcast %lt3A_1489 : i32 to vector<16xi32>
      %lt3A_1491 = arith.cmpi slt, %xor3A_1488, %lt3A_1490 : vector<16xi32>
      %add3A_1492 = arith.constant 16 : i32
      %add3A_1493 = vector.broadcast %add3A_1492 : i32 to vector<16xi32>
      %add3A_1494 = arith.addi %xor3A_1488, %add3A_1493 : vector<16xi32>
      %select_n3A_1495 = arith.select %lt3A_1491, %add3A_1494, %xor3A_1488 : vector<16xi1>, vector<16xi32>
      %broadcast_in_dim3A_1496 = vector.shape_cast %select_n3A_1495 : vector<16xi32> to vector<16x1xi32>
      %gather3A_1497 = vector.shape_cast %broadcast_in_dim3A_1496 : vector<16x1xi32> to vector<16xi32>
      %gather3A_1498 = tpu.dynamic_gather %add3A_1484[%gather3A_1497] in [0] : vector<16xf32>, vector<16xi32> -> vector<16xf32>
      %add3A_1499 = arith.addf %add3A_1484, %gather3A_1498 : vector<16xf32>
      %jit3A_1500 = arith.constant 0.000000e+00 : f32
      %broadcast_in_dim3A_1501 = vector.broadcast %jit3A_1500 : f32 to vector<16xf32>
      %select_n3A_1502 = arith.select %eq3A_1439, %add3A_1499, %broadcast_in_dim3A_1501 : vector<16xi1>, vector<16xf32>
      %add3A_1503 = arith.addf %add3A_1436, %select_n3A_1502 : vector<16xf32>
      %swap3A_1504 = arith.constant 0 : index
      %swap3A_1505 = tpu.vector_load %arg14[%swap3A_1504] {strides = array<i32>} : memref<16xf32, #tpu.memory_space<vmem>>, vector<16xf32>,
      %swap3A_1506 = vector.shape_cast %swap3A_1505 : vector<16xf32> to vector<16xf32>
      %swap3A_1507 = vector.shape_cast %add3A_1503 : vector<16xf32> to vector<16xf32>
      tpu.vector_store %arg14[%swap3A_1504], %swap3A_1507 {strides = array<i32>} : memref<16xf32, #tpu.memory_space<vmem>>, vector<16xf32>,
      "tpu.region"() ({
        %run_scoped3A = tpu.sem_alloc : memref<!tpu.dma_semaphore, #tpu.memory_space<semaphore_mem>>
        %dma_start3A = tpu.memref_slice %arg17[%mul3A_36] : memref<256xf32, #tpu.memory_space<vmem_shared>> -> memref<16xf32, #tpu.memory_space<vmem_shared>>
        %dma_start3A_2162 = tpu.memref_slice %arg17[%mul3A_36] : memref<256xf32, #tpu.memory_space<vmem_shared>> -> memref<16xf32, #tpu.memory_space<vmem_shared>>
        tpu.enqueue_dma source(%arg14 : memref<16xf32, #tpu.memory_space<vmem>>) target(%dma_start3A_2162 : memref<16xf32, #tpu.memory_space<vmem_shared>>) target_semaphore(%run_scoped3A : memref<!tpu.dma_semaphore, #tpu.memory_space<semaphore_mem>>)
        %dma_wait3A = tpu.memref_slice %arg17[%mul3A_36] : memref<256xf32, #tpu.memory_space<vmem_shared>> -> memref<16xf32, #tpu.memory_space<vmem_shared>>
        %dma_wait3A_2163 = tpu.memref_slice %arg17[%mul3A_36] : memref<256xf32, #tpu.memory_space<vmem_shared>> -> memref<16xf32, #tpu.memory_space<vmem_shared>>
        tpu.wait_dma2 semaphore(%run_scoped3A : memref<!tpu.dma_semaphore, #tpu.memory_space<semaphore_mem>>) src(%arg14 : memref<16xf32, #tpu.memory_space<vmem>>) dst(%dma_wait3A_2163 : memref<16xf32, #tpu.memory_space<vmem_shared>>)
        tpu.yield
      }) : () -> ()
      %barrier3A_1508 = arith.constant 0 : index
      tpu.barrier barrier_id(%barrier3A_1508)
      "tpu.region"() ({
        %run_scoped3A = tpu.sem_alloc : memref<!tpu.dma_semaphore, #tpu.memory_space<semaphore_mem>>
        tpu.enqueue_dma source(%arg17 : memref<256xf32, #tpu.memory_space<vmem_shared>>) target(%arg15 : memref<256xf32, #tpu.memory_space<vmem>>) target_semaphore(%run_scoped3A : memref<!tpu.dma_semaphore, #tpu.memory_space<semaphore_mem>>)
        tpu.wait_dma2 semaphore(%run_scoped3A : memref<!tpu.dma_semaphore, #tpu.memory_space<semaphore_mem>>) src(%arg17 : memref<256xf32, #tpu.memory_space<vmem_shared>>) dst(%arg15 : memref<256xf32, #tpu.memory_space<vmem>>)
        tpu.yield
      }) : () -> ()
      %barrier3A_1509 = arith.constant 0 : index
      tpu.barrier barrier_id(%barrier3A_1509)
      %get3A_1510 = arith.constant 0 : index
      %get3A_1511 = tpu.vector_load %arg15[%get3A_1510] {strides = array<i32>} : memref<256xf32, #tpu.memory_space<vmem>>, vector<16xf32>,
      %get3A_1512 = vector.shape_cast %get3A_1511 : vector<16xf32> to vector<16xf32>
      %get3A_1513 = arith.constant 16 : index
      %get3A_1514 = tpu.vector_load %arg15[%get3A_1513] {strides = array<i32>} : memref<256xf32, #tpu.memory_space<vmem>>, vector<16xf32>,
      %get3A_1515 = vector.shape_cast %get3A_1514 : vector<16xf32> to vector<16xf32>
      %add3A_1516 = arith.addf %get3A_1512, %get3A_1515 : vector<16xf32>
      %get3A_1517 = arith.constant 32 : index
      %get3A_1518 = tpu.vector_load %arg15[%get3A_1517] {strides = array<i32>} : memref<256xf32, #tpu.memory_space<vmem>>, vector<16xf32>,
      %get3A_1519 = vector.shape_cast %get3A_1518 : vector<16xf32> to vector<16xf32>
      %add3A_1520 = arith.addf %add3A_1516, %get3A_1519 : vector<16xf32>
      %get3A_1521 = arith.constant 48 : index
      %get3A_1522 = tpu.vector_load %arg15[%get3A_1521] {strides = array<i32>} : memref<256xf32, #tpu.memory_space<vmem>>, vector<16xf32>,
      %get3A_1523 = vector.shape_cast %get3A_1522 : vector<16xf32> to vector<16xf32>
      %add3A_1524 = arith.addf %add3A_1520, %get3A_1523 : vector<16xf32>
      %get3A_1525 = arith.constant 64 : index
      %get3A_1526 = tpu.vector_load %arg15[%get3A_1525] {strides = array<i32>} : memref<256xf32, #tpu.memory_space<vmem>>, vector<16xf32>,
      %get3A_1527 = vector.shape_cast %get3A_1526 : vector<16xf32> to vector<16xf32>
      %add3A_1528 = arith.addf %add3A_1524, %get3A_1527 : vector<16xf32>
      %get3A_1529 = arith.constant 80 : index
      %get3A_1530 = tpu.vector_load %arg15[%get3A_1529] {strides = array<i32>} : memref<256xf32, #tpu.memory_space<vmem>>, vector<16xf32>,
      %get3A_1531 = vector.shape_cast %get3A_1530 : vector<16xf32> to vector<16xf32>
      %add3A_1532 = arith.addf %add3A_1528, %get3A_1531 : vector<16xf32>
      %get3A_1533 = arith.constant 96 : index
      %get3A_1534 = tpu.vector_load %arg15[%get3A_1533] {strides = array<i32>} : memref<256xf32, #tpu.memory_space<vmem>>, vector<16xf32>,
      %get3A_1535 = vector.shape_cast %get3A_1534 : vector<16xf32> to vector<16xf32>
      %add3A_1536 = arith.addf %add3A_1532, %get3A_1535 : vector<16xf32>
      %get3A_1537 = arith.constant 112 : index
      %get3A_1538 = tpu.vector_load %arg15[%get3A_1537] {strides = array<i32>} : memref<256xf32, #tpu.memory_space<vmem>>, vector<16xf32>,
      %get3A_1539 = vector.shape_cast %get3A_1538 : vector<16xf32> to vector<16xf32>
      %add3A_1540 = arith.addf %add3A_1536, %get3A_1539 : vector<16xf32>
      %get3A_1541 = arith.constant 128 : index
      %get3A_1542 = tpu.vector_load %arg15[%get3A_1541] {strides = array<i32>} : memref<256xf32, #tpu.memory_space<vmem>>, vector<16xf32>,
      %get3A_1543 = vector.shape_cast %get3A_1542 : vector<16xf32> to vector<16xf32>
      %add3A_1544 = arith.addf %add3A_1540, %get3A_1543 : vector<16xf32>
      %get3A_1545 = arith.constant 144 : index
      %get3A_1546 = tpu.vector_load %arg15[%get3A_1545] {strides = array<i32>} : memref<256xf32, #tpu.memory_space<vmem>>, vector<16xf32>,
      %get3A_1547 = vector.shape_cast %get3A_1546 : vector<16xf32> to vector<16xf32>
      %add3A_1548 = arith.addf %add3A_1544, %get3A_1547 : vector<16xf32>
      %get3A_1549 = arith.constant 160 : index
      %get3A_1550 = tpu.vector_load %arg15[%get3A_1549] {strides = array<i32>} : memref<256xf32, #tpu.memory_space<vmem>>, vector<16xf32>,
      %get3A_1551 = vector.shape_cast %get3A_1550 : vector<16xf32> to vector<16xf32>
      %add3A_1552 = arith.addf %add3A_1548, %get3A_1551 : vector<16xf32>
      %get3A_1553 = arith.constant 176 : index
      %get3A_1554 = tpu.vector_load %arg15[%get3A_1553] {strides = array<i32>} : memref<256xf32, #tpu.memory_space<vmem>>, vector<16xf32>,
      %get3A_1555 = vector.shape_cast %get3A_1554 : vector<16xf32> to vector<16xf32>
      %add3A_1556 = arith.addf %add3A_1552, %get3A_1555 : vector<16xf32>
      %get3A_1557 = arith.constant 192 : index
      %get3A_1558 = tpu.vector_load %arg15[%get3A_1557] {strides = array<i32>} : memref<256xf32, #tpu.memory_space<vmem>>, vector<16xf32>,
      %get3A_1559 = vector.shape_cast %get3A_1558 : vector<16xf32> to vector<16xf32>
      %add3A_1560 = arith.addf %add3A_1556, %get3A_1559 : vector<16xf32>
      %get3A_1561 = arith.constant 208 : index
      %get3A_1562 = tpu.vector_load %arg15[%get3A_1561] {strides = array<i32>} : memref<256xf32, #tpu.memory_space<vmem>>, vector<16xf32>,
      %get3A_1563 = vector.shape_cast %get3A_1562 : vector<16xf32> to vector<16xf32>
      %add3A_1564 = arith.addf %add3A_1560, %get3A_1563 : vector<16xf32>
      %get3A_1565 = arith.constant 224 : index
      %get3A_1566 = tpu.vector_load %arg15[%get3A_1565] {strides = array<i32>} : memref<256xf32, #tpu.memory_space<vmem>>, vector<16xf32>,
      %get3A_1567 = vector.shape_cast %get3A_1566 : vector<16xf32> to vector<16xf32>
      %add3A_1568 = arith.addf %add3A_1564, %get3A_1567 : vector<16xf32>
      %get3A_1569 = arith.constant 240 : index
      %get3A_1570 = tpu.vector_load %arg15[%get3A_1569] {strides = array<i32>} : memref<256xf32, #tpu.memory_space<vmem>>, vector<16xf32>,
      %get3A_1571 = vector.shape_cast %get3A_1570 : vector<16xf32> to vector<16xf32>
      %add3A_1572 = arith.addf %add3A_1568, %get3A_1571 : vector<16xf32>
      %sub3A_1573 = arith.subf %max3A_287, %min3A_291 : vector<16xf32>
      %mul3A_1574 = arith.constant 0.0588235296 : f32
      %mul3A_1575 = vector.broadcast %mul3A_1574 : f32 to vector<16xf32>
      %mul3A_1576 = arith.mulf %sub3A_1573, %mul3A_1575 : vector<16xf32>
      %ge3A = arith.constant 1.000000e+00 : f32
      %ge3A_1577 = vector.broadcast %ge3A : f32 to vector<16xf32>
      %ge3A_1578 = arith.cmpf oge, %add3A_1572, %ge3A_1577 : vector<16xf32>
      %jit3A_1579 = arith.constant 1.000000e+00 : f32
      %jit3A_1580 = arith.constant 0.000000e+00 : f32
      %broadcast_in_dim3A_1581 = vector.broadcast %jit3A_1579 : f32 to vector<16xf32>
      %broadcast_in_dim3A_1582 = vector.broadcast %jit3A_1580 : f32 to vector<16xf32>
      %select_n3A_1583 = arith.select %ge3A_1578, %broadcast_in_dim3A_1581, %broadcast_in_dim3A_1582 : vector<16xi1>, vector<16xf32>
      %iota3A_1584 = tpu.iota {dimensions = array<i32: 0>} : vector<16xi32>
      %xor3A_1585 = arith.constant 1 : i32
      %xor3A_1586 = vector.broadcast %xor3A_1585 : i32 to vector<16xi32>
      %xor3A_1587 = arith.xori %iota3A_1584, %xor3A_1586 : vector<16xi32>
      %lt3A_1588 = arith.constant 0 : i32
      %lt3A_1589 = vector.broadcast %lt3A_1588 : i32 to vector<16xi32>
      %lt3A_1590 = arith.cmpi slt, %xor3A_1587, %lt3A_1589 : vector<16xi32>
      %add3A_1591 = arith.constant 16 : i32
      %add3A_1592 = vector.broadcast %add3A_1591 : i32 to vector<16xi32>
      %add3A_1593 = arith.addi %xor3A_1587, %add3A_1592 : vector<16xi32>
      %select_n3A_1594 = arith.select %lt3A_1590, %add3A_1593, %xor3A_1587 : vector<16xi1>, vector<16xi32>
      %broadcast_in_dim3A_1595 = vector.shape_cast %select_n3A_1594 : vector<16xi32> to vector<16x1xi32>
      %gather3A_1596 = vector.shape_cast %broadcast_in_dim3A_1595 : vector<16x1xi32> to vector<16xi32>
      %gather3A_1597 = tpu.dynamic_gather %select_n3A_1583[%gather3A_1596] in [0] : vector<16xf32>, vector<16xi32> -> vector<16xf32>
      %add3A_1598 = arith.addf %select_n3A_1583, %gather3A_1597 : vector<16xf32>
      %iota3A_1599 = tpu.iota {dimensions = array<i32: 0>} : vector<16xi32>
      %xor3A_1600 = arith.constant 2 : i32
      %xor3A_1601 = vector.broadcast %xor3A_1600 : i32 to vector<16xi32>
      %xor3A_1602 = arith.xori %iota3A_1599, %xor3A_1601 : vector<16xi32>
      %lt3A_1603 = arith.constant 0 : i32
      %lt3A_1604 = vector.broadcast %lt3A_1603 : i32 to vector<16xi32>
      %lt3A_1605 = arith.cmpi slt, %xor3A_1602, %lt3A_1604 : vector<16xi32>
      %add3A_1606 = arith.constant 16 : i32
      %add3A_1607 = vector.broadcast %add3A_1606 : i32 to vector<16xi32>
      %add3A_1608 = arith.addi %xor3A_1602, %add3A_1607 : vector<16xi32>
      %select_n3A_1609 = arith.select %lt3A_1605, %add3A_1608, %xor3A_1602 : vector<16xi1>, vector<16xi32>
      %broadcast_in_dim3A_1610 = vector.shape_cast %select_n3A_1609 : vector<16xi32> to vector<16x1xi32>
      %gather3A_1611 = vector.shape_cast %broadcast_in_dim3A_1610 : vector<16x1xi32> to vector<16xi32>
      %gather3A_1612 = tpu.dynamic_gather %add3A_1598[%gather3A_1611] in [0] : vector<16xf32>, vector<16xi32> -> vector<16xf32>
      %add3A_1613 = arith.addf %add3A_1598, %gather3A_1612 : vector<16xf32>
      %iota3A_1614 = tpu.iota {dimensions = array<i32: 0>} : vector<16xi32>
      %xor3A_1615 = arith.constant 4 : i32
      %xor3A_1616 = vector.broadcast %xor3A_1615 : i32 to vector<16xi32>
      %xor3A_1617 = arith.xori %iota3A_1614, %xor3A_1616 : vector<16xi32>
      %lt3A_1618 = arith.constant 0 : i32
      %lt3A_1619 = vector.broadcast %lt3A_1618 : i32 to vector<16xi32>
      %lt3A_1620 = arith.cmpi slt, %xor3A_1617, %lt3A_1619 : vector<16xi32>
      %add3A_1621 = arith.constant 16 : i32
      %add3A_1622 = vector.broadcast %add3A_1621 : i32 to vector<16xi32>
      %add3A_1623 = arith.addi %xor3A_1617, %add3A_1622 : vector<16xi32>
      %select_n3A_1624 = arith.select %lt3A_1620, %add3A_1623, %xor3A_1617 : vector<16xi1>, vector<16xi32>
      %broadcast_in_dim3A_1625 = vector.shape_cast %select_n3A_1624 : vector<16xi32> to vector<16x1xi32>
      %gather3A_1626 = vector.shape_cast %broadcast_in_dim3A_1625 : vector<16x1xi32> to vector<16xi32>
      %gather3A_1627 = tpu.dynamic_gather %add3A_1613[%gather3A_1626] in [0] : vector<16xf32>, vector<16xi32> -> vector<16xf32>
      %add3A_1628 = arith.addf %add3A_1613, %gather3A_1627 : vector<16xf32>
      %iota3A_1629 = tpu.iota {dimensions = array<i32: 0>} : vector<16xi32>
      %xor3A_1630 = arith.constant 8 : i32
      %xor3A_1631 = vector.broadcast %xor3A_1630 : i32 to vector<16xi32>
      %xor3A_1632 = arith.xori %iota3A_1629, %xor3A_1631 : vector<16xi32>
      %lt3A_1633 = arith.constant 0 : i32
      %lt3A_1634 = vector.broadcast %lt3A_1633 : i32 to vector<16xi32>
      %lt3A_1635 = arith.cmpi slt, %xor3A_1632, %lt3A_1634 : vector<16xi32>
      %add3A_1636 = arith.constant 16 : i32
      %add3A_1637 = vector.broadcast %add3A_1636 : i32 to vector<16xi32>
      %add3A_1638 = arith.addi %xor3A_1632, %add3A_1637 : vector<16xi32>
      %select_n3A_1639 = arith.select %lt3A_1635, %add3A_1638, %xor3A_1632 : vector<16xi1>, vector<16xi32>
      %broadcast_in_dim3A_1640 = vector.shape_cast %select_n3A_1639 : vector<16xi32> to vector<16x1xi32>
      %gather3A_1641 = vector.shape_cast %broadcast_in_dim3A_1640 : vector<16x1xi32> to vector<16xi32>
      %gather3A_1642 = tpu.dynamic_gather %add3A_1628[%gather3A_1641] in [0] : vector<16xf32>, vector<16xi32> -> vector<16xf32>
      %add3A_1643 = arith.addf %add3A_1628, %gather3A_1642 : vector<16xf32>
      %mul3A_1644 = arith.mulf %add3A_1643, %mul3A_1576 : vector<16xf32>
      %add3A_1645 = arith.addf %min3A_291, %mul3A_1644 : vector<16xf32>
      %ge3A_1646 = arith.constant 1.550000e+01 : f32
      %ge3A_1647 = vector.broadcast %ge3A_1646 : f32 to vector<16xf32>
      %ge3A_1648 = arith.cmpf oge, %add3A_1643, %ge3A_1647 : vector<16xf32>
      %add3A_1649 = arith.constant 1.000000e+00 : f32
      %add3A_1650 = vector.broadcast %add3A_1649 : f32 to vector<16xf32>
      %add3A_1651 = arith.addf %add3A_1643, %add3A_1650 : vector<16xf32>
      %mul3A_1652 = arith.mulf %add3A_1651, %mul3A_1576 : vector<16xf32>
      %add3A_1653 = arith.addf %min3A_291, %mul3A_1652 : vector<16xf32>
      %select_n3A_1654 = arith.select %ge3A_1648, %max3A_287, %add3A_1653 : vector<16xi1>, vector<16xf32>
      %scan3A_1655 = arith.constant 1 : i32
      %broadcast_in_dim3A_1656 = arith.constant 0.000000e+00 : f32
      %broadcast_in_dim3A_1657 = vector.broadcast %broadcast_in_dim3A_1656 : f32 to vector<16xf32>
      %scan3A_1658 = arith.constant 0 : i32
      %scan3A_1659 = arith.constant 0 : i32
      %scan3A_1660 = arith.constant 128 : i32
      %scan3A_1661 = arith.addi %scan3A_1659, %scan3A_1660 : i32
      %scan3A_1662 = arith.constant 1 : i32
      %scan3A_1663:2 = scf.for %scan3A_2162 = %scan3A_1659 to %scan3A_1661 step %scan3A_1662 iter_args(%scan3A_2163 = %scan3A_1658, %scan3A_2164 = %broadcast_in_dim3A_1657) -> (i32, vector<16xf32>)  : i32 {
        %mul3A_2165 = arith.constant 16 : i32
        %mul3A_2166 = arith.muli %scan3A_2162, %mul3A_2165 : i32
        %get3A_2167 = arith.index_cast %mul3A_2166 : i32 to index
        %get3A_2168 = tpu.vector_load %arg8[%get3A_2167] {strides = array<i32>} : memref<2048xf32, #tpu.memory_space<vmem>>, vector<16xf32>,
        %get3A_2169 = vector.shape_cast %get3A_2168 : vector<16xf32> to vector<16xf32>
        %get3A_2170 = arith.index_cast %mul3A_2166 : i32 to index
        %get3A_2171 = tpu.vector_load %arg9[%get3A_2170] {strides = array<i32>} : memref<2048xf32, #tpu.memory_space<vmem>>, vector<16xf32>,
        %get3A_2172 = vector.shape_cast %get3A_2171 : vector<16xf32> to vector<16xf32>
        %sub3A_2173 = arith.subf %get3A_2169, %get3A_2172 : vector<16xf32>
        %ge3A_2174 = arith.cmpf oge, %sub3A_2173, %select_n3A_1654 : vector<16xf32>
        %gt3A = arith.cmpf ogt, %get3A_2169, %add3A_1645 : vector<16xf32>
        %lt3A_2175 = arith.cmpf olt, %sub3A_2173, %select_n3A_1654 : vector<16xf32>
        %and3A = arith.andi %gt3A, %lt3A_2175 : vector<16xi1>
        %jit3A_2176 = arith.constant -3.000000e+38 : f32
        %broadcast_in_dim3A_2177 = vector.broadcast %jit3A_2176 : f32 to vector<16xf32>
        %select_n3A_2178 = arith.select %ge3A_2174, %broadcast_in_dim3A_2177, %get3A_2169 : vector<16xi1>, vector<16xf32>
        %mul3A_2179 = arith.constant 16 : i32
        %mul3A_2180 = arith.muli %scan3A_2163, %mul3A_2179 : i32
        %swap3A_2181 = arith.index_cast %mul3A_2180 : i32 to index
        %swap3A_2182 = tpu.vector_load %arg10[%swap3A_2181] {strides = array<i32>} : memref<2048xf32, #tpu.memory_space<vmem>>, vector<16xf32>,
        %swap3A_2183 = vector.shape_cast %swap3A_2182 : vector<16xf32> to vector<16xf32>
        %swap3A_2184 = vector.shape_cast %select_n3A_2178 : vector<16xf32> to vector<16xf32>
        tpu.vector_store %arg10[%swap3A_2181], %swap3A_2184 {strides = array<i32>} : memref<2048xf32, #tpu.memory_space<vmem>>, vector<16xf32>,
        %jit3A_2185 = arith.constant 0.000000e+00 : f32
        %broadcast_in_dim3A_2186 = vector.broadcast %jit3A_2185 : f32 to vector<16xf32>
        %select_n3A_2187 = arith.select %ge3A_2174, %broadcast_in_dim3A_2186, %get3A_2172 : vector<16xi1>, vector<16xf32>
        %mul3A_2188 = arith.constant 16 : i32
        %mul3A_2189 = arith.muli %scan3A_2163, %mul3A_2188 : i32
        %swap3A_2190 = arith.index_cast %mul3A_2189 : i32 to index
        %swap3A_2191 = tpu.vector_load %arg11[%swap3A_2190] {strides = array<i32>} : memref<2048xf32, #tpu.memory_space<vmem>>, vector<16xf32>,
        %swap3A_2192 = vector.shape_cast %swap3A_2191 : vector<16xf32> to vector<16xf32>
        %swap3A_2193 = vector.shape_cast %select_n3A_2187 : vector<16xf32> to vector<16xf32>
        tpu.vector_store %arg11[%swap3A_2190], %swap3A_2193 {strides = array<i32>} : memref<2048xf32, #tpu.memory_space<vmem>>, vector<16xf32>,
        %jit3A_2194 = arith.constant 0.000000e+00 : f32
        %broadcast_in_dim3A_2195 = vector.broadcast %jit3A_2194 : f32 to vector<16xf32>
        %select_n3A_2196 = arith.select %ge3A_2174, %get3A_2172, %broadcast_in_dim3A_2195 : vector<16xi1>, vector<16xf32>
        %add3A_2197 = arith.addf %scan3A_2164, %select_n3A_2196 : vector<16xf32>
        %jit3A_2198 = arith.constant 1.000000e+00 : f32
        %jit3A_2199 = arith.constant 0.000000e+00 : f32
        %broadcast_in_dim3A_2200 = vector.broadcast %jit3A_2198 : f32 to vector<16xf32>
        %broadcast_in_dim3A_2201 = vector.broadcast %jit3A_2199 : f32 to vector<16xf32>
        %select_n3A_2202 = arith.select %and3A, %broadcast_in_dim3A_2200, %broadcast_in_dim3A_2201 : vector<16xi1>, vector<16xf32>
        %iota3A_2203 = tpu.iota {dimensions = array<i32: 0>} : vector<16xi32>
        %xor3A_2204 = arith.constant 1 : i32
        %xor3A_2205 = vector.broadcast %xor3A_2204 : i32 to vector<16xi32>
        %xor3A_2206 = arith.xori %iota3A_2203, %xor3A_2205 : vector<16xi32>
        %lt3A_2207 = arith.constant 0 : i32
        %lt3A_2208 = vector.broadcast %lt3A_2207 : i32 to vector<16xi32>
        %lt3A_2209 = arith.cmpi slt, %xor3A_2206, %lt3A_2208 : vector<16xi32>
        %add3A_2210 = arith.constant 16 : i32
        %add3A_2211 = vector.broadcast %add3A_2210 : i32 to vector<16xi32>
        %add3A_2212 = arith.addi %xor3A_2206, %add3A_2211 : vector<16xi32>
        %select_n3A_2213 = arith.select %lt3A_2209, %add3A_2212, %xor3A_2206 : vector<16xi1>, vector<16xi32>
        %broadcast_in_dim3A_2214 = vector.shape_cast %select_n3A_2213 : vector<16xi32> to vector<16x1xi32>
        %gather3A_2215 = vector.shape_cast %broadcast_in_dim3A_2214 : vector<16x1xi32> to vector<16xi32>
        %gather3A_2216 = tpu.dynamic_gather %select_n3A_2202[%gather3A_2215] in [0] : vector<16xf32>, vector<16xi32> -> vector<16xf32>
        %max3A_2217 = arith.maximumf %select_n3A_2202, %gather3A_2216 : vector<16xf32>
        %iota3A_2218 = tpu.iota {dimensions = array<i32: 0>} : vector<16xi32>
        %xor3A_2219 = arith.constant 2 : i32
        %xor3A_2220 = vector.broadcast %xor3A_2219 : i32 to vector<16xi32>
        %xor3A_2221 = arith.xori %iota3A_2218, %xor3A_2220 : vector<16xi32>
        %lt3A_2222 = arith.constant 0 : i32
        %lt3A_2223 = vector.broadcast %lt3A_2222 : i32 to vector<16xi32>
        %lt3A_2224 = arith.cmpi slt, %xor3A_2221, %lt3A_2223 : vector<16xi32>
        %add3A_2225 = arith.constant 16 : i32
        %add3A_2226 = vector.broadcast %add3A_2225 : i32 to vector<16xi32>
        %add3A_2227 = arith.addi %xor3A_2221, %add3A_2226 : vector<16xi32>
        %select_n3A_2228 = arith.select %lt3A_2224, %add3A_2227, %xor3A_2221 : vector<16xi1>, vector<16xi32>
        %broadcast_in_dim3A_2229 = vector.shape_cast %select_n3A_2228 : vector<16xi32> to vector<16x1xi32>
        %gather3A_2230 = vector.shape_cast %broadcast_in_dim3A_2229 : vector<16x1xi32> to vector<16xi32>
        %gather3A_2231 = tpu.dynamic_gather %max3A_2217[%gather3A_2230] in [0] : vector<16xf32>, vector<16xi32> -> vector<16xf32>
        %max3A_2232 = arith.maximumf %max3A_2217, %gather3A_2231 : vector<16xf32>
        %iota3A_2233 = tpu.iota {dimensions = array<i32: 0>} : vector<16xi32>
        %xor3A_2234 = arith.constant 4 : i32
        %xor3A_2235 = vector.broadcast %xor3A_2234 : i32 to vector<16xi32>
        %xor3A_2236 = arith.xori %iota3A_2233, %xor3A_2235 : vector<16xi32>
        %lt3A_2237 = arith.constant 0 : i32
        %lt3A_2238 = vector.broadcast %lt3A_2237 : i32 to vector<16xi32>
        %lt3A_2239 = arith.cmpi slt, %xor3A_2236, %lt3A_2238 : vector<16xi32>
        %add3A_2240 = arith.constant 16 : i32
        %add3A_2241 = vector.broadcast %add3A_2240 : i32 to vector<16xi32>
        %add3A_2242 = arith.addi %xor3A_2236, %add3A_2241 : vector<16xi32>
        %select_n3A_2243 = arith.select %lt3A_2239, %add3A_2242, %xor3A_2236 : vector<16xi1>, vector<16xi32>
        %broadcast_in_dim3A_2244 = vector.shape_cast %select_n3A_2243 : vector<16xi32> to vector<16x1xi32>
        %gather3A_2245 = vector.shape_cast %broadcast_in_dim3A_2244 : vector<16x1xi32> to vector<16xi32>
        %gather3A_2246 = tpu.dynamic_gather %max3A_2232[%gather3A_2245] in [0] : vector<16xf32>, vector<16xi32> -> vector<16xf32>
        %max3A_2247 = arith.maximumf %max3A_2232, %gather3A_2246 : vector<16xf32>
        %iota3A_2248 = tpu.iota {dimensions = array<i32: 0>} : vector<16xi32>
        %xor3A_2249 = arith.constant 8 : i32
        %xor3A_2250 = vector.broadcast %xor3A_2249 : i32 to vector<16xi32>
        %xor3A_2251 = arith.xori %iota3A_2248, %xor3A_2250 : vector<16xi32>
        %lt3A_2252 = arith.constant 0 : i32
        %lt3A_2253 = vector.broadcast %lt3A_2252 : i32 to vector<16xi32>
        %lt3A_2254 = arith.cmpi slt, %xor3A_2251, %lt3A_2253 : vector<16xi32>
        %add3A_2255 = arith.constant 16 : i32
        %add3A_2256 = vector.broadcast %add3A_2255 : i32 to vector<16xi32>
        %add3A_2257 = arith.addi %xor3A_2251, %add3A_2256 : vector<16xi32>
        %select_n3A_2258 = arith.select %lt3A_2254, %add3A_2257, %xor3A_2251 : vector<16xi1>, vector<16xi32>
        %broadcast_in_dim3A_2259 = vector.shape_cast %select_n3A_2258 : vector<16xi32> to vector<16x1xi32>
        %gather3A_2260 = vector.shape_cast %broadcast_in_dim3A_2259 : vector<16x1xi32> to vector<16xi32>
        %gather3A_2261 = tpu.dynamic_gather %max3A_2247[%gather3A_2260] in [0] : vector<16xf32>, vector<16xi32> -> vector<16xf32>
        %max3A_2262 = arith.maximumf %max3A_2247, %gather3A_2261 : vector<16xf32>
        %slice3A = vector.extract_strided_slice %max3A_2262 {offsets = [0], sizes = [1], strides = [1]} : vector<16xf32> to vector<1xf32>
        %squeeze3A = vector.extract %slice3A[0] : f32 from vector<1xf32>
        %gt3A_2263 = arith.constant 5.000000e-01 : f32
        %gt3A_2264 = arith.cmpf ogt, %squeeze3A, %gt3A_2263 : f32
        %jit3A_2265 = arith.constant 1 : i32
        %jit3A_2266 = arith.constant 0 : i32
        %select_n3A_2267 = arith.select %gt3A_2264, %jit3A_2265, %jit3A_2266 : i32
        %add3A_2268 = arith.addi %scan3A_2163, %select_n3A_2267 : i32
        scf.yield %add3A_2268, %add3A_2197 : i32, vector<16xf32>
      }
      %scan3A_1664 = arith.constant 128 : i32
      %iota3A_1665 = tpu.iota {dimensions = array<i32: 0>} : vector<16xi32>
      %xor3A_1666 = arith.constant 1 : i32
      %xor3A_1667 = vector.broadcast %xor3A_1666 : i32 to vector<16xi32>
      %xor3A_1668 = arith.xori %iota3A_1665, %xor3A_1667 : vector<16xi32>
      %lt3A_1669 = arith.constant 0 : i32
      %lt3A_1670 = vector.broadcast %lt3A_1669 : i32 to vector<16xi32>
      %lt3A_1671 = arith.cmpi slt, %xor3A_1668, %lt3A_1670 : vector<16xi32>
      %add3A_1672 = arith.constant 16 : i32
      %add3A_1673 = vector.broadcast %add3A_1672 : i32 to vector<16xi32>
      %add3A_1674 = arith.addi %xor3A_1668, %add3A_1673 : vector<16xi32>
      %select_n3A_1675 = arith.select %lt3A_1671, %add3A_1674, %xor3A_1668 : vector<16xi1>, vector<16xi32>
      %broadcast_in_dim3A_1676 = vector.shape_cast %select_n3A_1675 : vector<16xi32> to vector<16x1xi32>
      %gather3A_1677 = vector.shape_cast %broadcast_in_dim3A_1676 : vector<16x1xi32> to vector<16xi32>
      %gather3A_1678 = tpu.dynamic_gather %scan3A_1663#1[%gather3A_1677] in [0] : vector<16xf32>, vector<16xi32> -> vector<16xf32>
      %add3A_1679 = arith.addf %scan3A_1663#1, %gather3A_1678 : vector<16xf32>
      %iota3A_1680 = tpu.iota {dimensions = array<i32: 0>} : vector<16xi32>
      %xor3A_1681 = arith.constant 2 : i32
      %xor3A_1682 = vector.broadcast %xor3A_1681 : i32 to vector<16xi32>
      %xor3A_1683 = arith.xori %iota3A_1680, %xor3A_1682 : vector<16xi32>
      %lt3A_1684 = arith.constant 0 : i32
      %lt3A_1685 = vector.broadcast %lt3A_1684 : i32 to vector<16xi32>
      %lt3A_1686 = arith.cmpi slt, %xor3A_1683, %lt3A_1685 : vector<16xi32>
      %add3A_1687 = arith.constant 16 : i32
      %add3A_1688 = vector.broadcast %add3A_1687 : i32 to vector<16xi32>
      %add3A_1689 = arith.addi %xor3A_1683, %add3A_1688 : vector<16xi32>
      %select_n3A_1690 = arith.select %lt3A_1686, %add3A_1689, %xor3A_1683 : vector<16xi1>, vector<16xi32>
      %broadcast_in_dim3A_1691 = vector.shape_cast %select_n3A_1690 : vector<16xi32> to vector<16x1xi32>
      %gather3A_1692 = vector.shape_cast %broadcast_in_dim3A_1691 : vector<16x1xi32> to vector<16xi32>
      %gather3A_1693 = tpu.dynamic_gather %add3A_1679[%gather3A_1692] in [0] : vector<16xf32>, vector<16xi32> -> vector<16xf32>
      %add3A_1694 = arith.addf %add3A_1679, %gather3A_1693 : vector<16xf32>
      %iota3A_1695 = tpu.iota {dimensions = array<i32: 0>} : vector<16xi32>
      %xor3A_1696 = arith.constant 4 : i32
      %xor3A_1697 = vector.broadcast %xor3A_1696 : i32 to vector<16xi32>
      %xor3A_1698 = arith.xori %iota3A_1695, %xor3A_1697 : vector<16xi32>
      %lt3A_1699 = arith.constant 0 : i32
      %lt3A_1700 = vector.broadcast %lt3A_1699 : i32 to vector<16xi32>
      %lt3A_1701 = arith.cmpi slt, %xor3A_1698, %lt3A_1700 : vector<16xi32>
      %add3A_1702 = arith.constant 16 : i32
      %add3A_1703 = vector.broadcast %add3A_1702 : i32 to vector<16xi32>
      %add3A_1704 = arith.addi %xor3A_1698, %add3A_1703 : vector<16xi32>
      %select_n3A_1705 = arith.select %lt3A_1701, %add3A_1704, %xor3A_1698 : vector<16xi1>, vector<16xi32>
      %broadcast_in_dim3A_1706 = vector.shape_cast %select_n3A_1705 : vector<16xi32> to vector<16x1xi32>
      %gather3A_1707 = vector.shape_cast %broadcast_in_dim3A_1706 : vector<16x1xi32> to vector<16xi32>
      %gather3A_1708 = tpu.dynamic_gather %add3A_1694[%gather3A_1707] in [0] : vector<16xf32>, vector<16xi32> -> vector<16xf32>
      %add3A_1709 = arith.addf %add3A_1694, %gather3A_1708 : vector<16xf32>
      %iota3A_1710 = tpu.iota {dimensions = array<i32: 0>} : vector<16xi32>
      %xor3A_1711 = arith.constant 8 : i32
      %xor3A_1712 = vector.broadcast %xor3A_1711 : i32 to vector<16xi32>
      %xor3A_1713 = arith.xori %iota3A_1710, %xor3A_1712 : vector<16xi32>
      %lt3A_1714 = arith.constant 0 : i32
      %lt3A_1715 = vector.broadcast %lt3A_1714 : i32 to vector<16xi32>
      %lt3A_1716 = arith.cmpi slt, %xor3A_1713, %lt3A_1715 : vector<16xi32>
      %add3A_1717 = arith.constant 16 : i32
      %add3A_1718 = vector.broadcast %add3A_1717 : i32 to vector<16xi32>
      %add3A_1719 = arith.addi %xor3A_1713, %add3A_1718 : vector<16xi32>
      %select_n3A_1720 = arith.select %lt3A_1716, %add3A_1719, %xor3A_1713 : vector<16xi1>, vector<16xi32>
      %broadcast_in_dim3A_1721 = vector.shape_cast %select_n3A_1720 : vector<16xi32> to vector<16x1xi32>
      %gather3A_1722 = vector.shape_cast %broadcast_in_dim3A_1721 : vector<16x1xi32> to vector<16xi32>
      %gather3A_1723 = tpu.dynamic_gather %add3A_1709[%gather3A_1722] in [0] : vector<16xf32>, vector<16xi32> -> vector<16xf32>
      %add3A_1724 = arith.addf %add3A_1709, %gather3A_1723 : vector<16xf32>
      %scan3A_1725 = arith.constant 0 : i32
      %scan3A_1726 = arith.constant 4 : i32
      %scan3A_1727 = arith.addi %scan3A_1725, %scan3A_1726 : i32
      %scan3A_1728 = arith.constant 1 : i32
      %scan3A_1729:2 = scf.for %scan3A_2162 = %scan3A_1725 to %scan3A_1727 step %scan3A_1728 iter_args(%scan3A_2163 = %add3A_1645, %scan3A_2164 = %select_n3A_1654) -> (vector<16xf32>, vector<16xf32>)  : i32 {
        %sub3A_2165 = arith.subf %scan3A_2164, %scan3A_2163 : vector<16xf32>
        %mul3A_2166 = arith.constant 0.0588235296 : f32
        %mul3A_2167 = vector.broadcast %mul3A_2166 : f32 to vector<16xf32>
        %mul3A_2168 = arith.mulf %sub3A_2165, %mul3A_2167 : vector<16xf32>
        %add3A_2169 = arith.constant 1.000000e+00 : f32
        %add3A_2170 = vector.broadcast %add3A_2169 : f32 to vector<16xf32>
        %add3A_2171 = arith.addf %convert_element_type3A_3, %add3A_2170 : vector<16xf32>
        %mul3A_2172 = arith.mulf %add3A_2171, %mul3A_2168 : vector<16xf32>
        %add3A_2173 = arith.addf %scan3A_2163, %mul3A_2172 : vector<16xf32>
        %while3A_2174 = arith.constant 0 : i32
        %while3A_2175 = arith.subi %scan3A_1663#0, %while3A_2174 : i32
        %while3A_2176 = arith.addi %while3A_2174, %while3A_2175 : i32
        %while3A_2177 = arith.constant 1 : i32
        %while3A_2178 = arith.divsi %while3A_2175, %while3A_2177 : i32
        %while3A_2179 = arith.muli %while3A_2178, %while3A_2177 : i32
        %while3A_2180 = arith.addi %while3A_2174, %while3A_2179 : i32
        %while3A_2181 = arith.constant 1 : i32
        %while3A_2182 = scf.for %while3A_2337 = %while3A_2174 to %while3A_2180 step %while3A_2181 iter_args(%while3A_2338 = %add3A_1724) -> (vector<16xf32>)  : i32 {
          %mul3A_2339 = arith.constant 16 : i32
          %mul3A_2340 = arith.muli %while3A_2337, %mul3A_2339 : i32
          %get3A_2341 = arith.index_cast %mul3A_2340 : i32 to index
          %get3A_2342 = tpu.vector_load %arg10[%get3A_2341] {strides = array<i32>} : memref<2048xf32, #tpu.memory_space<vmem>>, vector<16xf32>,
          %get3A_2343 = vector.shape_cast %get3A_2342 : vector<16xf32> to vector<16xf32>
          %get3A_2344 = arith.index_cast %mul3A_2340 : i32 to index
          %get3A_2345 = tpu.vector_load %arg11[%get3A_2344] {strides = array<i32>} : memref<2048xf32, #tpu.memory_space<vmem>>, vector<16xf32>,
          %get3A_2346 = vector.shape_cast %get3A_2345 : vector<16xf32> to vector<16xf32>
          %slice3A = vector.extract_strided_slice %get3A_2343 {offsets = [0], sizes = [1], strides = [1]} : vector<16xf32> to vector<1xf32>
          %squeeze3A = vector.extract %slice3A[0] : f32 from vector<1xf32>
          %slice3A_2347 = vector.extract_strided_slice %get3A_2346 {offsets = [0], sizes = [1], strides = [1]} : vector<16xf32> to vector<1xf32>
          %squeeze3A_2348 = vector.extract %slice3A_2347[0] : f32 from vector<1xf32>
          %sub3A_2349 = vector.broadcast %squeeze3A : f32 to vector<16xf32>
          %sub3A_2350 = arith.subf %sub3A_2349, %add3A_2173 : vector<16xf32>
          %max3A_2351 = arith.constant 0.000000e+00 : f32
          %max3A_2352 = vector.broadcast %max3A_2351 : f32 to vector<16xf32>
          %max3A_2353 = arith.maximumf %sub3A_2350, %max3A_2352 : vector<16xf32>
          %min3A_2354 = vector.broadcast %squeeze3A_2348 : f32 to vector<16xf32>
          %min3A_2355 = arith.minimumf %max3A_2353, %min3A_2354 : vector<16xf32>
          %add3A_2356 = arith.addf %while3A_2338, %min3A_2355 : vector<16xf32>
          %slice3A_2357 = vector.extract_strided_slice %get3A_2343 {offsets = [1], sizes = [1], strides = [1]} : vector<16xf32> to vector<1xf32>
          %squeeze3A_2358 = vector.extract %slice3A_2357[0] : f32 from vector<1xf32>
          %slice3A_2359 = vector.extract_strided_slice %get3A_2346 {offsets = [1], sizes = [1], strides = [1]} : vector<16xf32> to vector<1xf32>
          %squeeze3A_2360 = vector.extract %slice3A_2359[0] : f32 from vector<1xf32>
          %sub3A_2361 = vector.broadcast %squeeze3A_2358 : f32 to vector<16xf32>
          %sub3A_2362 = arith.subf %sub3A_2361, %add3A_2173 : vector<16xf32>
          %max3A_2363 = arith.constant 0.000000e+00 : f32
          %max3A_2364 = vector.broadcast %max3A_2363 : f32 to vector<16xf32>
          %max3A_2365 = arith.maximumf %sub3A_2362, %max3A_2364 : vector<16xf32>
          %min3A_2366 = vector.broadcast %squeeze3A_2360 : f32 to vector<16xf32>
          %min3A_2367 = arith.minimumf %max3A_2365, %min3A_2366 : vector<16xf32>
          %add3A_2368 = arith.addf %add3A_2356, %min3A_2367 : vector<16xf32>
          %slice3A_2369 = vector.extract_strided_slice %get3A_2343 {offsets = [2], sizes = [1], strides = [1]} : vector<16xf32> to vector<1xf32>
          %squeeze3A_2370 = vector.extract %slice3A_2369[0] : f32 from vector<1xf32>
          %slice3A_2371 = vector.extract_strided_slice %get3A_2346 {offsets = [2], sizes = [1], strides = [1]} : vector<16xf32> to vector<1xf32>
          %squeeze3A_2372 = vector.extract %slice3A_2371[0] : f32 from vector<1xf32>
          %sub3A_2373 = vector.broadcast %squeeze3A_2370 : f32 to vector<16xf32>
          %sub3A_2374 = arith.subf %sub3A_2373, %add3A_2173 : vector<16xf32>
          %max3A_2375 = arith.constant 0.000000e+00 : f32
          %max3A_2376 = vector.broadcast %max3A_2375 : f32 to vector<16xf32>
          %max3A_2377 = arith.maximumf %sub3A_2374, %max3A_2376 : vector<16xf32>
          %min3A_2378 = vector.broadcast %squeeze3A_2372 : f32 to vector<16xf32>
          %min3A_2379 = arith.minimumf %max3A_2377, %min3A_2378 : vector<16xf32>
          %add3A_2380 = arith.addf %add3A_2368, %min3A_2379 : vector<16xf32>
          %slice3A_2381 = vector.extract_strided_slice %get3A_2343 {offsets = [3], sizes = [1], strides = [1]} : vector<16xf32> to vector<1xf32>
          %squeeze3A_2382 = vector.extract %slice3A_2381[0] : f32 from vector<1xf32>
          %slice3A_2383 = vector.extract_strided_slice %get3A_2346 {offsets = [3], sizes = [1], strides = [1]} : vector<16xf32> to vector<1xf32>
          %squeeze3A_2384 = vector.extract %slice3A_2383[0] : f32 from vector<1xf32>
          %sub3A_2385 = vector.broadcast %squeeze3A_2382 : f32 to vector<16xf32>
          %sub3A_2386 = arith.subf %sub3A_2385, %add3A_2173 : vector<16xf32>
          %max3A_2387 = arith.constant 0.000000e+00 : f32
          %max3A_2388 = vector.broadcast %max3A_2387 : f32 to vector<16xf32>
          %max3A_2389 = arith.maximumf %sub3A_2386, %max3A_2388 : vector<16xf32>
          %min3A_2390 = vector.broadcast %squeeze3A_2384 : f32 to vector<16xf32>
          %min3A_2391 = arith.minimumf %max3A_2389, %min3A_2390 : vector<16xf32>
          %add3A_2392 = arith.addf %add3A_2380, %min3A_2391 : vector<16xf32>
          %slice3A_2393 = vector.extract_strided_slice %get3A_2343 {offsets = [4], sizes = [1], strides = [1]} : vector<16xf32> to vector<1xf32>
          %squeeze3A_2394 = vector.extract %slice3A_2393[0] : f32 from vector<1xf32>
          %slice3A_2395 = vector.extract_strided_slice %get3A_2346 {offsets = [4], sizes = [1], strides = [1]} : vector<16xf32> to vector<1xf32>
          %squeeze3A_2396 = vector.extract %slice3A_2395[0] : f32 from vector<1xf32>
          %sub3A_2397 = vector.broadcast %squeeze3A_2394 : f32 to vector<16xf32>
          %sub3A_2398 = arith.subf %sub3A_2397, %add3A_2173 : vector<16xf32>
          %max3A_2399 = arith.constant 0.000000e+00 : f32
          %max3A_2400 = vector.broadcast %max3A_2399 : f32 to vector<16xf32>
          %max3A_2401 = arith.maximumf %sub3A_2398, %max3A_2400 : vector<16xf32>
          %min3A_2402 = vector.broadcast %squeeze3A_2396 : f32 to vector<16xf32>
          %min3A_2403 = arith.minimumf %max3A_2401, %min3A_2402 : vector<16xf32>
          %add3A_2404 = arith.addf %add3A_2392, %min3A_2403 : vector<16xf32>
          %slice3A_2405 = vector.extract_strided_slice %get3A_2343 {offsets = [5], sizes = [1], strides = [1]} : vector<16xf32> to vector<1xf32>
          %squeeze3A_2406 = vector.extract %slice3A_2405[0] : f32 from vector<1xf32>
          %slice3A_2407 = vector.extract_strided_slice %get3A_2346 {offsets = [5], sizes = [1], strides = [1]} : vector<16xf32> to vector<1xf32>
          %squeeze3A_2408 = vector.extract %slice3A_2407[0] : f32 from vector<1xf32>
          %sub3A_2409 = vector.broadcast %squeeze3A_2406 : f32 to vector<16xf32>
          %sub3A_2410 = arith.subf %sub3A_2409, %add3A_2173 : vector<16xf32>
          %max3A_2411 = arith.constant 0.000000e+00 : f32
          %max3A_2412 = vector.broadcast %max3A_2411 : f32 to vector<16xf32>
          %max3A_2413 = arith.maximumf %sub3A_2410, %max3A_2412 : vector<16xf32>
          %min3A_2414 = vector.broadcast %squeeze3A_2408 : f32 to vector<16xf32>
          %min3A_2415 = arith.minimumf %max3A_2413, %min3A_2414 : vector<16xf32>
          %add3A_2416 = arith.addf %add3A_2404, %min3A_2415 : vector<16xf32>
          %slice3A_2417 = vector.extract_strided_slice %get3A_2343 {offsets = [6], sizes = [1], strides = [1]} : vector<16xf32> to vector<1xf32>
          %squeeze3A_2418 = vector.extract %slice3A_2417[0] : f32 from vector<1xf32>
          %slice3A_2419 = vector.extract_strided_slice %get3A_2346 {offsets = [6], sizes = [1], strides = [1]} : vector<16xf32> to vector<1xf32>
          %squeeze3A_2420 = vector.extract %slice3A_2419[0] : f32 from vector<1xf32>
          %sub3A_2421 = vector.broadcast %squeeze3A_2418 : f32 to vector<16xf32>
          %sub3A_2422 = arith.subf %sub3A_2421, %add3A_2173 : vector<16xf32>
          %max3A_2423 = arith.constant 0.000000e+00 : f32
          %max3A_2424 = vector.broadcast %max3A_2423 : f32 to vector<16xf32>
          %max3A_2425 = arith.maximumf %sub3A_2422, %max3A_2424 : vector<16xf32>
          %min3A_2426 = vector.broadcast %squeeze3A_2420 : f32 to vector<16xf32>
          %min3A_2427 = arith.minimumf %max3A_2425, %min3A_2426 : vector<16xf32>
          %add3A_2428 = arith.addf %add3A_2416, %min3A_2427 : vector<16xf32>
          %slice3A_2429 = vector.extract_strided_slice %get3A_2343 {offsets = [7], sizes = [1], strides = [1]} : vector<16xf32> to vector<1xf32>
          %squeeze3A_2430 = vector.extract %slice3A_2429[0] : f32 from vector<1xf32>
          %slice3A_2431 = vector.extract_strided_slice %get3A_2346 {offsets = [7], sizes = [1], strides = [1]} : vector<16xf32> to vector<1xf32>
          %squeeze3A_2432 = vector.extract %slice3A_2431[0] : f32 from vector<1xf32>
          %sub3A_2433 = vector.broadcast %squeeze3A_2430 : f32 to vector<16xf32>
          %sub3A_2434 = arith.subf %sub3A_2433, %add3A_2173 : vector<16xf32>
          %max3A_2435 = arith.constant 0.000000e+00 : f32
          %max3A_2436 = vector.broadcast %max3A_2435 : f32 to vector<16xf32>
          %max3A_2437 = arith.maximumf %sub3A_2434, %max3A_2436 : vector<16xf32>
          %min3A_2438 = vector.broadcast %squeeze3A_2432 : f32 to vector<16xf32>
          %min3A_2439 = arith.minimumf %max3A_2437, %min3A_2438 : vector<16xf32>
          %add3A_2440 = arith.addf %add3A_2428, %min3A_2439 : vector<16xf32>
          %slice3A_2441 = vector.extract_strided_slice %get3A_2343 {offsets = [8], sizes = [1], strides = [1]} : vector<16xf32> to vector<1xf32>
          %squeeze3A_2442 = vector.extract %slice3A_2441[0] : f32 from vector<1xf32>
          %slice3A_2443 = vector.extract_strided_slice %get3A_2346 {offsets = [8], sizes = [1], strides = [1]} : vector<16xf32> to vector<1xf32>
          %squeeze3A_2444 = vector.extract %slice3A_2443[0] : f32 from vector<1xf32>
          %sub3A_2445 = vector.broadcast %squeeze3A_2442 : f32 to vector<16xf32>
          %sub3A_2446 = arith.subf %sub3A_2445, %add3A_2173 : vector<16xf32>
          %max3A_2447 = arith.constant 0.000000e+00 : f32
          %max3A_2448 = vector.broadcast %max3A_2447 : f32 to vector<16xf32>
          %max3A_2449 = arith.maximumf %sub3A_2446, %max3A_2448 : vector<16xf32>
          %min3A_2450 = vector.broadcast %squeeze3A_2444 : f32 to vector<16xf32>
          %min3A_2451 = arith.minimumf %max3A_2449, %min3A_2450 : vector<16xf32>
          %add3A_2452 = arith.addf %add3A_2440, %min3A_2451 : vector<16xf32>
          %slice3A_2453 = vector.extract_strided_slice %get3A_2343 {offsets = [9], sizes = [1], strides = [1]} : vector<16xf32> to vector<1xf32>
          %squeeze3A_2454 = vector.extract %slice3A_2453[0] : f32 from vector<1xf32>
          %slice3A_2455 = vector.extract_strided_slice %get3A_2346 {offsets = [9], sizes = [1], strides = [1]} : vector<16xf32> to vector<1xf32>
          %squeeze3A_2456 = vector.extract %slice3A_2455[0] : f32 from vector<1xf32>
          %sub3A_2457 = vector.broadcast %squeeze3A_2454 : f32 to vector<16xf32>
          %sub3A_2458 = arith.subf %sub3A_2457, %add3A_2173 : vector<16xf32>
          %max3A_2459 = arith.constant 0.000000e+00 : f32
          %max3A_2460 = vector.broadcast %max3A_2459 : f32 to vector<16xf32>
          %max3A_2461 = arith.maximumf %sub3A_2458, %max3A_2460 : vector<16xf32>
          %min3A_2462 = vector.broadcast %squeeze3A_2456 : f32 to vector<16xf32>
          %min3A_2463 = arith.minimumf %max3A_2461, %min3A_2462 : vector<16xf32>
          %add3A_2464 = arith.addf %add3A_2452, %min3A_2463 : vector<16xf32>
          %slice3A_2465 = vector.extract_strided_slice %get3A_2343 {offsets = [10], sizes = [1], strides = [1]} : vector<16xf32> to vector<1xf32>
          %squeeze3A_2466 = vector.extract %slice3A_2465[0] : f32 from vector<1xf32>
          %slice3A_2467 = vector.extract_strided_slice %get3A_2346 {offsets = [10], sizes = [1], strides = [1]} : vector<16xf32> to vector<1xf32>
          %squeeze3A_2468 = vector.extract %slice3A_2467[0] : f32 from vector<1xf32>
          %sub3A_2469 = vector.broadcast %squeeze3A_2466 : f32 to vector<16xf32>
          %sub3A_2470 = arith.subf %sub3A_2469, %add3A_2173 : vector<16xf32>
          %max3A_2471 = arith.constant 0.000000e+00 : f32
          %max3A_2472 = vector.broadcast %max3A_2471 : f32 to vector<16xf32>
          %max3A_2473 = arith.maximumf %sub3A_2470, %max3A_2472 : vector<16xf32>
          %min3A_2474 = vector.broadcast %squeeze3A_2468 : f32 to vector<16xf32>
          %min3A_2475 = arith.minimumf %max3A_2473, %min3A_2474 : vector<16xf32>
          %add3A_2476 = arith.addf %add3A_2464, %min3A_2475 : vector<16xf32>
          %slice3A_2477 = vector.extract_strided_slice %get3A_2343 {offsets = [11], sizes = [1], strides = [1]} : vector<16xf32> to vector<1xf32>
          %squeeze3A_2478 = vector.extract %slice3A_2477[0] : f32 from vector<1xf32>
          %slice3A_2479 = vector.extract_strided_slice %get3A_2346 {offsets = [11], sizes = [1], strides = [1]} : vector<16xf32> to vector<1xf32>
          %squeeze3A_2480 = vector.extract %slice3A_2479[0] : f32 from vector<1xf32>
          %sub3A_2481 = vector.broadcast %squeeze3A_2478 : f32 to vector<16xf32>
          %sub3A_2482 = arith.subf %sub3A_2481, %add3A_2173 : vector<16xf32>
          %max3A_2483 = arith.constant 0.000000e+00 : f32
          %max3A_2484 = vector.broadcast %max3A_2483 : f32 to vector<16xf32>
          %max3A_2485 = arith.maximumf %sub3A_2482, %max3A_2484 : vector<16xf32>
          %min3A_2486 = vector.broadcast %squeeze3A_2480 : f32 to vector<16xf32>
          %min3A_2487 = arith.minimumf %max3A_2485, %min3A_2486 : vector<16xf32>
          %add3A_2488 = arith.addf %add3A_2476, %min3A_2487 : vector<16xf32>
          %slice3A_2489 = vector.extract_strided_slice %get3A_2343 {offsets = [12], sizes = [1], strides = [1]} : vector<16xf32> to vector<1xf32>
          %squeeze3A_2490 = vector.extract %slice3A_2489[0] : f32 from vector<1xf32>
          %slice3A_2491 = vector.extract_strided_slice %get3A_2346 {offsets = [12], sizes = [1], strides = [1]} : vector<16xf32> to vector<1xf32>
          %squeeze3A_2492 = vector.extract %slice3A_2491[0] : f32 from vector<1xf32>
          %sub3A_2493 = vector.broadcast %squeeze3A_2490 : f32 to vector<16xf32>
          %sub3A_2494 = arith.subf %sub3A_2493, %add3A_2173 : vector<16xf32>
          %max3A_2495 = arith.constant 0.000000e+00 : f32
          %max3A_2496 = vector.broadcast %max3A_2495 : f32 to vector<16xf32>
          %max3A_2497 = arith.maximumf %sub3A_2494, %max3A_2496 : vector<16xf32>
          %min3A_2498 = vector.broadcast %squeeze3A_2492 : f32 to vector<16xf32>
          %min3A_2499 = arith.minimumf %max3A_2497, %min3A_2498 : vector<16xf32>
          %add3A_2500 = arith.addf %add3A_2488, %min3A_2499 : vector<16xf32>
          %slice3A_2501 = vector.extract_strided_slice %get3A_2343 {offsets = [13], sizes = [1], strides = [1]} : vector<16xf32> to vector<1xf32>
          %squeeze3A_2502 = vector.extract %slice3A_2501[0] : f32 from vector<1xf32>
          %slice3A_2503 = vector.extract_strided_slice %get3A_2346 {offsets = [13], sizes = [1], strides = [1]} : vector<16xf32> to vector<1xf32>
          %squeeze3A_2504 = vector.extract %slice3A_2503[0] : f32 from vector<1xf32>
          %sub3A_2505 = vector.broadcast %squeeze3A_2502 : f32 to vector<16xf32>
          %sub3A_2506 = arith.subf %sub3A_2505, %add3A_2173 : vector<16xf32>
          %max3A_2507 = arith.constant 0.000000e+00 : f32
          %max3A_2508 = vector.broadcast %max3A_2507 : f32 to vector<16xf32>
          %max3A_2509 = arith.maximumf %sub3A_2506, %max3A_2508 : vector<16xf32>
          %min3A_2510 = vector.broadcast %squeeze3A_2504 : f32 to vector<16xf32>
          %min3A_2511 = arith.minimumf %max3A_2509, %min3A_2510 : vector<16xf32>
          %add3A_2512 = arith.addf %add3A_2500, %min3A_2511 : vector<16xf32>
          %slice3A_2513 = vector.extract_strided_slice %get3A_2343 {offsets = [14], sizes = [1], strides = [1]} : vector<16xf32> to vector<1xf32>
          %squeeze3A_2514 = vector.extract %slice3A_2513[0] : f32 from vector<1xf32>
          %slice3A_2515 = vector.extract_strided_slice %get3A_2346 {offsets = [14], sizes = [1], strides = [1]} : vector<16xf32> to vector<1xf32>
          %squeeze3A_2516 = vector.extract %slice3A_2515[0] : f32 from vector<1xf32>
          %sub3A_2517 = vector.broadcast %squeeze3A_2514 : f32 to vector<16xf32>
          %sub3A_2518 = arith.subf %sub3A_2517, %add3A_2173 : vector<16xf32>
          %max3A_2519 = arith.constant 0.000000e+00 : f32
          %max3A_2520 = vector.broadcast %max3A_2519 : f32 to vector<16xf32>
          %max3A_2521 = arith.maximumf %sub3A_2518, %max3A_2520 : vector<16xf32>
          %min3A_2522 = vector.broadcast %squeeze3A_2516 : f32 to vector<16xf32>
          %min3A_2523 = arith.minimumf %max3A_2521, %min3A_2522 : vector<16xf32>
          %add3A_2524 = arith.addf %add3A_2512, %min3A_2523 : vector<16xf32>
          %slice3A_2525 = vector.extract_strided_slice %get3A_2343 {offsets = [15], sizes = [1], strides = [1]} : vector<16xf32> to vector<1xf32>
          %squeeze3A_2526 = vector.extract %slice3A_2525[0] : f32 from vector<1xf32>
          %slice3A_2527 = vector.extract_strided_slice %get3A_2346 {offsets = [15], sizes = [1], strides = [1]} : vector<16xf32> to vector<1xf32>
          %squeeze3A_2528 = vector.extract %slice3A_2527[0] : f32 from vector<1xf32>
          %sub3A_2529 = vector.broadcast %squeeze3A_2526 : f32 to vector<16xf32>
          %sub3A_2530 = arith.subf %sub3A_2529, %add3A_2173 : vector<16xf32>
          %max3A_2531 = arith.constant 0.000000e+00 : f32
          %max3A_2532 = vector.broadcast %max3A_2531 : f32 to vector<16xf32>
          %max3A_2533 = arith.maximumf %sub3A_2530, %max3A_2532 : vector<16xf32>
          %min3A_2534 = vector.broadcast %squeeze3A_2528 : f32 to vector<16xf32>
          %min3A_2535 = arith.minimumf %max3A_2533, %min3A_2534 : vector<16xf32>
          %add3A_2536 = arith.addf %add3A_2524, %min3A_2535 : vector<16xf32>
          scf.yield %add3A_2536 : vector<16xf32>
        }
        %while3A_2183 = arith.constant 1 : i32
        %while3A_2184 = scf.for %while3A_2337 = %while3A_2180 to %while3A_2176 step %while3A_2183 iter_args(%while3A_2338 = %while3A_2182) -> (vector<16xf32>)  : i32 {
          %mul3A_2339 = arith.constant 16 : i32
          %mul3A_2340 = arith.muli %while3A_2337, %mul3A_2339 : i32
          %get3A_2341 = arith.index_cast %mul3A_2340 : i32 to index
          %get3A_2342 = tpu.vector_load %arg10[%get3A_2341] {strides = array<i32>} : memref<2048xf32, #tpu.memory_space<vmem>>, vector<16xf32>,
          %get3A_2343 = vector.shape_cast %get3A_2342 : vector<16xf32> to vector<16xf32>
          %get3A_2344 = arith.index_cast %mul3A_2340 : i32 to index
          %get3A_2345 = tpu.vector_load %arg11[%get3A_2344] {strides = array<i32>} : memref<2048xf32, #tpu.memory_space<vmem>>, vector<16xf32>,
          %get3A_2346 = vector.shape_cast %get3A_2345 : vector<16xf32> to vector<16xf32>
          %slice3A = vector.extract_strided_slice %get3A_2343 {offsets = [0], sizes = [1], strides = [1]} : vector<16xf32> to vector<1xf32>
          %squeeze3A = vector.extract %slice3A[0] : f32 from vector<1xf32>
          %slice3A_2347 = vector.extract_strided_slice %get3A_2346 {offsets = [0], sizes = [1], strides = [1]} : vector<16xf32> to vector<1xf32>
          %squeeze3A_2348 = vector.extract %slice3A_2347[0] : f32 from vector<1xf32>
          %sub3A_2349 = vector.broadcast %squeeze3A : f32 to vector<16xf32>
          %sub3A_2350 = arith.subf %sub3A_2349, %add3A_2173 : vector<16xf32>
          %max3A_2351 = arith.constant 0.000000e+00 : f32
          %max3A_2352 = vector.broadcast %max3A_2351 : f32 to vector<16xf32>
          %max3A_2353 = arith.maximumf %sub3A_2350, %max3A_2352 : vector<16xf32>
          %min3A_2354 = vector.broadcast %squeeze3A_2348 : f32 to vector<16xf32>
          %min3A_2355 = arith.minimumf %max3A_2353, %min3A_2354 : vector<16xf32>
          %add3A_2356 = arith.addf %while3A_2338, %min3A_2355 : vector<16xf32>
          %slice3A_2357 = vector.extract_strided_slice %get3A_2343 {offsets = [1], sizes = [1], strides = [1]} : vector<16xf32> to vector<1xf32>
          %squeeze3A_2358 = vector.extract %slice3A_2357[0] : f32 from vector<1xf32>
          %slice3A_2359 = vector.extract_strided_slice %get3A_2346 {offsets = [1], sizes = [1], strides = [1]} : vector<16xf32> to vector<1xf32>
          %squeeze3A_2360 = vector.extract %slice3A_2359[0] : f32 from vector<1xf32>
          %sub3A_2361 = vector.broadcast %squeeze3A_2358 : f32 to vector<16xf32>
          %sub3A_2362 = arith.subf %sub3A_2361, %add3A_2173 : vector<16xf32>
          %max3A_2363 = arith.constant 0.000000e+00 : f32
          %max3A_2364 = vector.broadcast %max3A_2363 : f32 to vector<16xf32>
          %max3A_2365 = arith.maximumf %sub3A_2362, %max3A_2364 : vector<16xf32>
          %min3A_2366 = vector.broadcast %squeeze3A_2360 : f32 to vector<16xf32>
          %min3A_2367 = arith.minimumf %max3A_2365, %min3A_2366 : vector<16xf32>
          %add3A_2368 = arith.addf %add3A_2356, %min3A_2367 : vector<16xf32>
          %slice3A_2369 = vector.extract_strided_slice %get3A_2343 {offsets = [2], sizes = [1], strides = [1]} : vector<16xf32> to vector<1xf32>
          %squeeze3A_2370 = vector.extract %slice3A_2369[0] : f32 from vector<1xf32>
          %slice3A_2371 = vector.extract_strided_slice %get3A_2346 {offsets = [2], sizes = [1], strides = [1]} : vector<16xf32> to vector<1xf32>
          %squeeze3A_2372 = vector.extract %slice3A_2371[0] : f32 from vector<1xf32>
          %sub3A_2373 = vector.broadcast %squeeze3A_2370 : f32 to vector<16xf32>
          %sub3A_2374 = arith.subf %sub3A_2373, %add3A_2173 : vector<16xf32>
          %max3A_2375 = arith.constant 0.000000e+00 : f32
          %max3A_2376 = vector.broadcast %max3A_2375 : f32 to vector<16xf32>
          %max3A_2377 = arith.maximumf %sub3A_2374, %max3A_2376 : vector<16xf32>
          %min3A_2378 = vector.broadcast %squeeze3A_2372 : f32 to vector<16xf32>
          %min3A_2379 = arith.minimumf %max3A_2377, %min3A_2378 : vector<16xf32>
          %add3A_2380 = arith.addf %add3A_2368, %min3A_2379 : vector<16xf32>
          %slice3A_2381 = vector.extract_strided_slice %get3A_2343 {offsets = [3], sizes = [1], strides = [1]} : vector<16xf32> to vector<1xf32>
          %squeeze3A_2382 = vector.extract %slice3A_2381[0] : f32 from vector<1xf32>
          %slice3A_2383 = vector.extract_strided_slice %get3A_2346 {offsets = [3], sizes = [1], strides = [1]} : vector<16xf32> to vector<1xf32>
          %squeeze3A_2384 = vector.extract %slice3A_2383[0] : f32 from vector<1xf32>
          %sub3A_2385 = vector.broadcast %squeeze3A_2382 : f32 to vector<16xf32>
          %sub3A_2386 = arith.subf %sub3A_2385, %add3A_2173 : vector<16xf32>
          %max3A_2387 = arith.constant 0.000000e+00 : f32
          %max3A_2388 = vector.broadcast %max3A_2387 : f32 to vector<16xf32>
          %max3A_2389 = arith.maximumf %sub3A_2386, %max3A_2388 : vector<16xf32>
          %min3A_2390 = vector.broadcast %squeeze3A_2384 : f32 to vector<16xf32>
          %min3A_2391 = arith.minimumf %max3A_2389, %min3A_2390 : vector<16xf32>
          %add3A_2392 = arith.addf %add3A_2380, %min3A_2391 : vector<16xf32>
          %slice3A_2393 = vector.extract_strided_slice %get3A_2343 {offsets = [4], sizes = [1], strides = [1]} : vector<16xf32> to vector<1xf32>
          %squeeze3A_2394 = vector.extract %slice3A_2393[0] : f32 from vector<1xf32>
          %slice3A_2395 = vector.extract_strided_slice %get3A_2346 {offsets = [4], sizes = [1], strides = [1]} : vector<16xf32> to vector<1xf32>
          %squeeze3A_2396 = vector.extract %slice3A_2395[0] : f32 from vector<1xf32>
          %sub3A_2397 = vector.broadcast %squeeze3A_2394 : f32 to vector<16xf32>
          %sub3A_2398 = arith.subf %sub3A_2397, %add3A_2173 : vector<16xf32>
          %max3A_2399 = arith.constant 0.000000e+00 : f32
          %max3A_2400 = vector.broadcast %max3A_2399 : f32 to vector<16xf32>
          %max3A_2401 = arith.maximumf %sub3A_2398, %max3A_2400 : vector<16xf32>
          %min3A_2402 = vector.broadcast %squeeze3A_2396 : f32 to vector<16xf32>
          %min3A_2403 = arith.minimumf %max3A_2401, %min3A_2402 : vector<16xf32>
          %add3A_2404 = arith.addf %add3A_2392, %min3A_2403 : vector<16xf32>
          %slice3A_2405 = vector.extract_strided_slice %get3A_2343 {offsets = [5], sizes = [1], strides = [1]} : vector<16xf32> to vector<1xf32>
          %squeeze3A_2406 = vector.extract %slice3A_2405[0] : f32 from vector<1xf32>
          %slice3A_2407 = vector.extract_strided_slice %get3A_2346 {offsets = [5], sizes = [1], strides = [1]} : vector<16xf32> to vector<1xf32>
          %squeeze3A_2408 = vector.extract %slice3A_2407[0] : f32 from vector<1xf32>
          %sub3A_2409 = vector.broadcast %squeeze3A_2406 : f32 to vector<16xf32>
          %sub3A_2410 = arith.subf %sub3A_2409, %add3A_2173 : vector<16xf32>
          %max3A_2411 = arith.constant 0.000000e+00 : f32
          %max3A_2412 = vector.broadcast %max3A_2411 : f32 to vector<16xf32>
          %max3A_2413 = arith.maximumf %sub3A_2410, %max3A_2412 : vector<16xf32>
          %min3A_2414 = vector.broadcast %squeeze3A_2408 : f32 to vector<16xf32>
          %min3A_2415 = arith.minimumf %max3A_2413, %min3A_2414 : vector<16xf32>
          %add3A_2416 = arith.addf %add3A_2404, %min3A_2415 : vector<16xf32>
          %slice3A_2417 = vector.extract_strided_slice %get3A_2343 {offsets = [6], sizes = [1], strides = [1]} : vector<16xf32> to vector<1xf32>
          %squeeze3A_2418 = vector.extract %slice3A_2417[0] : f32 from vector<1xf32>
          %slice3A_2419 = vector.extract_strided_slice %get3A_2346 {offsets = [6], sizes = [1], strides = [1]} : vector<16xf32> to vector<1xf32>
          %squeeze3A_2420 = vector.extract %slice3A_2419[0] : f32 from vector<1xf32>
          %sub3A_2421 = vector.broadcast %squeeze3A_2418 : f32 to vector<16xf32>
          %sub3A_2422 = arith.subf %sub3A_2421, %add3A_2173 : vector<16xf32>
          %max3A_2423 = arith.constant 0.000000e+00 : f32
          %max3A_2424 = vector.broadcast %max3A_2423 : f32 to vector<16xf32>
          %max3A_2425 = arith.maximumf %sub3A_2422, %max3A_2424 : vector<16xf32>
          %min3A_2426 = vector.broadcast %squeeze3A_2420 : f32 to vector<16xf32>
          %min3A_2427 = arith.minimumf %max3A_2425, %min3A_2426 : vector<16xf32>
          %add3A_2428 = arith.addf %add3A_2416, %min3A_2427 : vector<16xf32>
          %slice3A_2429 = vector.extract_strided_slice %get3A_2343 {offsets = [7], sizes = [1], strides = [1]} : vector<16xf32> to vector<1xf32>
          %squeeze3A_2430 = vector.extract %slice3A_2429[0] : f32 from vector<1xf32>
          %slice3A_2431 = vector.extract_strided_slice %get3A_2346 {offsets = [7], sizes = [1], strides = [1]} : vector<16xf32> to vector<1xf32>
          %squeeze3A_2432 = vector.extract %slice3A_2431[0] : f32 from vector<1xf32>
          %sub3A_2433 = vector.broadcast %squeeze3A_2430 : f32 to vector<16xf32>
          %sub3A_2434 = arith.subf %sub3A_2433, %add3A_2173 : vector<16xf32>
          %max3A_2435 = arith.constant 0.000000e+00 : f32
          %max3A_2436 = vector.broadcast %max3A_2435 : f32 to vector<16xf32>
          %max3A_2437 = arith.maximumf %sub3A_2434, %max3A_2436 : vector<16xf32>
          %min3A_2438 = vector.broadcast %squeeze3A_2432 : f32 to vector<16xf32>
          %min3A_2439 = arith.minimumf %max3A_2437, %min3A_2438 : vector<16xf32>
          %add3A_2440 = arith.addf %add3A_2428, %min3A_2439 : vector<16xf32>
          %slice3A_2441 = vector.extract_strided_slice %get3A_2343 {offsets = [8], sizes = [1], strides = [1]} : vector<16xf32> to vector<1xf32>
          %squeeze3A_2442 = vector.extract %slice3A_2441[0] : f32 from vector<1xf32>
          %slice3A_2443 = vector.extract_strided_slice %get3A_2346 {offsets = [8], sizes = [1], strides = [1]} : vector<16xf32> to vector<1xf32>
          %squeeze3A_2444 = vector.extract %slice3A_2443[0] : f32 from vector<1xf32>
          %sub3A_2445 = vector.broadcast %squeeze3A_2442 : f32 to vector<16xf32>
          %sub3A_2446 = arith.subf %sub3A_2445, %add3A_2173 : vector<16xf32>
          %max3A_2447 = arith.constant 0.000000e+00 : f32
          %max3A_2448 = vector.broadcast %max3A_2447 : f32 to vector<16xf32>
          %max3A_2449 = arith.maximumf %sub3A_2446, %max3A_2448 : vector<16xf32>
          %min3A_2450 = vector.broadcast %squeeze3A_2444 : f32 to vector<16xf32>
          %min3A_2451 = arith.minimumf %max3A_2449, %min3A_2450 : vector<16xf32>
          %add3A_2452 = arith.addf %add3A_2440, %min3A_2451 : vector<16xf32>
          %slice3A_2453 = vector.extract_strided_slice %get3A_2343 {offsets = [9], sizes = [1], strides = [1]} : vector<16xf32> to vector<1xf32>
          %squeeze3A_2454 = vector.extract %slice3A_2453[0] : f32 from vector<1xf32>
          %slice3A_2455 = vector.extract_strided_slice %get3A_2346 {offsets = [9], sizes = [1], strides = [1]} : vector<16xf32> to vector<1xf32>
          %squeeze3A_2456 = vector.extract %slice3A_2455[0] : f32 from vector<1xf32>
          %sub3A_2457 = vector.broadcast %squeeze3A_2454 : f32 to vector<16xf32>
          %sub3A_2458 = arith.subf %sub3A_2457, %add3A_2173 : vector<16xf32>
          %max3A_2459 = arith.constant 0.000000e+00 : f32
          %max3A_2460 = vector.broadcast %max3A_2459 : f32 to vector<16xf32>
          %max3A_2461 = arith.maximumf %sub3A_2458, %max3A_2460 : vector<16xf32>
          %min3A_2462 = vector.broadcast %squeeze3A_2456 : f32 to vector<16xf32>
          %min3A_2463 = arith.minimumf %max3A_2461, %min3A_2462 : vector<16xf32>
          %add3A_2464 = arith.addf %add3A_2452, %min3A_2463 : vector<16xf32>
          %slice3A_2465 = vector.extract_strided_slice %get3A_2343 {offsets = [10], sizes = [1], strides = [1]} : vector<16xf32> to vector<1xf32>
          %squeeze3A_2466 = vector.extract %slice3A_2465[0] : f32 from vector<1xf32>
          %slice3A_2467 = vector.extract_strided_slice %get3A_2346 {offsets = [10], sizes = [1], strides = [1]} : vector<16xf32> to vector<1xf32>
          %squeeze3A_2468 = vector.extract %slice3A_2467[0] : f32 from vector<1xf32>
          %sub3A_2469 = vector.broadcast %squeeze3A_2466 : f32 to vector<16xf32>
          %sub3A_2470 = arith.subf %sub3A_2469, %add3A_2173 : vector<16xf32>
          %max3A_2471 = arith.constant 0.000000e+00 : f32
          %max3A_2472 = vector.broadcast %max3A_2471 : f32 to vector<16xf32>
          %max3A_2473 = arith.maximumf %sub3A_2470, %max3A_2472 : vector<16xf32>
          %min3A_2474 = vector.broadcast %squeeze3A_2468 : f32 to vector<16xf32>
          %min3A_2475 = arith.minimumf %max3A_2473, %min3A_2474 : vector<16xf32>
          %add3A_2476 = arith.addf %add3A_2464, %min3A_2475 : vector<16xf32>
          %slice3A_2477 = vector.extract_strided_slice %get3A_2343 {offsets = [11], sizes = [1], strides = [1]} : vector<16xf32> to vector<1xf32>
          %squeeze3A_2478 = vector.extract %slice3A_2477[0] : f32 from vector<1xf32>
          %slice3A_2479 = vector.extract_strided_slice %get3A_2346 {offsets = [11], sizes = [1], strides = [1]} : vector<16xf32> to vector<1xf32>
          %squeeze3A_2480 = vector.extract %slice3A_2479[0] : f32 from vector<1xf32>
          %sub3A_2481 = vector.broadcast %squeeze3A_2478 : f32 to vector<16xf32>
          %sub3A_2482 = arith.subf %sub3A_2481, %add3A_2173 : vector<16xf32>
          %max3A_2483 = arith.constant 0.000000e+00 : f32
          %max3A_2484 = vector.broadcast %max3A_2483 : f32 to vector<16xf32>
          %max3A_2485 = arith.maximumf %sub3A_2482, %max3A_2484 : vector<16xf32>
          %min3A_2486 = vector.broadcast %squeeze3A_2480 : f32 to vector<16xf32>
          %min3A_2487 = arith.minimumf %max3A_2485, %min3A_2486 : vector<16xf32>
          %add3A_2488 = arith.addf %add3A_2476, %min3A_2487 : vector<16xf32>
          %slice3A_2489 = vector.extract_strided_slice %get3A_2343 {offsets = [12], sizes = [1], strides = [1]} : vector<16xf32> to vector<1xf32>
          %squeeze3A_2490 = vector.extract %slice3A_2489[0] : f32 from vector<1xf32>
          %slice3A_2491 = vector.extract_strided_slice %get3A_2346 {offsets = [12], sizes = [1], strides = [1]} : vector<16xf32> to vector<1xf32>
          %squeeze3A_2492 = vector.extract %slice3A_2491[0] : f32 from vector<1xf32>
          %sub3A_2493 = vector.broadcast %squeeze3A_2490 : f32 to vector<16xf32>
          %sub3A_2494 = arith.subf %sub3A_2493, %add3A_2173 : vector<16xf32>
          %max3A_2495 = arith.constant 0.000000e+00 : f32
          %max3A_2496 = vector.broadcast %max3A_2495 : f32 to vector<16xf32>
          %max3A_2497 = arith.maximumf %sub3A_2494, %max3A_2496 : vector<16xf32>
          %min3A_2498 = vector.broadcast %squeeze3A_2492 : f32 to vector<16xf32>
          %min3A_2499 = arith.minimumf %max3A_2497, %min3A_2498 : vector<16xf32>
          %add3A_2500 = arith.addf %add3A_2488, %min3A_2499 : vector<16xf32>
          %slice3A_2501 = vector.extract_strided_slice %get3A_2343 {offsets = [13], sizes = [1], strides = [1]} : vector<16xf32> to vector<1xf32>
          %squeeze3A_2502 = vector.extract %slice3A_2501[0] : f32 from vector<1xf32>
          %slice3A_2503 = vector.extract_strided_slice %get3A_2346 {offsets = [13], sizes = [1], strides = [1]} : vector<16xf32> to vector<1xf32>
          %squeeze3A_2504 = vector.extract %slice3A_2503[0] : f32 from vector<1xf32>
          %sub3A_2505 = vector.broadcast %squeeze3A_2502 : f32 to vector<16xf32>
          %sub3A_2506 = arith.subf %sub3A_2505, %add3A_2173 : vector<16xf32>
          %max3A_2507 = arith.constant 0.000000e+00 : f32
          %max3A_2508 = vector.broadcast %max3A_2507 : f32 to vector<16xf32>
          %max3A_2509 = arith.maximumf %sub3A_2506, %max3A_2508 : vector<16xf32>
          %min3A_2510 = vector.broadcast %squeeze3A_2504 : f32 to vector<16xf32>
          %min3A_2511 = arith.minimumf %max3A_2509, %min3A_2510 : vector<16xf32>
          %add3A_2512 = arith.addf %add3A_2500, %min3A_2511 : vector<16xf32>
          %slice3A_2513 = vector.extract_strided_slice %get3A_2343 {offsets = [14], sizes = [1], strides = [1]} : vector<16xf32> to vector<1xf32>
          %squeeze3A_2514 = vector.extract %slice3A_2513[0] : f32 from vector<1xf32>
          %slice3A_2515 = vector.extract_strided_slice %get3A_2346 {offsets = [14], sizes = [1], strides = [1]} : vector<16xf32> to vector<1xf32>
          %squeeze3A_2516 = vector.extract %slice3A_2515[0] : f32 from vector<1xf32>
          %sub3A_2517 = vector.broadcast %squeeze3A_2514 : f32 to vector<16xf32>
          %sub3A_2518 = arith.subf %sub3A_2517, %add3A_2173 : vector<16xf32>
          %max3A_2519 = arith.constant 0.000000e+00 : f32
          %max3A_2520 = vector.broadcast %max3A_2519 : f32 to vector<16xf32>
          %max3A_2521 = arith.maximumf %sub3A_2518, %max3A_2520 : vector<16xf32>
          %min3A_2522 = vector.broadcast %squeeze3A_2516 : f32 to vector<16xf32>
          %min3A_2523 = arith.minimumf %max3A_2521, %min3A_2522 : vector<16xf32>
          %add3A_2524 = arith.addf %add3A_2512, %min3A_2523 : vector<16xf32>
          %slice3A_2525 = vector.extract_strided_slice %get3A_2343 {offsets = [15], sizes = [1], strides = [1]} : vector<16xf32> to vector<1xf32>
          %squeeze3A_2526 = vector.extract %slice3A_2525[0] : f32 from vector<1xf32>
          %slice3A_2527 = vector.extract_strided_slice %get3A_2346 {offsets = [15], sizes = [1], strides = [1]} : vector<16xf32> to vector<1xf32>
          %squeeze3A_2528 = vector.extract %slice3A_2527[0] : f32 from vector<1xf32>
          %sub3A_2529 = vector.broadcast %squeeze3A_2526 : f32 to vector<16xf32>
          %sub3A_2530 = arith.subf %sub3A_2529, %add3A_2173 : vector<16xf32>
          %max3A_2531 = arith.constant 0.000000e+00 : f32
          %max3A_2532 = vector.broadcast %max3A_2531 : f32 to vector<16xf32>
          %max3A_2533 = arith.maximumf %sub3A_2530, %max3A_2532 : vector<16xf32>
          %min3A_2534 = vector.broadcast %squeeze3A_2528 : f32 to vector<16xf32>
          %min3A_2535 = arith.minimumf %max3A_2533, %min3A_2534 : vector<16xf32>
          %add3A_2536 = arith.addf %add3A_2524, %min3A_2535 : vector<16xf32>
          scf.yield %add3A_2536 : vector<16xf32>
        }
        %swap3A_2185 = arith.constant 0 : index
        %swap3A_2186 = tpu.vector_load %arg14[%swap3A_2185] {strides = array<i32>} : memref<16xf32, #tpu.memory_space<vmem>>, vector<16xf32>,
        %swap3A_2187 = vector.shape_cast %swap3A_2186 : vector<16xf32> to vector<16xf32>
        %swap3A_2188 = vector.shape_cast %while3A_2184 : vector<16xf32> to vector<16xf32>
        tpu.vector_store %arg14[%swap3A_2185], %swap3A_2188 {strides = array<i32>} : memref<16xf32, #tpu.memory_space<vmem>>, vector<16xf32>,
        "tpu.region"() ({
          %run_scoped3A = tpu.sem_alloc : memref<!tpu.dma_semaphore, #tpu.memory_space<semaphore_mem>>
          %dma_start3A = tpu.memref_slice %arg17[%mul3A_36] : memref<256xf32, #tpu.memory_space<vmem_shared>> -> memref<16xf32, #tpu.memory_space<vmem_shared>>
          %dma_start3A_2337 = tpu.memref_slice %arg17[%mul3A_36] : memref<256xf32, #tpu.memory_space<vmem_shared>> -> memref<16xf32, #tpu.memory_space<vmem_shared>>
          tpu.enqueue_dma source(%arg14 : memref<16xf32, #tpu.memory_space<vmem>>) target(%dma_start3A_2337 : memref<16xf32, #tpu.memory_space<vmem_shared>>) target_semaphore(%run_scoped3A : memref<!tpu.dma_semaphore, #tpu.memory_space<semaphore_mem>>)
          %dma_wait3A = tpu.memref_slice %arg17[%mul3A_36] : memref<256xf32, #tpu.memory_space<vmem_shared>> -> memref<16xf32, #tpu.memory_space<vmem_shared>>
          %dma_wait3A_2338 = tpu.memref_slice %arg17[%mul3A_36] : memref<256xf32, #tpu.memory_space<vmem_shared>> -> memref<16xf32, #tpu.memory_space<vmem_shared>>
          tpu.wait_dma2 semaphore(%run_scoped3A : memref<!tpu.dma_semaphore, #tpu.memory_space<semaphore_mem>>) src(%arg14 : memref<16xf32, #tpu.memory_space<vmem>>) dst(%dma_wait3A_2338 : memref<16xf32, #tpu.memory_space<vmem_shared>>)
          tpu.yield
        }) : () -> ()
        %barrier3A_2189 = arith.constant 0 : index
        tpu.barrier barrier_id(%barrier3A_2189)
        "tpu.region"() ({
          %run_scoped3A = tpu.sem_alloc : memref<!tpu.dma_semaphore, #tpu.memory_space<semaphore_mem>>
          tpu.enqueue_dma source(%arg17 : memref<256xf32, #tpu.memory_space<vmem_shared>>) target(%arg15 : memref<256xf32, #tpu.memory_space<vmem>>) target_semaphore(%run_scoped3A : memref<!tpu.dma_semaphore, #tpu.memory_space<semaphore_mem>>)
          tpu.wait_dma2 semaphore(%run_scoped3A : memref<!tpu.dma_semaphore, #tpu.memory_space<semaphore_mem>>) src(%arg17 : memref<256xf32, #tpu.memory_space<vmem_shared>>) dst(%arg15 : memref<256xf32, #tpu.memory_space<vmem>>)
          tpu.yield
        }) : () -> ()
        %barrier3A_2190 = arith.constant 0 : index
        tpu.barrier barrier_id(%barrier3A_2190)
        %get3A_2191 = arith.constant 0 : index
        %get3A_2192 = tpu.vector_load %arg15[%get3A_2191] {strides = array<i32>} : memref<256xf32, #tpu.memory_space<vmem>>, vector<16xf32>,
        %get3A_2193 = vector.shape_cast %get3A_2192 : vector<16xf32> to vector<16xf32>
        %get3A_2194 = arith.constant 16 : index
        %get3A_2195 = tpu.vector_load %arg15[%get3A_2194] {strides = array<i32>} : memref<256xf32, #tpu.memory_space<vmem>>, vector<16xf32>,
        %get3A_2196 = vector.shape_cast %get3A_2195 : vector<16xf32> to vector<16xf32>
        %add3A_2197 = arith.addf %get3A_2193, %get3A_2196 : vector<16xf32>
        %get3A_2198 = arith.constant 32 : index
        %get3A_2199 = tpu.vector_load %arg15[%get3A_2198] {strides = array<i32>} : memref<256xf32, #tpu.memory_space<vmem>>, vector<16xf32>,
        %get3A_2200 = vector.shape_cast %get3A_2199 : vector<16xf32> to vector<16xf32>
        %add3A_2201 = arith.addf %add3A_2197, %get3A_2200 : vector<16xf32>
        %get3A_2202 = arith.constant 48 : index
        %get3A_2203 = tpu.vector_load %arg15[%get3A_2202] {strides = array<i32>} : memref<256xf32, #tpu.memory_space<vmem>>, vector<16xf32>,
        %get3A_2204 = vector.shape_cast %get3A_2203 : vector<16xf32> to vector<16xf32>
        %add3A_2205 = arith.addf %add3A_2201, %get3A_2204 : vector<16xf32>
        %get3A_2206 = arith.constant 64 : index
        %get3A_2207 = tpu.vector_load %arg15[%get3A_2206] {strides = array<i32>} : memref<256xf32, #tpu.memory_space<vmem>>, vector<16xf32>,
        %get3A_2208 = vector.shape_cast %get3A_2207 : vector<16xf32> to vector<16xf32>
        %add3A_2209 = arith.addf %add3A_2205, %get3A_2208 : vector<16xf32>
        %get3A_2210 = arith.constant 80 : index
        %get3A_2211 = tpu.vector_load %arg15[%get3A_2210] {strides = array<i32>} : memref<256xf32, #tpu.memory_space<vmem>>, vector<16xf32>,
        %get3A_2212 = vector.shape_cast %get3A_2211 : vector<16xf32> to vector<16xf32>
        %add3A_2213 = arith.addf %add3A_2209, %get3A_2212 : vector<16xf32>
        %get3A_2214 = arith.constant 96 : index
        %get3A_2215 = tpu.vector_load %arg15[%get3A_2214] {strides = array<i32>} : memref<256xf32, #tpu.memory_space<vmem>>, vector<16xf32>,
        %get3A_2216 = vector.shape_cast %get3A_2215 : vector<16xf32> to vector<16xf32>
        %add3A_2217 = arith.addf %add3A_2213, %get3A_2216 : vector<16xf32>
        %get3A_2218 = arith.constant 112 : index
        %get3A_2219 = tpu.vector_load %arg15[%get3A_2218] {strides = array<i32>} : memref<256xf32, #tpu.memory_space<vmem>>, vector<16xf32>,
        %get3A_2220 = vector.shape_cast %get3A_2219 : vector<16xf32> to vector<16xf32>
        %add3A_2221 = arith.addf %add3A_2217, %get3A_2220 : vector<16xf32>
        %get3A_2222 = arith.constant 128 : index
        %get3A_2223 = tpu.vector_load %arg15[%get3A_2222] {strides = array<i32>} : memref<256xf32, #tpu.memory_space<vmem>>, vector<16xf32>,
        %get3A_2224 = vector.shape_cast %get3A_2223 : vector<16xf32> to vector<16xf32>
        %add3A_2225 = arith.addf %add3A_2221, %get3A_2224 : vector<16xf32>
        %get3A_2226 = arith.constant 144 : index
        %get3A_2227 = tpu.vector_load %arg15[%get3A_2226] {strides = array<i32>} : memref<256xf32, #tpu.memory_space<vmem>>, vector<16xf32>,
        %get3A_2228 = vector.shape_cast %get3A_2227 : vector<16xf32> to vector<16xf32>
        %add3A_2229 = arith.addf %add3A_2225, %get3A_2228 : vector<16xf32>
        %get3A_2230 = arith.constant 160 : index
        %get3A_2231 = tpu.vector_load %arg15[%get3A_2230] {strides = array<i32>} : memref<256xf32, #tpu.memory_space<vmem>>, vector<16xf32>,
        %get3A_2232 = vector.shape_cast %get3A_2231 : vector<16xf32> to vector<16xf32>
        %add3A_2233 = arith.addf %add3A_2229, %get3A_2232 : vector<16xf32>
        %get3A_2234 = arith.constant 176 : index
        %get3A_2235 = tpu.vector_load %arg15[%get3A_2234] {strides = array<i32>} : memref<256xf32, #tpu.memory_space<vmem>>, vector<16xf32>,
        %get3A_2236 = vector.shape_cast %get3A_2235 : vector<16xf32> to vector<16xf32>
        %add3A_2237 = arith.addf %add3A_2233, %get3A_2236 : vector<16xf32>
        %get3A_2238 = arith.constant 192 : index
        %get3A_2239 = tpu.vector_load %arg15[%get3A_2238] {strides = array<i32>} : memref<256xf32, #tpu.memory_space<vmem>>, vector<16xf32>,
        %get3A_2240 = vector.shape_cast %get3A_2239 : vector<16xf32> to vector<16xf32>
        %add3A_2241 = arith.addf %add3A_2237, %get3A_2240 : vector<16xf32>
        %get3A_2242 = arith.constant 208 : index
        %get3A_2243 = tpu.vector_load %arg15[%get3A_2242] {strides = array<i32>} : memref<256xf32, #tpu.memory_space<vmem>>, vector<16xf32>,
        %get3A_2244 = vector.shape_cast %get3A_2243 : vector<16xf32> to vector<16xf32>
        %add3A_2245 = arith.addf %add3A_2241, %get3A_2244 : vector<16xf32>
        %get3A_2246 = arith.constant 224 : index
        %get3A_2247 = tpu.vector_load %arg15[%get3A_2246] {strides = array<i32>} : memref<256xf32, #tpu.memory_space<vmem>>, vector<16xf32>,
        %get3A_2248 = vector.shape_cast %get3A_2247 : vector<16xf32> to vector<16xf32>
        %add3A_2249 = arith.addf %add3A_2245, %get3A_2248 : vector<16xf32>
        %get3A_2250 = arith.constant 240 : index
        %get3A_2251 = tpu.vector_load %arg15[%get3A_2250] {strides = array<i32>} : memref<256xf32, #tpu.memory_space<vmem>>, vector<16xf32>,
        %get3A_2252 = vector.shape_cast %get3A_2251 : vector<16xf32> to vector<16xf32>
        %add3A_2253 = arith.addf %add3A_2249, %get3A_2252 : vector<16xf32>
        %sub3A_2254 = arith.subf %scan3A_2164, %scan3A_2163 : vector<16xf32>
        %mul3A_2255 = arith.constant 0.0588235296 : f32
        %mul3A_2256 = vector.broadcast %mul3A_2255 : f32 to vector<16xf32>
        %mul3A_2257 = arith.mulf %sub3A_2254, %mul3A_2256 : vector<16xf32>
        %ge3A_2258 = arith.constant 1.000000e+00 : f32
        %ge3A_2259 = vector.broadcast %ge3A_2258 : f32 to vector<16xf32>
        %ge3A_2260 = arith.cmpf oge, %add3A_2253, %ge3A_2259 : vector<16xf32>
        %jit3A_2261 = arith.constant 1.000000e+00 : f32
        %jit3A_2262 = arith.constant 0.000000e+00 : f32
        %broadcast_in_dim3A_2263 = vector.broadcast %jit3A_2261 : f32 to vector<16xf32>
        %broadcast_in_dim3A_2264 = vector.broadcast %jit3A_2262 : f32 to vector<16xf32>
        %select_n3A_2265 = arith.select %ge3A_2260, %broadcast_in_dim3A_2263, %broadcast_in_dim3A_2264 : vector<16xi1>, vector<16xf32>
        %iota3A_2266 = tpu.iota {dimensions = array<i32: 0>} : vector<16xi32>
        %xor3A_2267 = arith.constant 1 : i32
        %xor3A_2268 = vector.broadcast %xor3A_2267 : i32 to vector<16xi32>
        %xor3A_2269 = arith.xori %iota3A_2266, %xor3A_2268 : vector<16xi32>
        %lt3A_2270 = arith.constant 0 : i32
        %lt3A_2271 = vector.broadcast %lt3A_2270 : i32 to vector<16xi32>
        %lt3A_2272 = arith.cmpi slt, %xor3A_2269, %lt3A_2271 : vector<16xi32>
        %add3A_2273 = arith.constant 16 : i32
        %add3A_2274 = vector.broadcast %add3A_2273 : i32 to vector<16xi32>
        %add3A_2275 = arith.addi %xor3A_2269, %add3A_2274 : vector<16xi32>
        %select_n3A_2276 = arith.select %lt3A_2272, %add3A_2275, %xor3A_2269 : vector<16xi1>, vector<16xi32>
        %broadcast_in_dim3A_2277 = vector.shape_cast %select_n3A_2276 : vector<16xi32> to vector<16x1xi32>
        %gather3A_2278 = vector.shape_cast %broadcast_in_dim3A_2277 : vector<16x1xi32> to vector<16xi32>
        %gather3A_2279 = tpu.dynamic_gather %select_n3A_2265[%gather3A_2278] in [0] : vector<16xf32>, vector<16xi32> -> vector<16xf32>
        %add3A_2280 = arith.addf %select_n3A_2265, %gather3A_2279 : vector<16xf32>
        %iota3A_2281 = tpu.iota {dimensions = array<i32: 0>} : vector<16xi32>
        %xor3A_2282 = arith.constant 2 : i32
        %xor3A_2283 = vector.broadcast %xor3A_2282 : i32 to vector<16xi32>
        %xor3A_2284 = arith.xori %iota3A_2281, %xor3A_2283 : vector<16xi32>
        %lt3A_2285 = arith.constant 0 : i32
        %lt3A_2286 = vector.broadcast %lt3A_2285 : i32 to vector<16xi32>
        %lt3A_2287 = arith.cmpi slt, %xor3A_2284, %lt3A_2286 : vector<16xi32>
        %add3A_2288 = arith.constant 16 : i32
        %add3A_2289 = vector.broadcast %add3A_2288 : i32 to vector<16xi32>
        %add3A_2290 = arith.addi %xor3A_2284, %add3A_2289 : vector<16xi32>
        %select_n3A_2291 = arith.select %lt3A_2287, %add3A_2290, %xor3A_2284 : vector<16xi1>, vector<16xi32>
        %broadcast_in_dim3A_2292 = vector.shape_cast %select_n3A_2291 : vector<16xi32> to vector<16x1xi32>
        %gather3A_2293 = vector.shape_cast %broadcast_in_dim3A_2292 : vector<16x1xi32> to vector<16xi32>
        %gather3A_2294 = tpu.dynamic_gather %add3A_2280[%gather3A_2293] in [0] : vector<16xf32>, vector<16xi32> -> vector<16xf32>
        %add3A_2295 = arith.addf %add3A_2280, %gather3A_2294 : vector<16xf32>
        %iota3A_2296 = tpu.iota {dimensions = array<i32: 0>} : vector<16xi32>
        %xor3A_2297 = arith.constant 4 : i32
        %xor3A_2298 = vector.broadcast %xor3A_2297 : i32 to vector<16xi32>
        %xor3A_2299 = arith.xori %iota3A_2296, %xor3A_2298 : vector<16xi32>
        %lt3A_2300 = arith.constant 0 : i32
        %lt3A_2301 = vector.broadcast %lt3A_2300 : i32 to vector<16xi32>
        %lt3A_2302 = arith.cmpi slt, %xor3A_2299, %lt3A_2301 : vector<16xi32>
        %add3A_2303 = arith.constant 16 : i32
        %add3A_2304 = vector.broadcast %add3A_2303 : i32 to vector<16xi32>
        %add3A_2305 = arith.addi %xor3A_2299, %add3A_2304 : vector<16xi32>
        %select_n3A_2306 = arith.select %lt3A_2302, %add3A_2305, %xor3A_2299 : vector<16xi1>, vector<16xi32>
        %broadcast_in_dim3A_2307 = vector.shape_cast %select_n3A_2306 : vector<16xi32> to vector<16x1xi32>
        %gather3A_2308 = vector.shape_cast %broadcast_in_dim3A_2307 : vector<16x1xi32> to vector<16xi32>
        %gather3A_2309 = tpu.dynamic_gather %add3A_2295[%gather3A_2308] in [0] : vector<16xf32>, vector<16xi32> -> vector<16xf32>
        %add3A_2310 = arith.addf %add3A_2295, %gather3A_2309 : vector<16xf32>
        %iota3A_2311 = tpu.iota {dimensions = array<i32: 0>} : vector<16xi32>
        %xor3A_2312 = arith.constant 8 : i32
        %xor3A_2313 = vector.broadcast %xor3A_2312 : i32 to vector<16xi32>
        %xor3A_2314 = arith.xori %iota3A_2311, %xor3A_2313 : vector<16xi32>
        %lt3A_2315 = arith.constant 0 : i32
        %lt3A_2316 = vector.broadcast %lt3A_2315 : i32 to vector<16xi32>
        %lt3A_2317 = arith.cmpi slt, %xor3A_2314, %lt3A_2316 : vector<16xi32>
        %add3A_2318 = arith.constant 16 : i32
        %add3A_2319 = vector.broadcast %add3A_2318 : i32 to vector<16xi32>
        %add3A_2320 = arith.addi %xor3A_2314, %add3A_2319 : vector<16xi32>
        %select_n3A_2321 = arith.select %lt3A_2317, %add3A_2320, %xor3A_2314 : vector<16xi1>, vector<16xi32>
        %broadcast_in_dim3A_2322 = vector.shape_cast %select_n3A_2321 : vector<16xi32> to vector<16x1xi32>
        %gather3A_2323 = vector.shape_cast %broadcast_in_dim3A_2322 : vector<16x1xi32> to vector<16xi32>
        %gather3A_2324 = tpu.dynamic_gather %add3A_2310[%gather3A_2323] in [0] : vector<16xf32>, vector<16xi32> -> vector<16xf32>
        %add3A_2325 = arith.addf %add3A_2310, %gather3A_2324 : vector<16xf32>
        %mul3A_2326 = arith.mulf %add3A_2325, %mul3A_2257 : vector<16xf32>
        %add3A_2327 = arith.addf %scan3A_2163, %mul3A_2326 : vector<16xf32>
        %ge3A_2328 = arith.constant 1.550000e+01 : f32
        %ge3A_2329 = vector.broadcast %ge3A_2328 : f32 to vector<16xf32>
        %ge3A_2330 = arith.cmpf oge, %add3A_2325, %ge3A_2329 : vector<16xf32>
        %add3A_2331 = arith.constant 1.000000e+00 : f32
        %add3A_2332 = vector.broadcast %add3A_2331 : f32 to vector<16xf32>
        %add3A_2333 = arith.addf %add3A_2325, %add3A_2332 : vector<16xf32>
        %mul3A_2334 = arith.mulf %add3A_2333, %mul3A_2257 : vector<16xf32>
        %add3A_2335 = arith.addf %scan3A_2163, %mul3A_2334 : vector<16xf32>
        %select_n3A_2336 = arith.select %ge3A_2330, %scan3A_2164, %add3A_2335 : vector<16xi1>, vector<16xf32>
        scf.yield %add3A_2327, %select_n3A_2336 : vector<16xf32>, vector<16xf32>
      }
      %scan3A_1730 = arith.constant 4 : i32
      %broadcast_in_dim3A_1731 = arith.constant 0.000000e+00 : f32
      %broadcast_in_dim3A_1732 = vector.broadcast %broadcast_in_dim3A_1731 : f32 to vector<16xf32>
      %broadcast_in_dim3A_1733 = arith.constant 0.000000e+00 : f32
      %broadcast_in_dim3A_1734 = vector.broadcast %broadcast_in_dim3A_1733 : f32 to vector<16xf32>
      %while3A = arith.constant 0 : i32
      %while3A_1735 = arith.subi %scan3A_1663#0, %while3A : i32
      %while3A_1736 = arith.addi %while3A, %while3A_1735 : i32
      %while3A_1737 = arith.constant 1 : i32
      %while3A_1738 = arith.divsi %while3A_1735, %while3A_1737 : i32
      %while3A_1739 = arith.muli %while3A_1738, %while3A_1737 : i32
      %while3A_1740 = arith.addi %while3A, %while3A_1739 : i32
      %while3A_1741 = arith.constant 1 : i32
      %while3A_1742:2 = scf.for %while3A_2162 = %while3A to %while3A_1740 step %while3A_1741 iter_args(%while3A_2163 = %broadcast_in_dim3A_1732, %while3A_2164 = %broadcast_in_dim3A_1734) -> (vector<16xf32>, vector<16xf32>)  : i32 {
        %mul3A_2165 = arith.constant 16 : i32
        %mul3A_2166 = arith.muli %while3A_2162, %mul3A_2165 : i32
        %get3A_2167 = arith.index_cast %mul3A_2166 : i32 to index
        %get3A_2168 = tpu.vector_load %arg10[%get3A_2167] {strides = array<i32>} : memref<2048xf32, #tpu.memory_space<vmem>>, vector<16xf32>,
        %get3A_2169 = vector.shape_cast %get3A_2168 : vector<16xf32> to vector<16xf32>
        %get3A_2170 = arith.index_cast %mul3A_2166 : i32 to index
        %get3A_2171 = tpu.vector_load %arg11[%get3A_2170] {strides = array<i32>} : memref<2048xf32, #tpu.memory_space<vmem>>, vector<16xf32>,
        %get3A_2172 = vector.shape_cast %get3A_2171 : vector<16xf32> to vector<16xf32>
        %sub3A_2173 = arith.subf %get3A_2169, %scan3A_1729#0 : vector<16xf32>
        %max3A_2174 = arith.constant 0.000000e+00 : f32
        %max3A_2175 = vector.broadcast %max3A_2174 : f32 to vector<16xf32>
        %max3A_2176 = arith.maximumf %sub3A_2173, %max3A_2175 : vector<16xf32>
        %min3A_2177 = arith.minimumf %max3A_2176, %get3A_2172 : vector<16xf32>
        %add3A_2178 = arith.addf %while3A_2163, %min3A_2177 : vector<16xf32>
        %sub3A_2179 = arith.subf %get3A_2169, %get3A_2172 : vector<16xf32>
        %le3A = arith.cmpf ole, %sub3A_2179, %scan3A_1729#0 : vector<16xf32>
        %gt3A = arith.cmpf ogt, %get3A_2169, %scan3A_1729#0 : vector<16xf32>
        %and3A = arith.andi %le3A, %gt3A : vector<16xi1>
        %jit3A_2180 = arith.constant 1.000000e+00 : f32
        %jit3A_2181 = arith.constant 0.000000e+00 : f32
        %broadcast_in_dim3A_2182 = vector.broadcast %jit3A_2180 : f32 to vector<16xf32>
        %broadcast_in_dim3A_2183 = vector.broadcast %jit3A_2181 : f32 to vector<16xf32>
        %select_n3A_2184 = arith.select %and3A, %broadcast_in_dim3A_2182, %broadcast_in_dim3A_2183 : vector<16xi1>, vector<16xf32>
        %add3A_2185 = arith.addf %while3A_2164, %select_n3A_2184 : vector<16xf32>
        scf.yield %add3A_2178, %add3A_2185 : vector<16xf32>, vector<16xf32>
      }
      %while3A_1743 = arith.constant 1 : i32
      %while3A_1744:2 = scf.for %while3A_2162 = %while3A_1740 to %while3A_1736 step %while3A_1743 iter_args(%while3A_2163 = %while3A_1742#0, %while3A_2164 = %while3A_1742#1) -> (vector<16xf32>, vector<16xf32>)  : i32 {
        %mul3A_2165 = arith.constant 16 : i32
        %mul3A_2166 = arith.muli %while3A_2162, %mul3A_2165 : i32
        %get3A_2167 = arith.index_cast %mul3A_2166 : i32 to index
        %get3A_2168 = tpu.vector_load %arg10[%get3A_2167] {strides = array<i32>} : memref<2048xf32, #tpu.memory_space<vmem>>, vector<16xf32>,
        %get3A_2169 = vector.shape_cast %get3A_2168 : vector<16xf32> to vector<16xf32>
        %get3A_2170 = arith.index_cast %mul3A_2166 : i32 to index
        %get3A_2171 = tpu.vector_load %arg11[%get3A_2170] {strides = array<i32>} : memref<2048xf32, #tpu.memory_space<vmem>>, vector<16xf32>,
        %get3A_2172 = vector.shape_cast %get3A_2171 : vector<16xf32> to vector<16xf32>
        %sub3A_2173 = arith.subf %get3A_2169, %scan3A_1729#0 : vector<16xf32>
        %max3A_2174 = arith.constant 0.000000e+00 : f32
        %max3A_2175 = vector.broadcast %max3A_2174 : f32 to vector<16xf32>
        %max3A_2176 = arith.maximumf %sub3A_2173, %max3A_2175 : vector<16xf32>
        %min3A_2177 = arith.minimumf %max3A_2176, %get3A_2172 : vector<16xf32>
        %add3A_2178 = arith.addf %while3A_2163, %min3A_2177 : vector<16xf32>
        %sub3A_2179 = arith.subf %get3A_2169, %get3A_2172 : vector<16xf32>
        %le3A = arith.cmpf ole, %sub3A_2179, %scan3A_1729#0 : vector<16xf32>
        %gt3A = arith.cmpf ogt, %get3A_2169, %scan3A_1729#0 : vector<16xf32>
        %and3A = arith.andi %le3A, %gt3A : vector<16xi1>
        %jit3A_2180 = arith.constant 1.000000e+00 : f32
        %jit3A_2181 = arith.constant 0.000000e+00 : f32
        %broadcast_in_dim3A_2182 = vector.broadcast %jit3A_2180 : f32 to vector<16xf32>
        %broadcast_in_dim3A_2183 = vector.broadcast %jit3A_2181 : f32 to vector<16xf32>
        %select_n3A_2184 = arith.select %and3A, %broadcast_in_dim3A_2182, %broadcast_in_dim3A_2183 : vector<16xi1>, vector<16xf32>
        %add3A_2185 = arith.addf %while3A_2164, %select_n3A_2184 : vector<16xf32>
        scf.yield %add3A_2178, %add3A_2185 : vector<16xf32>, vector<16xf32>
      }
      %iota3A_1745 = tpu.iota {dimensions = array<i32: 0>} : vector<16xi32>
      %xor3A_1746 = arith.constant 1 : i32
      %xor3A_1747 = vector.broadcast %xor3A_1746 : i32 to vector<16xi32>
      %xor3A_1748 = arith.xori %iota3A_1745, %xor3A_1747 : vector<16xi32>
      %lt3A_1749 = arith.constant 0 : i32
      %lt3A_1750 = vector.broadcast %lt3A_1749 : i32 to vector<16xi32>
      %lt3A_1751 = arith.cmpi slt, %xor3A_1748, %lt3A_1750 : vector<16xi32>
      %add3A_1752 = arith.constant 16 : i32
      %add3A_1753 = vector.broadcast %add3A_1752 : i32 to vector<16xi32>
      %add3A_1754 = arith.addi %xor3A_1748, %add3A_1753 : vector<16xi32>
      %select_n3A_1755 = arith.select %lt3A_1751, %add3A_1754, %xor3A_1748 : vector<16xi1>, vector<16xi32>
      %broadcast_in_dim3A_1756 = vector.shape_cast %select_n3A_1755 : vector<16xi32> to vector<16x1xi32>
      %gather3A_1757 = vector.shape_cast %broadcast_in_dim3A_1756 : vector<16x1xi32> to vector<16xi32>
      %gather3A_1758 = tpu.dynamic_gather %while3A_1744#0[%gather3A_1757] in [0] : vector<16xf32>, vector<16xi32> -> vector<16xf32>
      %add3A_1759 = arith.addf %while3A_1744#0, %gather3A_1758 : vector<16xf32>
      %iota3A_1760 = tpu.iota {dimensions = array<i32: 0>} : vector<16xi32>
      %xor3A_1761 = arith.constant 2 : i32
      %xor3A_1762 = vector.broadcast %xor3A_1761 : i32 to vector<16xi32>
      %xor3A_1763 = arith.xori %iota3A_1760, %xor3A_1762 : vector<16xi32>
      %lt3A_1764 = arith.constant 0 : i32
      %lt3A_1765 = vector.broadcast %lt3A_1764 : i32 to vector<16xi32>
      %lt3A_1766 = arith.cmpi slt, %xor3A_1763, %lt3A_1765 : vector<16xi32>
      %add3A_1767 = arith.constant 16 : i32
      %add3A_1768 = vector.broadcast %add3A_1767 : i32 to vector<16xi32>
      %add3A_1769 = arith.addi %xor3A_1763, %add3A_1768 : vector<16xi32>
      %select_n3A_1770 = arith.select %lt3A_1766, %add3A_1769, %xor3A_1763 : vector<16xi1>, vector<16xi32>
      %broadcast_in_dim3A_1771 = vector.shape_cast %select_n3A_1770 : vector<16xi32> to vector<16x1xi32>
      %gather3A_1772 = vector.shape_cast %broadcast_in_dim3A_1771 : vector<16x1xi32> to vector<16xi32>
      %gather3A_1773 = tpu.dynamic_gather %add3A_1759[%gather3A_1772] in [0] : vector<16xf32>, vector<16xi32> -> vector<16xf32>
      %add3A_1774 = arith.addf %add3A_1759, %gather3A_1773 : vector<16xf32>
      %iota3A_1775 = tpu.iota {dimensions = array<i32: 0>} : vector<16xi32>
      %xor3A_1776 = arith.constant 4 : i32
      %xor3A_1777 = vector.broadcast %xor3A_1776 : i32 to vector<16xi32>
      %xor3A_1778 = arith.xori %iota3A_1775, %xor3A_1777 : vector<16xi32>
      %lt3A_1779 = arith.constant 0 : i32
      %lt3A_1780 = vector.broadcast %lt3A_1779 : i32 to vector<16xi32>
      %lt3A_1781 = arith.cmpi slt, %xor3A_1778, %lt3A_1780 : vector<16xi32>
      %add3A_1782 = arith.constant 16 : i32
      %add3A_1783 = vector.broadcast %add3A_1782 : i32 to vector<16xi32>
      %add3A_1784 = arith.addi %xor3A_1778, %add3A_1783 : vector<16xi32>
      %select_n3A_1785 = arith.select %lt3A_1781, %add3A_1784, %xor3A_1778 : vector<16xi1>, vector<16xi32>
      %broadcast_in_dim3A_1786 = vector.shape_cast %select_n3A_1785 : vector<16xi32> to vector<16x1xi32>
      %gather3A_1787 = vector.shape_cast %broadcast_in_dim3A_1786 : vector<16x1xi32> to vector<16xi32>
      %gather3A_1788 = tpu.dynamic_gather %add3A_1774[%gather3A_1787] in [0] : vector<16xf32>, vector<16xi32> -> vector<16xf32>
      %add3A_1789 = arith.addf %add3A_1774, %gather3A_1788 : vector<16xf32>
      %iota3A_1790 = tpu.iota {dimensions = array<i32: 0>} : vector<16xi32>
      %xor3A_1791 = arith.constant 8 : i32
      %xor3A_1792 = vector.broadcast %xor3A_1791 : i32 to vector<16xi32>
      %xor3A_1793 = arith.xori %iota3A_1790, %xor3A_1792 : vector<16xi32>
      %lt3A_1794 = arith.constant 0 : i32
      %lt3A_1795 = vector.broadcast %lt3A_1794 : i32 to vector<16xi32>
      %lt3A_1796 = arith.cmpi slt, %xor3A_1793, %lt3A_1795 : vector<16xi32>
      %add3A_1797 = arith.constant 16 : i32
      %add3A_1798 = vector.broadcast %add3A_1797 : i32 to vector<16xi32>
      %add3A_1799 = arith.addi %xor3A_1793, %add3A_1798 : vector<16xi32>
      %select_n3A_1800 = arith.select %lt3A_1796, %add3A_1799, %xor3A_1793 : vector<16xi1>, vector<16xi32>
      %broadcast_in_dim3A_1801 = vector.shape_cast %select_n3A_1800 : vector<16xi32> to vector<16x1xi32>
      %gather3A_1802 = vector.shape_cast %broadcast_in_dim3A_1801 : vector<16x1xi32> to vector<16xi32>
      %gather3A_1803 = tpu.dynamic_gather %add3A_1789[%gather3A_1802] in [0] : vector<16xf32>, vector<16xi32> -> vector<16xf32>
      %add3A_1804 = arith.addf %add3A_1789, %gather3A_1803 : vector<16xf32>
      %add3A_1805 = arith.addf %add3A_1804, %add3A_1724 : vector<16xf32>
      %swap3A_1806 = arith.constant 0 : index
      %swap3A_1807 = tpu.vector_load %arg14[%swap3A_1806] {strides = array<i32>} : memref<16xf32, #tpu.memory_space<vmem>>, vector<16xf32>,
      %swap3A_1808 = vector.shape_cast %swap3A_1807 : vector<16xf32> to vector<16xf32>
      %swap3A_1809 = vector.shape_cast %add3A_1805 : vector<16xf32> to vector<16xf32>
      tpu.vector_store %arg14[%swap3A_1806], %swap3A_1809 {strides = array<i32>} : memref<16xf32, #tpu.memory_space<vmem>>, vector<16xf32>,
      "tpu.region"() ({
        %run_scoped3A = tpu.sem_alloc : memref<!tpu.dma_semaphore, #tpu.memory_space<semaphore_mem>>
        %dma_start3A = tpu.memref_slice %arg17[%mul3A_36] : memref<256xf32, #tpu.memory_space<vmem_shared>> -> memref<16xf32, #tpu.memory_space<vmem_shared>>
        %dma_start3A_2162 = tpu.memref_slice %arg17[%mul3A_36] : memref<256xf32, #tpu.memory_space<vmem_shared>> -> memref<16xf32, #tpu.memory_space<vmem_shared>>
        tpu.enqueue_dma source(%arg14 : memref<16xf32, #tpu.memory_space<vmem>>) target(%dma_start3A_2162 : memref<16xf32, #tpu.memory_space<vmem_shared>>) target_semaphore(%run_scoped3A : memref<!tpu.dma_semaphore, #tpu.memory_space<semaphore_mem>>)
        %dma_wait3A = tpu.memref_slice %arg17[%mul3A_36] : memref<256xf32, #tpu.memory_space<vmem_shared>> -> memref<16xf32, #tpu.memory_space<vmem_shared>>
        %dma_wait3A_2163 = tpu.memref_slice %arg17[%mul3A_36] : memref<256xf32, #tpu.memory_space<vmem_shared>> -> memref<16xf32, #tpu.memory_space<vmem_shared>>
        tpu.wait_dma2 semaphore(%run_scoped3A : memref<!tpu.dma_semaphore, #tpu.memory_space<semaphore_mem>>) src(%arg14 : memref<16xf32, #tpu.memory_space<vmem>>) dst(%dma_wait3A_2163 : memref<16xf32, #tpu.memory_space<vmem_shared>>)
        tpu.yield
      }) : () -> ()
      %iota3A_1810 = tpu.iota {dimensions = array<i32: 0>} : vector<16xi32>
      %xor3A_1811 = arith.constant 1 : i32
      %xor3A_1812 = vector.broadcast %xor3A_1811 : i32 to vector<16xi32>
      %xor3A_1813 = arith.xori %iota3A_1810, %xor3A_1812 : vector<16xi32>
      %lt3A_1814 = arith.constant 0 : i32
      %lt3A_1815 = vector.broadcast %lt3A_1814 : i32 to vector<16xi32>
      %lt3A_1816 = arith.cmpi slt, %xor3A_1813, %lt3A_1815 : vector<16xi32>
      %add3A_1817 = arith.constant 16 : i32
      %add3A_1818 = vector.broadcast %add3A_1817 : i32 to vector<16xi32>
      %add3A_1819 = arith.addi %xor3A_1813, %add3A_1818 : vector<16xi32>
      %select_n3A_1820 = arith.select %lt3A_1816, %add3A_1819, %xor3A_1813 : vector<16xi1>, vector<16xi32>
      %broadcast_in_dim3A_1821 = vector.shape_cast %select_n3A_1820 : vector<16xi32> to vector<16x1xi32>
      %gather3A_1822 = vector.shape_cast %broadcast_in_dim3A_1821 : vector<16x1xi32> to vector<16xi32>
      %gather3A_1823 = tpu.dynamic_gather %while3A_1744#1[%gather3A_1822] in [0] : vector<16xf32>, vector<16xi32> -> vector<16xf32>
      %add3A_1824 = arith.addf %while3A_1744#1, %gather3A_1823 : vector<16xf32>
      %iota3A_1825 = tpu.iota {dimensions = array<i32: 0>} : vector<16xi32>
      %xor3A_1826 = arith.constant 2 : i32
      %xor3A_1827 = vector.broadcast %xor3A_1826 : i32 to vector<16xi32>
      %xor3A_1828 = arith.xori %iota3A_1825, %xor3A_1827 : vector<16xi32>
      %lt3A_1829 = arith.constant 0 : i32
      %lt3A_1830 = vector.broadcast %lt3A_1829 : i32 to vector<16xi32>
      %lt3A_1831 = arith.cmpi slt, %xor3A_1828, %lt3A_1830 : vector<16xi32>
      %add3A_1832 = arith.constant 16 : i32
      %add3A_1833 = vector.broadcast %add3A_1832 : i32 to vector<16xi32>
      %add3A_1834 = arith.addi %xor3A_1828, %add3A_1833 : vector<16xi32>
      %select_n3A_1835 = arith.select %lt3A_1831, %add3A_1834, %xor3A_1828 : vector<16xi1>, vector<16xi32>
      %broadcast_in_dim3A_1836 = vector.shape_cast %select_n3A_1835 : vector<16xi32> to vector<16x1xi32>
      %gather3A_1837 = vector.shape_cast %broadcast_in_dim3A_1836 : vector<16x1xi32> to vector<16xi32>
      %gather3A_1838 = tpu.dynamic_gather %add3A_1824[%gather3A_1837] in [0] : vector<16xf32>, vector<16xi32> -> vector<16xf32>
      %add3A_1839 = arith.addf %add3A_1824, %gather3A_1838 : vector<16xf32>
      %iota3A_1840 = tpu.iota {dimensions = array<i32: 0>} : vector<16xi32>
      %xor3A_1841 = arith.constant 4 : i32
      %xor3A_1842 = vector.broadcast %xor3A_1841 : i32 to vector<16xi32>
      %xor3A_1843 = arith.xori %iota3A_1840, %xor3A_1842 : vector<16xi32>
      %lt3A_1844 = arith.constant 0 : i32
      %lt3A_1845 = vector.broadcast %lt3A_1844 : i32 to vector<16xi32>
      %lt3A_1846 = arith.cmpi slt, %xor3A_1843, %lt3A_1845 : vector<16xi32>
      %add3A_1847 = arith.constant 16 : i32
      %add3A_1848 = vector.broadcast %add3A_1847 : i32 to vector<16xi32>
      %add3A_1849 = arith.addi %xor3A_1843, %add3A_1848 : vector<16xi32>
      %select_n3A_1850 = arith.select %lt3A_1846, %add3A_1849, %xor3A_1843 : vector<16xi1>, vector<16xi32>
      %broadcast_in_dim3A_1851 = vector.shape_cast %select_n3A_1850 : vector<16xi32> to vector<16x1xi32>
      %gather3A_1852 = vector.shape_cast %broadcast_in_dim3A_1851 : vector<16x1xi32> to vector<16xi32>
      %gather3A_1853 = tpu.dynamic_gather %add3A_1839[%gather3A_1852] in [0] : vector<16xf32>, vector<16xi32> -> vector<16xf32>
      %add3A_1854 = arith.addf %add3A_1839, %gather3A_1853 : vector<16xf32>
      %iota3A_1855 = tpu.iota {dimensions = array<i32: 0>} : vector<16xi32>
      %xor3A_1856 = arith.constant 8 : i32
      %xor3A_1857 = vector.broadcast %xor3A_1856 : i32 to vector<16xi32>
      %xor3A_1858 = arith.xori %iota3A_1855, %xor3A_1857 : vector<16xi32>
      %lt3A_1859 = arith.constant 0 : i32
      %lt3A_1860 = vector.broadcast %lt3A_1859 : i32 to vector<16xi32>
      %lt3A_1861 = arith.cmpi slt, %xor3A_1858, %lt3A_1860 : vector<16xi32>
      %add3A_1862 = arith.constant 16 : i32
      %add3A_1863 = vector.broadcast %add3A_1862 : i32 to vector<16xi32>
      %add3A_1864 = arith.addi %xor3A_1858, %add3A_1863 : vector<16xi32>
      %select_n3A_1865 = arith.select %lt3A_1861, %add3A_1864, %xor3A_1858 : vector<16xi1>, vector<16xi32>
      %broadcast_in_dim3A_1866 = vector.shape_cast %select_n3A_1865 : vector<16xi32> to vector<16x1xi32>
      %gather3A_1867 = vector.shape_cast %broadcast_in_dim3A_1866 : vector<16x1xi32> to vector<16xi32>
      %gather3A_1868 = tpu.dynamic_gather %add3A_1854[%gather3A_1867] in [0] : vector<16xf32>, vector<16xi32> -> vector<16xf32>
      %add3A_1869 = arith.addf %add3A_1854, %gather3A_1868 : vector<16xf32>
      %swap3A_1870 = arith.constant 0 : index
      %swap3A_1871 = tpu.vector_load %arg14[%swap3A_1870] {strides = array<i32>} : memref<16xf32, #tpu.memory_space<vmem>>, vector<16xf32>,
      %swap3A_1872 = vector.shape_cast %swap3A_1871 : vector<16xf32> to vector<16xf32>
      %swap3A_1873 = vector.shape_cast %add3A_1869 : vector<16xf32> to vector<16xf32>
      tpu.vector_store %arg14[%swap3A_1870], %swap3A_1873 {strides = array<i32>} : memref<16xf32, #tpu.memory_space<vmem>>, vector<16xf32>,
      "tpu.region"() ({
        %run_scoped3A = tpu.sem_alloc : memref<!tpu.dma_semaphore, #tpu.memory_space<semaphore_mem>>
        %dma_start3A = tpu.memref_slice %arg18[%mul3A_36] : memref<256xf32, #tpu.memory_space<vmem_shared>> -> memref<16xf32, #tpu.memory_space<vmem_shared>>
        %dma_start3A_2162 = tpu.memref_slice %arg18[%mul3A_36] : memref<256xf32, #tpu.memory_space<vmem_shared>> -> memref<16xf32, #tpu.memory_space<vmem_shared>>
        tpu.enqueue_dma source(%arg14 : memref<16xf32, #tpu.memory_space<vmem>>) target(%dma_start3A_2162 : memref<16xf32, #tpu.memory_space<vmem_shared>>) target_semaphore(%run_scoped3A : memref<!tpu.dma_semaphore, #tpu.memory_space<semaphore_mem>>)
        %dma_wait3A = tpu.memref_slice %arg18[%mul3A_36] : memref<256xf32, #tpu.memory_space<vmem_shared>> -> memref<16xf32, #tpu.memory_space<vmem_shared>>
        %dma_wait3A_2163 = tpu.memref_slice %arg18[%mul3A_36] : memref<256xf32, #tpu.memory_space<vmem_shared>> -> memref<16xf32, #tpu.memory_space<vmem_shared>>
        tpu.wait_dma2 semaphore(%run_scoped3A : memref<!tpu.dma_semaphore, #tpu.memory_space<semaphore_mem>>) src(%arg14 : memref<16xf32, #tpu.memory_space<vmem>>) dst(%dma_wait3A_2163 : memref<16xf32, #tpu.memory_space<vmem_shared>>)
        tpu.yield
      }) : () -> ()
      %barrier3A_1874 = arith.constant 0 : index
      tpu.barrier barrier_id(%barrier3A_1874)
      "tpu.region"() ({
        %run_scoped3A = tpu.sem_alloc : memref<!tpu.dma_semaphore, #tpu.memory_space<semaphore_mem>>
        tpu.enqueue_dma source(%arg17 : memref<256xf32, #tpu.memory_space<vmem_shared>>) target(%arg15 : memref<256xf32, #tpu.memory_space<vmem>>) target_semaphore(%run_scoped3A : memref<!tpu.dma_semaphore, #tpu.memory_space<semaphore_mem>>)
        tpu.wait_dma2 semaphore(%run_scoped3A : memref<!tpu.dma_semaphore, #tpu.memory_space<semaphore_mem>>) src(%arg17 : memref<256xf32, #tpu.memory_space<vmem_shared>>) dst(%arg15 : memref<256xf32, #tpu.memory_space<vmem>>)
        tpu.yield
      }) : () -> ()
      "tpu.region"() ({
        %run_scoped3A = tpu.sem_alloc : memref<!tpu.dma_semaphore, #tpu.memory_space<semaphore_mem>>
        tpu.enqueue_dma source(%arg18 : memref<256xf32, #tpu.memory_space<vmem_shared>>) target(%arg16 : memref<256xf32, #tpu.memory_space<vmem>>) target_semaphore(%run_scoped3A : memref<!tpu.dma_semaphore, #tpu.memory_space<semaphore_mem>>)
        tpu.wait_dma2 semaphore(%run_scoped3A : memref<!tpu.dma_semaphore, #tpu.memory_space<semaphore_mem>>) src(%arg18 : memref<256xf32, #tpu.memory_space<vmem_shared>>) dst(%arg16 : memref<256xf32, #tpu.memory_space<vmem>>)
        tpu.yield
      }) : () -> ()
      %barrier3A_1875 = arith.constant 0 : index
      tpu.barrier barrier_id(%barrier3A_1875)
      %broadcast_in_dim3A_1876 = arith.constant 0.000000e+00 : f32
      %broadcast_in_dim3A_1877 = vector.broadcast %broadcast_in_dim3A_1876 : f32 to vector<16xf32>
      %broadcast_in_dim3A_1878 = arith.constant 0.000000e+00 : f32
      %broadcast_in_dim3A_1879 = vector.broadcast %broadcast_in_dim3A_1878 : f32 to vector<16xf32>
      %get3A_1880 = arith.constant 0 : index
      %get3A_1881 = tpu.vector_load %arg15[%get3A_1880] {strides = array<i32>} : memref<256xf32, #tpu.memory_space<vmem>>, vector<16xf32>,
      %get3A_1882 = vector.shape_cast %get3A_1881 : vector<16xf32> to vector<16xf32>
      %add3A_1883 = arith.addf %broadcast_in_dim3A_1877, %get3A_1882 : vector<16xf32>
      %get3A_1884 = arith.constant 0 : index
      %get3A_1885 = tpu.vector_load %arg16[%get3A_1884] {strides = array<i32>} : memref<256xf32, #tpu.memory_space<vmem>>, vector<16xf32>,
      %get3A_1886 = vector.shape_cast %get3A_1885 : vector<16xf32> to vector<16xf32>
      %add3A_1887 = arith.addf %broadcast_in_dim3A_1879, %get3A_1886 : vector<16xf32>
      %get3A_1888 = arith.constant 16 : index
      %get3A_1889 = tpu.vector_load %arg15[%get3A_1888] {strides = array<i32>} : memref<256xf32, #tpu.memory_space<vmem>>, vector<16xf32>,
      %get3A_1890 = vector.shape_cast %get3A_1889 : vector<16xf32> to vector<16xf32>
      %add3A_1891 = arith.addf %add3A_1883, %get3A_1890 : vector<16xf32>
      %get3A_1892 = arith.constant 16 : index
      %get3A_1893 = tpu.vector_load %arg16[%get3A_1892] {strides = array<i32>} : memref<256xf32, #tpu.memory_space<vmem>>, vector<16xf32>,
      %get3A_1894 = vector.shape_cast %get3A_1893 : vector<16xf32> to vector<16xf32>
      %add3A_1895 = arith.addf %add3A_1887, %get3A_1894 : vector<16xf32>
      %get3A_1896 = arith.constant 32 : index
      %get3A_1897 = tpu.vector_load %arg15[%get3A_1896] {strides = array<i32>} : memref<256xf32, #tpu.memory_space<vmem>>, vector<16xf32>,
      %get3A_1898 = vector.shape_cast %get3A_1897 : vector<16xf32> to vector<16xf32>
      %add3A_1899 = arith.addf %add3A_1891, %get3A_1898 : vector<16xf32>
      %get3A_1900 = arith.constant 32 : index
      %get3A_1901 = tpu.vector_load %arg16[%get3A_1900] {strides = array<i32>} : memref<256xf32, #tpu.memory_space<vmem>>, vector<16xf32>,
      %get3A_1902 = vector.shape_cast %get3A_1901 : vector<16xf32> to vector<16xf32>
      %add3A_1903 = arith.addf %add3A_1895, %get3A_1902 : vector<16xf32>
      %get3A_1904 = arith.constant 48 : index
      %get3A_1905 = tpu.vector_load %arg15[%get3A_1904] {strides = array<i32>} : memref<256xf32, #tpu.memory_space<vmem>>, vector<16xf32>,
      %get3A_1906 = vector.shape_cast %get3A_1905 : vector<16xf32> to vector<16xf32>
      %add3A_1907 = arith.addf %add3A_1899, %get3A_1906 : vector<16xf32>
      %get3A_1908 = arith.constant 48 : index
      %get3A_1909 = tpu.vector_load %arg16[%get3A_1908] {strides = array<i32>} : memref<256xf32, #tpu.memory_space<vmem>>, vector<16xf32>,
      %get3A_1910 = vector.shape_cast %get3A_1909 : vector<16xf32> to vector<16xf32>
      %add3A_1911 = arith.addf %add3A_1903, %get3A_1910 : vector<16xf32>
      %get3A_1912 = arith.constant 64 : index
      %get3A_1913 = tpu.vector_load %arg15[%get3A_1912] {strides = array<i32>} : memref<256xf32, #tpu.memory_space<vmem>>, vector<16xf32>,
      %get3A_1914 = vector.shape_cast %get3A_1913 : vector<16xf32> to vector<16xf32>
      %add3A_1915 = arith.addf %add3A_1907, %get3A_1914 : vector<16xf32>
      %get3A_1916 = arith.constant 64 : index
      %get3A_1917 = tpu.vector_load %arg16[%get3A_1916] {strides = array<i32>} : memref<256xf32, #tpu.memory_space<vmem>>, vector<16xf32>,
      %get3A_1918 = vector.shape_cast %get3A_1917 : vector<16xf32> to vector<16xf32>
      %add3A_1919 = arith.addf %add3A_1911, %get3A_1918 : vector<16xf32>
      %get3A_1920 = arith.constant 80 : index
      %get3A_1921 = tpu.vector_load %arg15[%get3A_1920] {strides = array<i32>} : memref<256xf32, #tpu.memory_space<vmem>>, vector<16xf32>,
      %get3A_1922 = vector.shape_cast %get3A_1921 : vector<16xf32> to vector<16xf32>
      %add3A_1923 = arith.addf %add3A_1915, %get3A_1922 : vector<16xf32>
      %get3A_1924 = arith.constant 80 : index
      %get3A_1925 = tpu.vector_load %arg16[%get3A_1924] {strides = array<i32>} : memref<256xf32, #tpu.memory_space<vmem>>, vector<16xf32>,
      %get3A_1926 = vector.shape_cast %get3A_1925 : vector<16xf32> to vector<16xf32>
      %add3A_1927 = arith.addf %add3A_1919, %get3A_1926 : vector<16xf32>
      %get3A_1928 = arith.constant 96 : index
      %get3A_1929 = tpu.vector_load %arg15[%get3A_1928] {strides = array<i32>} : memref<256xf32, #tpu.memory_space<vmem>>, vector<16xf32>,
      %get3A_1930 = vector.shape_cast %get3A_1929 : vector<16xf32> to vector<16xf32>
      %add3A_1931 = arith.addf %add3A_1923, %get3A_1930 : vector<16xf32>
      %get3A_1932 = arith.constant 96 : index
      %get3A_1933 = tpu.vector_load %arg16[%get3A_1932] {strides = array<i32>} : memref<256xf32, #tpu.memory_space<vmem>>, vector<16xf32>,
      %get3A_1934 = vector.shape_cast %get3A_1933 : vector<16xf32> to vector<16xf32>
      %add3A_1935 = arith.addf %add3A_1927, %get3A_1934 : vector<16xf32>
      %get3A_1936 = arith.constant 112 : index
      %get3A_1937 = tpu.vector_load %arg15[%get3A_1936] {strides = array<i32>} : memref<256xf32, #tpu.memory_space<vmem>>, vector<16xf32>,
      %get3A_1938 = vector.shape_cast %get3A_1937 : vector<16xf32> to vector<16xf32>
      %add3A_1939 = arith.addf %add3A_1931, %get3A_1938 : vector<16xf32>
      %get3A_1940 = arith.constant 112 : index
      %get3A_1941 = tpu.vector_load %arg16[%get3A_1940] {strides = array<i32>} : memref<256xf32, #tpu.memory_space<vmem>>, vector<16xf32>,
      %get3A_1942 = vector.shape_cast %get3A_1941 : vector<16xf32> to vector<16xf32>
      %add3A_1943 = arith.addf %add3A_1935, %get3A_1942 : vector<16xf32>
      %get3A_1944 = arith.constant 128 : index
      %get3A_1945 = tpu.vector_load %arg15[%get3A_1944] {strides = array<i32>} : memref<256xf32, #tpu.memory_space<vmem>>, vector<16xf32>,
      %get3A_1946 = vector.shape_cast %get3A_1945 : vector<16xf32> to vector<16xf32>
      %add3A_1947 = arith.addf %add3A_1939, %get3A_1946 : vector<16xf32>
      %get3A_1948 = arith.constant 128 : index
      %get3A_1949 = tpu.vector_load %arg16[%get3A_1948] {strides = array<i32>} : memref<256xf32, #tpu.memory_space<vmem>>, vector<16xf32>,
      %get3A_1950 = vector.shape_cast %get3A_1949 : vector<16xf32> to vector<16xf32>
      %add3A_1951 = arith.addf %add3A_1943, %get3A_1950 : vector<16xf32>
      %get3A_1952 = arith.constant 144 : index
      %get3A_1953 = tpu.vector_load %arg15[%get3A_1952] {strides = array<i32>} : memref<256xf32, #tpu.memory_space<vmem>>, vector<16xf32>,
      %get3A_1954 = vector.shape_cast %get3A_1953 : vector<16xf32> to vector<16xf32>
      %add3A_1955 = arith.addf %add3A_1947, %get3A_1954 : vector<16xf32>
      %get3A_1956 = arith.constant 144 : index
      %get3A_1957 = tpu.vector_load %arg16[%get3A_1956] {strides = array<i32>} : memref<256xf32, #tpu.memory_space<vmem>>, vector<16xf32>,
      %get3A_1958 = vector.shape_cast %get3A_1957 : vector<16xf32> to vector<16xf32>
      %add3A_1959 = arith.addf %add3A_1951, %get3A_1958 : vector<16xf32>
      %get3A_1960 = arith.constant 160 : index
      %get3A_1961 = tpu.vector_load %arg15[%get3A_1960] {strides = array<i32>} : memref<256xf32, #tpu.memory_space<vmem>>, vector<16xf32>,
      %get3A_1962 = vector.shape_cast %get3A_1961 : vector<16xf32> to vector<16xf32>
      %add3A_1963 = arith.addf %add3A_1955, %get3A_1962 : vector<16xf32>
      %get3A_1964 = arith.constant 160 : index
      %get3A_1965 = tpu.vector_load %arg16[%get3A_1964] {strides = array<i32>} : memref<256xf32, #tpu.memory_space<vmem>>, vector<16xf32>,
      %get3A_1966 = vector.shape_cast %get3A_1965 : vector<16xf32> to vector<16xf32>
      %add3A_1967 = arith.addf %add3A_1959, %get3A_1966 : vector<16xf32>
      %get3A_1968 = arith.constant 176 : index
      %get3A_1969 = tpu.vector_load %arg15[%get3A_1968] {strides = array<i32>} : memref<256xf32, #tpu.memory_space<vmem>>, vector<16xf32>,
      %get3A_1970 = vector.shape_cast %get3A_1969 : vector<16xf32> to vector<16xf32>
      %add3A_1971 = arith.addf %add3A_1963, %get3A_1970 : vector<16xf32>
      %get3A_1972 = arith.constant 176 : index
      %get3A_1973 = tpu.vector_load %arg16[%get3A_1972] {strides = array<i32>} : memref<256xf32, #tpu.memory_space<vmem>>, vector<16xf32>,
      %get3A_1974 = vector.shape_cast %get3A_1973 : vector<16xf32> to vector<16xf32>
      %add3A_1975 = arith.addf %add3A_1967, %get3A_1974 : vector<16xf32>
      %get3A_1976 = arith.constant 192 : index
      %get3A_1977 = tpu.vector_load %arg15[%get3A_1976] {strides = array<i32>} : memref<256xf32, #tpu.memory_space<vmem>>, vector<16xf32>,
      %get3A_1978 = vector.shape_cast %get3A_1977 : vector<16xf32> to vector<16xf32>
      %add3A_1979 = arith.addf %add3A_1971, %get3A_1978 : vector<16xf32>
      %get3A_1980 = arith.constant 192 : index
      %get3A_1981 = tpu.vector_load %arg16[%get3A_1980] {strides = array<i32>} : memref<256xf32, #tpu.memory_space<vmem>>, vector<16xf32>,
      %get3A_1982 = vector.shape_cast %get3A_1981 : vector<16xf32> to vector<16xf32>
      %add3A_1983 = arith.addf %add3A_1975, %get3A_1982 : vector<16xf32>
      %get3A_1984 = arith.constant 208 : index
      %get3A_1985 = tpu.vector_load %arg15[%get3A_1984] {strides = array<i32>} : memref<256xf32, #tpu.memory_space<vmem>>, vector<16xf32>,
      %get3A_1986 = vector.shape_cast %get3A_1985 : vector<16xf32> to vector<16xf32>
      %add3A_1987 = arith.addf %add3A_1979, %get3A_1986 : vector<16xf32>
      %get3A_1988 = arith.constant 208 : index
      %get3A_1989 = tpu.vector_load %arg16[%get3A_1988] {strides = array<i32>} : memref<256xf32, #tpu.memory_space<vmem>>, vector<16xf32>,
      %get3A_1990 = vector.shape_cast %get3A_1989 : vector<16xf32> to vector<16xf32>
      %add3A_1991 = arith.addf %add3A_1983, %get3A_1990 : vector<16xf32>
      %get3A_1992 = arith.constant 224 : index
      %get3A_1993 = tpu.vector_load %arg15[%get3A_1992] {strides = array<i32>} : memref<256xf32, #tpu.memory_space<vmem>>, vector<16xf32>,
      %get3A_1994 = vector.shape_cast %get3A_1993 : vector<16xf32> to vector<16xf32>
      %add3A_1995 = arith.addf %add3A_1987, %get3A_1994 : vector<16xf32>
      %get3A_1996 = arith.constant 224 : index
      %get3A_1997 = tpu.vector_load %arg16[%get3A_1996] {strides = array<i32>} : memref<256xf32, #tpu.memory_space<vmem>>, vector<16xf32>,
      %get3A_1998 = vector.shape_cast %get3A_1997 : vector<16xf32> to vector<16xf32>
      %add3A_1999 = arith.addf %add3A_1991, %get3A_1998 : vector<16xf32>
      %get3A_2000 = arith.constant 240 : index
      %get3A_2001 = tpu.vector_load %arg15[%get3A_2000] {strides = array<i32>} : memref<256xf32, #tpu.memory_space<vmem>>, vector<16xf32>,
      %get3A_2002 = vector.shape_cast %get3A_2001 : vector<16xf32> to vector<16xf32>
      %add3A_2003 = arith.addf %add3A_1995, %get3A_2002 : vector<16xf32>
      %get3A_2004 = arith.constant 240 : index
      %get3A_2005 = tpu.vector_load %arg16[%get3A_2004] {strides = array<i32>} : memref<256xf32, #tpu.memory_space<vmem>>, vector<16xf32>,
      %get3A_2006 = vector.shape_cast %get3A_2005 : vector<16xf32> to vector<16xf32>
      %add3A_2007 = arith.addf %add3A_1999, %get3A_2006 : vector<16xf32>
      %max3A_2008 = arith.constant 1.000000e+00 : f32
      %max3A_2009 = vector.broadcast %max3A_2008 : f32 to vector<16xf32>
      %max3A_2010 = arith.maximumf %add3A_2007, %max3A_2009 : vector<16xf32>
      %sub3A_2011 = arith.constant 1.000000e+00 : f32
      %sub3A_2012 = vector.broadcast %sub3A_2011 : f32 to vector<16xf32>
      %sub3A_2013 = arith.subf %add3A_2003, %sub3A_2012 : vector<16xf32>
      %div3A = arith.divf %sub3A_2013, %max3A_2010 : vector<16xf32>
      %add3A_2014 = arith.addf %scan3A_1729#0, %div3A : vector<16xf32>
      %broadcast_in_dim3A_2015 = arith.constant 0.000000e+00 : f32
      %broadcast_in_dim3A_2016 = vector.broadcast %broadcast_in_dim3A_2015 : f32 to vector<16xf32>
      %scan3A_2017 = arith.constant 0 : i32
      %scan3A_2018 = arith.constant 128 : i32
      %scan3A_2019 = arith.addi %scan3A_2017, %scan3A_2018 : i32
      %scan3A_2020 = arith.constant 1 : i32
      %scan3A_2021 = scf.for %scan3A_2162 = %scan3A_2017 to %scan3A_2019 step %scan3A_2020 iter_args(%scan3A_2163 = %broadcast_in_dim3A_2016) -> (vector<16xf32>)  : i32 {
        %mul3A_2164 = arith.constant 16 : i32
        %mul3A_2165 = arith.muli %scan3A_2162, %mul3A_2164 : i32
        %get3A_2166 = arith.index_cast %mul3A_2165 : i32 to index
        %get3A_2167 = tpu.vector_load %arg8[%get3A_2166] {strides = array<i32>} : memref<2048xf32, #tpu.memory_space<vmem>>, vector<16xf32>,
        %get3A_2168 = vector.shape_cast %get3A_2167 : vector<16xf32> to vector<16xf32>
        %get3A_2169 = arith.index_cast %mul3A_2165 : i32 to index
        %get3A_2170 = tpu.vector_load %arg9[%get3A_2169] {strides = array<i32>} : memref<2048xf32, #tpu.memory_space<vmem>>, vector<16xf32>,
        %get3A_2171 = vector.shape_cast %get3A_2170 : vector<16xf32> to vector<16xf32>
        %sub3A_2172 = arith.subf %get3A_2168, %add3A_2014 : vector<16xf32>
        %max3A_2173 = arith.constant 0.000000e+00 : f32
        %max3A_2174 = vector.broadcast %max3A_2173 : f32 to vector<16xf32>
        %max3A_2175 = arith.maximumf %sub3A_2172, %max3A_2174 : vector<16xf32>
        %min3A_2176 = arith.minimumf %max3A_2175, %get3A_2171 : vector<16xf32>
        %le3A = arith.constant 0.000000e+00 : f32
        %le3A_2177 = vector.broadcast %le3A : f32 to vector<16xf32>
        %le3A_2178 = arith.cmpf ole, %sub3A_2172, %le3A_2177 : vector<16xf32>
        %ge3A_2179 = arith.cmpf oge, %sub3A_2172, %get3A_2171 : vector<16xf32>
        %jit3A_2180 = arith.constant 2 : i32
        %jit3A_2181 = arith.constant 1 : i32
        %broadcast_in_dim3A_2182 = vector.broadcast %jit3A_2180 : i32 to vector<16xi32>
        %broadcast_in_dim3A_2183 = vector.broadcast %jit3A_2181 : i32 to vector<16xi32>
        %select_n3A_2184 = arith.select %ge3A_2179, %broadcast_in_dim3A_2182, %broadcast_in_dim3A_2183 : vector<16xi1>, vector<16xi32>
        %jit3A_2185 = arith.constant 0 : i32
        %broadcast_in_dim3A_2186 = vector.broadcast %jit3A_2185 : i32 to vector<16xi32>
        %select_n3A_2187 = arith.select %le3A_2178, %broadcast_in_dim3A_2186, %select_n3A_2184 : vector<16xi1>, vector<16xi32>
        %swap3A_2188 = arith.index_cast %mul3A_2165 : i32 to index
        %swap3A_2189 = tpu.vector_load %arg12[%swap3A_2188] {strides = array<i32>} : memref<2048xf32, #tpu.memory_space<vmem>>, vector<16xf32>,
        %swap3A_2190 = vector.shape_cast %swap3A_2189 : vector<16xf32> to vector<16xf32>
        %swap3A_2191 = vector.shape_cast %min3A_2176 : vector<16xf32> to vector<16xf32>
        tpu.vector_store %arg12[%swap3A_2188], %swap3A_2191 {strides = array<i32>} : memref<2048xf32, #tpu.memory_space<vmem>>, vector<16xf32>,
        %swap3A_2192 = arith.index_cast %mul3A_2165 : i32 to index
        %swap3A_2193 = tpu.vector_load %arg13[%swap3A_2192] {strides = array<i32>} : memref<2048xi32, #tpu.memory_space<vmem>>, vector<16xi32>,
        %swap3A_2194 = vector.shape_cast %swap3A_2193 : vector<16xi32> to vector<16xi32>
        %swap3A_2195 = vector.shape_cast %select_n3A_2187 : vector<16xi32> to vector<16xi32>
        tpu.vector_store %arg13[%swap3A_2192], %swap3A_2195 {strides = array<i32>} : memref<2048xi32, #tpu.memory_space<vmem>>, vector<16xi32>,
        %sub3A_2196 = arith.subf %min3A_2176, %get3A_2168 : vector<16xf32>
        %mul3A_2197 = arith.mulf %sub3A_2196, %sub3A_2196 : vector<16xf32>
        %add3A_2198 = arith.addf %scan3A_2163, %mul3A_2197 : vector<16xf32>
        scf.yield %add3A_2198 : vector<16xf32>
      }
      %scan3A_2022 = arith.constant 128 : i32
      "tpu.region"() ({
        %run_scoped3A = tpu.sem_alloc : memref<!tpu.dma_semaphore, #tpu.memory_space<semaphore_mem>>
        %dma_start3A = tpu.memref_slice %arg4[%mul3A_2] : memref<32768xf32, #tpu.memory_space<hbm>> -> memref<2048xf32, #tpu.memory_space<hbm>>
        %dma_start3A_2162 = tpu.memref_slice %arg4[%mul3A_2] : memref<32768xf32, #tpu.memory_space<hbm>> -> memref<2048xf32, #tpu.memory_space<hbm>>
        tpu.enqueue_dma source(%arg12 : memref<2048xf32, #tpu.memory_space<vmem>>) target(%dma_start3A_2162 : memref<2048xf32, #tpu.memory_space<hbm>>) target_semaphore(%run_scoped3A : memref<!tpu.dma_semaphore, #tpu.memory_space<semaphore_mem>>)
        %dma_wait3A = tpu.memref_slice %arg4[%mul3A_2] : memref<32768xf32, #tpu.memory_space<hbm>> -> memref<2048xf32, #tpu.memory_space<hbm>>
        %dma_wait3A_2163 = tpu.memref_slice %arg4[%mul3A_2] : memref<32768xf32, #tpu.memory_space<hbm>> -> memref<2048xf32, #tpu.memory_space<hbm>>
        tpu.wait_dma2 semaphore(%run_scoped3A : memref<!tpu.dma_semaphore, #tpu.memory_space<semaphore_mem>>) src(%arg12 : memref<2048xf32, #tpu.memory_space<vmem>>) dst(%dma_wait3A_2163 : memref<2048xf32, #tpu.memory_space<hbm>>)
        tpu.yield
      }) : () -> ()
      "tpu.region"() ({
        %run_scoped3A = tpu.sem_alloc : memref<!tpu.dma_semaphore, #tpu.memory_space<semaphore_mem>>
        %dma_start3A = tpu.memref_slice %arg5[%mul3A_2] : memref<32768xi32, #tpu.memory_space<hbm>> -> memref<2048xi32, #tpu.memory_space<hbm>>
        %dma_start3A_2162 = tpu.memref_slice %arg5[%mul3A_2] : memref<32768xi32, #tpu.memory_space<hbm>> -> memref<2048xi32, #tpu.memory_space<hbm>>
        tpu.enqueue_dma source(%arg13 : memref<2048xi32, #tpu.memory_space<vmem>>) target(%dma_start3A_2162 : memref<2048xi32, #tpu.memory_space<hbm>>) target_semaphore(%run_scoped3A : memref<!tpu.dma_semaphore, #tpu.memory_space<semaphore_mem>>)
        %dma_wait3A = tpu.memref_slice %arg5[%mul3A_2] : memref<32768xi32, #tpu.memory_space<hbm>> -> memref<2048xi32, #tpu.memory_space<hbm>>
        %dma_wait3A_2163 = tpu.memref_slice %arg5[%mul3A_2] : memref<32768xi32, #tpu.memory_space<hbm>> -> memref<2048xi32, #tpu.memory_space<hbm>>
        tpu.wait_dma2 semaphore(%run_scoped3A : memref<!tpu.dma_semaphore, #tpu.memory_space<semaphore_mem>>) src(%arg13 : memref<2048xi32, #tpu.memory_space<vmem>>) dst(%dma_wait3A_2163 : memref<2048xi32, #tpu.memory_space<hbm>>)
        tpu.yield
      }) : () -> ()
      %iota3A_2023 = tpu.iota {dimensions = array<i32: 0>} : vector<16xi32>
      %xor3A_2024 = arith.constant 1 : i32
      %xor3A_2025 = vector.broadcast %xor3A_2024 : i32 to vector<16xi32>
      %xor3A_2026 = arith.xori %iota3A_2023, %xor3A_2025 : vector<16xi32>
      %lt3A_2027 = arith.constant 0 : i32
      %lt3A_2028 = vector.broadcast %lt3A_2027 : i32 to vector<16xi32>
      %lt3A_2029 = arith.cmpi slt, %xor3A_2026, %lt3A_2028 : vector<16xi32>
      %add3A_2030 = arith.constant 16 : i32
      %add3A_2031 = vector.broadcast %add3A_2030 : i32 to vector<16xi32>
      %add3A_2032 = arith.addi %xor3A_2026, %add3A_2031 : vector<16xi32>
      %select_n3A_2033 = arith.select %lt3A_2029, %add3A_2032, %xor3A_2026 : vector<16xi1>, vector<16xi32>
      %broadcast_in_dim3A_2034 = vector.shape_cast %select_n3A_2033 : vector<16xi32> to vector<16x1xi32>
      %gather3A_2035 = vector.shape_cast %broadcast_in_dim3A_2034 : vector<16x1xi32> to vector<16xi32>
      %gather3A_2036 = tpu.dynamic_gather %scan3A_2021[%gather3A_2035] in [0] : vector<16xf32>, vector<16xi32> -> vector<16xf32>
      %add3A_2037 = arith.addf %scan3A_2021, %gather3A_2036 : vector<16xf32>
      %iota3A_2038 = tpu.iota {dimensions = array<i32: 0>} : vector<16xi32>
      %xor3A_2039 = arith.constant 2 : i32
      %xor3A_2040 = vector.broadcast %xor3A_2039 : i32 to vector<16xi32>
      %xor3A_2041 = arith.xori %iota3A_2038, %xor3A_2040 : vector<16xi32>
      %lt3A_2042 = arith.constant 0 : i32
      %lt3A_2043 = vector.broadcast %lt3A_2042 : i32 to vector<16xi32>
      %lt3A_2044 = arith.cmpi slt, %xor3A_2041, %lt3A_2043 : vector<16xi32>
      %add3A_2045 = arith.constant 16 : i32
      %add3A_2046 = vector.broadcast %add3A_2045 : i32 to vector<16xi32>
      %add3A_2047 = arith.addi %xor3A_2041, %add3A_2046 : vector<16xi32>
      %select_n3A_2048 = arith.select %lt3A_2044, %add3A_2047, %xor3A_2041 : vector<16xi1>, vector<16xi32>
      %broadcast_in_dim3A_2049 = vector.shape_cast %select_n3A_2048 : vector<16xi32> to vector<16x1xi32>
      %gather3A_2050 = vector.shape_cast %broadcast_in_dim3A_2049 : vector<16x1xi32> to vector<16xi32>
      %gather3A_2051 = tpu.dynamic_gather %add3A_2037[%gather3A_2050] in [0] : vector<16xf32>, vector<16xi32> -> vector<16xf32>
      %add3A_2052 = arith.addf %add3A_2037, %gather3A_2051 : vector<16xf32>
      %iota3A_2053 = tpu.iota {dimensions = array<i32: 0>} : vector<16xi32>
      %xor3A_2054 = arith.constant 4 : i32
      %xor3A_2055 = vector.broadcast %xor3A_2054 : i32 to vector<16xi32>
      %xor3A_2056 = arith.xori %iota3A_2053, %xor3A_2055 : vector<16xi32>
      %lt3A_2057 = arith.constant 0 : i32
      %lt3A_2058 = vector.broadcast %lt3A_2057 : i32 to vector<16xi32>
      %lt3A_2059 = arith.cmpi slt, %xor3A_2056, %lt3A_2058 : vector<16xi32>
      %add3A_2060 = arith.constant 16 : i32
      %add3A_2061 = vector.broadcast %add3A_2060 : i32 to vector<16xi32>
      %add3A_2062 = arith.addi %xor3A_2056, %add3A_2061 : vector<16xi32>
      %select_n3A_2063 = arith.select %lt3A_2059, %add3A_2062, %xor3A_2056 : vector<16xi1>, vector<16xi32>
      %broadcast_in_dim3A_2064 = vector.shape_cast %select_n3A_2063 : vector<16xi32> to vector<16x1xi32>
      %gather3A_2065 = vector.shape_cast %broadcast_in_dim3A_2064 : vector<16x1xi32> to vector<16xi32>
      %gather3A_2066 = tpu.dynamic_gather %add3A_2052[%gather3A_2065] in [0] : vector<16xf32>, vector<16xi32> -> vector<16xf32>
      %add3A_2067 = arith.addf %add3A_2052, %gather3A_2066 : vector<16xf32>
      %iota3A_2068 = tpu.iota {dimensions = array<i32: 0>} : vector<16xi32>
      %xor3A_2069 = arith.constant 8 : i32
      %xor3A_2070 = vector.broadcast %xor3A_2069 : i32 to vector<16xi32>
      %xor3A_2071 = arith.xori %iota3A_2068, %xor3A_2070 : vector<16xi32>
      %lt3A_2072 = arith.constant 0 : i32
      %lt3A_2073 = vector.broadcast %lt3A_2072 : i32 to vector<16xi32>
      %lt3A_2074 = arith.cmpi slt, %xor3A_2071, %lt3A_2073 : vector<16xi32>
      %add3A_2075 = arith.constant 16 : i32
      %add3A_2076 = vector.broadcast %add3A_2075 : i32 to vector<16xi32>
      %add3A_2077 = arith.addi %xor3A_2071, %add3A_2076 : vector<16xi32>
      %select_n3A_2078 = arith.select %lt3A_2074, %add3A_2077, %xor3A_2071 : vector<16xi1>, vector<16xi32>
      %broadcast_in_dim3A_2079 = vector.shape_cast %select_n3A_2078 : vector<16xi32> to vector<16x1xi32>
      %gather3A_2080 = vector.shape_cast %broadcast_in_dim3A_2079 : vector<16x1xi32> to vector<16xi32>
      %gather3A_2081 = tpu.dynamic_gather %add3A_2067[%gather3A_2080] in [0] : vector<16xf32>, vector<16xi32> -> vector<16xf32>
      %add3A_2082 = arith.addf %add3A_2067, %gather3A_2081 : vector<16xf32>
      %swap3A_2083 = arith.constant 0 : index
      %swap3A_2084 = tpu.vector_load %arg14[%swap3A_2083] {strides = array<i32>} : memref<16xf32, #tpu.memory_space<vmem>>, vector<16xf32>,
      %swap3A_2085 = vector.shape_cast %swap3A_2084 : vector<16xf32> to vector<16xf32>
      %swap3A_2086 = vector.shape_cast %add3A_2082 : vector<16xf32> to vector<16xf32>
      tpu.vector_store %arg14[%swap3A_2083], %swap3A_2086 {strides = array<i32>} : memref<16xf32, #tpu.memory_space<vmem>>, vector<16xf32>,
      "tpu.region"() ({
        %run_scoped3A = tpu.sem_alloc : memref<!tpu.dma_semaphore, #tpu.memory_space<semaphore_mem>>
        %dma_start3A = tpu.memref_slice %arg17[%mul3A_36] : memref<256xf32, #tpu.memory_space<vmem_shared>> -> memref<16xf32, #tpu.memory_space<vmem_shared>>
        %dma_start3A_2162 = tpu.memref_slice %arg17[%mul3A_36] : memref<256xf32, #tpu.memory_space<vmem_shared>> -> memref<16xf32, #tpu.memory_space<vmem_shared>>
        tpu.enqueue_dma source(%arg14 : memref<16xf32, #tpu.memory_space<vmem>>) target(%dma_start3A_2162 : memref<16xf32, #tpu.memory_space<vmem_shared>>) target_semaphore(%run_scoped3A : memref<!tpu.dma_semaphore, #tpu.memory_space<semaphore_mem>>)
        %dma_wait3A = tpu.memref_slice %arg17[%mul3A_36] : memref<256xf32, #tpu.memory_space<vmem_shared>> -> memref<16xf32, #tpu.memory_space<vmem_shared>>
        %dma_wait3A_2163 = tpu.memref_slice %arg17[%mul3A_36] : memref<256xf32, #tpu.memory_space<vmem_shared>> -> memref<16xf32, #tpu.memory_space<vmem_shared>>
        tpu.wait_dma2 semaphore(%run_scoped3A : memref<!tpu.dma_semaphore, #tpu.memory_space<semaphore_mem>>) src(%arg14 : memref<16xf32, #tpu.memory_space<vmem>>) dst(%dma_wait3A_2163 : memref<16xf32, #tpu.memory_space<vmem_shared>>)
        tpu.yield
      }) : () -> ()
      %barrier3A_2087 = arith.constant 0 : index
      tpu.barrier barrier_id(%barrier3A_2087)
      "tpu.region"() ({
        %run_scoped3A = tpu.sem_alloc : memref<!tpu.dma_semaphore, #tpu.memory_space<semaphore_mem>>
        tpu.enqueue_dma source(%arg17 : memref<256xf32, #tpu.memory_space<vmem_shared>>) target(%arg15 : memref<256xf32, #tpu.memory_space<vmem>>) target_semaphore(%run_scoped3A : memref<!tpu.dma_semaphore, #tpu.memory_space<semaphore_mem>>)
        tpu.wait_dma2 semaphore(%run_scoped3A : memref<!tpu.dma_semaphore, #tpu.memory_space<semaphore_mem>>) src(%arg17 : memref<256xf32, #tpu.memory_space<vmem_shared>>) dst(%arg15 : memref<256xf32, #tpu.memory_space<vmem>>)
        tpu.yield
      }) : () -> ()
      %broadcast_in_dim3A_2088 = arith.constant 0.000000e+00 : f32
      %broadcast_in_dim3A_2089 = vector.broadcast %broadcast_in_dim3A_2088 : f32 to vector<16xf32>
      %get3A_2090 = arith.constant 0 : index
      %get3A_2091 = tpu.vector_load %arg15[%get3A_2090] {strides = array<i32>} : memref<256xf32, #tpu.memory_space<vmem>>, vector<16xf32>,
      %get3A_2092 = vector.shape_cast %get3A_2091 : vector<16xf32> to vector<16xf32>
      %add3A_2093 = arith.addf %broadcast_in_dim3A_2089, %get3A_2092 : vector<16xf32>
      %get3A_2094 = arith.constant 16 : index
      %get3A_2095 = tpu.vector_load %arg15[%get3A_2094] {strides = array<i32>} : memref<256xf32, #tpu.memory_space<vmem>>, vector<16xf32>,
      %get3A_2096 = vector.shape_cast %get3A_2095 : vector<16xf32> to vector<16xf32>
      %add3A_2097 = arith.addf %add3A_2093, %get3A_2096 : vector<16xf32>
      %get3A_2098 = arith.constant 32 : index
      %get3A_2099 = tpu.vector_load %arg15[%get3A_2098] {strides = array<i32>} : memref<256xf32, #tpu.memory_space<vmem>>, vector<16xf32>,
      %get3A_2100 = vector.shape_cast %get3A_2099 : vector<16xf32> to vector<16xf32>
      %add3A_2101 = arith.addf %add3A_2097, %get3A_2100 : vector<16xf32>
      %get3A_2102 = arith.constant 48 : index
      %get3A_2103 = tpu.vector_load %arg15[%get3A_2102] {strides = array<i32>} : memref<256xf32, #tpu.memory_space<vmem>>, vector<16xf32>,
      %get3A_2104 = vector.shape_cast %get3A_2103 : vector<16xf32> to vector<16xf32>
      %add3A_2105 = arith.addf %add3A_2101, %get3A_2104 : vector<16xf32>
      %get3A_2106 = arith.constant 64 : index
      %get3A_2107 = tpu.vector_load %arg15[%get3A_2106] {strides = array<i32>} : memref<256xf32, #tpu.memory_space<vmem>>, vector<16xf32>,
      %get3A_2108 = vector.shape_cast %get3A_2107 : vector<16xf32> to vector<16xf32>
      %add3A_2109 = arith.addf %add3A_2105, %get3A_2108 : vector<16xf32>
      %get3A_2110 = arith.constant 80 : index
      %get3A_2111 = tpu.vector_load %arg15[%get3A_2110] {strides = array<i32>} : memref<256xf32, #tpu.memory_space<vmem>>, vector<16xf32>,
      %get3A_2112 = vector.shape_cast %get3A_2111 : vector<16xf32> to vector<16xf32>
      %add3A_2113 = arith.addf %add3A_2109, %get3A_2112 : vector<16xf32>
      %get3A_2114 = arith.constant 96 : index
      %get3A_2115 = tpu.vector_load %arg15[%get3A_2114] {strides = array<i32>} : memref<256xf32, #tpu.memory_space<vmem>>, vector<16xf32>,
      %get3A_2116 = vector.shape_cast %get3A_2115 : vector<16xf32> to vector<16xf32>
      %add3A_2117 = arith.addf %add3A_2113, %get3A_2116 : vector<16xf32>
      %get3A_2118 = arith.constant 112 : index
      %get3A_2119 = tpu.vector_load %arg15[%get3A_2118] {strides = array<i32>} : memref<256xf32, #tpu.memory_space<vmem>>, vector<16xf32>,
      %get3A_2120 = vector.shape_cast %get3A_2119 : vector<16xf32> to vector<16xf32>
      %add3A_2121 = arith.addf %add3A_2117, %get3A_2120 : vector<16xf32>
      %get3A_2122 = arith.constant 128 : index
      %get3A_2123 = tpu.vector_load %arg15[%get3A_2122] {strides = array<i32>} : memref<256xf32, #tpu.memory_space<vmem>>, vector<16xf32>,
      %get3A_2124 = vector.shape_cast %get3A_2123 : vector<16xf32> to vector<16xf32>
      %add3A_2125 = arith.addf %add3A_2121, %get3A_2124 : vector<16xf32>
      %get3A_2126 = arith.constant 144 : index
      %get3A_2127 = tpu.vector_load %arg15[%get3A_2126] {strides = array<i32>} : memref<256xf32, #tpu.memory_space<vmem>>, vector<16xf32>,
      %get3A_2128 = vector.shape_cast %get3A_2127 : vector<16xf32> to vector<16xf32>
      %add3A_2129 = arith.addf %add3A_2125, %get3A_2128 : vector<16xf32>
      %get3A_2130 = arith.constant 160 : index
      %get3A_2131 = tpu.vector_load %arg15[%get3A_2130] {strides = array<i32>} : memref<256xf32, #tpu.memory_space<vmem>>, vector<16xf32>,
      %get3A_2132 = vector.shape_cast %get3A_2131 : vector<16xf32> to vector<16xf32>
      %add3A_2133 = arith.addf %add3A_2129, %get3A_2132 : vector<16xf32>
      %get3A_2134 = arith.constant 176 : index
      %get3A_2135 = tpu.vector_load %arg15[%get3A_2134] {strides = array<i32>} : memref<256xf32, #tpu.memory_space<vmem>>, vector<16xf32>,
      %get3A_2136 = vector.shape_cast %get3A_2135 : vector<16xf32> to vector<16xf32>
      %add3A_2137 = arith.addf %add3A_2133, %get3A_2136 : vector<16xf32>
      %get3A_2138 = arith.constant 192 : index
      %get3A_2139 = tpu.vector_load %arg15[%get3A_2138] {strides = array<i32>} : memref<256xf32, #tpu.memory_space<vmem>>, vector<16xf32>,
      %get3A_2140 = vector.shape_cast %get3A_2139 : vector<16xf32> to vector<16xf32>
      %add3A_2141 = arith.addf %add3A_2137, %get3A_2140 : vector<16xf32>
      %get3A_2142 = arith.constant 208 : index
      %get3A_2143 = tpu.vector_load %arg15[%get3A_2142] {strides = array<i32>} : memref<256xf32, #tpu.memory_space<vmem>>, vector<16xf32>,
      %get3A_2144 = vector.shape_cast %get3A_2143 : vector<16xf32> to vector<16xf32>
      %add3A_2145 = arith.addf %add3A_2141, %get3A_2144 : vector<16xf32>
      %get3A_2146 = arith.constant 224 : index
      %get3A_2147 = tpu.vector_load %arg15[%get3A_2146] {strides = array<i32>} : memref<256xf32, #tpu.memory_space<vmem>>, vector<16xf32>,
      %get3A_2148 = vector.shape_cast %get3A_2147 : vector<16xf32> to vector<16xf32>
      %add3A_2149 = arith.addf %add3A_2145, %get3A_2148 : vector<16xf32>
      %get3A_2150 = arith.constant 240 : index
      %get3A_2151 = tpu.vector_load %arg15[%get3A_2150] {strides = array<i32>} : memref<256xf32, #tpu.memory_space<vmem>>, vector<16xf32>,
      %get3A_2152 = vector.shape_cast %get3A_2151 : vector<16xf32> to vector<16xf32>
      %add3A_2153 = arith.addf %add3A_2149, %get3A_2152 : vector<16xf32>
      %mul3A_2154 = arith.constant 5.000000e-01 : f32
      %mul3A_2155 = vector.broadcast %mul3A_2154 : f32 to vector<16xf32>
      %mul3A_2156 = arith.mulf %mul3A_2155, %add3A_2153 : vector<16xf32>
      %eq3A_2157 = arith.constant 0 : i32
      %eq3A_2158 = arith.cmpi eq, %arg1, %eq3A_2157 : i32
      %convert_element_type3A_2159 = arith.extui %eq3A_2158 : i1 to i32
      %cond3A_2160 = arith.constant 0 : i32
      %cond3A_2161 = arith.cmpi ne, %convert_element_type3A_2159, %cond3A_2160 : i32
      scf.if %cond3A_2161 {
        %swap3A_2162 = arith.constant 0 : index
        %swap3A_2163 = tpu.vector_load %arg14[%swap3A_2162] {strides = array<i32>} : memref<16xf32, #tpu.memory_space<vmem>>, vector<16xf32>,
        %swap3A_2164 = vector.shape_cast %swap3A_2163 : vector<16xf32> to vector<16xf32>
        %swap3A_2165 = vector.shape_cast %add3A_2014 : vector<16xf32> to vector<16xf32>
        tpu.vector_store %arg14[%swap3A_2162], %swap3A_2165 {strides = array<i32>} : memref<16xf32, #tpu.memory_space<vmem>>, vector<16xf32>,
        "tpu.region"() ({
          %run_scoped3A = tpu.sem_alloc : memref<!tpu.dma_semaphore, #tpu.memory_space<semaphore_mem>>
          tpu.enqueue_dma source(%arg14 : memref<16xf32, #tpu.memory_space<vmem>>) target(%arg6 : memref<16xf32, #tpu.memory_space<hbm>>) target_semaphore(%run_scoped3A : memref<!tpu.dma_semaphore, #tpu.memory_space<semaphore_mem>>)
          tpu.wait_dma2 semaphore(%run_scoped3A : memref<!tpu.dma_semaphore, #tpu.memory_space<semaphore_mem>>) src(%arg14 : memref<16xf32, #tpu.memory_space<vmem>>) dst(%arg6 : memref<16xf32, #tpu.memory_space<hbm>>)
          tpu.yield
        }) : () -> ()
        %swap3A_2166 = arith.constant 0 : index
        %swap3A_2167 = tpu.vector_load %arg14[%swap3A_2166] {strides = array<i32>} : memref<16xf32, #tpu.memory_space<vmem>>, vector<16xf32>,
        %swap3A_2168 = vector.shape_cast %swap3A_2167 : vector<16xf32> to vector<16xf32>
        %swap3A_2169 = vector.shape_cast %mul3A_2156 : vector<16xf32> to vector<16xf32>
        tpu.vector_store %arg14[%swap3A_2166], %swap3A_2169 {strides = array<i32>} : memref<16xf32, #tpu.memory_space<vmem>>, vector<16xf32>,
        "tpu.region"() ({
          %run_scoped3A = tpu.sem_alloc : memref<!tpu.dma_semaphore, #tpu.memory_space<semaphore_mem>>
          tpu.enqueue_dma source(%arg14 : memref<16xf32, #tpu.memory_space<vmem>>) target(%arg7 : memref<16xf32, #tpu.memory_space<hbm>>) target_semaphore(%run_scoped3A : memref<!tpu.dma_semaphore, #tpu.memory_space<semaphore_mem>>)
          tpu.wait_dma2 semaphore(%run_scoped3A : memref<!tpu.dma_semaphore, #tpu.memory_space<semaphore_mem>>) src(%arg14 : memref<16xf32, #tpu.memory_space<vmem>>) dst(%arg7 : memref<16xf32, #tpu.memory_space<hbm>>)
          tpu.yield
        }) : () -> ()
      } else {
      }
    } else {
    }
    return
  }
}

</mosaic_0001>

<sc_bundles>
// kernel: kernel.3.cloned.1.call-start
scs
__scs_entry_jumppad:
0x0: {  	(pc) =	sbr.rel $0x88, $3  }
0x1: {  	(tag) =	ssettag $0x0;
	lr =	simm.s32 $0x1  }
0x2: {  	[smem:$0x3F9F] =	sst lr;
	_ =	strace $0xD0000000  }
0x3: {  	_ = 	snop  }
0x4: {  	_ = 	snop  }
0x5: {  	_ = 	snop  }
0x6: {  	_ = 	snop  }
0x7: {  	_ = 	snop  }
__scs_overlays_trampoline_lowered:
0x8: {  	[smem:$0x3FAE] =	sst s0  }
0x9: {  	[smem:$0x3FAF] =	sst s1  }
0xa: {  	[smem:$0x3FB0] =	sst s2  }
0xb: {  	[smem:$0x3FB1] =	sst s3  }
0xc: {  	[smem:$0x3FB2] =	sst s4  }
0xd: {  	[smem:$0x3FB3] =	sst s5  }
0xe: {  	[smem:$0x3FB4] =	sst s6  }
0xf: {  	[smem:$0x3FB5] =	sst s7  }
0x10: {  	[smem:$0x3FB6] =	sst s8  }
0x11: {  	[smem:$0x3FB7] =	sst s9;
	s0 =	simm.s32 @!p0 $0x0  }
0x12: {  	s1 =	sld [smem:$0x3F9D];
	s0 =	simm.s32 @p0 $0x1  }
0x13: {  	[smem:$0x3FB8] =	sst s0;
	s0 =	simm.s32 @!p1 $0x0  }
0x14: {  	s2 =	sld [smem:$0x3F9C];
	s0 =	simm.s32 @p1 $0x1  }
0x15: {  	[smem:$0x3FB9] =	sst s0;
	s0 =	simm.s32 @!p2 $0x0  }
0x16: {  	s3 =	sld [smem:$0x3FDB];
	s0 =	simm.s32 @p2 $0x1  }
0x17: {  	s4 =	simm.s32 $0x1BF5;
	[smem:$0x3FBB] =	sst s0  }
0x18: {  	s0 =	sld [smem:$0x3F9E];
	_ =	swait.ge [sflag:s4], $0x0  }
0x19: {  	s7 =	sld [smem:$0x3F9F]  }
0x1a: {  	s8 =	sadd.s32 $0xFFFFE003, lr  }
0x1b: {  	s9 =	sadd.s32 $0xFFFFFEF7, lr;
	s5 =	simm.s32 $0xFFFFFFFF;
	p2 =	slt.u32 s8, $0xFFFFF086  }
0x1c: {  	p1 =	slt.u32 s9, $0xF7A;
	s5 =	simm.s32 @!p2 $0x0  }
0x1d: {  	s5 =	simm.s32 @p1 $0x1;
	p0 =	seq.s32 s7, s2  }
0x1e: {  	s7 =	smul.u32 @!p0 $0xF7A, s2;
	p2 =	seq.s32 @!p0 s5, $0x0  }
0x1f: {  	s9 =	smul.u32 $0xF7A, s1;
	s8 =	simm.s32 @!p0 $0x1BF5;
	p2 =	por !p2, p0  }
0x20: {  	[sflag:s8] =	ssyncset.s32 @!p0 $0xFFFFF086;
	s6 =	sadd.s32 @!p0 s3, s7;
	s7 =	simm.s32 @!p0 $0x108  }
0x21: {  	s3 =	sadd.s32 s3, s9;
	s6 =	sadd.s32 @!p0 $0x88, s6;
	s7 =	simm.s32 @p2 $0x1082  }
0x22: {  	[simem:s7], [sflag:s8] =	dma.local @!p0 [hbm:s6], $0xF7A  }
0x23: {  	s9 =	sor.u32 $0xD0000000, s2;
	s6 =	simm.s32 $0x108;
	_ =	swait.ge @!p0 [sflag:s8], $0x0  }
0x24: {  	s3 =	sadd.s32 $0x88, s3;
	s6 =	simm.s32 @!p1 $0x1082;
	[sflag:s4] =	ssyncset.s32 $0xFFFFF086  }
0x25: {  	[simem:s6], [sflag:s4] =	dma.local [hbm:s3], $0xF7A  }
0x26: {  	[smem:$0x3F9F] =	sst s1;
	(tag) =	ssettag s2;
	_ =	strace s9  }
0x27: {  	s1 =	sld [smem:$0x3FAF]  }
0x28: {  	s2 =	sld [smem:$0x3FB0]  }
0x29: {  	s4 =	sld [smem:$0x3FB2]  }
0x2a: {  	p0 =	seq.s32 s5, $0x0;
	s5 =	sld [smem:$0x3FB3]  }
0x2b: {  	s6 =	sld [smem:$0x3FB4]  }
0x2c: {  	s7 =	sld [smem:$0x3FB5]  }
0x2d: {  	s3 =	simm.s32 $0x108;
	s8 =	sld [smem:$0x3FB6]  }
0x2e: {  	s3 =	simm.s32 @!p0 $0x1082;
	s9 =	sld [smem:$0x3FB7]  }
0x2f: {  	lr =	sadd.s32 s0, s3;
	s0 =	sld [smem:$0x3FAE]  }
0x30: {  	s3 =	sld [smem:$0x3FB1]  }
0x31: {  	[smem:$0x3FBA] =	sst s10  }
0x32: {  	s10 =	sld [smem:$0x3FB8];
	_ =	sdelay $0x3  }
0x33: {  	p0 =	seq.s32 s10, $0x1;
	s10 =	sld [smem:$0x3FBA];
	_ =	sdelay $0x3  }
0x34: {  	[smem:$0x3FBA] =	sst s10  }
0x35: {  	s10 =	sld [smem:$0x3FB9];
	_ =	sdelay $0x3  }
0x36: {  	p1 =	seq.s32 s10, $0x1;
	s10 =	sld [smem:$0x3FBA];
	_ =	sdelay $0x3  }
0x37: {  	[smem:$0x3FBA] =	sst s10  }
0x38: {  	s10 =	sld [smem:$0x3FBB]  }
0x39: {  	_ = 	snop;
	(pc) =	sbr.ind lr, $3  }
0x3a: {  	_ = 	snop  }
0x3b: {  	_ = 	snop  }
0x3c: {  	p2 =	seq.s32 s10, $0x1;
	s10 =	sld [smem:$0x3FBA]  }
0x3d: {  	_ =	shalt  }
0x3e: {  	_ =	shalt  }
0x3f: {  	_ =	shalt  }
0x40: {  	_ =	shalt  }
0x41: {  	_ =	shalt  }
0x42: {  	_ =	shalt  }
0x43: {  	_ =	shalt  }
0x44: {  	_ =	shalt  }
0x45: {  	_ =	shalt  }
0x46: {  	_ =	shalt  }
0x47: {  	_ =	shalt  }
0x48: {  	_ =	shalt  }
0x49: {  	_ =	shalt  }
0x4a: {  	_ =	shalt  }
0x4b: {  	_ =	shalt  }
0x4c: {  	_ =	shalt  }
0x4d: {  	_ =	shalt  }
0x4e: {  	_ =	shalt  }
0x4f: {  	_ =	shalt  }
0x50: {  	_ =	shalt  }
0x51: {  	_ =	shalt  }
0x52: {  	_ =	shalt  }
0x53: {  	_ =	shalt  }
0x54: {  	_ =	shalt  }
0x55: {  	_ =	shalt  }
0x56: {  	_ =	shalt  }
0x57: {  	_ =	shalt  }
0x58: {  	_ =	shalt  }
0x59: {  	_ =	shalt  }
0x5a: {  	_ =	shalt  }
0x5b: {  	_ =	shalt  }
0x5c: {  	_ =	shalt  }
0x5d: {  	_ =	shalt  }
0x5e: {  	_ =	shalt  }
0x5f: {  	_ =	shalt  }
0x60: {  	_ =	shalt  }
0x61: {  	_ =	shalt  }
0x62: {  	_ =	shalt  }
0x63: {  	_ =	shalt  }
0x64: {  	_ =	shalt  }
0x65: {  	_ =	shalt  }
0x66: {  	_ =	shalt  }
0x67: {  	_ =	shalt  }
0x68: {  	_ =	shalt  }
0x69: {  	_ =	shalt  }
0x6a: {  	_ =	shalt  }
0x6b: {  	_ =	shalt  }
0x6c: {  	_ =	shalt  }
0x6d: {  	_ =	shalt  }
0x6e: {  	_ =	shalt  }
0x6f: {  	_ =	shalt  }
0x70: {  	_ =	shalt  }
0x71: {  	_ =	shalt  }
0x72: {  	_ =	shalt  }
0x73: {  	_ =	shalt  }
0x74: {  	_ =	shalt  }
0x75: {  	_ =	shalt  }
0x76: {  	_ =	shalt  }
0x77: {  	_ =	shalt  }
0x78: {  	_ =	shalt  }
0x79: {  	_ =	shalt  }
0x7a: {  	_ =	shalt  }
0x7b: {  	_ =	shalt  }
0x7c: {  	_ =	shalt  }
0x7d: {  	_ =	shalt  }
0x7e: {  	_ =	shalt  }
0x7f: {  	_ =	shalt  }
0x80: {  	_ =	shalt  }
0x81: {  	_ =	shalt  }
0x82: {  	_ =	shalt  }
0x83: {  	_ =	shalt  }
0x84: {  	_ =	shalt  }
0x85: {  	_ =	shalt  }
0x86: {  	_ =	shalt  }
0x87: {  	_ =	shalt  }
.Lfunc_end0:
.L_simem_size_0:
called_computation_lowered:
.L_overlay_start_0:
0x88: {  	s0 =	sld [smem:$0x3FD9]  }
0x89: {  	s1 =	sld [smem:$0x3FFE];
	_ =	sdelay $0x3  }
0x8a: {  	s0 =	sadd.s32 s1, s0  }
0x8b: {  	[smem:$0x3FC6] =	sst s0  }
0x8c: {  	_ = 	snop  }
0x8d: {  	s0 =	sld [smem:$0x3FD0];
	_ =	sdelay $0x1  }
0x8e: {  	s14 =	sld [smem:$0x3FC9]  }
0x8f: {  	s3 =	simm.s32 $0xA;
	s4 =	simm.s32 $0x10;
	s2 =	sld [smem:$0x3FC8]  }
0x90: {  	[smem:s4], [sflag:s3] =	dma.local [hbm:s0], $0x1  }
0x91: {  	_ =	swait.eq [sflag:s3], $0x1  }
0x92: {  	s15 =	sld [smem:$0x10]  }
0x93: {  	s16 =	sld [smem:$0x11];
	[sflag:s3] =	ssyncset.done $0x0  }
0x94: {  	s5 =	sld [smem:$0x12];
	[sflag:s3] =	ssyncadd.s32 $0xFFFFFFFF  }
0x95: {  	s17 =	sld [smem:$0x13];
	(tm) =	ssettm $0x1  }
0x96: {  	s6 =	sld [smem:$0x3FFB];
	_ =	sdelay $0x3  }
0x97: {  	_ =	strace s6  }
0x98: {  	s6 =	sld [smem:$0x3FFC];
	_ =	sdelay $0x3  }
0x99: {  	_ =	strace s6  }
0x9a: {  	s6 =	sld [smem:$0x3FFD];
	_ =	sdelay $0x3  }
0x9b: {  	_ =	strace s6  }
0x9c: {  	_ =	strace $0x8FFFFFFF  }
0x9d: {  	s18 =	sld [smem:$0x3FDB];
	_ =	sdelay $0x1  }
0x9e: {  	s7 =	simm.s32 $_scs_section_size  }
0x9f: {  	s8 =	simm.s32 $_size__tile_overlayer_lowered;
	s9 =	simm.s32 $_tile_overlayer_lowered  }
0xa0: {  	s21 =	simm.s32 $0x1BFF;
	s20 =	sshll.u32 s9, $0x1;
	s6 =	sadd.s32 s7, s18  }
0xa1: {  	s10 =	simm.s32 $0x0;
	s19 =	sshll.u32 s8, $0x1;
	s8 =	sadd.s32 s20, s6  }
0xa2: {  	[timem:s10], [sflag:s21] =	dma.local [hbm:s8], s19  }
0xa3: {  	_ =	swait.ge [sflag:s21], s19  }
0xa4: {  	s7 =	ssub.s32 $0x0, s19;
	[sflag:s21] =	ssyncset.done $0x0  }
0xa5: {  	[sflag:s21] =	ssyncadd.s32 s7;
	_ =	sdelay $0x1  }
0xa6: {  	s22 =	simm.s32 $0x1B8B  }
0xa7: {  	_ =	swait.ge [sflag:s22], $0x1  }
0xa8: {  	[sflag:s22] =	ssyncset.done $0x0  }
0xa9: {  	s23 =	simm.s32 $0x1B8E;
	[sflag:s22] =	ssyncadd.s32 $0xFFFFFFFF  }
0xaa: {  	s24 =	simm.s32 $execute0_lowered;
	[smem:$0x3FD2] =	sst s23  }
0xab: {  	s7 =	sshll.u32 s24, $0x1;
	_ =	strace $0x80000046;
	[dreg:$0x1] =	wrdreg $0xFFFFFFFF  }
0xac: {  	s25 =	simm.s32 $_size_execute0_lowered;
	s6 =	sadd.s32 s6, s7;
	[dreg:$0x0] =	wrdreg $0x0  }
0xad: {  	s7 =	sshll.u32 s25, $0x1;
	[dreg:$0x2] =	wrdreg s6  }
0xae: {  	[dreg:$0x3] =	wrdreg s7  }
0xaf: {  	[dreg:$0x4] =	wrdreg $0xC0  }
0xb0: {  	_ =	task [dreg:s10], $0x5FFFF  }
0xb1: {  	[dreg:$0x1] =	wrdreg $0xFFFFFFFF  }
0xb2: {  	[dreg:$0x0] =	wrdreg $0x60  }
0xb3: {  	[dreg:$0x2] =	wrdreg s14  }
0xb4: {  	[dreg:$0x3] =	wrdreg s2  }
0xb5: {  	[dreg:$0x4] =	wrdreg s15  }
0xb6: {  	[dreg:$0x5] =	wrdreg s16  }
0xb7: {  	[dreg:$0x6] =	wrdreg s5  }
0xb8: {  	[dreg:$0x7] =	wrdreg s17  }
0xb9: {  	[dreg:$0x8] =	wrdreg $0x32800  }
0xba: {  	[dreg:$0x9] =	wrdreg $0x32900  }
0xbb: {  	[dreg:$0xa] =	wrdreg $0x9  }
0xbc: {  	_ =	task.clear_ibuf [dreg:s10], $0xBFFFF;
	_ =	strace $0x90000046  }
0xbd: {  	s26 =	simm.s32 $0x9;
	_ =	strace $0x80000048  }
0xbe: {  	_ =	swait.ge [sflag:s26], $0x1  }
0xbf: {  	[sflag:s26] =	ssyncadd.s32 $0xFFFFFFFF  }
0xc0: {  	_ =	strace $0x90000048  }
0xc1: {  	_ =	sfence  }
0xc2: {  	s28 =	sld [smem:$0x0];
	_ =	sdelay $0x1  }
0xc3: {  	s29 =	srdreg.scid  }
0xc4: {  	s30 =	sshll.u32 s29, $0xD;
	s31 =	sshrl.u32 s29, $0x2  }
0xc5: {  	s1 =	sand.u32 $0x1, s29;
	s2 =	sand.u32 $0x4000, s30;
	s0 =	sadd.s32 s31, s28  }
0xc6: {  	s1 =	sor.u32 s2, s1;
	s0 =	sshll.u32 s0, $0x11  }
0xc7: {  	s0 =	sor.u32 s0, s1  }
0xc8: {  	s0 =	sadd.s32 $0x8F2B, s0  }
0xc9: {  	[sflag:s0] =	ssyncadd.remote.s32 $0x1  }
0xca: {  	_ =	sfence.sel $0xFFFF  }
0xcb: {  	[dreg:$0x0] =	wrdreg $0xFFFFFFFF;
	(pc) =	sbr.abs _section_cstart, $3  }
0xcc: {  	[dreg:$0x1] =	wrdreg $0xFFFFFFFF  }
0xcd: {  	_ =	task.clear_ibuf [dreg:s10], $0x2FFFF;
	_ =	strace $0x9FFFFFFF  }
0xce: {  	(tm) =	ssettm $0x7FFFFFFF  }
0xcf: {  	_ =	shalt  }
tec
execute0_lowered:
.L_overlay_start_1:
0x0: {  	(tag) =	ssettag $0x1  }
0x1: {  	s5 =	rddreg [dreg:$0x0]  }
0x2: {  	s10 =	rddreg [dreg:$0x1]  }
0x3: {  	s6 =	rddreg [dreg:$0x2]  }
0x4: {  	s7 =	rddreg [dreg:$0x3]  }
0x5: {  	s2 =	rddreg [dreg:$0x4]  }
0x6: {  	s1 =	rddreg [dreg:$0x5]  }
0x7: {  	s3 =	rddreg [dreg:$0x6]  }
0x8: {  	s9 =	rddreg [dreg:$0x7]  }
0x9: {  	s0 =	rddreg [dreg:$0x8];
	s11 =	simm.s32 $0x0;
	s4 =	stileid.u32  }
0xa: {  	[smem:$0x7FF] =	sst s11;
	s8 =	sshll.u32 s4, $0x8  }
0xb: {  	s30 =	simm.s32 $0x1;
	_ =	strace $0x80000047;
	s5 =	sadd.s32 s5, s8  }
0xc: {  	[tilespmem:s11], [sflag:$0x1] =	stream.linear.gather [hbm4b:s5+s11], $0x800, $0x38;
	[tilespmem:$0x32A0] =	vst v63  }
0xd: {  	_ =	swait.ge [sflag:s30], $0x800  }
0xe: {  	[sflag:s30] =	ssyncset.done $0x0  }
0xf: {  	s12 =	simm.s32 $0x800;
	s10 =	sadd.s32 s10, s8;
	[sflag:s30] =	ssyncadd.s32 $0xFFFFF800  }
0x10: {  	[tilespmem:s12], [sflag:$0x1] =	stream.linear.gather [hbm4b:s10+s11], $0x800, $0x38;
	[tilespmem:$0x32A0] =	vst v63  }
0x11: {  	_ =	swait.ge [sflag:s30], $0x800  }
0x12: {  	[sflag:s30] =	ssyncset.done $0x0  }
0x13: {  	s31 =	simm.s32 $0x0;
	[sflag:s30] =	ssyncadd.s32 $0xFFFFF800  }
0x14: {  	v1 =	vld [tilespmem:s31+$0x0]  }
0x15: {  	v3 =	vimm.f32 $-3.000000010e+38;
	v0 =	vimm.f32 $3.000000010e+38;
	s5 =	simm.s32 $0x40;
	v2 =	vld [tilespmem:s31+$0x800]  }
.LBB2_1:
0x16: {  	_ = 	snop  }
0x17: {  	p0 =	sne.s32 s5, $0x1FC0  }
.Ltmp0:
0x18: {  	_ = 	snop;
	(pc) =	sbr.rel @p0 .LBB2_1-.Ltmp0, $4  }
0x19: {  	_ = 	snop  }
0x1a: {  	s10 =	sshra.s32 s5, $0x2;
	v4 =	vsub.f32 v1, v2  }
0x1b: {  	v3 =	vmax.f32 v3, v1;
	v1 =	vld [tilespmem:s10+$0x0]  }
0x1c: {  	s5 =	sadd.s32 $0x40, s5;
	v2 =	vld [tilespmem:s10+$0x800];
	v0 =	vmin.f32 v0, v4  }
0x1d: {  	v4 =	vimm.s32 $0xEFCDAB89;
	v5 =	vimm.s32 $0x67452301  }
0x1e: {  	v4 =	vunpack.c.l.s4.s8 v4;
	v5 =	vunpack.c.l.s4.s8 v5;
	_ =	sdelay $0x1  }
0x1f: {  	v4 =	vunpack.c.0.s8.s32 v4;
	v5 =	vunpack.c.0.s8.s32 v5;
	_ =	sdelay $0x1  }
0x20: {  	v6 =	vimm.s32 $0x54761032;
	v4 =	vcombine.low v5, v4;
	v5 =	vimm.s32 $0xDCFE98BA  }
0x21: {  	v8 =	vimm.s32 $0xBA98FEDC;
	v6 =	vunpack.c.l.s4.s8 v6;
	v5 =	vunpack.c.l.s4.s8 v5  }
0x22: {  	v9 =	vimm.s32 $0x32107654;
	v3 =	vmax.f32 v3, v1;
	v4 =	vand.u32 $0xF, v4  }
0x23: {  	v6 =	vunpack.c.0.s8.s32 v6;
	v7 =	vperm.xlane v3, v4;
	v5 =	vunpack.c.0.s8.s32 v5  }
0x24: {  	v8 =	vunpack.c.l.s4.s8 v8;
	v9 =	vunpack.c.l.s4.s8 v9  }
0x25: {  	v1 =	vsub.f32 v1, v2;
	v2 =	vmax.f32 v3, v7;
	v3 =	vcombine.low v6, v5  }
0x26: {  	v5 =	vunpack.c.0.s8.s32 v8;
	v6 =	vunpack.c.0.s8.s32 v9;
	v7 =	vimm.s32 $0xFEDCBA98  }
0x27: {  	v8 =	vimm.s32 $0x76543210;
	v7 =	vunpack.c.l.s4.s8 v7;
	v3 =	vand.u32 $0xF, v3  }
0x28: {  	v5 =	vcombine.low v6, v5;
	v6 =	vunpack.c.l.s4.s8 v8;
	v9 =	vperm.xlane v2, v3  }
0x29: {  	v0 =	vmin.f32 v0, v1;
	v1 =	vunpack.c.0.s8.s32 v7  }
0x2a: {  	v5 =	vand.u32 $0xF, v5;
	v6 =	vunpack.c.0.s8.s32 v6;
	v2 =	vmax.f32 v2, v9  }
0x2b: {  	v4 =	vperm.xlane v0, v4;
	v1 =	vand.u32 $0xF, v1;
	v7 =	vperm.xlane v2, v5  }
0x2c: {  	v1 =	vcombine.low v1, v6  }
0x2d: {  	v0 =	vmin.f32 v0, v4;
	v2 =	vmax.f32 v2, v7  }
0x2e: {  	v3 =	vperm.xlane v0, v3;
	v4 =	vperm.xlane v2, v1;
	_ =	sdelay $0x1  }
0x2f: {  	v0 =	vmin.f32 v0, v3;
	v2 =	vmax.f32 v2, v4  }
0x30: {  	s10 =	sshll.u32 s4, $0x4;
	[tilespmem:$0x3000] =	vst v2;
	v2 =	vperm.xlane v0, v5  }
0x31: {  	s11 =	simm.s32 $0x3000;
	s12 =	simm.s32 $0x1;
	s5 =	sadd.s32 s10, s3  }
0x32: {  	[spmem:s5] =	stream.linear.scatter [tilespmem:s11], [sflag:$0x1], $0x10, $0x38;
	v0 =	vmin.f32 v0, v2;
	[tilespmem:$0x32A0] =	vst v63  }
0x33: {  	_ =	swait.ge [sflag:s12], $0x10;
	v1 =	vperm.xlane v0, v1  }
0x34: {  	[sflag:s12] =	ssyncset.done $0x0  }
0x35: {  	[sflag:s12] =	ssyncadd.s32 $0xFFFFFFF0;
	v0 =	vmin.f32 v0, v1  }
0x36: {  	s10 =	sadd.s32 s10, s9;
	[tilespmem:$0x3000] =	vst v0  }
0x37: {  	[spmem:s10] =	stream.linear.scatter [tilespmem:s11], [sflag:$0x1], $0x10, $0x38;
	[tilespmem:$0x32A0] =	vst v63  }
0x38: {  	_ =	swait.ge [sflag:s12], $0x10  }
0x39: {  	[sflag:s12] =	ssyncset.done $0x0  }
0x3a: {  	[sflag:s12] =	ssyncadd.s32 $0xFFFFFFF0  }
0x3b: {  	s29 =	simm.s32 $0x3080;
	[bflag:$0x0] =	sbarrier.arrive $0xFFFF  }
0x3c: {  	[tilespmem:s29], [sflag:$0x1] =	stream.linear.gather [spmem:s3], $0x100, $0x38;
	[tilespmem:$0x32A0] =	vst v63  }
0x3d: {  	_ =	swait.ge [sflag:s12], $0x100  }
0x3e: {  	[sflag:s12] =	ssyncset.done $0x0  }
0x3f: {  	s30 =	simm.s32 $0x3180;
	[sflag:s12] =	ssyncadd.s32 $0xFFFFFF00  }
0x40: {  	[tilespmem:s30], [sflag:$0x1] =	stream.linear.gather [spmem:s9], $0x100, $0x38;
	[tilespmem:$0x32A0] =	vst v63  }
0x41: {  	_ =	swait.ge [sflag:s12], $0x100  }
0x42: {  	[sflag:s12] =	ssyncset.done $0x0  }
0x43: {  	[sflag:s12] =	ssyncadd.s32 $0xFFFFFF00  }
0x44: {  	[bflag:$0x0] =	sbarrier.arrive $0xFFFF  }
0x45: {  	v0 =	vld [tilespmem:$0x3080]  }
0x46: {  	v1 =	vld [tilespmem:$0x3180]  }
0x47: {  	v2 =	vld [tilespmem:$0x3090]  }
0x48: {  	v3 =	vld [tilespmem:$0x3190]  }
0x49: {  	v4 =	vld [tilespmem:$0x30A0]  }
0x4a: {  	v5 =	vld [tilespmem:$0x31A0]  }
0x4b: {  	v6 =	vld [tilespmem:$0x30B0]  }
0x4c: {  	v7 =	vld [tilespmem:$0x31B0]  }
0x4d: {  	v8 =	vld [tilespmem:$0x30C0]  }
0x4e: {  	v9 =	vld [tilespmem:$0x31C0]  }
0x4f: {  	v10 =	vld [tilespmem:$0x30D0]  }
0x50: {  	v11 =	vld [tilespmem:$0x31D0]  }
0x51: {  	v12 =	vld [tilespmem:$0x30E0]  }
0x52: {  	v13 =	vld [tilespmem:$0x31E0]  }
0x53: {  	v14 =	vld [tilespmem:$0x30F0]  }
0x54: {  	v15 =	vld [tilespmem:$0x31F0]  }
0x55: {  	v16 =	vld [tilespmem:$0x3100]  }
0x56: {  	v17 =	vld [tilespmem:$0x3200]  }
0x57: {  	v18 =	vld [tilespmem:$0x3110]  }
0x58: {  	v19 =	vld [tilespmem:$0x3210]  }
0x59: {  	v20 =	vld [tilespmem:$0x3120]  }
0x5a: {  	v21 =	vld [tilespmem:$0x3220]  }
0x5b: {  	v0 =	vmax.f32 v0, v2;
	v1 =	vmin.f32 v1, v3;
	v2 =	vld [tilespmem:$0x3130]  }
0x5c: {  	v3 =	vld [tilespmem:$0x3230];
	v0 =	vmax.f32 v0, v4;
	v1 =	vmin.f32 v1, v5  }
0x5d: {  	v4 =	vld [tilespmem:$0x3140];
	v0 =	vmax.f32 v0, v6;
	v1 =	vmin.f32 v1, v7  }
0x5e: {  	v5 =	vld [tilespmem:$0x3240];
	v0 =	vmax.f32 v0, v8;
	v1 =	vmin.f32 v1, v9  }
0x5f: {  	v6 =	vld [tilespmem:$0x3150];
	v0 =	vmax.f32 v0, v10;
	v1 =	vmin.f32 v1, v11  }
0x60: {  	v7 =	vld [tilespmem:$0x3250];
	v0 =	vmax.f32 v0, v12;
	v1 =	vmin.f32 v1, v13  }
0x61: {  	v8 =	vld [tilespmem:$0x3160];
	v0 =	vmax.f32 v0, v14;
	v1 =	vmin.f32 v1, v15  }
0x62: {  	v9 =	vld [tilespmem:$0x3260];
	v0 =	vmax.f32 v0, v16;
	v1 =	vmin.f32 v1, v17  }
0x63: {  	v10 =	vld [tilespmem:$0x3170];
	v0 =	vmax.f32 v0, v18;
	v1 =	vmin.f32 v1, v19  }
0x64: {  	v11 =	vld [tilespmem:$0x3270];
	v0 =	vmax.f32 v0, v20;
	v1 =	vmin.f32 v1, v21  }
0x65: {  	v0 =	vmax.f32 v0, v2;
	v1 =	vmin.f32 v1, v3  }
0x66: {  	v0 =	vmax.f32 v0, v4;
	v1 =	vmin.f32 v1, v5  }
0x67: {  	v0 =	vmax.f32 v0, v6;
	v1 =	vmin.f32 v1, v7  }
0x68: {  	v0 =	vmax.f32 v0, v8;
	v1 =	vmin.f32 v1, v9  }
0x69: {  	v0 =	vmax.f32 v0, v10;
	v1 =	vmin.f32 v1, v11  }
0x6a: {  	v2 =	vsub.f32 v0, v1;
	_ =	sdelay $0x1  }
0x6b: {  	v2 =	vmul.f32 $5.882352960e-02, v2  }
0x6c: {  	v27 =	vimm.f32 $0.0e+00;
	v38 =	vimm.f32 $0.0e+00  }
0x6d: {  	v3 =	vadd.f32 v2, v2;
	v5 =	vmul.f32 $3.000000000e+00, v2;
	v6 =	vmul.f32 $4.000000000e+00, v2  }
0x6e: {  	s31 =	simm.s32 $0x0;
	v4 =	vadd.f32 v2, v1;
	v7 =	vmul.f32 $5.000000000e+00, v2;
	v10 =	vmul.f32 $7.000000000e+00, v2  }
0x6f: {  	v24 =	vld [tilespmem:s31+$0x0];
	v12 =	vmul.f32 $9.000000000e+00, v2;
	v3 =	vadd.f32 v3, v1;
	v5 =	vadd.f32 v5, v1  }
0x70: {  	v8 =	vadd.f32 v6, v1;
	v6 =	vmul.f32 $6.000000000e+00, v2;
	v9 =	vadd.f32 v7, v1  }
0x71: {  	v7 =	vmul.f32 $8.000000000e+00, v2;
	v15 =	vadd.f32 v10, v1;
	v10 =	vmul.f32 $1.300000000e+01, v2  }
0x72: {  	v18 =	vadd.f32 v12, v1;
	v12 =	vmul.f32 $1.500000000e+01, v2;
	v11 =	vadd.f32 v6, v1  }
0x73: {  	v36 =	vimm.f32 $0.0e+00;
	v17 =	vadd.f32 v7, v1;
	v23 =	vadd.f32 v10, v1  }
0x74: {  	v13 =	vld [tilespmem:s31+$0x800];
	v6 =	vmul.f32 $1.000000000e+01, v2;
	v26 =	vadd.f32 v12, v1;
	v10 =	vsub.f32 v24, v9  }
0x75: {  	v7 =	vmul.f32 $1.100000000e+01, v2;
	v12 =	vsub.f32 v24, v15;
	v14 =	vsub.f32 v24, v18  }
0x76: {  	v32 =	vsub.f32 v24, v8;
	v19 =	vadd.f32 v6, v1;
	v6 =	vmul.f32 $1.200000000e+01, v2  }
0x77: {  	v20 =	vadd.f32 v7, v1;
	v7 =	vmul.f32 $1.400000000e+01, v2;
	v10 =	vmax.f32 v10, $0.0e+00  }
0x78: {  	v21 =	vsub.f32 v24, v11;
	v12 =	vmax.f32 v12, $0.0e+00;
	v14 =	vmax.f32 v14, $0.0e+00  }
0x79: {  	v33 =	vsub.f32 v24, v17;
	v45 =	vsub.f32 v24, v23;
	v14 =	vmin.f32 v14, v13  }
0x7a: {  	v41 =	vmin.f32 v10, v13;
	v22 =	vadd.f32 v6, v1;
	v25 =	vadd.f32 v7, v1  }
0x7b: {  	v12 =	vmin.f32 v12, v13;
	v7 =	vsub.f32 v24, v5;
	v29 =	vsub.f32 v24, v20  }
0x7c: {  	v6 =	vmul.f32 $1.600000000e+01, v2;
	v10 =	vadd.f32 v14, v27;
	v12 =	vadd.f32 v12, v27  }
0x7d: {  	v43 =	vmax.f32 v33, $0.0e+00;
	v39 =	vsub.f32 v24, v19;
	v33 =	vimm.f32 $0.0e+00  }
0x7e: {  	v28 =	vadd.f32 v6, v1;
	v6 =	vsub.f32 v24, v4;
	v7 =	vmax.f32 v7, $0.0e+00  }
0x7f: {  	v29 =	vmax.f32 v29, $0.0e+00;
	v31 =	vsub.f32 v24, v25;
	v34 =	vsub.f32 v24, v22  }
0x80: {  	v7 =	vmin.f32 v7, v13;
	v29 =	vmin.f32 v29, v13;
	v16 =	vsub.f32 v24, v28  }
0x81: {  	v30 =	vmax.f32 v6, $0.0e+00;
	v6 =	vsub.f32 v24, v26;
	v40 =	vmax.f32 v31, $0.0e+00  }
0x82: {  	v44 =	vmax.f32 v34, $0.0e+00;
	v34 =	vimm.f32 $0.0e+00;
	v31 =	vimm.f32 $0.0e+00  }
0x83: {  	v14 =	vmin.f32 v30, v13;
	v30 =	vimm.f32 $0.0e+00;
	v35 =	vmax.f32 v6, $0.0e+00  }
0x84: {  	v6 =	vadd.f32 v7, v27;
	v7 =	vadd.f32 v29, v27;
	v29 =	vmax.f32 v32, $0.0e+00  }
0x85: {  	v42 =	vmax.f32 v16, $0.0e+00;
	v32 =	vimm.f32 $0.0e+00;
	v16 =	vimm.f32 $0.0e+00  }
0x86: {  	v37 =	vmin.f32 v35, v13;
	v46 =	vmin.f32 v29, v13;
	v29 =	vadd.f32 v14, v27  }
0x87: {  	s11 =	simm.s32 $0x40;
	v35 =	vmax.f32 v21, $0.0e+00;
	v21 =	vimm.f32 $0.0e+00;
	v14 =	vimm.f32 $0.0e+00  }
.LBB2_3:
0x88: {  	s12 =	sshra.s32 s11, $0x2;
	p0 =	sne.s32 s11, $0x1FC0;
	s11 =	sadd.s32 $0x40, s11;
	v27 =	vadd.f32 v46, v27;
	v38 =	vadd.f32 v41, v38;
	v41 =	vmin.f32 v43, v13  }
0x89: {  	v44 =	vmin.f32 v44, v13;
	v45 =	vmax.f32 v45, $0.0e+00;
	v43 =	vld [tilespmem:s12+$0x0]  }
0x8a: {  	v24 =	vsub.f32 v24, v3;
	v36 =	vadd.f32 v44, v36;
	v44 =	vmin.f32 v45, v13  }
0x8b: {  	v40 =	vmin.f32 v40, v13;
	v34 =	vadd.f32 v41, v34;
	v41 =	vmin.f32 v42, v13  }
0x8c: {  	v32 =	vadd.f32 v40, v32;
	v45 =	vmax.f32 v24, $0.0e+00;
	v33 =	vadd.f32 v44, v33  }
0x8d: {  	v30 =	vadd.f32 v37, v30;
	v44 =	vmax.f32 v39, $0.0e+00;
	v42 =	vmin.f32 v45, v13;
	v40 =	vld [tilespmem:s12+$0x800]  }
0x8e: {  	v21 =	vadd.f32 v41, v21;
	v39 =	vmin.f32 v44, v13;
	v37 =	vsub.f32 v43, v4;
	v24 =	vmovc v43  }
0x8f: {  	v13 =	vmin.f32 v35, v13;
	v16 =	vadd.f32 v39, v16;
	v41 =	vsub.f32 v24, v5  }
0x90: {  	v14 =	vadd.f32 v13, v14;
	v35 =	vsub.f32 v24, v9  }
0x91: {  	v31 =	vadd.f32 v42, v31;
	v39 =	vmax.f32 v41, $0.0e+00;
	v41 =	vsub.f32 v24, v15  }
0x92: {  	v42 =	vsub.f32 v24, v18;
	v47 =	vsub.f32 v24, v28;
	v35 =	vmax.f32 v35, $0.0e+00;
	v13 =	vmovc v40  }
0x93: {  	v48 =	vsub.f32 v24, v11;
	v40 =	vsub.f32 v24, v20;
	v39 =	vmin.f32 v39, v13  }
0x94: {  	v44 =	vmax.f32 v37, $0.0e+00;
	v37 =	vmax.f32 v41, $0.0e+00;
	v41 =	vsub.f32 v24, v26  }
0x95: {  	v45 =	vsub.f32 v24, v25;
	v42 =	vmax.f32 v42, $0.0e+00;
	v40 =	vmax.f32 v40, $0.0e+00  }
0x96: {  	v46 =	vsub.f32 v24, v8;
	v43 =	vsub.f32 v24, v17;
	v42 =	vmin.f32 v42, v13  }
0x97: {  	v49 =	vsub.f32 v24, v22;
	v40 =	vmin.f32 v40, v13;
	v50 =	vmax.f32 v41, $0.0e+00  }
0x98: {  	v6 =	vadd.f32 v39, v6;
	v41 =	vmin.f32 v35, v13;
	v7 =	vadd.f32 v40, v7  }
.Ltmp1:
0x99: {  	v10 =	vadd.f32 v42, v10;
	v35 =	vmin.f32 v37, v13;
	v37 =	vmin.f32 v50, v13;
	(pc) =	sbr.rel @p0 .LBB2_3-.Ltmp1, $4  }
0x9a: {  	v43 =	vmax.f32 v43, $0.0e+00;
	v12 =	vadd.f32 v35, v12;
	v40 =	vmax.f32 v45, $0.0e+00  }
0x9b: {  	v39 =	vmax.f32 v46, $0.0e+00;
	v35 =	vmin.f32 v44, v13;
	v44 =	vmax.f32 v49, $0.0e+00  }
0x9c: {  	v46 =	vmin.f32 v39, v13;
	v39 =	vsub.f32 v24, v19;
	v45 =	vsub.f32 v24, v23  }
0x9d: {  	v42 =	vmax.f32 v47, $0.0e+00;
	v29 =	vadd.f32 v35, v29;
	v35 =	vmax.f32 v48, $0.0e+00  }
0x9e: {  	v22 =	vadd.f32 v46, v27;
	v4 =	vimm.s32 $0xEFCDAB89;
	v5 =	vimm.s32 $0x67452301  }
0x9f: {  	v23 =	vadd.f32 v41, v38;
	v8 =	vmin.f32 v43, v13;
	v9 =	vmin.f32 v44, v13  }
0xa0: {  	v11 =	vmax.f32 v45, $0.0e+00;
	v18 =	vsub.f32 v24, v3;
	v20 =	vmin.f32 v42, v13  }
0xa1: {  	v19 =	vimm.s32 $0x32107654;
	v51 =	vmax.f32 v39, $0.0e+00;
	v52 =	vimm.s32 $0xFEDCBA98  }
0xa2: {  	v54 =	vimm.s32 $0x76543210;
	v61 =	vmin.f32 v35, v13;
	vm0 =	vmmov $0x1  }
0xa3: {  	vm7 =	vcmask $0x308;
	vm8 =	vcmask $0x70C;
	vm9 =	vcmask $0xB10  }
0xa4: {  	vm10 =	vcmask $0xF14;
	vm11 =	vcmask $0x1318;
	vm12 =	vcmask $0x171C  }
0xa5: {  	vm13 =	vcmask $0x1B20;
	vm14 =	vcmask $0x1F24;
	vm15 =	vcmask $0x2328  }
0xa6: {  	vm4 =	vcmask $0x272C;
	v4 =	vunpack.c.l.s4.s8 v4;
	v5 =	vunpack.c.l.s4.s8 v5  }
0xa7: {  	v15 =	vadd.f32 v9, v36;
	v9 =	vimm.s32 $0x54761032;
	v24 =	vadd.f32 v8, v34  }
0xa8: {  	v19 =	vunpack.c.l.s4.s8 v19;
	v27 =	vmin.f32 v51, v13;
	v20 =	vadd.f32 v20, v21  }
0xa9: {  	v25 =	vmax.f32 v18, $0.0e+00;
	v3 =	vunpack.c.0.s8.s32 v4;
	v4 =	vunpack.c.0.s8.s32 v5  }
0xaa: {  	v16 =	vadd.f32 v27, v16;
	v5 =	vimm.s32 $0xDCFE98BA;
	v26 =	vunpack.c.0.s8.s32 v19  }
0xab: {  	v19 =	vadd.f32 v37, v30;
	v3 =	vcombine.low v4, v3;
	v4 =	vunpack.c.l.s4.s8 v5  }
0xac: {  	v5 =	vunpack.c.l.s4.s8 v9;
	v9 =	vmin.f32 v11, v13;
	v11 =	vmin.f32 v40, v13  }
0xad: {  	v17 =	vadd.f32 v9, v33;
	v18 =	vadd.f32 v11, v32;
	v8 =	vand.u32 $0xF, v3  }
0xae: {  	v11 =	vmin.f32 v25, v13;
	v13 =	vadd.f32 v61, v14;
	v9 =	vperm.xlane v29, v8  }
0xaf: {  	v30 =	vunpack.c.l.s4.s8 v54;
	v55 =	vperm.xlane v6, v8;
	v58 =	vperm.xlane v22, v8  }
0xb0: {  	v4 =	vunpack.c.0.s8.s32 v4;
	v33 =	vperm.xlane v23, v8;
	v41 =	vperm.xlane v13, v8  }
0xb1: {  	v5 =	vunpack.c.0.s8.s32 v5;
	v46 =	vperm.xlane v12, v8;
	v49 =	vperm.xlane v24, v8  }
0xb2: {  	v28 =	vadd.f32 v11, v31;
	v51 =	vperm.xlane v10, v8;
	v61 =	vperm.xlane v7, v8  }
0xb3: {  	v30 =	vunpack.c.0.s8.s32 v30;
	v27 =	vperm.xlane v15, v8;
	v4 =	vcombine.low v5, v4  }
0xb4: {  	v5 =	vimm.s32 $0xBA98FEDC;
	v53 =	vperm.xlane v28, v8;
	v50 =	vadd.f32 v9, v29  }
0xb5: {  	v5 =	vunpack.c.l.s4.s8 v5;
	v29 =	vadd.f32 v55, v6;
	v22 =	vadd.f32 v58, v22  }
0xb6: {  	v36 =	vadd.f32 v33, v23;
	v13 =	vadd.f32 v41, v13;
	v9 =	vand.u32 $0xF, v4  }
0xb7: {  	v12 =	vadd.f32 v46, v12;
	v10 =	vadd.f32 v51, v10;
	v11 =	vperm.xlane v50, v9  }
0xb8: {  	v5 =	vunpack.c.0.s8.s32 v5;
	v60 =	vperm.xlane v29, v9;
	v32 =	vperm.xlane v22, v9  }
0xb9: {  	v7 =	vadd.f32 v61, v7;
	v39 =	vperm.xlane v36, v9;
	v45 =	vperm.xlane v13, v9  }
0xba: {  	v28 =	vadd.f32 v53, v28;
	v55 =	vperm.xlane v10, v9;
	v5 =	vcombine.low v26, v5  }
0xbb: {  	v25 =	vadd.f32 v11, v50;
	v26 =	vunpack.c.l.s4.s8 v52;
	v14 =	vadd.f32 v32, v22  }
0xbc: {  	v57 =	vperm.xlane v28, v9;
	v22 =	vadd.f32 v39, v36;
	v13 =	vadd.f32 v45, v13  }
0xbd: {  	v50 =	vperm.xlane v12, v9;
	v11 =	vand.u32 $0xF, v5;
	v26 =	vunpack.c.0.s8.s32 v26  }
0xbe: {  	v52 =	vadd.f32 v49, v24;
	v59 =	vadd.f32 v57, v28;
	v56 =	vperm.xlane v25, v11  }
0xbf: {  	v10 =	vadd.f32 v55, v10;
	v28 =	vadd.f32 v60, v29;
	v6 =	vand.u32 $0xF, v26  }
0xc0: {  	v63 =	vperm.xlane v59, v11;
	v21 =	vadd.f32 v56, v25;
	v6 =	vcombine.low v6, v30  }
0xc1: {  	v32 =	vperm.xlane v18, v8;
	v29 =	vadd.f32 v27, v15;
	v24 =	vperm.xlane v52, v9  }
0xc2: {  	v35 =	vperm.xlane v28, v11;
	v34 =	vadd.f32 v63, v59;
	v62 =	vperm.xlane v21, v6  }
0xc3: {  	v12 =	vadd.f32 v50, v12;
	v38 =	vperm.xlane v14, v11;
	v43 =	vperm.xlane v22, v11  }
0xc4: {  	v26 =	vadd.f32 v35, v28;
	v37 =	vperm.xlane v34, v6;
	v21 =	vadd.f32 v62, v21  }
0xc5: {  	v48 =	vperm.xlane v13, v11;
	v15 =	vperm.xlane v29, v9;
	v14 =	vadd.f32 v38, v14  }
0xc6: {  	v40 =	vperm.xlane v26, v6;
	v23 =	vadd.f32 v37, v34;
	v21 =	vnsel vm0, $0x0, v21  }
0xc7: {  	v54 =	vperm.xlane v12, v11;
	v22 =	vadd.f32 v43, v22;
	v21 =	vadd.f32 $0.0e+00, v21  }
0xc8: {  	v42 =	vperm.xlane v14, v6;
	v25 =	vadd.f32 v40, v26;
	v23 =	vsel vm7, $0x0, v23  }
0xc9: {  	v13 =	vadd.f32 v48, v13;
	v56 =	vperm.xlane v16, v8;
	v21 =	vadd.f32 v23, v21  }
0xca: {  	v59 =	vperm.xlane v10, v11;
	v14 =	vadd.f32 v42, v14;
	v44 =	vsel vm8, $0x0, v25  }
0xcb: {  	v30 =	vperm.xlane v17, v8;
	v12 =	vadd.f32 v54, v12;
	v21 =	vadd.f32 v44, v21  }
0xcc: {  	v47 =	vperm.xlane v22, v6;
	v16 =	vadd.f32 v56, v16;
	v14 =	vsel vm9, $0x0, v14  }
0xcd: {  	v53 =	vperm.xlane v13, v6;
	v14 =	vadd.f32 v14, v21;
	v21 =	vadd.f32 v24, v52  }
0xce: {  	v38 =	vperm.xlane v20, v8;
	v10 =	vadd.f32 v59, v10;
	v22 =	vadd.f32 v47, v22  }
0xcf: {  	v13 =	vadd.f32 v53, v13;
	v60 =	vperm.xlane v16, v9;
	v57 =	vperm.xlane v21, v11  }
0xd0: {  	v58 =	vperm.xlane v12, v6;
	v34 =	vadd.f32 v32, v18;
	v18 =	vadd.f32 v38, v20  }
0xd1: {  	v22 =	vsel vm10, $0x0, v22;
	v16 =	vadd.f32 v60, v16;
	v21 =	vadd.f32 v57, v21  }
0xd2: {  	v12 =	vadd.f32 v58, v12;
	v24 =	vperm.xlane v7, v9;
	v14 =	vadd.f32 v22, v14  }
0xd3: {  	v13 =	vsel vm11, $0x0, v13;
	v22 =	vperm.xlane v16, v11;
	v62 =	vperm.xlane v21, v6  }
0xd4: {  	v63 =	vperm.xlane v10, v6;
	v7 =	vadd.f32 v24, v7;
	v13 =	vadd.f32 v13, v14  }
0xd5: {  	v12 =	vsel vm12, $0x0, v12;
	v26 =	vadd.f32 v22, v16;
	v21 =	vadd.f32 v62, v21  }
0xd6: {  	v10 =	vadd.f32 v63, v10;
	v28 =	vperm.xlane v7, v11;
	v12 =	vadd.f32 v12, v13  }
0xd7: {  	v16 =	vperm.xlane v26, v6;
	v13 =	vadd.f32 v30, v17;
	v25 =	vsel vm13, $0x0, v21  }
0xd8: {  	v35 =	vperm.xlane v19, v8;
	v7 =	vadd.f32 v28, v7;
	v12 =	vadd.f32 v25, v12  }
0xd9: {  	v10 =	vsel vm14, $0x0, v10;
	v14 =	vadd.f32 v16, v26;
	v33 =	vperm.xlane v13, v9  }
0xda: {  	v31 =	vperm.xlane v7, v6;
	v10 =	vadd.f32 v10, v12;
	v12 =	vadd.f32 v15, v29  }
0xdb: {  	v37 =	vperm.xlane v34, v9;
	v16 =	vadd.f32 v35, v19;
	v13 =	vadd.f32 v33, v13  }
0xdc: {  	v14 =	vsel vm15, $0x0, v14;
	v7 =	vadd.f32 v31, v7;
	v36 =	vperm.xlane v12, v11  }
0xdd: {  	v40 =	vperm.xlane v16, v9;
	v39 =	vperm.xlane v13, v11;
	v10 =	vadd.f32 v14, v10  }
0xde: {  	v42 =	vperm.xlane v18, v9;
	v14 =	vadd.f32 v37, v34;
	v12 =	vadd.f32 v36, v12  }
0xdf: {  	v7 =	vsel vm4, $0x0, v7;
	v15 =	vadd.f32 v40, v16;
	v13 =	vadd.f32 v39, v13  }
0xe0: {  	v7 =	vadd.f32 v7, v10;
	v41 =	vperm.xlane v14, v11;
	v10 =	vperm.xlane v12, v6  }
0xe1: {  	v16 =	vadd.f32 v42, v18;
	v44 =	vperm.xlane v15, v11  }
0xe2: {  	v43 =	vperm.xlane v13, v6;
	v14 =	vadd.f32 v41, v14;
	v10 =	vadd.f32 v10, v12  }
0xe3: {  	vm5 =	vcmask $0x2B30;
	v46 =	vperm.xlane v16, v11;
	v15 =	vadd.f32 v44, v15  }
0xe4: {  	v12 =	vadd.f32 v43, v13;
	v45 =	vperm.xlane v14, v6;
	v10 =	vsel vm5, $0x0, v10  }
0xe5: {  	vm6 =	vcmask $0x2F34;
	v49 =	vadd.f32 v46, v16;
	v7 =	vadd.f32 v10, v7  }
0xe6: {  	v48 =	vperm.xlane v15, v6;
	v47 =	vadd.f32 v45, v14;
	v10 =	vsel vm6, $0x0, v12  }
0xe7: {  	vm7 =	vcmask $0x3338;
	v7 =	vadd.f32 v10, v7  }
0xe8: {  	v51 =	vperm.xlane v49, v6;
	v50 =	vadd.f32 v48, v15;
	v10 =	vsel vm7, $0x0, v47  }
0xe9: {  	vm8 =	vcmask $0x373C;
	v7 =	vadd.f32 v10, v7  }
0xea: {  	v52 =	vadd.f32 v51, v49;
	v10 =	vsel vm8, $0x0, v50  }
0xeb: {  	vm9 =	vmmov $0x7fff;
	v7 =	vadd.f32 v10, v7  }
0xec: {  	v10 =	vsel vm9, $0x0, v52  }
0xed: {  	v7 =	vadd.f32 v10, v7;
	_ =	sdelay $0x1  }
0xee: {  	s11 =	simm.s32 $0x3000;
	s12 =	simm.s32 $0x1;
	[tilespmem:$0x3000] =	vst v7  }
0xef: {  	[spmem:s5] =	stream.linear.scatter [tilespmem:s11], [sflag:$0x1], $0x10, $0x38;
	[tilespmem:$0x32A0] =	vst v63  }
0xf0: {  	_ =	swait.ge [sflag:s12], $0x10  }
0xf1: {  	[sflag:s12] =	ssyncset.done $0x0  }
0xf2: {  	[sflag:s12] =	ssyncadd.s32 $0xFFFFFFF0  }
0xf3: {  	s29 =	simm.s32 $0x3080;
	[bflag:$0x0] =	sbarrier.arrive $0xFFFF  }
0xf4: {  	[tilespmem:s29], [sflag:$0x1] =	stream.linear.gather [spmem:s3], $0x100, $0x38;
	[tilespmem:$0x32A0] =	vst v63  }
0xf5: {  	_ =	swait.ge [sflag:s12], $0x100  }
0xf6: {  	[sflag:s12] =	ssyncset.done $0x0  }
0xf7: {  	[sflag:s12] =	ssyncadd.s32 $0xFFFFFF00  }
0xf8: {  	[bflag:$0x0] =	sbarrier.arrive $0xFFFF  }
0xf9: {  	v7 =	vld [tilespmem:$0x3080]  }
0xfa: {  	v10 =	vld [tilespmem:$0x3090];
	_ =	sdelay $0x1  }
0xfb: {  	v53 =	vld [tilespmem:$0x30A0];
	_ =	sdelay $0x1  }
0xfc: {  	v54 =	vld [tilespmem:$0x30B0]  }
0xfd: {  	v7 =	vadd.f32 v10, v7  }
0xfe: {  	v10 =	vld [tilespmem:$0x30C0]  }
0xff: {  	v7 =	vadd.f32 v53, v7  }
0x100: {  	v55 =	vld [tilespmem:$0x30D0]  }
0x101: {  	v7 =	vadd.f32 v54, v7  }
0x102: {  	v56 =	vld [tilespmem:$0x30E0]  }
0x103: {  	v7 =	vadd.f32 v10, v7  }
0x104: {  	v10 =	vld [tilespmem:$0x30F0]  }
0x105: {  	v7 =	vadd.f32 v55, v7  }
0x106: {  	v57 =	vld [tilespmem:$0x3100]  }
0x107: {  	v7 =	vadd.f32 v56, v7  }
0x108: {  	v58 =	vld [tilespmem:$0x3110]  }
0x109: {  	v7 =	vadd.f32 v10, v7  }
0x10a: {  	v10 =	vld [tilespmem:$0x3120]  }
0x10b: {  	v7 =	vadd.f32 v57, v7  }
0x10c: {  	v59 =	vld [tilespmem:$0x3130]  }
0x10d: {  	v7 =	vadd.f32 v58, v7  }
0x10e: {  	v60 =	vld [tilespmem:$0x3140]  }
0x10f: {  	v7 =	vadd.f32 v10, v7  }
0x110: {  	v10 =	vld [tilespmem:$0x3150]  }
0x111: {  	v7 =	vadd.f32 v59, v7  }
0x112: {  	v61 =	vld [tilespmem:$0x3160]  }
0x113: {  	v7 =	vadd.f32 v60, v7  }
0x114: {  	v62 =	vld [tilespmem:$0x3170]  }
0x115: {  	v7 =	vadd.f32 v10, v7;
	_ =	sdelay $0x1  }
0x116: {  	v7 =	vadd.f32 v61, v7;
	_ =	sdelay $0x1  }
0x117: {  	v7 =	vadd.f32 v62, v7;
	_ =	sdelay $0x1  }
0x118: {  	v10 =	vimm.f32 $0.0e+00;
	vm10 =	vge.f32 v7, $1.000000000e+00  }
0x119: {  	v7 =	vsel vm10, $0x3F800000, v10  }
0x11a: {  	v8 =	vperm.xlane v7, v8;
	_ =	sdelay $0x1  }
0x11b: {  	v7 =	vadd.f32 v7, v8;
	_ =	sdelay $0x1  }
0x11c: {  	v8 =	vperm.xlane v7, v9;
	_ =	sdelay $0x1  }
0x11d: {  	v7 =	vadd.f32 v7, v8;
	_ =	sdelay $0x1  }
0x11e: {  	v8 =	vperm.xlane v7, v11;
	_ =	sdelay $0x1  }
0x11f: {  	v7 =	vadd.f32 v7, v8;
	_ =	sdelay $0x1  }
0x120: {  	v8 =	vperm.xlane v7, v6;
	_ =	sdelay $0x1  }
0x121: {  	s30 =	simm.s32 $0x0;
	v7 =	vadd.f32 v7, v8  }
0x122: {  	v11 =	vld [tilespmem:s30+$0x800]  }
0x123: {  	v8 =	vld [tilespmem:s30+$0x0];
	v9 =	vadd.f32 $1.000000000e+00, v7;
	_ =	sdelay $0x1  }
0x124: {  	v9 =	vmul.f32 v9, v2  }
0x125: {  	v2 =	vmul.f32 v7, v2  }
0x126: {  	v9 =	vadd.f32 v9, v1  }
0x127: {  	vm11 =	vge.f32 v7, $1.550000000e+01;
	v1 =	vadd.f32 v2, v1;
	v2 =	vsub.f32 v8, v11  }
0x128: {  	v0 =	vsel vm11, v0, v9  }
0x129: {  	vm12 =	vgt.f32 v8, v1;
	vm1 =	vlt.f32 v2, v0  }
0x12a: {  	vm0 =	vmand vm12, vm1  }
0x12b: {  	v7 =	vsel vm0, $0x3F800000, v10  }
0x12c: {  	v9 =	vperm.xlane v7, v3;
	_ =	sdelay $0x1  }
0x12d: {  	v7 =	vmax.f32 v7, v9  }
0x12e: {  	v9 =	vperm.xlane v7, v4;
	_ =	sdelay $0x1  }
0x12f: {  	v7 =	vmax.f32 v7, v9  }
0x130: {  	v9 =	vperm.xlane v7, v5  }
0x131: {  	vm13 =	vge.f32 v2, v0  }
0x132: {  	s31 =	simm.s32 $0x0;
	v2 =	vsel vm13, $0xFF61B1E6, v8;
	v7 =	vmax.f32 v7, v9  }
0x133: {  	v8 =	vsel vm13, $0x0, v11;
	[tilespmem:s31+$0x1000] =	vst v2;
	v9 =	vperm.xlane v7, v6  }
0x134: {  	s13 =	simm.s32 $0x10;
	[tilespmem:s31+$0x1800] =	vst v8  }
0x135: {  	v2 =	vmax.f32 v7, v9;
	v7 =	vld [tilespmem:s13+$0x0]  }
0x136: {  	(v2sf) =	vpush v2, $0x0;
	v2 =	vld [tilespmem:s13+$0x800];
	_ =	sdelay $0x4  }
0x137: {  	v8 =	vsub.f32 v7, v2;
	_ =	sdelay $0x1  }
0x138: {  	vm14 =	vgt.f32 v7, v1;
	vm2 =	vlt.f32 v8, v0  }
0x139: {  	vm1 =	vmand vm14, vm2  }
0x13a: {  	v9 =	vsel vm1, $0x3F800000, v10  }
0x13b: {  	v63 =	vperm.xlane v9, v3;
	_ =	sdelay $0x1  }
0x13c: {  	v9 =	vmax.f32 v9, v63  }
0x13d: {  	v11 =	vnsel vm13, $0x0, v11;
	v12 =	vperm.xlane v9, v4  }
0x13e: {  	v11 =	vadd.f32 v11, v10;
	vm15 =	vge.f32 v8, v0  }
0x13f: {  	v7 =	vsel vm15, $0xFF61B1E6, v7;
	v8 =	vnsel vm15, $0x0, v2;
	s14 =	spop (v2sf);
	v9 =	vmax.f32 v9, v12  }
0x140: {  	s11 =	simm.s32 $0x0;
	s13 =	simm.s32 $0x80;
	v2 =	vsel vm15, $0x0, v2;
	v8 =	vadd.f32 v8, v11;
	p1 =	sgt.f32 s14, $5.000000000e-01;
	v11 =	vperm.xlane v9, v5  }
.LBB2_5:
0x141: {  	p0 =	sne.s32 s13, $0x1FC0;
	s14 =	simm.s32 $0x1  }
0x142: {  	s15 =	smov.u32 s13;
	s13 =	sadd.s32 $0x40, s13;
	s14 =	simm.s32 @!p1 $0x0  }
0x143: {  	v9 =	vmax.f32 v9, v11;
	s11 =	sadd.s32 s14, s11  }
0x144: {  	v11 =	vperm.xlane v9, v6;
	s14 =	sshll.u32 s11, $0x4  }
0x145: {  	[tilespmem:s14+$0x1000] =	vst v7  }
0x146: {  	s15 =	sshra.s32 s15, $0x2;
	[tilespmem:s14+$0x1800] =	vst v2;
	v2 =	vmax.f32 v9, v11  }
0x147: {  	v7 =	vld [tilespmem:s15+$0x0];
	(v2sf) =	vpush v2, $0x0  }
0x148: {  	v9 =	vld [tilespmem:s15+$0x800];
	_ =	sdelay $0x4  }
0x149: {  	v2 =	vsub.f32 v7, v9  }
0x14a: {  	vm0 =	vgt.f32 v7, v1  }
0x14b: {  	vm1 =	vge.f32 v2, v0;
	vm2 =	vlt.f32 v2, v0  }
0x14c: {  	vm0 =	vmand vm0, vm2;
	v7 =	vsel vm1, $0xFF61B1E6, v7;
	v2 =	vsel vm1, $0x0, v9  }
0x14d: {  	v9 =	vnsel vm1, $0x0, v9;
	v11 =	vsel vm0, $0x3F800000, v10  }
0x14e: {  	v8 =	vadd.f32 v9, v8;
	v9 =	vperm.xlane v11, v3;
	_ =	sdelay $0x1  }
.Ltmp2:
0x14f: {  	v9 =	vmax.f32 v11, v9;
	(pc) =	sbr.rel @p0 .LBB2_5-.Ltmp2, $4  }
0x150: {  	v11 =	vperm.xlane v9, v4  }
0x151: {  	s14 =	spop (v2sf)  }
0x152: {  	v9 =	vmax.f32 v9, v11;
	p1 =	sgt.f32 s14, $5.000000000e-01  }
0x153: {  	v11 =	vperm.xlane v9, v5  }
0x154: {  	v3 =	vimm.s32 $0xEFCDAB89;
	v4 =	vimm.s32 $0x67452301  }
0x155: {  	v3 =	vunpack.c.l.s4.s8 v3;
	v4 =	vunpack.c.l.s4.s8 v4;
	_ =	sdelay $0x1  }
0x156: {  	v3 =	vunpack.c.0.s8.s32 v3;
	v4 =	vunpack.c.0.s8.s32 v4  }
0x157: {  	v5 =	vmax.f32 v9, v11;
	v9 =	vimm.s32 $0x54761032  }
0x158: {  	v6 =	vperm.xlane v5, v6;
	v3 =	vcombine.low v4, v3;
	v4 =	vimm.s32 $0xDCFE98BA  }
0x159: {  	v9 =	vunpack.c.l.s4.s8 v9;
	v4 =	vunpack.c.l.s4.s8 v4  }
0x15a: {  	v5 =	vmax.f32 v5, v6;
	v6 =	vperm.xlane v8, v3  }
0x15b: {  	(v2sf) =	vpush v5, $0x0;
	v5 =	vunpack.c.0.s8.s32 v9;
	v4 =	vunpack.c.0.s8.s32 v4  }
0x15c: {  	v9 =	vimm.s32 $0x32107654;
	v6 =	vadd.f32 v6, v8;
	v8 =	vimm.s32 $0xBA98FEDC  }
0x15d: {  	v4 =	vcombine.low v5, v4;
	v5 =	vunpack.c.l.s4.s8 v8;
	v8 =	vunpack.c.l.s4.s8 v9;
	_ =	sdelay $0x1  }
0x15e: {  	v9 =	vperm.xlane v6, v4;
	v5 =	vunpack.c.0.s8.s32 v5;
	v8 =	vunpack.c.0.s8.s32 v8;
	_ =	sdelay $0x1  }
0x15f: {  	v6 =	vadd.f32 v9, v6;
	v5 =	vcombine.low v8, v5  }
0x160: {  	vm0 =	vcmask $0x300;
	v8 =	vimm.f32 $1.600000000e+01  }
0x161: {  	vm14 =	vcmask $0x704;
	v8 =	vsel vm0, $0x3F800000, v8;
	v9 =	vperm.xlane v6, v5  }
0x162: {  	vm15 =	vcmask $0xB08;
	v8 =	vsel vm14, $0x40000000, v8  }
0x163: {  	vm4 =	vcmask $0xF0C;
	v9 =	vadd.f32 v9, v6;
	v6 =	vsel vm15, $0x40400000, v8  }
0x164: {  	vm5 =	vcmask $0x1310;
	v10 =	vimm.s32 $0xFEDCBA98;
	v6 =	vsel vm4, $0x40800000, v6  }
0x165: {  	vm6 =	vcmask $0x1714;
	vm7 =	vcmask $0x1B18;
	v6 =	vsel vm5, $0x40A00000, v6  }
0x166: {  	v10 =	vunpack.c.l.s4.s8 v10;
	v8 =	vimm.s32 $0x76543210;
	v6 =	vsel vm6, $0x40C00000, v6  }
0x167: {  	vm8 =	vcmask $0x1F1C;
	v8 =	vunpack.c.l.s4.s8 v8;
	v6 =	vsel vm7, $0x40E00000, v6  }
0x168: {  	vm9 =	vcmask $0x2320;
	s14 =	simm.s32 $0x1;
	v10 =	vunpack.c.0.s8.s32 v10;
	v6 =	vsel vm8, $0x41000000, v6  }
0x169: {  	vm10 =	vcmask $0x2724;
	s14 =	simm.s32 @!p1 $0x0;
	v8 =	vunpack.c.0.s8.s32 v8;
	v6 =	vsel vm9, $0x41100000, v6  }
0x16a: {  	vm11 =	vcmask $0x2B28;
	s11 =	sadd.s32 s14, s11;
	v10 =	vand.u32 $0xF, v10;
	s13 =	spop (v2sf);
	v11 =	vsel vm10, $0x41200000, v6  }
.Ltmp3:
0x16b: {  	vm12 =	vcmask $0x2F2C;
	s15 =	sshll.u32 s11, $0x4;
	p0 =	sgt.f32 s13, $5.000000000e-01;
	v6 =	vcombine.low v10, v8;
	v8 =	vsel vm11, $0x41300000, v11;
	(pc) =	sbr.rel .LBB2_7-.Ltmp3, $4  }
0x16c: {  	vm13 =	vcmask $0x3330;
	s14 =	simm.s32 $0x0;
	[tilespmem:s15+$0x1000] =	vst v7;
	v8 =	vsel vm12, $0x41400000, v8  }
0x16d: {  	[tilespmem:s15+$0x1800] =	vst v2;
	s15 =	simm.s32 $0x3000;
	vm14 =	vcmask $0x3734;
	s13 =	simm.s32 $0x1;
	s12 =	simm.s32 @!p0 $0x0;
	v10 =	vperm.xlane v9, v6;
	v8 =	vsel vm13, $0x41500000, v8  }
0x16e: {  	vm15 =	vcmask $0x3B38;
	s13 =	simm.s32 @!p0 $0x0;
	s16 =	sadd.s32 s12, s11;
	s12 =	simm.s32 $0x1;
	v7 =	vsel vm14, $0x41600000, v8  }
0x16f: {  	s13 =	sadd.s32 s13, s11;
	p1 =	slt.s32 s16, $0x1;
	s16 =	simm.s32 $0x3080;
	v2 =	vadd.f32 v10, v9;
	v8 =	vimm.f32 $0.0e+00;
	v7 =	vsel vm15, $0x41700000, v7  }
.LBB2_9:
0x170: {  	s18 =	simm.s32 $0x1800  }
.LBB2_21:
0x171: {  	v14 =	vadd.f32 @p2 v16, v19;
	v16 =	vmax.f32 @p2 v17, $0.0e+00;
	v13 =	vsub.f32 @p2 v13, v10  }
0x172: {  	s18 =	sadd.s32 @p2 $0x10, s18;
	v17 =	vbroadcast @p2 v12, $0xD;
	v15 =	vsub.f32 @p2 v15, v10;
	v16 =	vmin.f32 @p2 v16, v18  }
0x173: {  	v18 =	vbroadcast @p2 v20, $0xF;
	s17 =	smov.u32 @p2 s18;
	v14 =	vadd.f32 @p2 v14, v16;
	v13 =	vmax.f32 @p2 v13, $0.0e+00  }
0x174: {  	v19 =	vld [tilespmem:s17+$0x0];
	v13 =	vmin.f32 @p2 v13, v17;
	v17 =	vbroadcast @p2 v12, $0xE  }
0x175: {  	v13 =	vadd.f32 @p2 v14, v13;
	v14 =	vmax.f32 @p2 v15, $0.0e+00;
	v15 =	vsub.f32 @p2 v18, v10  }
0x176: {  	v51 =	vbroadcast v11, $0x0;
	v12 =	vbroadcast @p2 v12, $0xF;
	v14 =	vmin.f32 @p2 v14, v17  }
0x177: {  	v13 =	vadd.f32 @p2 v13, v14;
	v14 =	vmax.f32 @p2 v15, $0.0e+00  }
0x178: {  	v52 =	vbroadcast v11, $0x1;
	v16 =	vsub.f32 v51, v10;
	v12 =	vmin.f32 @p2 v14, v12  }
0x179: {  	v55 =	vbroadcast v11, $0x2;
	v53 =	vbroadcast v19, $0x0;
	v12 =	vadd.f32 @p2 v13, v12  }
0x17a: {  	v57 =	vbroadcast v11, $0x3;
	v54 =	vmax.f32 v16, $0.0e+00;
	v15 =	vsub.f32 v52, v10  }
0x17b: {  	v56 =	vbroadcast v19, $0x1;
	v14 =	vmin.f32 v54, v53;
	v12 =	vpsel p2, v12, v2  }
0x17c: {  	v58 =	vmax.f32 v15, $0.0e+00;
	v13 =	vsub.f32 v55, v10;
	v12 =	vadd.f32 v14, v12  }
0x17d: {  	v60 =	vbroadcast v11, $0x4;
	v59 =	vbroadcast v19, $0x2;
	v14 =	vmin.f32 v58, v56  }
0x17e: {  	v61 =	vsub.f32 v57, v10;
	v13 =	vmax.f32 v13, $0.0e+00;
	v12 =	vadd.f32 v12, v14  }
0x17f: {  	v63 =	vbroadcast v11, $0x5;
	v62 =	vbroadcast v19, $0x3;
	v13 =	vmin.f32 v13, v59  }
0x180: {  	v21 =	vsub.f32 v60, v10;
	v20 =	vmax.f32 v61, $0.0e+00;
	v12 =	vadd.f32 v12, v13  }
0x181: {  	v23 =	vbroadcast v11, $0x6;
	v22 =	vbroadcast v19, $0x4;
	v13 =	vmin.f32 v20, v62  }
0x182: {  	v25 =	vsub.f32 v63, v10;
	v24 =	vmax.f32 v21, $0.0e+00;
	v12 =	vadd.f32 v12, v13  }
0x183: {  	v27 =	vbroadcast v11, $0x7;
	v26 =	vbroadcast v19, $0x5;
	v13 =	vmin.f32 v24, v22  }
0x184: {  	v29 =	vsub.f32 v23, v10;
	v28 =	vmax.f32 v25, $0.0e+00;
	v12 =	vadd.f32 v12, v13  }
0x185: {  	v31 =	vbroadcast v11, $0x8;
	v30 =	vbroadcast v19, $0x6;
	v13 =	vmin.f32 v28, v26  }
0x186: {  	v33 =	vsub.f32 v27, v10;
	v32 =	vmax.f32 v29, $0.0e+00;
	v12 =	vadd.f32 v12, v13  }
0x187: {  	v35 =	vbroadcast v11, $0x9;
	v34 =	vbroadcast v19, $0x7;
	v13 =	vmin.f32 v32, v30  }
0x188: {  	v37 =	vsub.f32 v31, v10;
	v36 =	vmax.f32 v33, $0.0e+00;
	v12 =	vadd.f32 v12, v13  }
0x189: {  	v39 =	vbroadcast v11, $0xA;
	v38 =	vbroadcast v19, $0x8;
	v13 =	vmin.f32 v36, v34  }
0x18a: {  	v41 =	vsub.f32 v35, v10;
	v40 =	vmax.f32 v37, $0.0e+00;
	v12 =	vadd.f32 v12, v13  }
0x18b: {  	v43 =	vbroadcast v11, $0xB;
	v42 =	vbroadcast v19, $0x9;
	v13 =	vmin.f32 v40, v38  }
0x18c: {  	v45 =	vsub.f32 v39, v10;
	v44 =	vmax.f32 v41, $0.0e+00;
	v12 =	vadd.f32 v12, v13  }
0x18d: {  	v47 =	vbroadcast v11, $0xC;
	v46 =	vbroadcast v19, $0xA;
	v13 =	vmin.f32 v44, v42  }
0x18e: {  	v49 =	vsub.f32 v43, v10;
	v48 =	vmax.f32 v45, $0.0e+00;
	v12 =	vadd.f32 v12, v13  }
0x18f: {  	v51 =	vbroadcast v11, $0xD;
	v50 =	vbroadcast v19, $0xB;
	v13 =	vmin.f32 v48, v46  }
0x190: {  	v52 =	vmax.f32 v49, $0.0e+00;
	v53 =	vsub.f32 v47, v10;
	v12 =	vadd.f32 v12, v13  }
0x191: {  	v57 =	vsub.f32 v51, v10;
	v54 =	vbroadcast v19, $0xC;
	v13 =	vmin.f32 v52, v50  }
0x192: {  	v55 =	vbroadcast v11, $0xE;
	v56 =	vmax.f32 v53, $0.0e+00;
	v12 =	vadd.f32 v12, v13  }
0x193: {  	v11 =	vbroadcast v11, $0xF;
	v58 =	vbroadcast v19, $0xD;
	v13 =	vmin.f32 v56, v54  }
0x194: {  	v60 =	vsub.f32 v55, v10;
	v59 =	vmax.f32 v57, $0.0e+00;
	v12 =	vadd.f32 v12, v13  }
0x195: {  	v61 =	vbroadcast v19, $0xE;
	v13 =	vmin.f32 v59, v58  }
0x196: {  	v10 =	vsub.f32 v11, v10;
	v62 =	vmax.f32 v60, $0.0e+00;
	v12 =	vadd.f32 v12, v13  }
0x197: {  	v63 =	vbroadcast v19, $0xF;
	v11 =	vmin.f32 v62, v61  }
0x198: {  	v10 =	vmax.f32 v10, $0.0e+00;
	v11 =	vadd.f32 v12, v11  }
0x199: {  	v10 =	vmin.f32 v10, v63  }
0x19a: {  	v10 =	vadd.f32 v11, v10  }
.LBB2_22:
0x19b: {  	_ = 	snop  }
0x19c: {  	[tilespmem:$0x3000] =	vst v10  }
0x19d: {  	[spmem:s5] =	stream.linear.scatter [tilespmem:s15], [sflag:$0x1], $0x10, $0x38;
	[tilespmem:$0x32A0] =	vst v63  }
0x19e: {  	_ =	swait.ge [sflag:s12], $0x10  }
0x19f: {  	[sflag:s12] =	ssyncset.done $0x0  }
0x1a0: {  	[sflag:s12] =	ssyncadd.s32 $0xFFFFFFF0  }
0x1a1: {  	[bflag:$0x0] =	sbarrier.arrive $0xFFFF  }
0x1a2: {  	[tilespmem:s16], [sflag:$0x1] =	stream.linear.gather [spmem:s3], $0x100, $0x38;
	[tilespmem:$0x32A0] =	vst v63  }
0x1a3: {  	_ =	swait.ge [sflag:s12], $0x100  }
0x1a4: {  	[sflag:s12] =	ssyncset.done $0x0  }
0x1a5: {  	[sflag:s12] =	ssyncadd.s32 $0xFFFFFF00  }
0x1a6: {  	[bflag:$0x0] =	sbarrier.arrive $0xFFFF  }
0x1a7: {  	v10 =	vld [tilespmem:$0x3080]  }
0x1a8: {  	v11 =	vld [tilespmem:$0x3090];
	_ =	sdelay $0x1  }
0x1a9: {  	v12 =	vld [tilespmem:$0x30A0];
	_ =	sdelay $0x1  }
0x1aa: {  	v13 =	vld [tilespmem:$0x30B0]  }
0x1ab: {  	v10 =	vadd.f32 v11, v10  }
0x1ac: {  	v11 =	vld [tilespmem:$0x30C0]  }
0x1ad: {  	v10 =	vadd.f32 v12, v10  }
0x1ae: {  	v56 =	vld [tilespmem:$0x30D0]  }
0x1af: {  	v10 =	vadd.f32 v13, v10  }
0x1b0: {  	v57 =	vld [tilespmem:$0x30E0]  }
0x1b1: {  	v10 =	vadd.f32 v11, v10  }
0x1b2: {  	v11 =	vld [tilespmem:$0x30F0]  }
0x1b3: {  	v10 =	vadd.f32 v56, v10  }
0x1b4: {  	v58 =	vld [tilespmem:$0x3100]  }
0x1b5: {  	v10 =	vadd.f32 v57, v10  }
0x1b6: {  	v59 =	vld [tilespmem:$0x3110]  }
0x1b7: {  	v10 =	vadd.f32 v11, v10  }
0x1b8: {  	v11 =	vld [tilespmem:$0x3120]  }
0x1b9: {  	v10 =	vadd.f32 v58, v10  }
0x1ba: {  	v60 =	vld [tilespmem:$0x3130]  }
0x1bb: {  	v10 =	vadd.f32 v59, v10  }
0x1bc: {  	v61 =	vld [tilespmem:$0x3140]  }
0x1bd: {  	v10 =	vadd.f32 v11, v10  }
0x1be: {  	v11 =	vld [tilespmem:$0x3150]  }
0x1bf: {  	v10 =	vadd.f32 v60, v10  }
0x1c0: {  	v62 =	vld [tilespmem:$0x3160]  }
0x1c1: {  	v10 =	vadd.f32 v61, v10  }
0x1c2: {  	v63 =	vld [tilespmem:$0x3170]  }
0x1c3: {  	v10 =	vadd.f32 v11, v10;
	_ =	sdelay $0x1  }
0x1c4: {  	v10 =	vadd.f32 v62, v10;
	_ =	sdelay $0x1  }
0x1c5: {  	v10 =	vadd.f32 v63, v10;
	_ =	sdelay $0x1  }
0x1c6: {  	vm0 =	vge.f32 v10, $1.000000000e+00  }
0x1c7: {  	v10 =	vsel vm0, $0x3F800000, v8  }
0x1c8: {  	v11 =	vperm.xlane v10, v3;
	_ =	sdelay $0x1  }
0x1c9: {  	v10 =	vadd.f32 v10, v11;
	_ =	sdelay $0x1  }
0x1ca: {  	v11 =	vperm.xlane v10, v4;
	_ =	sdelay $0x1  }
0x1cb: {  	v10 =	vadd.f32 v10, v11;
	_ =	sdelay $0x1  }
0x1cc: {  	v11 =	vperm.xlane v10, v5;
	_ =	sdelay $0x1  }
0x1cd: {  	v10 =	vadd.f32 v10, v11;
	_ =	sdelay $0x1  }
0x1ce: {  	v11 =	vperm.xlane v10, v6;
	_ =	sdelay $0x1  }
0x1cf: {  	v10 =	vadd.f32 v10, v11;
	_ =	sdelay $0x1  }
0x1d0: {  	v11 =	vadd.f32 $1.000000000e+00, v10;
	_ =	sdelay $0x1  }
0x1d1: {  	s14 =	sadd.s32 $0x1, s14;
	v11 =	vmul.f32 v11, v9;
	v9 =	vmul.f32 v10, v9  }
0x1d2: {  	p2 =	seq.s32 s14, $0x4  }
.Ltmp4:
0x1d3: {  	v9 =	vadd.f32 v9, v1;
	v1 =	vadd.f32 v11, v1;
	(pc) =	sbr.rel @p2 .LBB2_10-.Ltmp4, $3  }
0x1d4: {  	_ =	sdelay $0x1  }
0x1d5: {  	vm15 =	vge.f32 v10, $1.550000000e+01  }
0x1d6: {  	v0 =	vsel vm15, v0, v1;
	v1 =	vmov v9  }
.LBB2_7:
.Ltmp5:
0x1d7: {  	(pc) =	sbr.rel @p1 .LBB2_22-.Ltmp5, $3  }
0x1d8: {  	_ = 	snop  }
0x1d9: {  	v9 =	vsub.f32 v0, v1;
	_ =	sdelay $0x1  }
0x1da: {  	v10 =	vmov v2;
	v9 =	vmul.f32 $5.882352960e-02, v9  }
0x1db: {  	p3 =	sne.s32 s13, $0x1  }
.Ltmp6:
0x1dc: {  	s18 =	simm.s32 $0x1000;
	(pc) =	sbr.rel @!p3 .LBB2_9-.Ltmp6, $3  }
0x1dd: {  	v10 =	vmul.f32 v7, v9;
	v11 =	vld [tilespmem:s18+$0x0];
	_ =	sdelay $0x1  }
0x1de: {  	v10 =	vadd.f32 v10, v1  }
0x1df: {  	s17 =	simm.s32 $0x1800;
	p2 =	por $0x0, $0x0;
	s18 =	sadd.s32 $0xFFFFFFFF, s13  }
0x1e0: {  	v12 =	vld [tilespmem:s17+$0x0];
	_ =	sdelay $0x1  }
0x1e1: {  	v13 =	vbroadcast v11, $0x0;
	_ =	sdelay $0x1  }
0x1e2: {  	v14 =	vbroadcast v11, $0x1;
	v13 =	vsub.f32 v13, v10  }
0x1e3: {  	v15 =	vbroadcast v12, $0x0  }
0x1e4: {  	v16 =	vbroadcast v11, $0x2;
	v14 =	vsub.f32 v14, v10;
	v13 =	vmax.f32 v13, $0.0e+00  }
0x1e5: {  	v17 =	vbroadcast v11, $0x3;
	v13 =	vmin.f32 v13, v15;
	v15 =	vbroadcast v12, $0x1  }
0x1e6: {  	v16 =	vsub.f32 v16, v10;
	v14 =	vmax.f32 v14, $0.0e+00;
	v13 =	vadd.f32 v13, v2  }
0x1e7: {  	v18 =	vbroadcast v11, $0x4;
	v14 =	vmin.f32 v14, v15;
	v15 =	vbroadcast v12, $0x2  }
0x1e8: {  	v13 =	vadd.f32 v13, v14;
	v14 =	vmax.f32 v16, $0.0e+00;
	v16 =	vsub.f32 v17, v10  }
0x1e9: {  	v17 =	vbroadcast v11, $0x5;
	v14 =	vmin.f32 v14, v15;
	v15 =	vbroadcast v12, $0x3  }
0x1ea: {  	v13 =	vadd.f32 v13, v14;
	v14 =	vmax.f32 v16, $0.0e+00;
	v16 =	vsub.f32 v18, v10  }
0x1eb: {  	v18 =	vbroadcast v11, $0x6;
	v14 =	vmin.f32 v14, v15;
	v15 =	vbroadcast v12, $0x4  }
0x1ec: {  	v13 =	vadd.f32 v13, v14;
	v14 =	vmax.f32 v16, $0.0e+00;
	v16 =	vsub.f32 v17, v10  }
0x1ed: {  	v17 =	vbroadcast v11, $0x7;
	v14 =	vmin.f32 v14, v15;
	v15 =	vbroadcast v12, $0x5  }
0x1ee: {  	v13 =	vadd.f32 v13, v14;
	v14 =	vmax.f32 v16, $0.0e+00;
	v16 =	vsub.f32 v18, v10  }
0x1ef: {  	v18 =	vbroadcast v11, $0x8;
	v14 =	vmin.f32 v14, v15;
	v15 =	vbroadcast v12, $0x6  }
0x1f0: {  	v13 =	vadd.f32 v13, v14;
	v14 =	vmax.f32 v16, $0.0e+00;
	v16 =	vsub.f32 v17, v10  }
0x1f1: {  	v17 =	vbroadcast v11, $0x9;
	v14 =	vmin.f32 v14, v15;
	v15 =	vbroadcast v12, $0x7  }
0x1f2: {  	v13 =	vadd.f32 v13, v14;
	v14 =	vmax.f32 v16, $0.0e+00;
	v16 =	vsub.f32 v18, v10  }
0x1f3: {  	v18 =	vbroadcast v11, $0xA;
	v14 =	vmin.f32 v14, v15;
	v15 =	vbroadcast v12, $0x8  }
0x1f4: {  	v13 =	vadd.f32 v13, v14;
	v14 =	vmax.f32 v16, $0.0e+00;
	v16 =	vsub.f32 v17, v10  }
0x1f5: {  	v17 =	vbroadcast v11, $0xB;
	v14 =	vmin.f32 v14, v15;
	v15 =	vbroadcast v12, $0x9  }
0x1f6: {  	p3 =	sne.s32 s18, $0x1;
	v13 =	vadd.f32 v13, v14;
	v14 =	vmax.f32 v16, $0.0e+00;
	v16 =	vsub.f32 v18, v10  }
.Ltmp7:
0x1f7: {  	v18 =	vbroadcast v11, $0xC;
	v14 =	vmin.f32 v14, v15;
	v15 =	vbroadcast v12, $0xA;
	(pc) =	sbr.rel @!p3 .LBB2_18-.Ltmp7, $4  }
0x1f8: {  	v17 =	vsub.f32 v17, v10;
	v14 =	vadd.f32 v13, v14;
	v13 =	vmax.f32 v16, $0.0e+00  }
0x1f9: {  	s19 =	simm.s32 $0x1010;
	v19 =	vbroadcast v12, $0xB;
	v15 =	vmin.f32 v13, v15;
	v13 =	vbroadcast v11, $0xD  }
0x1fa: {  	v16 =	vadd.f32 v14, v15;
	v15 =	vmax.f32 v17, $0.0e+00;
	v17 =	vsub.f32 v18, v10;
	v14 =	vld [tilespmem:s19+$0x0]  }
0x1fb: {  	s20 =	sadd.s32 $0xFFFFFFFF, s18;
	p2 =	por $0x1, $0x1;
	s18 =	simm.s32 $0x1800;
	v18 =	vbroadcast v12, $0xC;
	v19 =	vmin.f32 v15, v19;
	v15 =	vbroadcast v11, $0xE  }
.LBB2_19:
0x1fc: {  	p3 =	sne.s32 s20, $0x1;
	v16 =	vadd.f32 v16, v19;
	v17 =	vmax.f32 v17, $0.0e+00;
	v13 =	vsub.f32 v13, v10  }
0x1fd: {  	v19 =	vbroadcast v11, $0xF;
	s18 =	sadd.s32 $0x10, s18;
	v17 =	vmin.f32 v17, v18;
	v18 =	vbroadcast v12, $0xD  }
0x1fe: {  	v20 =	vld [tilespmem:s18+$0x0];
	v16 =	vadd.f32 v16, v17;
	v21 =	vmax.f32 v13, $0.0e+00;
	v13 =	vsub.f32 v15, v10  }
0x1ff: {  	v15 =	vbroadcast v14, $0x0;
	v17 =	vmin.f32 v21, v18;
	v18 =	vbroadcast v12, $0xE;
	v11 =	vmovc v14  }
0x200: {  	v14 =	vadd.f32 v16, v17;
	v13 =	vmax.f32 v13, $0.0e+00;
	v16 =	vsub.f32 v19, v10  }
0x201: {  	v17 =	vbroadcast v11, $0x1;
	v19 =	vbroadcast v12, $0xF;
	v13 =	vmin.f32 v13, v18  }
0x202: {  	v15 =	vsub.f32 v15, v10;
	v13 =	vadd.f32 v14, v13;
	v14 =	vmax.f32 v16, $0.0e+00  }
0x203: {  	v18 =	vbroadcast v11, $0x2;
	v16 =	vbroadcast v20, $0x0;
	v14 =	vmin.f32 v14, v19;
	v12 =	vmovc v20  }
0x204: {  	v17 =	vsub.f32 v17, v10;
	v15 =	vmax.f32 v15, $0.0e+00;
	v13 =	vadd.f32 v13, v14  }
0x205: {  	v14 =	vmin.f32 v15, v16;
	v15 =	vbroadcast v12, $0x1;
	v16 =	vbroadcast v11, $0x3  }
0x206: {  	v13 =	vadd.f32 v14, v13;
	v14 =	vmax.f32 v17, $0.0e+00;
	v17 =	vsub.f32 v18, v10  }
0x207: {  	v18 =	vbroadcast v11, $0x4;
	v14 =	vmin.f32 v14, v15;
	v15 =	vbroadcast v12, $0x2  }
0x208: {  	v16 =	vsub.f32 v16, v10;
	v13 =	vadd.f32 v13, v14;
	v14 =	vmax.f32 v17, $0.0e+00  }
0x209: {  	v17 =	vbroadcast v11, $0x5;
	v14 =	vmin.f32 v14, v15;
	v15 =	vbroadcast v12, $0x3  }
0x20a: {  	v13 =	vadd.f32 v13, v14;
	v14 =	vmax.f32 v16, $0.0e+00;
	v16 =	vsub.f32 v18, v10  }
0x20b: {  	v18 =	vbroadcast v11, $0x6;
	v14 =	vmin.f32 v14, v15;
	v15 =	vbroadcast v12, $0x4  }
0x20c: {  	v13 =	vadd.f32 v13, v14;
	v14 =	vmax.f32 v16, $0.0e+00;
	v16 =	vsub.f32 v17, v10  }
0x20d: {  	v17 =	vbroadcast v11, $0x7;
	v14 =	vmin.f32 v14, v15;
	v15 =	vbroadcast v12, $0x5  }
0x20e: {  	v13 =	vadd.f32 v13, v14;
	v14 =	vmax.f32 v16, $0.0e+00;
	v16 =	vsub.f32 v18, v10  }
0x20f: {  	v18 =	vbroadcast v11, $0x8;
	v14 =	vmin.f32 v14, v15;
	v15 =	vbroadcast v12, $0x6  }
0x210: {  	v13 =	vadd.f32 v13, v14;
	v14 =	vmax.f32 v16, $0.0e+00;
	v16 =	vsub.f32 v17, v10  }
0x211: {  	v17 =	vbroadcast v11, $0x9;
	v14 =	vmin.f32 v14, v15;
	v15 =	vbroadcast v12, $0x7  }
0x212: {  	v13 =	vadd.f32 v13, v14;
	v14 =	vmax.f32 v16, $0.0e+00;
	v16 =	vsub.f32 v18, v10  }
0x213: {  	v18 =	vbroadcast v11, $0xA;
	v14 =	vmin.f32 v14, v15;
	v15 =	vbroadcast v12, $0x8  }
0x214: {  	v13 =	vadd.f32 v13, v14;
	v14 =	vmax.f32 v16, $0.0e+00;
	v16 =	vsub.f32 v17, v10  }
0x215: {  	v17 =	vbroadcast v11, $0xB;
	v14 =	vmin.f32 v14, v15;
	v15 =	vbroadcast v12, $0x9  }
0x216: {  	v13 =	vadd.f32 v13, v14;
	v14 =	vmax.f32 v16, $0.0e+00;
	v16 =	vsub.f32 v18, v10  }
.Ltmp8:
0x217: {  	v18 =	vbroadcast v11, $0xC;
	v14 =	vmin.f32 v14, v15;
	v15 =	vbroadcast v12, $0xA;
	(pc) =	sbr.rel @p3 .LBB2_19-.Ltmp8, $4  }
0x218: {  	v17 =	vsub.f32 v17, v10;
	v19 =	vadd.f32 v13, v14;
	v13 =	vmax.f32 v16, $0.0e+00  }
0x219: {  	s19 =	sadd.s32 $0x10, s19;
	v20 =	vbroadcast v12, $0xB;
	v15 =	vmin.f32 v13, v15;
	v13 =	vbroadcast v11, $0xD  }
0x21a: {  	v14 =	vld [tilespmem:s19+$0x0];
	v16 =	vadd.f32 v19, v15;
	v15 =	vmax.f32 v17, $0.0e+00;
	v17 =	vsub.f32 v18, v10  }
0x21b: {  	s20 =	sadd.s32 $0xFFFFFFFF, s20;
	v18 =	vbroadcast v12, $0xC;
	v19 =	vmin.f32 v15, v20;
	v15 =	vbroadcast v11, $0xE  }
.Ltmp9:
0x21c: {  	(pc) =	sbr.rel .LBB2_21-.Ltmp9, $2  }
0x21d: {  	_ =	sdelay $0x2  }
0x21e: {  	v20 =	vmov v11;
	v11 =	vmov v14  }
.LBB2_18:
.Ltmp10:
0x21f: {  	(pc) =	sbr.rel .LBB2_21-.Ltmp10, $2  }
0x220: {  	_ =	sdelay $0x2  }
0x221: {  	v20 =	vmov v11;
	s18 =	simm.s32 $0x1800;
	v11 =	vmov v14  }
.LBB2_10:
.Ltmp11:
0x222: {  	(pc) =	sbr.rel @p1 .LBB2_14-.Ltmp11, $2  }
0x223: {  	_ =	sdelay $0x2  }
0x224: {  	v0 =	vimm.f32 $0.0e+00;
	v3 =	vimm.f32 $0.0e+00;
	v1 =	vimm.f32 $0.0e+00  }
0x225: {  	s12 =	simm.s32 $0x1  }
0x226: {  	s12 =	simm.s32 @!p0 $0x0  }
0x227: {  	s13 =	simm.s32 $0x1000;
	s12 =	sadd.s32 s12, s11  }
0x228: {  	v6 =	vld [tilespmem:s13+$0x0];
	s11 =	simm.s32 $0x1800;
	p0 =	sne.s32 s12, $0x1  }
.Ltmp12:
0x229: {  	v3 =	vld [tilespmem:s11+$0x0];
	(pc) =	sbr.rel @!p0 .LBB2_13-.Ltmp12, $3  }
0x22a: {  	_ =	sdelay $0x1  }
0x22b: {  	v1 =	vimm.f32 $0.0e+00  }
0x22c: {  	v4 =	vimm.f32 $0.0e+00;
	v5 =	vimm.f32 $0.0e+00;
	s13 =	simm.s32 $0x1010;
	s12 =	sadd.s32 $0xFFFFFFFF, s12;
	v7 =	vsub.f32 v6, v9  }
.LBB2_12:
0x22d: {  	v8 =	vld [tilespmem:s13+$0x0];
	v10 =	vsub.f32 v6, v3;
	s11 =	sadd.s32 $0x10, s11;
	v11 =	vmov v3;
	p0 =	sne.s32 s12, $0x1  }
.Ltmp13:
0x22e: {  	s12 =	sadd.s32 $0xFFFFFFFF, s12;
	v3 =	vld [tilespmem:s11+$0x0];
	v7 =	vmax.f32 v7, $0.0e+00;
	(pc) =	sbr.rel @p0 .LBB2_12-.Ltmp13, $4  }
0x22f: {  	vm1 =	vgt.f32 v6, v9;
	v7 =	vmin.f32 v7, v11;
	vm0 =	vle.f32 v10, v9  }
0x230: {  	v4 =	vadd.f32 v7, v4;
	vm0 =	vmand vm1, vm0  }
0x231: {  	v10 =	vsel vm0, $0x3F800000, v1  }
0x232: {  	s13 =	sadd.s32 $0x10, s13;
	v7 =	vsub.f32 v8, v9;
	v5 =	vadd.f32 v10, v5;
	v6 =	vmov v8  }
.LBB2_13:
0x233: {  	v8 =	vsub.f32 v6, v3;
	_ =	sdelay $0x1  }
0x234: {  	vm1 =	vgt.f32 v6, v9;
	vm0 =	vle.f32 v8, v9  }
0x235: {  	v63 =	vmax.f32 v7, $0.0e+00;
	vm0 =	vmand vm1, vm0  }
0x236: {  	v3 =	vmin.f32 v63, v3;
	v1 =	vsel vm0, $0x3F800000, v1  }
0x237: {  	v3 =	vadd.f32 v3, v4;
	v1 =	vadd.f32 v1, v5  }
.LBB2_14:
0x238: {  	v4 =	vimm.s32 $0xEFCDAB89;
	v5 =	vimm.s32 $0x67452301  }
0x239: {  	v4 =	vunpack.c.l.s4.s8 v4;
	v5 =	vunpack.c.l.s4.s8 v5;
	_ =	sdelay $0x1  }
0x23a: {  	v4 =	vunpack.c.0.s8.s32 v4;
	v5 =	vunpack.c.0.s8.s32 v5  }
0x23b: {  	v6 =	vimm.s32 $0xDCFE98BA;
	v7 =	vimm.s32 $0x54761032  }
0x23c: {  	v4 =	vcombine.low v5, v4;
	v5 =	vunpack.c.l.s4.s8 v6;
	v6 =	vunpack.c.l.s4.s8 v7;
	_ =	sdelay $0x1  }
0x23d: {  	v4 =	vand.u32 $0xF, v4;
	v5 =	vunpack.c.0.s8.s32 v5;
	v6 =	vunpack.c.0.s8.s32 v6  }
0x23e: {  	v8 =	vimm.s32 $0xBA98FEDC;
	v10 =	vimm.s32 $0x32107654;
	v7 =	vperm.xlane v3, v4  }
0x23f: {  	v5 =	vcombine.low v6, v5;
	v6 =	vunpack.c.l.s4.s8 v8;
	v8 =	vunpack.c.l.s4.s8 v10  }
0x240: {  	v3 =	vadd.f32 v7, v3  }
0x241: {  	v5 =	vand.u32 $0xF, v5;
	v6 =	vunpack.c.0.s8.s32 v6;
	v7 =	vunpack.c.0.s8.s32 v8  }
0x242: {  	v62 =	vimm.s32 $0xFEDCBA98;
	v8 =	vperm.xlane v3, v5  }
0x243: {  	v10 =	vunpack.c.l.s4.s8 v62;
	v6 =	vcombine.low v7, v6;
	v7 =	vimm.s32 $0x76543210  }
0x244: {  	v3 =	vadd.f32 v8, v3;
	v7 =	vunpack.c.l.s4.s8 v7  }
0x245: {  	v8 =	vunpack.c.0.s8.s32 v10;
	v6 =	vand.u32 $0xF, v6  }
0x246: {  	v4 =	vperm.xlane v1, v4;
	v63 =	vperm.xlane v3, v6;
	v7 =	vunpack.c.0.s8.s32 v7  }
0x247: {  	v8 =	vand.u32 $0xF, v8  }
0x248: {  	v1 =	vadd.f32 v4, v1;
	v3 =	vadd.f32 v63, v3;
	v7 =	vcombine.low v8, v7;
	_ =	sdelay $0x1  }
0x249: {  	v5 =	vperm.xlane v1, v5;
	v4 =	vperm.xlane v3, v7;
	_ =	sdelay $0x1  }
0x24a: {  	v1 =	vadd.f32 v5, v1;
	v3 =	vadd.f32 v4, v3;
	_ =	sdelay $0x1  }
0x24b: {  	v2 =	vadd.f32 v3, v2;
	v3 =	vperm.xlane v1, v6;
	_ =	sdelay $0x1  }
0x24c: {  	v1 =	vadd.f32 v3, v1  }
0x24d: {  	s11 =	simm.s32 $0x3000;
	s12 =	simm.s32 $0x1;
	[tilespmem:$0x3000] =	vst v2  }
0x24e: {  	[spmem:s5] =	stream.linear.scatter [tilespmem:s11], [sflag:$0x1], $0x10, $0x38;
	v2 =	vperm.xlane v1, v7;
	[tilespmem:$0x32A0] =	vst v63  }
0x24f: {  	_ =	swait.ge [sflag:s12], $0x10  }
0x250: {  	[sflag:s12] =	ssyncset.done $0x0;
	v1 =	vadd.f32 v2, v1  }
0x251: {  	[sflag:s12] =	ssyncadd.s32 $0xFFFFFFF0  }
0x252: {  	[tilespmem:$0x3000] =	vst v1  }
0x253: {  	[spmem:s10] =	stream.linear.scatter [tilespmem:s11], [sflag:$0x1], $0x10, $0x38;
	[tilespmem:$0x32A0] =	vst v63  }
0x254: {  	_ =	swait.ge [sflag:s12], $0x10  }
0x255: {  	[sflag:s12] =	ssyncset.done $0x0  }
0x256: {  	[sflag:s12] =	ssyncadd.s32 $0xFFFFFFF0  }
0x257: {  	s30 =	simm.s32 $0x3080;
	[bflag:$0x0] =	sbarrier.arrive $0xFFFF  }
0x258: {  	[tilespmem:s30], [sflag:$0x1] =	stream.linear.gather [spmem:s3], $0x100, $0x38;
	[tilespmem:$0x32A0] =	vst v63  }
0x259: {  	_ =	swait.ge [sflag:s12], $0x100  }
0x25a: {  	[sflag:s12] =	ssyncset.done $0x0  }
0x25b: {  	s31 =	simm.s32 $0x3180;
	[sflag:s12] =	ssyncadd.s32 $0xFFFFFF00  }
0x25c: {  	[tilespmem:s31], [sflag:$0x1] =	stream.linear.gather [spmem:s9], $0x100, $0x38;
	[tilespmem:$0x32A0] =	vst v63  }
0x25d: {  	_ =	swait.ge [sflag:s12], $0x100  }
0x25e: {  	[sflag:s12] =	ssyncset.done $0x0  }
0x25f: {  	[sflag:s12] =	ssyncadd.s32 $0xFFFFFF00  }
0x260: {  	[bflag:$0x0] =	sbarrier.arrive $0xFFFF  }
0x261: {  	v1 =	vld [tilespmem:$0x3180];
	_ =	sdelay $0x1  }
0x262: {  	v2 =	vld [tilespmem:$0x3190];
	_ =	sdelay $0x1  }
0x263: {  	v3 =	vld [tilespmem:$0x31A0]  }
0x264: {  	v1 =	vadd.f32 $0.0e+00, v1  }
0x265: {  	v4 =	vld [tilespmem:$0x31B0]  }
0x266: {  	v1 =	vadd.f32 v2, v1  }
0x267: {  	v2 =	vld [tilespmem:$0x31C0]  }
0x268: {  	v5 =	vld [tilespmem:$0x3080];
	v1 =	vadd.f32 v3, v1  }
0x269: {  	v3 =	vld [tilespmem:$0x31D0]  }
0x26a: {  	v6 =	vld [tilespmem:$0x3090];
	v1 =	vadd.f32 v4, v1  }
0x26b: {  	v4 =	vld [tilespmem:$0x31E0]  }
0x26c: {  	v7 =	vld [tilespmem:$0x30A0];
	v1 =	vadd.f32 v2, v1  }
0x26d: {  	v2 =	vadd.f32 $0.0e+00, v5;
	v5 =	vld [tilespmem:$0x31F0]  }
0x26e: {  	v8 =	vld [tilespmem:$0x30B0];
	v1 =	vadd.f32 v3, v1  }
0x26f: {  	v2 =	vadd.f32 v6, v2;
	v3 =	vld [tilespmem:$0x3200]  }
0x270: {  	v6 =	vld [tilespmem:$0x30C0];
	v1 =	vadd.f32 v4, v1  }
0x271: {  	v2 =	vadd.f32 v7, v2;
	v4 =	vld [tilespmem:$0x3210]  }
0x272: {  	v7 =	vld [tilespmem:$0x30D0];
	v1 =	vadd.f32 v5, v1  }
0x273: {  	v2 =	vadd.f32 v8, v2;
	v5 =	vld [tilespmem:$0x3220]  }
0x274: {  	v8 =	vld [tilespmem:$0x30E0];
	v1 =	vadd.f32 v3, v1  }
0x275: {  	v2 =	vadd.f32 v6, v2;
	v3 =	vld [tilespmem:$0x3230]  }
0x276: {  	v6 =	vld [tilespmem:$0x30F0];
	v1 =	vadd.f32 v4, v1  }
0x277: {  	v2 =	vadd.f32 v7, v2;
	v4 =	vld [tilespmem:$0x3240]  }
0x278: {  	v7 =	vld [tilespmem:$0x3100];
	v1 =	vadd.f32 v5, v1  }
0x279: {  	v2 =	vadd.f32 v8, v2;
	v5 =	vld [tilespmem:$0x3250]  }
0x27a: {  	v8 =	vld [tilespmem:$0x3110];
	v1 =	vadd.f32 v3, v1  }
0x27b: {  	v2 =	vadd.f32 v6, v2;
	v3 =	vld [tilespmem:$0x3260]  }
0x27c: {  	v6 =	vld [tilespmem:$0x3120];
	v1 =	vadd.f32 v4, v1  }
0x27d: {  	v2 =	vadd.f32 v7, v2;
	v4 =	vld [tilespmem:$0x3270]  }
0x27e: {  	v7 =	vld [tilespmem:$0x3130];
	v1 =	vadd.f32 v5, v1  }
0x27f: {  	v2 =	vadd.f32 v8, v2  }
0x280: {  	v5 =	vld [tilespmem:$0x3140];
	v1 =	vadd.f32 v3, v1  }
0x281: {  	v2 =	vadd.f32 v6, v2  }
0x282: {  	v3 =	vld [tilespmem:$0x3150];
	v1 =	vadd.f32 v4, v1  }
0x283: {  	v2 =	vadd.f32 v7, v2  }
0x284: {  	v4 =	vld [tilespmem:$0x3160];
	v1 =	vmax.f32 v1, $1.000000000e+00  }
0x285: {  	v2 =	vadd.f32 v5, v2;
	(erf) = vrcp.f32 v1  }
0x286: {  	v1 =	vld [tilespmem:$0x3170]  }
0x287: {  	v2 =	vadd.f32 v3, v2;
	_ =	sdelay $0x1  }
0x288: {  	v2 =	vadd.f32 v4, v2;
	_ =	sdelay $0x1  }
0x289: {  	v1 =	vadd.f32 v1, v2;
	_ =	sdelay $0x1  }
0x28a: {  	s11 =	simm.s32 $0x0;
	v1 =	vadd.f32 $-1.000000000e+00, v1  }
0x28b: {  	v5 =	vld [tilespmem:s11+$0x0];
	v2 =	vpop (erf)  }
0x28c: {  	v1 =	vmul.f32 v2, v1;
	_ =	sdelay $0x1  }
0x28d: {  	v3 =	vld [tilespmem:s11+$0x800];
	v1 =	vadd.f32 v1, v9;
	_ =	sdelay $0x1  }
0x28e: {  	s9 =	simm.s32 $0x10;
	v6 =	vsub.f32 v5, v1  }
0x28f: {  	v4 =	vld [tilespmem:s9+$0x0]  }
0x290: {  	v2 =	vimm.s32 $0x1;
	v7 =	vmax.f32 v6, $0.0e+00  }
0x291: {  	vm0 =	vge.f32 v6, v3;
	vm1 =	vle.f32 v6, $0.0e+00;
	v6 =	vmin.f32 v7, v3  }
0x292: {  	v3 =	vld [tilespmem:s9+$0x800];
	v7 =	vsel vm0, $0x2, v2;
	[tilespmem:s11+$0x2000] =	vst v6;
	v6 =	vsub.f32 v6, v5  }
0x293: {  	s10 =	sadd.s32 s6, s8;
	s6 =	sadd.s32 s7, s8;
	s7 =	simm.s32 $0x80;
	v5 =	vsel vm1, $0x0, v7  }
.LBB2_15:
0x294: {  	s8 =	sshra.s32 s7, $0x2;
	p0 =	sne.s32 s7, $0x1FC0;
	s7 =	sadd.s32 $0x40, s7;
	v7 =	vsub.f32 v4, v1;
	[tilespmem:s11+$0x2800] =	vst v5;
	v5 =	vmul.f32 v6, v6;
	v6 =	vmov v4  }
.Ltmp14:
0x295: {  	s11 =	smov.u32 s9;
	v4 =	vld [tilespmem:s8+$0x0];
	s9 =	smov.u32 s8;
	(pc) =	sbr.rel @p0 .LBB2_15-.Ltmp14, $4  }
0x296: {  	v8 =	vmax.f32 v7, $0.0e+00;
	vm0 =	vle.f32 v7, $0.0e+00;
	v0 =	vadd.f32 v5, v0  }
0x297: {  	v5 =	vmin.f32 v8, v3;
	vm1 =	vge.f32 v7, v3  }
0x298: {  	v3 =	vld [tilespmem:s9+$0x800];
	v7 =	vsel vm1, $0x2, v2;
	[tilespmem:s11+$0x2000] =	vst v5;
	v6 =	vsub.f32 v5, v6  }
0x299: {  	v5 =	vsel vm0, $0x0, v7  }
0x29a: {  	v7 =	vsub.f32 v4, v1;
	_ =	sdelay $0x1  }
0x29b: {  	v6 =	vmul.f32 v6, v6;
	v8 =	vmax.f32 v7, $0.0e+00  }
0x29c: {  	v9 =	vimm.s32 $0xEFCDAB89;
	v10 =	vimm.s32 $0x67452301;
	v8 =	vmin.f32 v8, v3  }
0x29d: {  	v9 =	vunpack.c.l.s4.s8 v9;
	v10 =	vunpack.c.l.s4.s8 v10;
	v46 =	vsub.f32 v8, v4  }
0x29e: {  	v50 =	vimm.s32 $0xDCFE98BA;
	v0 =	vadd.f32 v6, v0  }
0x29f: {  	v47 =	vunpack.c.0.s8.s32 v9;
	v48 =	vunpack.c.0.s8.s32 v10;
	v4 =	vmul.f32 v46, v46  }
0x2a0: {  	v51 =	vimm.s32 $0x54761032;
	v6 =	vunpack.c.l.s4.s8 v50  }
0x2a1: {  	v9 =	vunpack.c.l.s4.s8 v51;
	v49 =	vcombine.low v48, v47;
	v0 =	vadd.f32 v4, v0  }
0x2a2: {  	v53 =	vimm.s32 $0xBA98FEDC  }
0x2a3: {  	v6 =	vunpack.c.0.s8.s32 v6;
	v9 =	vunpack.c.0.s8.s32 v9;
	v4 =	vperm.xlane v0, v49  }
0x2a4: {  	v54 =	vimm.s32 $0x32107654;
	v59 =	vimm.s32 $0x76543210;
	v55 =	vunpack.c.l.s4.s8 v53  }
0x2a5: {  	v56 =	vunpack.c.l.s4.s8 v54;
	v52 =	vcombine.low v9, v6;
	v0 =	vadd.f32 v4, v0  }
0x2a6: {  	v58 =	vimm.s32 $0xFEDCBA98;
	v61 =	vunpack.c.l.s4.s8 v59;
	vm0 =	vge.f32 v7, v3  }
0x2a7: {  	v3 =	vunpack.c.0.s8.s32 v55;
	v57 =	vunpack.c.0.s8.s32 v56;
	v4 =	vperm.xlane v0, v52  }
0x2a8: {  	[tilespmem:s11+$0x2800] =	vst v5;
	vm1 =	vle.f32 v7, $0.0e+00;
	v2 =	vsel vm0, $0x2, v2;
	v6 =	vunpack.c.l.s4.s8 v58  }
0x2a9: {  	[tilespmem:s9+$0x2000] =	vst v8;
	v2 =	vsel vm1, $0x0, v2;
	v60 =	vcombine.low v57, v3;
	v0 =	vadd.f32 v4, v0  }
0x2aa: {  	s7 =	simm.s32 $0x0;
	s8 =	simm.s32 $0x2000;
	s28 =	simm.s32 $0x1;
	[tilespmem:s9+$0x2800] =	vst v2;
	v62 =	vunpack.c.0.s8.s32 v6  }
0x2ab: {  	v3 =	vunpack.c.0.s8.s32 v61;
	[hbm4b:s10+s7] =	stream.linear.scatter [tilespmem:s8], [sflag:$0x1], $0x800, $0x38;
	v2 =	vperm.xlane v0, v60;
	[tilespmem:$0x32A0] =	vst v63  }
0x2ac: {  	_ =	swait.ge [sflag:s28], $0x800;
	v4 =	vand.u32 $0xF, v62  }
0x2ad: {  	[sflag:s28] =	ssyncset.done $0x0;
	v63 =	vcombine.low v4, v3;
	v0 =	vadd.f32 v2, v0  }
0x2ae: {  	s29 =	simm.s32 $0x2800;
	[sflag:s28] =	ssyncadd.s32 $0xFFFFF800  }
0x2af: {  	[hbm4b:s6+s7] =	stream.linear.scatter [tilespmem:s29], [sflag:$0x1], $0x800, $0x38;
	v2 =	vperm.xlane v0, v63;
	[tilespmem:$0x32A0] =	vst v63  }
0x2b0: {  	_ =	swait.ge [sflag:s28], $0x800  }
0x2b1: {  	[sflag:s28] =	ssyncset.done $0x0;
	v0 =	vadd.f32 v2, v0  }
0x2b2: {  	[sflag:s28] =	ssyncadd.s32 $0xFFFFF800  }
0x2b3: {  	s30 =	simm.s32 $0x3000;
	[tilespmem:$0x3000] =	vst v0  }
0x2b4: {  	[spmem:s5] =	stream.linear.scatter [tilespmem:s30], [sflag:$0x1], $0x10, $0x38;
	[tilespmem:$0x32A0] =	vst v63  }
0x2b5: {  	_ =	swait.ge [sflag:s28], $0x10  }
0x2b6: {  	[sflag:s28] =	ssyncset.done $0x0  }
0x2b7: {  	[sflag:s28] =	ssyncadd.s32 $0xFFFFFFF0  }
0x2b8: {  	s31 =	simm.s32 $0x3080;
	[bflag:$0x0] =	sbarrier.arrive $0xFFFF  }
0x2b9: {  	[tilespmem:s31], [sflag:$0x1] =	stream.linear.gather [spmem:s3], $0x100, $0x38;
	[tilespmem:$0x32A0] =	vst v63  }
0x2ba: {  	_ =	swait.ge [sflag:s28], $0x100  }
0x2bb: {  	[sflag:s28] =	ssyncset.done $0x0  }
0x2bc: {  	p0 =	sne.s32 s4, $0x0;
	[sflag:s28] =	ssyncadd.s32 $0xFFFFFF00  }
0x2bd: {  	_ =	sfence.sel @p0 $0x180000  }
0x2be: {  	[bflag:$0x0] =	sbarrier.arrive @p0 $0xFFFF  }
0x2bf: {  	_ =	strace @p0 $0x90000047  }
0x2c0: {  	[bflag:$0x2] =	sbarrier.arrive @p0 $0xFFFF  }
0x2c1: {  	v0 =	vld @!p0 [tilespmem:$0x3080];
	_ =	sdelay $0x1  }
0x2c2: {  	v2 =	vld @!p0 [tilespmem:$0x3090];
	_ =	sdelay $0x1  }
0x2c3: {  	v3 =	vld @!p0 [tilespmem:$0x30A0]  }
0x2c4: {  	v0 =	vadd.f32 @!p0 $0.0e+00, v0  }
0x2c5: {  	v4 =	vld @!p0 [tilespmem:$0x30B0]  }
0x2c6: {  	v0 =	vadd.f32 @!p0 v2, v0  }
0x2c7: {  	v2 =	vld @!p0 [tilespmem:$0x30C0]  }
0x2c8: {  	v0 =	vadd.f32 @!p0 v3, v0  }
0x2c9: {  	v3 =	vld @!p0 [tilespmem:$0x30D0]  }
0x2ca: {  	v0 =	vadd.f32 @!p0 v4, v0  }
0x2cb: {  	v4 =	vld @!p0 [tilespmem:$0x30E0]  }
0x2cc: {  	v0 =	vadd.f32 @!p0 v2, v0  }
0x2cd: {  	v2 =	vld @!p0 [tilespmem:$0x30F0]  }
0x2ce: {  	v0 =	vadd.f32 @!p0 v3, v0  }
0x2cf: {  	v3 =	vld @!p0 [tilespmem:$0x3100]  }
0x2d0: {  	v0 =	vadd.f32 @!p0 v4, v0  }
0x2d1: {  	v4 =	vld @!p0 [tilespmem:$0x3110]  }
0x2d2: {  	v0 =	vadd.f32 @!p0 v2, v0  }
0x2d3: {  	v2 =	vld @!p0 [tilespmem:$0x3120]  }
0x2d4: {  	v0 =	vadd.f32 @!p0 v3, v0  }
0x2d5: {  	v3 =	vld @!p0 [tilespmem:$0x3130]  }
0x2d6: {  	v0 =	vadd.f32 @!p0 v4, v0  }
0x2d7: {  	v4 =	vld @!p0 [tilespmem:$0x3140]  }
0x2d8: {  	v0 =	vadd.f32 @!p0 v2, v0  }
0x2d9: {  	v2 =	vld @!p0 [tilespmem:$0x3150]  }
0x2da: {  	v0 =	vadd.f32 @!p0 v3, v0  }
0x2db: {  	v3 =	vld @!p0 [tilespmem:$0x3160]  }
0x2dc: {  	v0 =	vadd.f32 @!p0 v4, v0  }
0x2dd: {  	v4 =	vld @!p0 [tilespmem:$0x3170]  }
0x2de: {  	v0 =	vadd.f32 @!p0 v2, v0;
	_ =	sdelay $0x1  }
0x2df: {  	s4 =	simm.s32 @!p0 $0x3000;
	s3 =	simm.s32 @!p0 $0x0;
	[tilespmem:$0x3000] =	vst @!p0 v1;
	v0 =	vadd.f32 @!p0 v3, v0  }
0x2e0: {  	[hbm4b:s2+s3] =	stream.linear.scatter @!p0 [tilespmem:s4], [sflag:$0x1], $0x80, $0x38;
	[tilespmem:$0x32A0] =	vst v63  }
0x2e1: {  	s2 =	simm.s32 @!p0 $0x1;
	v0 =	vadd.f32 @!p0 v4, v0  }
0x2e2: {  	_ =	swait.ge @!p0 [sflag:s2], $0x80  }
0x2e3: {  	[sflag:s2] =	ssyncset.done @!p0 $0x0;
	v0 =	vmul.f32 @!p0 $5.000000000e-01, v0  }
0x2e4: {  	[sflag:s2] =	ssyncadd.s32 @!p0 $0xFFFFFF80  }
0x2e5: {  	[tilespmem:$0x3000] =	vst @!p0 v0  }
0x2e6: {  	[hbm4b:s1+s3] =	stream.linear.scatter @!p0 [tilespmem:s4], [sflag:$0x1], $0x80, $0x38;
	[tilespmem:$0x32A0] =	vst v63  }
0x2e7: {  	_ =	swait.ge @!p0 [sflag:s2], $0x80  }
0x2e8: {  	[sflag:s2] =	ssyncset.done @!p0 $0x0  }
0x2e9: {  	[sflag:s2] =	ssyncadd.s32 @!p0 $0xFFFFFF80  }
0x2ea: {  	_ =	sfence.sel @!p0 $0x180000  }
0x2eb: {  	[bflag:$0x0] =	sbarrier.arrive @!p0 $0xFFFF  }
0x2ec: {  	_ =	strace @!p0 $0x90000047  }
0x2ed: {  	s0 =	sadd.s32 @!p0 $0x100000, s0;
	[bflag:$0x2] =	sbarrier.arrive @!p0 $0xFFFF  }
0x2ee: {  	[sflag:s0] =	ssyncadd.tile.s32 @!p0 $0x1;
	_ =	shalt  }
.Lfunc_end2:
_tile_overlayer_lowered:
.L_overlay_start_2:
0x2ef: {  	(tag) =	ssettag $0x2  }
0x2f0: {  	s0 =	rddreg [dreg:$0x0];
	s2 =	stileid.u32  }
0x2f1: {  	s1 =	rddreg [dreg:$0x1];
	p0 =	sne.s32 s2, $0x0  }
0x2f2: {  	s3 =	rddreg [dreg:$0x2];
	[bflag:$0x3] =	sbarrier.arrive $0xFFFF;
	s2 =	simm.s32 @!p0 $0x1C01  }
0x2f3: {  	[timem:s3], [sflag:s2] =	dma.local @!p0 [hbm:s0], s1  }
0x2f4: {  	s0 =	simm.s32 @!p0 $0x1  }
0x2f5: {  	_ =	swait.ge @!p0 [sflag:s0], s1  }
0x2f6: {  	s1 =	ssub.s32 @!p0 $0x0, s1;
	[sflag:s0] =	ssyncset.done @!p0 $0x0  }
0x2f7: {  	[sflag:s0] =	ssyncadd.s32 @!p0 s1  }
0x2f8: {  	[bflag:$0x3] =	sbarrier.arrive $0xFFFF  }
0x2f9: {  	_ =	shalt  }

</sc_bundles>
